<compile_context>
chip_gen: v7x
topology: tpu7x:2x2x1
jax: 0.10.2.dev20260603
libtpu: 0.0.44.dev20260713+nightly
codegen_flags: <defaults>
</compile_context>

<pallas_src>
import functools

import jax
import jax.numpy as jnp
from jax import lax
from jax.experimental import pallas as pl
from jax.experimental.pallas import tpu as pltpu
from jax.experimental.pallas import tpu_sc as plsc

R, C, H, B, E = 64, 200000, 16, 16, 50000
BE = B * E
BLK = 16384
GRID = (C + BLK - 1) // BLK
CPAD = GRID * BLK
NW = 32
CHUNK = BE // NW
TILE = 2048
GROUPS = TILE // 16
NB = 48


def _dense_body(rc_ref, g_ref, gb_ref, w1a_ref, hb_ref, w2_ref, s_ref):
    rc = rc_ref[...]
    mg = lax.dot_general(g_ref[...], rc, (((0,), (0,)), ((), ())),
                         preferred_element_type=jnp.float32)
    msg = mg[:H]
    r = 1.0 / (mg[H:H + 1] + 1e-6)
    x = msg * r
    mu = jnp.mean(x, axis=0, keepdims=True)
    var = jnp.mean((x - mu) * (x - mu), axis=0, keepdims=True)
    gb = gb_ref[...]
    x = (x - mu) * lax.rsqrt(var + 1e-5) * gb[:, 0:1] + gb[:, 1:2]
    x = jnp.maximum(x, 0.0)
    h = lax.dot_general(w1a_ref[...], x, (((0,), (0,)), ((), ())),
                        preferred_element_type=jnp.float32)
    hb = hb_ref[...]
    h = jnp.maximum(h + hb[:128], 0.0)
    s = lax.dot_general(w2_ref[...], h, (((0,), (0,)), ((), ())),
                        preferred_element_type=jnp.float32)
    s_ref[...] = s + hb[128:129]


def _dense_scores(rule_count, G, gb, W1a, hb, W2):
    return pl.pallas_call(
        _dense_body,
        grid=(GRID,),
        in_specs=[
            pl.BlockSpec((R, BLK), lambda i: (0, i)),
            pl.BlockSpec((R, H + 1), lambda i: (0, 0)),
            pl.BlockSpec((H, 2), lambda i: (0, 0)),
            pl.BlockSpec((H, 128), lambda i: (0, 0)),
            pl.BlockSpec((129, 1), lambda i: (0, 0)),
            pl.BlockSpec((128, 1), lambda i: (0, 0)),
        ],
        out_specs=pl.BlockSpec((1, BLK), lambda i: (0, i)),
        out_shape=jax.ShapeDtypeStruct((1, CPAD), jnp.float32),
        compiler_params=pltpu.CompilerParams(
            dimension_semantics=("arbitrary",)),
    )(rule_count, G, gb, W1a, hb, W2)


def _sc_scatter(cand_pad, s_pad, bias, bounds):
    mesh = plsc.VectorSubcoreMesh(core_axis_name="c", subcore_axis_name="s")

    @functools.partial(
        pl.kernel,
        mesh=mesh,
        out_type=jax.ShapeDtypeStruct((BE,), jnp.float32),
        compiler_params=pltpu.CompilerParams(needs_layout_passes=False),
        scratch_types=[
            pltpu.VMEM((CHUNK,), jnp.float32),
            pltpu.VMEM((TILE + 16,), jnp.int32),
            pltpu.VMEM((TILE,), jnp.float32),
            pltpu.VMEM((NB,), jnp.int32),
            pltpu.SemaphoreType.DMA,
            pltpu.SemaphoreType.DMA,
            pltpu.SemaphoreType.DMA,
        ],
    )
    def k(cand_hbm, s_hbm, bias_hbm, bounds_hbm, out_hbm,
          chunk, cbuf, sbuf, bv, csem, ssem, bsem):
        cid = lax.axis_index("c")
        sid = lax.axis_index("s")
        wid = cid * 16 + sid
        ostart = pl.multiple_of(wid * CHUNK, 8)
        oend = ostart + CHUNK
        estart = pl.multiple_of(lax.rem(ostart, E), 8)
        bias_cp = pltpu.async_copy(bias_hbm.at[pl.ds(estart, CHUNK)], chunk,
                                   bsem)
        pltpu.sync_copy(bounds_hbm, bv)
        bw = bv[pl.ds(wid, 16)]
        lo = bw[0]
        hi = bw[1]
        lo8 = pl.multiple_of(lo - lax.rem(lo, 8), 8)
        ntiles = (hi - lo8 + (TILE - 1)) // TILE
        bias_cp.wait()

        def tile_body(t, carry):
            base = pl.multiple_of(lo8 + t * TILE, 8)
            cc = pltpu.async_copy(cand_hbm.at[pl.ds(base, TILE + 16)], cbuf, csem)
            sc = pltpu.async_copy(s_hbm.at[pl.ds(base, TILE)], sbuf, ssem)
            cc.wait()
            sc.wait()
            for g in range(GROUPS):
                off = g * 16
                vc = cbuf[pl.ds(off, 16)]
                vn = cbuf[pl.ds(off + 1, 16)]
                vs = sbuf[pl.ds(off, 16)]
                idx = vc - ostart
                keep = (vc >= ostart) & (vc < oend) & (vc != vn)
                bv = plsc.load_gather(chunk, [idx], mask=keep)
                plsc.store_scatter(chunk, [idx], vs + bv, mask=keep)
            return carry

        lax.fori_loop(0, ntiles, tile_body, 0)
        pltpu.sync_copy(chunk, out_hbm.at[pl.ds(ostart, CHUNK)])

    return k(cand_pad, s_pad, bias, bounds)


def kernel(rule_count, rule_emb, candidate_set, all_r, relation_table,
           ln_gamma, ln_beta, W1, b1, W2, b2, bias):
    rel = relation_table[all_r]
    G = jnp.concatenate([rule_emb, jnp.ones((R, 1), jnp.float32)], axis=1)
    h_rel = (rel @ W1[H:]) + b1
    gb = jnp.stack([ln_gamma, ln_beta], axis=1)
    hb = jnp.concatenate([h_rel, b2]).reshape(129, 1)
    cand_pad = jnp.concatenate(
        [candidate_set, jnp.full((CPAD - C,), BE, dtype=jnp.int32)])
    s2d = _dense_scores(rule_count, G, gb, W1[:H], hb, W2)
    s_pad = s2d.reshape(CPAD)
    edges = jnp.arange(NB, dtype=jnp.int32) * CHUNK
    bounds = jnp.searchsorted(candidate_set, edges, side="left",
                              method="compare_all").astype(jnp.int32)
    out_flat = _sc_scatter(cand_pad, s_pad, bias, bounds)
    return out_flat.reshape(B, E)

# --- scband reference (transcript-rebuilt; emitter-appended) ---
"""Pipeline reference for scband-predictor-plus-82987358093553 (READ-ONLY COPY).

The authoritative reference and input builder live on the scoring server;
editing this copy changes nothing except your own understanding.
"""

import jax, jax.numpy as jnp
import numpy as np

R, C, H, B, E, NREL = 64, 200000, 16, 16, 50000, 500

def setup_inputs(seed: int = 0) -> dict:
    key = jax.random.key(seed)
    ks = jax.random.split(key, 12)
    rule_count = jax.random.uniform(ks[0], (R, C), dtype=jnp.float32) * 3.0
    rule_emb = jax.random.normal(ks[1], (R, H), dtype=jnp.float32)
    candidate_set = jnp.sort(jax.random.randint(ks[2], (C,), 0, B * E, dtype=jnp.int32))
    relation_table = jax.random.normal(ks[3], (NREL, H), dtype=jnp.float32) * 0.1
    ln_gamma = jnp.ones((H,), dtype=jnp.float32)
    ln_beta = jnp.zeros((H,), dtype=jnp.float32)
    W1 = jax.random.normal(ks[4], (2 * H, 128), dtype=jnp.float32) * (1.0 / np.sqrt(2 * H))
    b1 = jnp.zeros((128,), dtype=jnp.float32)
    W2 = jax.random.normal(ks[5], (128, 1), dtype=jnp.float32) * (1.0 / np.sqrt(128))
    b2 = jnp.zeros((1,), dtype=jnp.float32)
    bias = jax.random.normal(ks[6], (E,), dtype=jnp.float32) * 0.01
    return {
        'rule_count': rule_count,
        'rule_emb': rule_emb,
        'candidate_set': candidate_set,
        'all_r': 7,
        'relation_table': relation_table,
        'ln_gamma': ln_gamma,
        'ln_beta': ln_beta,
        'W1': W1,
        'b1': b1,
        'W2': W2,
        'b2': b2,
        'bias': bias,
    }


def reference(rule_count, rule_emb, candidate_set, all_r, relation_table,
              ln_gamma, ln_beta, W1, b1, W2, b2, bias):
    # FuncToNodeSum: per-candidate weighted sum of rule embeddings,
    # degree-normalized, layer-normed, relu'd.
    msg = rule_count.T @ rule_emb                      # [C, H]
    degree = jnp.sum(rule_count, axis=0)[:, None] + 1e-6
    out = msg / degree
    mu = jnp.mean(out, axis=-1, keepdims=True)
    var = jnp.var(out, axis=-1, keepdims=True)
    out = (out - mu) / jnp.sqrt(var + 1e-5) * ln_gamma + ln_beta
    out = jax.nn.relu(out)
    # relation embedding lookup (single query relation), broadcast to candidates
    rel = relation_table[all_r]                        # [H]
    rel_b = jnp.broadcast_to(rel[None, :], (out.shape[0], H))
    feature = jnp.concatenate([out, rel_b], axis=-1)   # [C, 2H]
    # score MLP: 2H -> 128 -> 1
    h = jax.nn.relu(feature @ W1 + b1)
    s = (h @ W2 + b2)[:, 0]                            # [C]
    # scatter candidate scores into the dense [B*E] score tensor
    score = jnp.zeros((B * E,), dtype=jnp.float32).at[candidate_set].set(s)
    score = score.reshape(B, E) + bias[None, :]
    return score

if __name__ == "__main__":
    import jax
    _d = setup_inputs()
    print(jax.jit(kernel)(*tuple(_d.values())))

</pallas_src>

<mosaic_0001>
#map = affine_map<(d0, d1) -> (0)>
module attributes {stable_mosaic.version = 14 : i64} {
  func.func @k(%arg0: i32, %arg1: i32, %arg2: memref<212992xi32, #tpu.memory_space<hbm>>, %arg3: memref<212992xf32, #tpu.memory_space<hbm>>, %arg4: memref<50000xf32, #tpu.memory_space<hbm>>, %arg5: memref<48xi32, #tpu.memory_space<hbm>>, %arg6: memref<800000xf32, #tpu.memory_space<hbm>>, %arg7: memref<25000xf32, #tpu.memory_space<vmem>>, %arg8: memref<2064xi32, #tpu.memory_space<vmem>>, %arg9: memref<2048xf32, #tpu.memory_space<vmem>>, %arg10: memref<48xi32, #tpu.memory_space<vmem>>, %arg11: memref<!tpu.dma_semaphore, #tpu.memory_space<semaphore_mem>>, %arg12: memref<!tpu.dma_semaphore, #tpu.memory_space<semaphore_mem>>, %arg13: memref<!tpu.dma_semaphore, #tpu.memory_space<semaphore_mem>>) attributes {dimension_semantics = [#tpu.dimension_semantics<core_parallel>, #tpu.dimension_semantics<subcore_parallel>], iteration_bounds = array<i64: 2, 16>, scalar_prefetch = 0 : i64, scratch_operands = 7 : i64, tpu.core_type = #tpu.core_type<sc_vector_subcore>, window_params = [{transform_indices = #map}, {transform_indices = #map}, {transform_indices = #map}, {transform_indices = #map}, {transform_indices = #map}]} {
    %mul3A = arith.constant 16 : i32
    %mul3A_0 = arith.muli %arg0, %mul3A : i32
    %add3A = arith.addi %mul3A_0, %arg1 : i32
    %mul3A_1 = arith.constant 25000 : i32
    %mul3A_2 = arith.muli %add3A, %mul3A_1 : i32
    %multiple_of3A = tpu.assume_multiple %mul3A_2, 8 : i32
    %add3A_3 = arith.constant 25000 : i32
    %add3A_4 = arith.addi %multiple_of3A, %add3A_3 : i32
    %rem3A = arith.constant 50000 : i32
    %rem3A_5 = arith.remsi %multiple_of3A, %rem3A : i32
    %multiple_of3A_6 = tpu.assume_multiple %rem3A_5, 8 : i32
    %dma_start3A = tpu.memref_slice %arg4[%multiple_of3A_6] : memref<50000xf32, #tpu.memory_space<hbm>> -> memref<25000xf32, #tpu.memory_space<hbm>>
    %dma_start3A_7 = tpu.memref_slice %arg4[%multiple_of3A_6] : memref<50000xf32, #tpu.memory_space<hbm>> -> memref<25000xf32, #tpu.memory_space<hbm>>
    tpu.enqueue_dma source(%dma_start3A_7 : memref<25000xf32, #tpu.memory_space<hbm>>) target(%arg7 : memref<25000xf32, #tpu.memory_space<vmem>>) target_semaphore(%arg13 : memref<!tpu.dma_semaphore, #tpu.memory_space<semaphore_mem>>)
    "tpu.region"() ({
      %run_scoped3A = tpu.sem_alloc : memref<!tpu.dma_semaphore, #tpu.memory_space<semaphore_mem>>
      tpu.enqueue_dma source(%arg5 : memref<48xi32, #tpu.memory_space<hbm>>) target(%arg10 : memref<48xi32, #tpu.memory_space<vmem>>) target_semaphore(%run_scoped3A : memref<!tpu.dma_semaphore, #tpu.memory_space<semaphore_mem>>)
      tpu.wait_dma2 semaphore(%run_scoped3A : memref<!tpu.dma_semaphore, #tpu.memory_space<semaphore_mem>>) src(%arg5 : memref<48xi32, #tpu.memory_space<hbm>>) dst(%arg10 : memref<48xi32, #tpu.memory_space<vmem>>)
      tpu.yield
    }) : () -> ()
    %get3A = arith.index_cast %add3A : i32 to index
    %get3A_8 = tpu.vector_load %arg10[%get3A] {strides = array<i32>} : memref<48xi32, #tpu.memory_space<vmem>>, vector<16xi32>,
    %slice3A = vector.extract_strided_slice %get3A_8 {offsets = [0], sizes = [1], strides = [1]} : vector<16xi32> to vector<1xi32>
    %squeeze3A = vector.extract %slice3A[0] : i32 from vector<1xi32>
    %slice3A_9 = vector.extract_strided_slice %get3A_8 {offsets = [1], sizes = [1], strides = [1]} : vector<16xi32> to vector<1xi32>
    %squeeze3A_10 = vector.extract %slice3A_9[0] : i32 from vector<1xi32>
    %rem3A_11 = arith.constant 8 : i32
    %rem3A_12 = arith.remsi %squeeze3A, %rem3A_11 : i32
    %sub3A = arith.subi %squeeze3A, %rem3A_12 : i32
    %multiple_of3A_13 = tpu.assume_multiple %sub3A, 8 : i32
    %sub3A_14 = arith.subi %squeeze3A_10, %multiple_of3A_13 : i32
    %add3A_15 = arith.constant 2047 : i32
    %add3A_16 = arith.addi %sub3A_14, %add3A_15 : i32
    %jit3A = arith.constant 2048 : i32
    %div3A = arith.divsi %add3A_16, %jit3A : i32
    %sign3A = arith.constant 0 : i32
    %sign3A_17 = arith.cmpi sgt, %add3A_16, %sign3A : i32
    %sign3A_18 = arith.extui %sign3A_17 : i1 to i32
    %sign3A_19 = arith.constant 0 : i32
    %sign3A_20 = arith.cmpi slt, %add3A_16, %sign3A_19 : i32
    %sign3A_21 = arith.extui %sign3A_20 : i1 to i32
    %sign3A_22 = arith.subi %sign3A_18, %sign3A_21 : i32
    %sign3A_23 = arith.constant 0 : i32
    %sign3A_24 = arith.cmpi sgt, %jit3A, %sign3A_23 : i32
    %sign3A_25 = arith.extui %sign3A_24 : i1 to i32
    %sign3A_26 = arith.constant 0 : i32
    %sign3A_27 = arith.cmpi slt, %jit3A, %sign3A_26 : i32
    %sign3A_28 = arith.extui %sign3A_27 : i1 to i32
    %sign3A_29 = arith.subi %sign3A_25, %sign3A_28 : i32
    %ne3A = arith.cmpi ne, %sign3A_22, %sign3A_29 : i32
    %rem3A_30 = arith.remsi %add3A_16, %jit3A : i32
    %ne3A_31 = arith.constant 0 : i32
    %ne3A_32 = arith.cmpi ne, %rem3A_30, %ne3A_31 : i32
    %and3A = arith.andi %ne3A, %ne3A_32 : i1
    %sub3A_33 = arith.constant 1 : i32
    %sub3A_34 = arith.subi %div3A, %sub3A_33 : i32
    %select_n3A = arith.select %and3A, %sub3A_34, %div3A : i32
    %dma_wait3A = tpu.memref_slice %arg4[%multiple_of3A_6] : memref<50000xf32, #tpu.memory_space<hbm>> -> memref<25000xf32, #tpu.memory_space<hbm>>
    %dma_wait3A_35 = tpu.memref_slice %arg4[%multiple_of3A_6] : memref<50000xf32, #tpu.memory_space<hbm>> -> memref<25000xf32, #tpu.memory_space<hbm>>
    tpu.wait_dma2 semaphore(%arg13 : memref<!tpu.dma_semaphore, #tpu.memory_space<semaphore_mem>>) src(%dma_wait3A_35 : memref<25000xf32, #tpu.memory_space<hbm>>) dst(%arg7 : memref<25000xf32, #tpu.memory_space<vmem>>)
    %while3A = arith.constant 0 : i32
    %while3A_36 = arith.constant 0 : i32
    %while3A_37 = arith.subi %select_n3A, %while3A_36 : i32
    %while3A_38 = arith.addi %while3A_36, %while3A_37 : i32
    %while3A_39 = arith.constant 1 : i32
    %while3A_40 = arith.divsi %while3A_37, %while3A_39 : i32
    %while3A_41 = arith.muli %while3A_40, %while3A_39 : i32
    %while3A_42 = arith.addi %while3A_36, %while3A_41 : i32
    %while3A_43 = arith.constant 1 : i32
    scf.for %while3A_45 = %while3A_36 to %while3A_42 step %while3A_43  : i32 {
      %mul3A_46 = arith.constant 2048 : i32
      %mul3A_47 = arith.muli %while3A_45, %mul3A_46 : i32
      %add3A_48 = arith.addi %multiple_of3A_13, %mul3A_47 : i32
      %multiple_of3A_49 = tpu.assume_multiple %add3A_48, 8 : i32
      %dma_start3A_50 = tpu.memref_slice %arg2[%multiple_of3A_49] : memref<212992xi32, #tpu.memory_space<hbm>> -> memref<2064xi32, #tpu.memory_space<hbm>>
      %dma_start3A_51 = tpu.memref_slice %arg2[%multiple_of3A_49] : memref<212992xi32, #tpu.memory_space<hbm>> -> memref<2064xi32, #tpu.memory_space<hbm>>
      tpu.enqueue_dma source(%dma_start3A_51 : memref<2064xi32, #tpu.memory_space<hbm>>) target(%arg8 : memref<2064xi32, #tpu.memory_space<vmem>>) target_semaphore(%arg11 : memref<!tpu.dma_semaphore, #tpu.memory_space<semaphore_mem>>)
      %dma_start3A_52 = tpu.memref_slice %arg3[%multiple_of3A_49] : memref<212992xf32, #tpu.memory_space<hbm>> -> memref<2048xf32, #tpu.memory_space<hbm>>
      %dma_start3A_53 = tpu.memref_slice %arg3[%multiple_of3A_49] : memref<212992xf32, #tpu.memory_space<hbm>> -> memref<2048xf32, #tpu.memory_space<hbm>>
      tpu.enqueue_dma source(%dma_start3A_53 : memref<2048xf32, #tpu.memory_space<hbm>>) target(%arg9 : memref<2048xf32, #tpu.memory_space<vmem>>) target_semaphore(%arg12 : memref<!tpu.dma_semaphore, #tpu.memory_space<semaphore_mem>>)
      %dma_wait3A_54 = tpu.memref_slice %arg2[%multiple_of3A_49] : memref<212992xi32, #tpu.memory_space<hbm>> -> memref<2064xi32, #tpu.memory_space<hbm>>
      %dma_wait3A_55 = tpu.memref_slice %arg2[%multiple_of3A_49] : memref<212992xi32, #tpu.memory_space<hbm>> -> memref<2064xi32, #tpu.memory_space<hbm>>
      tpu.wait_dma2 semaphore(%arg11 : memref<!tpu.dma_semaphore, #tpu.memory_space<semaphore_mem>>) src(%dma_wait3A_55 : memref<2064xi32, #tpu.memory_space<hbm>>) dst(%arg8 : memref<2064xi32, #tpu.memory_space<vmem>>)
      %dma_wait3A_56 = tpu.memref_slice %arg3[%multiple_of3A_49] : memref<212992xf32, #tpu.memory_space<hbm>> -> memref<2048xf32, #tpu.memory_space<hbm>>
      %dma_wait3A_57 = tpu.memref_slice %arg3[%multiple_of3A_49] : memref<212992xf32, #tpu.memory_space<hbm>> -> memref<2048xf32, #tpu.memory_space<hbm>>
      tpu.wait_dma2 semaphore(%arg12 : memref<!tpu.dma_semaphore, #tpu.memory_space<semaphore_mem>>) src(%dma_wait3A_57 : memref<2048xf32, #tpu.memory_space<hbm>>) dst(%arg9 : memref<2048xf32, #tpu.memory_space<vmem>>)
      %get3A_58 = arith.constant 0 : index
      %get3A_59 = tpu.vector_load %arg8[%get3A_58] {strides = array<i32>} : memref<2064xi32, #tpu.memory_space<vmem>>, vector<16xi32>,
      %get3A_60 = arith.constant 1 : index
      %get3A_61 = tpu.vector_load %arg8[%get3A_60] {strides = array<i32>} : memref<2064xi32, #tpu.memory_space<vmem>>, vector<16xi32>,
      %get3A_62 = arith.constant 0 : index
      %get3A_63 = tpu.vector_load %arg9[%get3A_62] {strides = array<i32>} : memref<2048xf32, #tpu.memory_space<vmem>>, vector<16xf32>,
      %sub3A_64 = vector.broadcast %multiple_of3A : i32 to vector<16xi32>
      %sub3A_65 = arith.subi %get3A_59, %sub3A_64 : vector<16xi32>
      %ge3A = vector.broadcast %multiple_of3A : i32 to vector<16xi32>
      %ge3A_66 = arith.cmpi sge, %get3A_59, %ge3A : vector<16xi32>
      %lt3A = vector.broadcast %add3A_4 : i32 to vector<16xi32>
      %lt3A_67 = arith.cmpi slt, %get3A_59, %lt3A : vector<16xi32>
      %and3A_68 = arith.andi %ge3A_66, %lt3A_67 : vector<16xi1>
      %ne3A_69 = arith.cmpi ne, %get3A_59, %get3A_61 : vector<16xi32>
      %and3A_70 = arith.andi %and3A_68, %ne3A_69 : vector<16xi1>
      %gather3A = tpu.vector_load_idx %arg7[%sub3A_65] masked %and3A_70 : memref<25000xf32, #tpu.memory_space<vmem>>[vector<16xi32>], vector<16xf32>, vector<16xi1>
      %add3A_71 = arith.addf %get3A_63, %gather3A : vector<16xf32>
      tpu.vector_store_idx %arg7[%sub3A_65], %add3A_71 masked %and3A_70 : memref<25000xf32, #tpu.memory_space<vmem>>[vector<16xi32>], vector<16xf32>, vector<16xi1>
      %get3A_72 = arith.constant 16 : index
      %get3A_73 = tpu.vector_load %arg8[%get3A_72] {strides = array<i32>} : memref<2064xi32, #tpu.memory_space<vmem>>, vector<16xi32>,
      %get3A_74 = arith.constant 17 : index
      %get3A_75 = tpu.vector_load %arg8[%get3A_74] {strides = array<i32>} : memref<2064xi32, #tpu.memory_space<vmem>>, vector<16xi32>,
      %get3A_76 = arith.constant 16 : index
      %get3A_77 = tpu.vector_load %arg9[%get3A_76] {strides = array<i32>} : memref<2048xf32, #tpu.memory_space<vmem>>, vector<16xf32>,
      %sub3A_78 = vector.broadcast %multiple_of3A : i32 to vector<16xi32>
      %sub3A_79 = arith.subi %get3A_73, %sub3A_78 : vector<16xi32>
      %ge3A_80 = vector.broadcast %multiple_of3A : i32 to vector<16xi32>
      %ge3A_81 = arith.cmpi sge, %get3A_73, %ge3A_80 : vector<16xi32>
      %lt3A_82 = vector.broadcast %add3A_4 : i32 to vector<16xi32>
      %lt3A_83 = arith.cmpi slt, %get3A_73, %lt3A_82 : vector<16xi32>
      %and3A_84 = arith.andi %ge3A_81, %lt3A_83 : vector<16xi1>
      %ne3A_85 = arith.cmpi ne, %get3A_73, %get3A_75 : vector<16xi32>
      %and3A_86 = arith.andi %and3A_84, %ne3A_85 : vector<16xi1>
      %gather3A_87 = tpu.vector_load_idx %arg7[%sub3A_79] masked %and3A_86 : memref<25000xf32, #tpu.memory_space<vmem>>[vector<16xi32>], vector<16xf32>, vector<16xi1>
      %add3A_88 = arith.addf %get3A_77, %gather3A_87 : vector<16xf32>
      tpu.vector_store_idx %arg7[%sub3A_79], %add3A_88 masked %and3A_86 : memref<25000xf32, #tpu.memory_space<vmem>>[vector<16xi32>], vector<16xf32>, vector<16xi1>
      %get3A_89 = arith.constant 32 : index
      %get3A_90 = tpu.vector_load %arg8[%get3A_89] {strides = array<i32>} : memref<2064xi32, #tpu.memory_space<vmem>>, vector<16xi32>,
      %get3A_91 = arith.constant 33 : index
      %get3A_92 = tpu.vector_load %arg8[%get3A_91] {strides = array<i32>} : memref<2064xi32, #tpu.memory_space<vmem>>, vector<16xi32>,
      %get3A_93 = arith.constant 32 : index
      %get3A_94 = tpu.vector_load %arg9[%get3A_93] {strides = array<i32>} : memref<2048xf32, #tpu.memory_space<vmem>>, vector<16xf32>,
      %sub3A_95 = vector.broadcast %multiple_of3A : i32 to vector<16xi32>
      %sub3A_96 = arith.subi %get3A_90, %sub3A_95 : vector<16xi32>
      %ge3A_97 = vector.broadcast %multiple_of3A : i32 to vector<16xi32>
      %ge3A_98 = arith.cmpi sge, %get3A_90, %ge3A_97 : vector<16xi32>
      %lt3A_99 = vector.broadcast %add3A_4 : i32 to vector<16xi32>
      %lt3A_100 = arith.cmpi slt, %get3A_90, %lt3A_99 : vector<16xi32>
      %and3A_101 = arith.andi %ge3A_98, %lt3A_100 : vector<16xi1>
      %ne3A_102 = arith.cmpi ne, %get3A_90, %get3A_92 : vector<16xi32>
      %and3A_103 = arith.andi %and3A_101, %ne3A_102 : vector<16xi1>
      %gather3A_104 = tpu.vector_load_idx %arg7[%sub3A_96] masked %and3A_103 : memref<25000xf32, #tpu.memory_space<vmem>>[vector<16xi32>], vector<16xf32>, vector<16xi1>
      %add3A_105 = arith.addf %get3A_94, %gather3A_104 : vector<16xf32>
      tpu.vector_store_idx %arg7[%sub3A_96], %add3A_105 masked %and3A_103 : memref<25000xf32, #tpu.memory_space<vmem>>[vector<16xi32>], vector<16xf32>, vector<16xi1>
      %get3A_106 = arith.constant 48 : index
      %get3A_107 = tpu.vector_load %arg8[%get3A_106] {strides = array<i32>} : memref<2064xi32, #tpu.memory_space<vmem>>, vector<16xi32>,
      %get3A_108 = arith.constant 49 : index
      %get3A_109 = tpu.vector_load %arg8[%get3A_108] {strides = array<i32>} : memref<2064xi32, #tpu.memory_space<vmem>>, vector<16xi32>,
      %get3A_110 = arith.constant 48 : index
      %get3A_111 = tpu.vector_load %arg9[%get3A_110] {strides = array<i32>} : memref<2048xf32, #tpu.memory_space<vmem>>, vector<16xf32>,
      %sub3A_112 = vector.broadcast %multiple_of3A : i32 to vector<16xi32>
      %sub3A_113 = arith.subi %get3A_107, %sub3A_112 : vector<16xi32>
      %ge3A_114 = vector.broadcast %multiple_of3A : i32 to vector<16xi32>
      %ge3A_115 = arith.cmpi sge, %get3A_107, %ge3A_114 : vector<16xi32>
      %lt3A_116 = vector.broadcast %add3A_4 : i32 to vector<16xi32>
      %lt3A_117 = arith.cmpi slt, %get3A_107, %lt3A_116 : vector<16xi32>
      %and3A_118 = arith.andi %ge3A_115, %lt3A_117 : vector<16xi1>
      %ne3A_119 = arith.cmpi ne, %get3A_107, %get3A_109 : vector<16xi32>
      %and3A_120 = arith.andi %and3A_118, %ne3A_119 : vector<16xi1>
      %gather3A_121 = tpu.vector_load_idx %arg7[%sub3A_113] masked %and3A_120 : memref<25000xf32, #tpu.memory_space<vmem>>[vector<16xi32>], vector<16xf32>, vector<16xi1>
      %add3A_122 = arith.addf %get3A_111, %gather3A_121 : vector<16xf32>
      tpu.vector_store_idx %arg7[%sub3A_113], %add3A_122 masked %and3A_120 : memref<25000xf32, #tpu.memory_space<vmem>>[vector<16xi32>], vector<16xf32>, vector<16xi1>
      %get3A_123 = arith.constant 64 : index
      %get3A_124 = tpu.vector_load %arg8[%get3A_123] {strides = array<i32>} : memref<2064xi32, #tpu.memory_space<vmem>>, vector<16xi32>,
      %get3A_125 = arith.constant 65 : index
      %get3A_126 = tpu.vector_load %arg8[%get3A_125] {strides = array<i32>} : memref<2064xi32, #tpu.memory_space<vmem>>, vector<16xi32>,
      %get3A_127 = arith.constant 64 : index
      %get3A_128 = tpu.vector_load %arg9[%get3A_127] {strides = array<i32>} : memref<2048xf32, #tpu.memory_space<vmem>>, vector<16xf32>,
      %sub3A_129 = vector.broadcast %multiple_of3A : i32 to vector<16xi32>
      %sub3A_130 = arith.subi %get3A_124, %sub3A_129 : vector<16xi32>
      %ge3A_131 = vector.broadcast %multiple_of3A : i32 to vector<16xi32>
      %ge3A_132 = arith.cmpi sge, %get3A_124, %ge3A_131 : vector<16xi32>
      %lt3A_133 = vector.broadcast %add3A_4 : i32 to vector<16xi32>
      %lt3A_134 = arith.cmpi slt, %get3A_124, %lt3A_133 : vector<16xi32>
      %and3A_135 = arith.andi %ge3A_132, %lt3A_134 : vector<16xi1>
      %ne3A_136 = arith.cmpi ne, %get3A_124, %get3A_126 : vector<16xi32>
      %and3A_137 = arith.andi %and3A_135, %ne3A_136 : vector<16xi1>
      %gather3A_138 = tpu.vector_load_idx %arg7[%sub3A_130] masked %and3A_137 : memref<25000xf32, #tpu.memory_space<vmem>>[vector<16xi32>], vector<16xf32>, vector<16xi1>
      %add3A_139 = arith.addf %get3A_128, %gather3A_138 : vector<16xf32>
      tpu.vector_store_idx %arg7[%sub3A_130], %add3A_139 masked %and3A_137 : memref<25000xf32, #tpu.memory_space<vmem>>[vector<16xi32>], vector<16xf32>, vector<16xi1>
      %get3A_140 = arith.constant 80 : index
      %get3A_141 = tpu.vector_load %arg8[%get3A_140] {strides = array<i32>} : memref<2064xi32, #tpu.memory_space<vmem>>, vector<16xi32>,
      %get3A_142 = arith.constant 81 : index
      %get3A_143 = tpu.vector_load %arg8[%get3A_142] {strides = array<i32>} : memref<2064xi32, #tpu.memory_space<vmem>>, vector<16xi32>,
      %get3A_144 = arith.constant 80 : index
      %get3A_145 = tpu.vector_load %arg9[%get3A_144] {strides = array<i32>} : memref<2048xf32, #tpu.memory_space<vmem>>, vector<16xf32>,
      %sub3A_146 = vector.broadcast %multiple_of3A : i32 to vector<16xi32>
      %sub3A_147 = arith.subi %get3A_141, %sub3A_146 : vector<16xi32>
      %ge3A_148 = vector.broadcast %multiple_of3A : i32 to vector<16xi32>
      %ge3A_149 = arith.cmpi sge, %get3A_141, %ge3A_148 : vector<16xi32>
      %lt3A_150 = vector.broadcast %add3A_4 : i32 to vector<16xi32>
      %lt3A_151 = arith.cmpi slt, %get3A_141, %lt3A_150 : vector<16xi32>
      %and3A_152 = arith.andi %ge3A_149, %lt3A_151 : vector<16xi1>
      %ne3A_153 = arith.cmpi ne, %get3A_141, %get3A_143 : vector<16xi32>
      %and3A_154 = arith.andi %and3A_152, %ne3A_153 : vector<16xi1>
      %gather3A_155 = tpu.vector_load_idx %arg7[%sub3A_147] masked %and3A_154 : memref<25000xf32, #tpu.memory_space<vmem>>[vector<16xi32>], vector<16xf32>, vector<16xi1>
      %add3A_156 = arith.addf %get3A_145, %gather3A_155 : vector<16xf32>
      tpu.vector_store_idx %arg7[%sub3A_147], %add3A_156 masked %and3A_154 : memref<25000xf32, #tpu.memory_space<vmem>>[vector<16xi32>], vector<16xf32>, vector<16xi1>
      %get3A_157 = arith.constant 96 : index
      %get3A_158 = tpu.vector_load %arg8[%get3A_157] {strides = array<i32>} : memref<2064xi32, #tpu.memory_space<vmem>>, vector<16xi32>,
      %get3A_159 = arith.constant 97 : index
      %get3A_160 = tpu.vector_load %arg8[%get3A_159] {strides = array<i32>} : memref<2064xi32, #tpu.memory_space<vmem>>, vector<16xi32>,
      %get3A_161 = arith.constant 96 : index
      %get3A_162 = tpu.vector_load %arg9[%get3A_161] {strides = array<i32>} : memref<2048xf32, #tpu.memory_space<vmem>>, vector<16xf32>,
      %sub3A_163 = vector.broadcast %multiple_of3A : i32 to vector<16xi32>
      %sub3A_164 = arith.subi %get3A_158, %sub3A_163 : vector<16xi32>
      %ge3A_165 = vector.broadcast %multiple_of3A : i32 to vector<16xi32>
      %ge3A_166 = arith.cmpi sge, %get3A_158, %ge3A_165 : vector<16xi32>
      %lt3A_167 = vector.broadcast %add3A_4 : i32 to vector<16xi32>
      %lt3A_168 = arith.cmpi slt, %get3A_158, %lt3A_167 : vector<16xi32>
      %and3A_169 = arith.andi %ge3A_166, %lt3A_168 : vector<16xi1>
      %ne3A_170 = arith.cmpi ne, %get3A_158, %get3A_160 : vector<16xi32>
      %and3A_171 = arith.andi %and3A_169, %ne3A_170 : vector<16xi1>
      %gather3A_172 = tpu.vector_load_idx %arg7[%sub3A_164] masked %and3A_171 : memref<25000xf32, #tpu.memory_space<vmem>>[vector<16xi32>], vector<16xf32>, vector<16xi1>
      %add3A_173 = arith.addf %get3A_162, %gather3A_172 : vector<16xf32>
      tpu.vector_store_idx %arg7[%sub3A_164], %add3A_173 masked %and3A_171 : memref<25000xf32, #tpu.memory_space<vmem>>[vector<16xi32>], vector<16xf32>, vector<16xi1>
      %get3A_174 = arith.constant 112 : index
      %get3A_175 = tpu.vector_load %arg8[%get3A_174] {strides = array<i32>} : memref<2064xi32, #tpu.memory_space<vmem>>, vector<16xi32>,
      %get3A_176 = arith.constant 113 : index
      %get3A_177 = tpu.vector_load %arg8[%get3A_176] {strides = array<i32>} : memref<2064xi32, #tpu.memory_space<vmem>>, vector<16xi32>,
      %get3A_178 = arith.constant 112 : index
      %get3A_179 = tpu.vector_load %arg9[%get3A_178] {strides = array<i32>} : memref<2048xf32, #tpu.memory_space<vmem>>, vector<16xf32>,
      %sub3A_180 = vector.broadcast %multiple_of3A : i32 to vector<16xi32>
      %sub3A_181 = arith.subi %get3A_175, %sub3A_180 : vector<16xi32>
      %ge3A_182 = vector.broadcast %multiple_of3A : i32 to vector<16xi32>
      %ge3A_183 = arith.cmpi sge, %get3A_175, %ge3A_182 : vector<16xi32>
      %lt3A_184 = vector.broadcast %add3A_4 : i32 to vector<16xi32>
      %lt3A_185 = arith.cmpi slt, %get3A_175, %lt3A_184 : vector<16xi32>
      %and3A_186 = arith.andi %ge3A_183, %lt3A_185 : vector<16xi1>
      %ne3A_187 = arith.cmpi ne, %get3A_175, %get3A_177 : vector<16xi32>
      %and3A_188 = arith.andi %and3A_186, %ne3A_187 : vector<16xi1>
      %gather3A_189 = tpu.vector_load_idx %arg7[%sub3A_181] masked %and3A_188 : memref<25000xf32, #tpu.memory_space<vmem>>[vector<16xi32>], vector<16xf32>, vector<16xi1>
      %add3A_190 = arith.addf %get3A_179, %gather3A_189 : vector<16xf32>
      tpu.vector_store_idx %arg7[%sub3A_181], %add3A_190 masked %and3A_188 : memref<25000xf32, #tpu.memory_space<vmem>>[vector<16xi32>], vector<16xf32>, vector<16xi1>
      %get3A_191 = arith.constant 128 : index
      %get3A_192 = tpu.vector_load %arg8[%get3A_191] {strides = array<i32>} : memref<2064xi32, #tpu.memory_space<vmem>>, vector<16xi32>,
      %get3A_193 = arith.constant 129 : index
      %get3A_194 = tpu.vector_load %arg8[%get3A_193] {strides = array<i32>} : memref<2064xi32, #tpu.memory_space<vmem>>, vector<16xi32>,
      %get3A_195 = arith.constant 128 : index
      %get3A_196 = tpu.vector_load %arg9[%get3A_195] {strides = array<i32>} : memref<2048xf32, #tpu.memory_space<vmem>>, vector<16xf32>,
      %sub3A_197 = vector.broadcast %multiple_of3A : i32 to vector<16xi32>
      %sub3A_198 = arith.subi %get3A_192, %sub3A_197 : vector<16xi32>
      %ge3A_199 = vector.broadcast %multiple_of3A : i32 to vector<16xi32>
      %ge3A_200 = arith.cmpi sge, %get3A_192, %ge3A_199 : vector<16xi32>
      %lt3A_201 = vector.broadcast %add3A_4 : i32 to vector<16xi32>
      %lt3A_202 = arith.cmpi slt, %get3A_192, %lt3A_201 : vector<16xi32>
      %and3A_203 = arith.andi %ge3A_200, %lt3A_202 : vector<16xi1>
      %ne3A_204 = arith.cmpi ne, %get3A_192, %get3A_194 : vector<16xi32>
      %and3A_205 = arith.andi %and3A_203, %ne3A_204 : vector<16xi1>
      %gather3A_206 = tpu.vector_load_idx %arg7[%sub3A_198] masked %and3A_205 : memref<25000xf32, #tpu.memory_space<vmem>>[vector<16xi32>], vector<16xf32>, vector<16xi1>
      %add3A_207 = arith.addf %get3A_196, %gather3A_206 : vector<16xf32>
      tpu.vector_store_idx %arg7[%sub3A_198], %add3A_207 masked %and3A_205 : memref<25000xf32, #tpu.memory_space<vmem>>[vector<16xi32>], vector<16xf32>, vector<16xi1>
      %get3A_208 = arith.constant 144 : index
      %get3A_209 = tpu.vector_load %arg8[%get3A_208] {strides = array<i32>} : memref<2064xi32, #tpu.memory_space<vmem>>, vector<16xi32>,
      %get3A_210 = arith.constant 145 : index
      %get3A_211 = tpu.vector_load %arg8[%get3A_210] {strides = array<i32>} : memref<2064xi32, #tpu.memory_space<vmem>>, vector<16xi32>,
      %get3A_212 = arith.constant 144 : index
      %get3A_213 = tpu.vector_load %arg9[%get3A_212] {strides = array<i32>} : memref<2048xf32, #tpu.memory_space<vmem>>, vector<16xf32>,
      %sub3A_214 = vector.broadcast %multiple_of3A : i32 to vector<16xi32>
      %sub3A_215 = arith.subi %get3A_209, %sub3A_214 : vector<16xi32>
      %ge3A_216 = vector.broadcast %multiple_of3A : i32 to vector<16xi32>
      %ge3A_217 = arith.cmpi sge, %get3A_209, %ge3A_216 : vector<16xi32>
      %lt3A_218 = vector.broadcast %add3A_4 : i32 to vector<16xi32>
      %lt3A_219 = arith.cmpi slt, %get3A_209, %lt3A_218 : vector<16xi32>
      %and3A_220 = arith.andi %ge3A_217, %lt3A_219 : vector<16xi1>
      %ne3A_221 = arith.cmpi ne, %get3A_209, %get3A_211 : vector<16xi32>
      %and3A_222 = arith.andi %and3A_220, %ne3A_221 : vector<16xi1>
      %gather3A_223 = tpu.vector_load_idx %arg7[%sub3A_215] masked %and3A_222 : memref<25000xf32, #tpu.memory_space<vmem>>[vector<16xi32>], vector<16xf32>, vector<16xi1>
      %add3A_224 = arith.addf %get3A_213, %gather3A_223 : vector<16xf32>
      tpu.vector_store_idx %arg7[%sub3A_215], %add3A_224 masked %and3A_222 : memref<25000xf32, #tpu.memory_space<vmem>>[vector<16xi32>], vector<16xf32>, vector<16xi1>
      %get3A_225 = arith.constant 160 : index
      %get3A_226 = tpu.vector_load %arg8[%get3A_225] {strides = array<i32>} : memref<2064xi32, #tpu.memory_space<vmem>>, vector<16xi32>,
      %get3A_227 = arith.constant 161 : index
      %get3A_228 = tpu.vector_load %arg8[%get3A_227] {strides = array<i32>} : memref<2064xi32, #tpu.memory_space<vmem>>, vector<16xi32>,
      %get3A_229 = arith.constant 160 : index
      %get3A_230 = tpu.vector_load %arg9[%get3A_229] {strides = array<i32>} : memref<2048xf32, #tpu.memory_space<vmem>>, vector<16xf32>,
      %sub3A_231 = vector.broadcast %multiple_of3A : i32 to vector<16xi32>
      %sub3A_232 = arith.subi %get3A_226, %sub3A_231 : vector<16xi32>
      %ge3A_233 = vector.broadcast %multiple_of3A : i32 to vector<16xi32>
      %ge3A_234 = arith.cmpi sge, %get3A_226, %ge3A_233 : vector<16xi32>
      %lt3A_235 = vector.broadcast %add3A_4 : i32 to vector<16xi32>
      %lt3A_236 = arith.cmpi slt, %get3A_226, %lt3A_235 : vector<16xi32>
      %and3A_237 = arith.andi %ge3A_234, %lt3A_236 : vector<16xi1>
      %ne3A_238 = arith.cmpi ne, %get3A_226, %get3A_228 : vector<16xi32>
      %and3A_239 = arith.andi %and3A_237, %ne3A_238 : vector<16xi1>
      %gather3A_240 = tpu.vector_load_idx %arg7[%sub3A_232] masked %and3A_239 : memref<25000xf32, #tpu.memory_space<vmem>>[vector<16xi32>], vector<16xf32>, vector<16xi1>
      %add3A_241 = arith.addf %get3A_230, %gather3A_240 : vector<16xf32>
      tpu.vector_store_idx %arg7[%sub3A_232], %add3A_241 masked %and3A_239 : memref<25000xf32, #tpu.memory_space<vmem>>[vector<16xi32>], vector<16xf32>, vector<16xi1>
      %get3A_242 = arith.constant 176 : index
      %get3A_243 = tpu.vector_load %arg8[%get3A_242] {strides = array<i32>} : memref<2064xi32, #tpu.memory_space<vmem>>, vector<16xi32>,
      %get3A_244 = arith.constant 177 : index
      %get3A_245 = tpu.vector_load %arg8[%get3A_244] {strides = array<i32>} : memref<2064xi32, #tpu.memory_space<vmem>>, vector<16xi32>,
      %get3A_246 = arith.constant 176 : index
      %get3A_247 = tpu.vector_load %arg9[%get3A_246] {strides = array<i32>} : memref<2048xf32, #tpu.memory_space<vmem>>, vector<16xf32>,
      %sub3A_248 = vector.broadcast %multiple_of3A : i32 to vector<16xi32>
      %sub3A_249 = arith.subi %get3A_243, %sub3A_248 : vector<16xi32>
      %ge3A_250 = vector.broadcast %multiple_of3A : i32 to vector<16xi32>
      %ge3A_251 = arith.cmpi sge, %get3A_243, %ge3A_250 : vector<16xi32>
      %lt3A_252 = vector.broadcast %add3A_4 : i32 to vector<16xi32>
      %lt3A_253 = arith.cmpi slt, %get3A_243, %lt3A_252 : vector<16xi32>
      %and3A_254 = arith.andi %ge3A_251, %lt3A_253 : vector<16xi1>
      %ne3A_255 = arith.cmpi ne, %get3A_243, %get3A_245 : vector<16xi32>
      %and3A_256 = arith.andi %and3A_254, %ne3A_255 : vector<16xi1>
      %gather3A_257 = tpu.vector_load_idx %arg7[%sub3A_249] masked %and3A_256 : memref<25000xf32, #tpu.memory_space<vmem>>[vector<16xi32>], vector<16xf32>, vector<16xi1>
      %add3A_258 = arith.addf %get3A_247, %gather3A_257 : vector<16xf32>
      tpu.vector_store_idx %arg7[%sub3A_249], %add3A_258 masked %and3A_256 : memref<25000xf32, #tpu.memory_space<vmem>>[vector<16xi32>], vector<16xf32>, vector<16xi1>
      %get3A_259 = arith.constant 192 : index
      %get3A_260 = tpu.vector_load %arg8[%get3A_259] {strides = array<i32>} : memref<2064xi32, #tpu.memory_space<vmem>>, vector<16xi32>,
      %get3A_261 = arith.constant 193 : index
      %get3A_262 = tpu.vector_load %arg8[%get3A_261] {strides = array<i32>} : memref<2064xi32, #tpu.memory_space<vmem>>, vector<16xi32>,
      %get3A_263 = arith.constant 192 : index
      %get3A_264 = tpu.vector_load %arg9[%get3A_263] {strides = array<i32>} : memref<2048xf32, #tpu.memory_space<vmem>>, vector<16xf32>,
      %sub3A_265 = vector.broadcast %multiple_of3A : i32 to vector<16xi32>
      %sub3A_266 = arith.subi %get3A_260, %sub3A_265 : vector<16xi32>
      %ge3A_267 = vector.broadcast %multiple_of3A : i32 to vector<16xi32>
      %ge3A_268 = arith.cmpi sge, %get3A_260, %ge3A_267 : vector<16xi32>
      %lt3A_269 = vector.broadcast %add3A_4 : i32 to vector<16xi32>
      %lt3A_270 = arith.cmpi slt, %get3A_260, %lt3A_269 : vector<16xi32>
      %and3A_271 = arith.andi %ge3A_268, %lt3A_270 : vector<16xi1>
      %ne3A_272 = arith.cmpi ne, %get3A_260, %get3A_262 : vector<16xi32>
      %and3A_273 = arith.andi %and3A_271, %ne3A_272 : vector<16xi1>
      %gather3A_274 = tpu.vector_load_idx %arg7[%sub3A_266] masked %and3A_273 : memref<25000xf32, #tpu.memory_space<vmem>>[vector<16xi32>], vector<16xf32>, vector<16xi1>
      %add3A_275 = arith.addf %get3A_264, %gather3A_274 : vector<16xf32>
      tpu.vector_store_idx %arg7[%sub3A_266], %add3A_275 masked %and3A_273 : memref<25000xf32, #tpu.memory_space<vmem>>[vector<16xi32>], vector<16xf32>, vector<16xi1>
      %get3A_276 = arith.constant 208 : index
      %get3A_277 = tpu.vector_load %arg8[%get3A_276] {strides = array<i32>} : memref<2064xi32, #tpu.memory_space<vmem>>, vector<16xi32>,
      %get3A_278 = arith.constant 209 : index
      %get3A_279 = tpu.vector_load %arg8[%get3A_278] {strides = array<i32>} : memref<2064xi32, #tpu.memory_space<vmem>>, vector<16xi32>,
      %get3A_280 = arith.constant 208 : index
      %get3A_281 = tpu.vector_load %arg9[%get3A_280] {strides = array<i32>} : memref<2048xf32, #tpu.memory_space<vmem>>, vector<16xf32>,
      %sub3A_282 = vector.broadcast %multiple_of3A : i32 to vector<16xi32>
      %sub3A_283 = arith.subi %get3A_277, %sub3A_282 : vector<16xi32>
      %ge3A_284 = vector.broadcast %multiple_of3A : i32 to vector<16xi32>
      %ge3A_285 = arith.cmpi sge, %get3A_277, %ge3A_284 : vector<16xi32>
      %lt3A_286 = vector.broadcast %add3A_4 : i32 to vector<16xi32>
      %lt3A_287 = arith.cmpi slt, %get3A_277, %lt3A_286 : vector<16xi32>
      %and3A_288 = arith.andi %ge3A_285, %lt3A_287 : vector<16xi1>
      %ne3A_289 = arith.cmpi ne, %get3A_277, %get3A_279 : vector<16xi32>
      %and3A_290 = arith.andi %and3A_288, %ne3A_289 : vector<16xi1>
      %gather3A_291 = tpu.vector_load_idx %arg7[%sub3A_283] masked %and3A_290 : memref<25000xf32, #tpu.memory_space<vmem>>[vector<16xi32>], vector<16xf32>, vector<16xi1>
      %add3A_292 = arith.addf %get3A_281, %gather3A_291 : vector<16xf32>
      tpu.vector_store_idx %arg7[%sub3A_283], %add3A_292 masked %and3A_290 : memref<25000xf32, #tpu.memory_space<vmem>>[vector<16xi32>], vector<16xf32>, vector<16xi1>
      %get3A_293 = arith.constant 224 : index
      %get3A_294 = tpu.vector_load %arg8[%get3A_293] {strides = array<i32>} : memref<2064xi32, #tpu.memory_space<vmem>>, vector<16xi32>,
      %get3A_295 = arith.constant 225 : index
      %get3A_296 = tpu.vector_load %arg8[%get3A_295] {strides = array<i32>} : memref<2064xi32, #tpu.memory_space<vmem>>, vector<16xi32>,
      %get3A_297 = arith.constant 224 : index
      %get3A_298 = tpu.vector_load %arg9[%get3A_297] {strides = array<i32>} : memref<2048xf32, #tpu.memory_space<vmem>>, vector<16xf32>,
      %sub3A_299 = vector.broadcast %multiple_of3A : i32 to vector<16xi32>
      %sub3A_300 = arith.subi %get3A_294, %sub3A_299 : vector<16xi32>
      %ge3A_301 = vector.broadcast %multiple_of3A : i32 to vector<16xi32>
      %ge3A_302 = arith.cmpi sge, %get3A_294, %ge3A_301 : vector<16xi32>
      %lt3A_303 = vector.broadcast %add3A_4 : i32 to vector<16xi32>
      %lt3A_304 = arith.cmpi slt, %get3A_294, %lt3A_303 : vector<16xi32>
      %and3A_305 = arith.andi %ge3A_302, %lt3A_304 : vector<16xi1>
      %ne3A_306 = arith.cmpi ne, %get3A_294, %get3A_296 : vector<16xi32>
      %and3A_307 = arith.andi %and3A_305, %ne3A_306 : vector<16xi1>
      %gather3A_308 = tpu.vector_load_idx %arg7[%sub3A_300] masked %and3A_307 : memref<25000xf32, #tpu.memory_space<vmem>>[vector<16xi32>], vector<16xf32>, vector<16xi1>
      %add3A_309 = arith.addf %get3A_298, %gather3A_308 : vector<16xf32>
      tpu.vector_store_idx %arg7[%sub3A_300], %add3A_309 masked %and3A_307 : memref<25000xf32, #tpu.memory_space<vmem>>[vector<16xi32>], vector<16xf32>, vector<16xi1>
      %get3A_310 = arith.constant 240 : index
      %get3A_311 = tpu.vector_load %arg8[%get3A_310] {strides = array<i32>} : memref<2064xi32, #tpu.memory_space<vmem>>, vector<16xi32>,
      %get3A_312 = arith.constant 241 : index
      %get3A_313 = tpu.vector_load %arg8[%get3A_312] {strides = array<i32>} : memref<2064xi32, #tpu.memory_space<vmem>>, vector<16xi32>,
      %get3A_314 = arith.constant 240 : index
      %get3A_315 = tpu.vector_load %arg9[%get3A_314] {strides = array<i32>} : memref<2048xf32, #tpu.memory_space<vmem>>, vector<16xf32>,
      %sub3A_316 = vector.broadcast %multiple_of3A : i32 to vector<16xi32>
      %sub3A_317 = arith.subi %get3A_311, %sub3A_316 : vector<16xi32>
      %ge3A_318 = vector.broadcast %multiple_of3A : i32 to vector<16xi32>
      %ge3A_319 = arith.cmpi sge, %get3A_311, %ge3A_318 : vector<16xi32>
      %lt3A_320 = vector.broadcast %add3A_4 : i32 to vector<16xi32>
      %lt3A_321 = arith.cmpi slt, %get3A_311, %lt3A_320 : vector<16xi32>
      %and3A_322 = arith.andi %ge3A_319, %lt3A_321 : vector<16xi1>
      %ne3A_323 = arith.cmpi ne, %get3A_311, %get3A_313 : vector<16xi32>
      %and3A_324 = arith.andi %and3A_322, %ne3A_323 : vector<16xi1>
      %gather3A_325 = tpu.vector_load_idx %arg7[%sub3A_317] masked %and3A_324 : memref<25000xf32, #tpu.memory_space<vmem>>[vector<16xi32>], vector<16xf32>, vector<16xi1>
      %add3A_326 = arith.addf %get3A_315, %gather3A_325 : vector<16xf32>
      tpu.vector_store_idx %arg7[%sub3A_317], %add3A_326 masked %and3A_324 : memref<25000xf32, #tpu.memory_space<vmem>>[vector<16xi32>], vector<16xf32>, vector<16xi1>
      %get3A_327 = arith.constant 256 : index
      %get3A_328 = tpu.vector_load %arg8[%get3A_327] {strides = array<i32>} : memref<2064xi32, #tpu.memory_space<vmem>>, vector<16xi32>,
      %get3A_329 = arith.constant 257 : index
      %get3A_330 = tpu.vector_load %arg8[%get3A_329] {strides = array<i32>} : memref<2064xi32, #tpu.memory_space<vmem>>, vector<16xi32>,
      %get3A_331 = arith.constant 256 : index
      %get3A_332 = tpu.vector_load %arg9[%get3A_331] {strides = array<i32>} : memref<2048xf32, #tpu.memory_space<vmem>>, vector<16xf32>,
      %sub3A_333 = vector.broadcast %multiple_of3A : i32 to vector<16xi32>
      %sub3A_334 = arith.subi %get3A_328, %sub3A_333 : vector<16xi32>
      %ge3A_335 = vector.broadcast %multiple_of3A : i32 to vector<16xi32>
      %ge3A_336 = arith.cmpi sge, %get3A_328, %ge3A_335 : vector<16xi32>
      %lt3A_337 = vector.broadcast %add3A_4 : i32 to vector<16xi32>
      %lt3A_338 = arith.cmpi slt, %get3A_328, %lt3A_337 : vector<16xi32>
      %and3A_339 = arith.andi %ge3A_336, %lt3A_338 : vector<16xi1>
      %ne3A_340 = arith.cmpi ne, %get3A_328, %get3A_330 : vector<16xi32>
      %and3A_341 = arith.andi %and3A_339, %ne3A_340 : vector<16xi1>
      %gather3A_342 = tpu.vector_load_idx %arg7[%sub3A_334] masked %and3A_341 : memref<25000xf32, #tpu.memory_space<vmem>>[vector<16xi32>], vector<16xf32>, vector<16xi1>
      %add3A_343 = arith.addf %get3A_332, %gather3A_342 : vector<16xf32>
      tpu.vector_store_idx %arg7[%sub3A_334], %add3A_343 masked %and3A_341 : memref<25000xf32, #tpu.memory_space<vmem>>[vector<16xi32>], vector<16xf32>, vector<16xi1>
      %get3A_344 = arith.constant 272 : index
      %get3A_345 = tpu.vector_load %arg8[%get3A_344] {strides = array<i32>} : memref<2064xi32, #tpu.memory_space<vmem>>, vector<16xi32>,
      %get3A_346 = arith.constant 273 : index
      %get3A_347 = tpu.vector_load %arg8[%get3A_346] {strides = array<i32>} : memref<2064xi32, #tpu.memory_space<vmem>>, vector<16xi32>,
      %get3A_348 = arith.constant 272 : index
      %get3A_349 = tpu.vector_load %arg9[%get3A_348] {strides = array<i32>} : memref<2048xf32, #tpu.memory_space<vmem>>, vector<16xf32>,
      %sub3A_350 = vector.broadcast %multiple_of3A : i32 to vector<16xi32>
      %sub3A_351 = arith.subi %get3A_345, %sub3A_350 : vector<16xi32>
      %ge3A_352 = vector.broadcast %multiple_of3A : i32 to vector<16xi32>
      %ge3A_353 = arith.cmpi sge, %get3A_345, %ge3A_352 : vector<16xi32>
      %lt3A_354 = vector.broadcast %add3A_4 : i32 to vector<16xi32>
      %lt3A_355 = arith.cmpi slt, %get3A_345, %lt3A_354 : vector<16xi32>
      %and3A_356 = arith.andi %ge3A_353, %lt3A_355 : vector<16xi1>
      %ne3A_357 = arith.cmpi ne, %get3A_345, %get3A_347 : vector<16xi32>
      %and3A_358 = arith.andi %and3A_356, %ne3A_357 : vector<16xi1>
      %gather3A_359 = tpu.vector_load_idx %arg7[%sub3A_351] masked %and3A_358 : memref<25000xf32, #tpu.memory_space<vmem>>[vector<16xi32>], vector<16xf32>, vector<16xi1>
      %add3A_360 = arith.addf %get3A_349, %gather3A_359 : vector<16xf32>
      tpu.vector_store_idx %arg7[%sub3A_351], %add3A_360 masked %and3A_358 : memref<25000xf32, #tpu.memory_space<vmem>>[vector<16xi32>], vector<16xf32>, vector<16xi1>
      %get3A_361 = arith.constant 288 : index
      %get3A_362 = tpu.vector_load %arg8[%get3A_361] {strides = array<i32>} : memref<2064xi32, #tpu.memory_space<vmem>>, vector<16xi32>,
      %get3A_363 = arith.constant 289 : index
      %get3A_364 = tpu.vector_load %arg8[%get3A_363] {strides = array<i32>} : memref<2064xi32, #tpu.memory_space<vmem>>, vector<16xi32>,
      %get3A_365 = arith.constant 288 : index
      %get3A_366 = tpu.vector_load %arg9[%get3A_365] {strides = array<i32>} : memref<2048xf32, #tpu.memory_space<vmem>>, vector<16xf32>,
      %sub3A_367 = vector.broadcast %multiple_of3A : i32 to vector<16xi32>
      %sub3A_368 = arith.subi %get3A_362, %sub3A_367 : vector<16xi32>
      %ge3A_369 = vector.broadcast %multiple_of3A : i32 to vector<16xi32>
      %ge3A_370 = arith.cmpi sge, %get3A_362, %ge3A_369 : vector<16xi32>
      %lt3A_371 = vector.broadcast %add3A_4 : i32 to vector<16xi32>
      %lt3A_372 = arith.cmpi slt, %get3A_362, %lt3A_371 : vector<16xi32>
      %and3A_373 = arith.andi %ge3A_370, %lt3A_372 : vector<16xi1>
      %ne3A_374 = arith.cmpi ne, %get3A_362, %get3A_364 : vector<16xi32>
      %and3A_375 = arith.andi %and3A_373, %ne3A_374 : vector<16xi1>
      %gather3A_376 = tpu.vector_load_idx %arg7[%sub3A_368] masked %and3A_375 : memref<25000xf32, #tpu.memory_space<vmem>>[vector<16xi32>], vector<16xf32>, vector<16xi1>
      %add3A_377 = arith.addf %get3A_366, %gather3A_376 : vector<16xf32>
      tpu.vector_store_idx %arg7[%sub3A_368], %add3A_377 masked %and3A_375 : memref<25000xf32, #tpu.memory_space<vmem>>[vector<16xi32>], vector<16xf32>, vector<16xi1>
      %get3A_378 = arith.constant 304 : index
      %get3A_379 = tpu.vector_load %arg8[%get3A_378] {strides = array<i32>} : memref<2064xi32, #tpu.memory_space<vmem>>, vector<16xi32>,
      %get3A_380 = arith.constant 305 : index
      %get3A_381 = tpu.vector_load %arg8[%get3A_380] {strides = array<i32>} : memref<2064xi32, #tpu.memory_space<vmem>>, vector<16xi32>,
      %get3A_382 = arith.constant 304 : index
      %get3A_383 = tpu.vector_load %arg9[%get3A_382] {strides = array<i32>} : memref<2048xf32, #tpu.memory_space<vmem>>, vector<16xf32>,
      %sub3A_384 = vector.broadcast %multiple_of3A : i32 to vector<16xi32>
      %sub3A_385 = arith.subi %get3A_379, %sub3A_384 : vector<16xi32>
      %ge3A_386 = vector.broadcast %multiple_of3A : i32 to vector<16xi32>
      %ge3A_387 = arith.cmpi sge, %get3A_379, %ge3A_386 : vector<16xi32>
      %lt3A_388 = vector.broadcast %add3A_4 : i32 to vector<16xi32>
      %lt3A_389 = arith.cmpi slt, %get3A_379, %lt3A_388 : vector<16xi32>
      %and3A_390 = arith.andi %ge3A_387, %lt3A_389 : vector<16xi1>
      %ne3A_391 = arith.cmpi ne, %get3A_379, %get3A_381 : vector<16xi32>
      %and3A_392 = arith.andi %and3A_390, %ne3A_391 : vector<16xi1>
      %gather3A_393 = tpu.vector_load_idx %arg7[%sub3A_385] masked %and3A_392 : memref<25000xf32, #tpu.memory_space<vmem>>[vector<16xi32>], vector<16xf32>, vector<16xi1>
      %add3A_394 = arith.addf %get3A_383, %gather3A_393 : vector<16xf32>
      tpu.vector_store_idx %arg7[%sub3A_385], %add3A_394 masked %and3A_392 : memref<25000xf32, #tpu.memory_space<vmem>>[vector<16xi32>], vector<16xf32>, vector<16xi1>
      %get3A_395 = arith.constant 320 : index
      %get3A_396 = tpu.vector_load %arg8[%get3A_395] {strides = array<i32>} : memref<2064xi32, #tpu.memory_space<vmem>>, vector<16xi32>,
      %get3A_397 = arith.constant 321 : index
      %get3A_398 = tpu.vector_load %arg8[%get3A_397] {strides = array<i32>} : memref<2064xi32, #tpu.memory_space<vmem>>, vector<16xi32>,
      %get3A_399 = arith.constant 320 : index
      %get3A_400 = tpu.vector_load %arg9[%get3A_399] {strides = array<i32>} : memref<2048xf32, #tpu.memory_space<vmem>>, vector<16xf32>,
      %sub3A_401 = vector.broadcast %multiple_of3A : i32 to vector<16xi32>
      %sub3A_402 = arith.subi %get3A_396, %sub3A_401 : vector<16xi32>
      %ge3A_403 = vector.broadcast %multiple_of3A : i32 to vector<16xi32>
      %ge3A_404 = arith.cmpi sge, %get3A_396, %ge3A_403 : vector<16xi32>
      %lt3A_405 = vector.broadcast %add3A_4 : i32 to vector<16xi32>
      %lt3A_406 = arith.cmpi slt, %get3A_396, %lt3A_405 : vector<16xi32>
      %and3A_407 = arith.andi %ge3A_404, %lt3A_406 : vector<16xi1>
      %ne3A_408 = arith.cmpi ne, %get3A_396, %get3A_398 : vector<16xi32>
      %and3A_409 = arith.andi %and3A_407, %ne3A_408 : vector<16xi1>
      %gather3A_410 = tpu.vector_load_idx %arg7[%sub3A_402] masked %and3A_409 : memref<25000xf32, #tpu.memory_space<vmem>>[vector<16xi32>], vector<16xf32>, vector<16xi1>
      %add3A_411 = arith.addf %get3A_400, %gather3A_410 : vector<16xf32>
      tpu.vector_store_idx %arg7[%sub3A_402], %add3A_411 masked %and3A_409 : memref<25000xf32, #tpu.memory_space<vmem>>[vector<16xi32>], vector<16xf32>, vector<16xi1>
      %get3A_412 = arith.constant 336 : index
      %get3A_413 = tpu.vector_load %arg8[%get3A_412] {strides = array<i32>} : memref<2064xi32, #tpu.memory_space<vmem>>, vector<16xi32>,
      %get3A_414 = arith.constant 337 : index
      %get3A_415 = tpu.vector_load %arg8[%get3A_414] {strides = array<i32>} : memref<2064xi32, #tpu.memory_space<vmem>>, vector<16xi32>,
      %get3A_416 = arith.constant 336 : index
      %get3A_417 = tpu.vector_load %arg9[%get3A_416] {strides = array<i32>} : memref<2048xf32, #tpu.memory_space<vmem>>, vector<16xf32>,
      %sub3A_418 = vector.broadcast %multiple_of3A : i32 to vector<16xi32>
      %sub3A_419 = arith.subi %get3A_413, %sub3A_418 : vector<16xi32>
      %ge3A_420 = vector.broadcast %multiple_of3A : i32 to vector<16xi32>
      %ge3A_421 = arith.cmpi sge, %get3A_413, %ge3A_420 : vector<16xi32>
      %lt3A_422 = vector.broadcast %add3A_4 : i32 to vector<16xi32>
      %lt3A_423 = arith.cmpi slt, %get3A_413, %lt3A_422 : vector<16xi32>
      %and3A_424 = arith.andi %ge3A_421, %lt3A_423 : vector<16xi1>
      %ne3A_425 = arith.cmpi ne, %get3A_413, %get3A_415 : vector<16xi32>
      %and3A_426 = arith.andi %and3A_424, %ne3A_425 : vector<16xi1>
      %gather3A_427 = tpu.vector_load_idx %arg7[%sub3A_419] masked %and3A_426 : memref<25000xf32, #tpu.memory_space<vmem>>[vector<16xi32>], vector<16xf32>, vector<16xi1>
      %add3A_428 = arith.addf %get3A_417, %gather3A_427 : vector<16xf32>
      tpu.vector_store_idx %arg7[%sub3A_419], %add3A_428 masked %and3A_426 : memref<25000xf32, #tpu.memory_space<vmem>>[vector<16xi32>], vector<16xf32>, vector<16xi1>
      %get3A_429 = arith.constant 352 : index
      %get3A_430 = tpu.vector_load %arg8[%get3A_429] {strides = array<i32>} : memref<2064xi32, #tpu.memory_space<vmem>>, vector<16xi32>,
      %get3A_431 = arith.constant 353 : index
      %get3A_432 = tpu.vector_load %arg8[%get3A_431] {strides = array<i32>} : memref<2064xi32, #tpu.memory_space<vmem>>, vector<16xi32>,
      %get3A_433 = arith.constant 352 : index
      %get3A_434 = tpu.vector_load %arg9[%get3A_433] {strides = array<i32>} : memref<2048xf32, #tpu.memory_space<vmem>>, vector<16xf32>,
      %sub3A_435 = vector.broadcast %multiple_of3A : i32 to vector<16xi32>
      %sub3A_436 = arith.subi %get3A_430, %sub3A_435 : vector<16xi32>
      %ge3A_437 = vector.broadcast %multiple_of3A : i32 to vector<16xi32>
      %ge3A_438 = arith.cmpi sge, %get3A_430, %ge3A_437 : vector<16xi32>
      %lt3A_439 = vector.broadcast %add3A_4 : i32 to vector<16xi32>
      %lt3A_440 = arith.cmpi slt, %get3A_430, %lt3A_439 : vector<16xi32>
      %and3A_441 = arith.andi %ge3A_438, %lt3A_440 : vector<16xi1>
      %ne3A_442 = arith.cmpi ne, %get3A_430, %get3A_432 : vector<16xi32>
      %and3A_443 = arith.andi %and3A_441, %ne3A_442 : vector<16xi1>
      %gather3A_444 = tpu.vector_load_idx %arg7[%sub3A_436] masked %and3A_443 : memref<25000xf32, #tpu.memory_space<vmem>>[vector<16xi32>], vector<16xf32>, vector<16xi1>
      %add3A_445 = arith.addf %get3A_434, %gather3A_444 : vector<16xf32>
      tpu.vector_store_idx %arg7[%sub3A_436], %add3A_445 masked %and3A_443 : memref<25000xf32, #tpu.memory_space<vmem>>[vector<16xi32>], vector<16xf32>, vector<16xi1>
      %get3A_446 = arith.constant 368 : index
      %get3A_447 = tpu.vector_load %arg8[%get3A_446] {strides = array<i32>} : memref<2064xi32, #tpu.memory_space<vmem>>, vector<16xi32>,
      %get3A_448 = arith.constant 369 : index
      %get3A_449 = tpu.vector_load %arg8[%get3A_448] {strides = array<i32>} : memref<2064xi32, #tpu.memory_space<vmem>>, vector<16xi32>,
      %get3A_450 = arith.constant 368 : index
      %get3A_451 = tpu.vector_load %arg9[%get3A_450] {strides = array<i32>} : memref<2048xf32, #tpu.memory_space<vmem>>, vector<16xf32>,
      %sub3A_452 = vector.broadcast %multiple_of3A : i32 to vector<16xi32>
      %sub3A_453 = arith.subi %get3A_447, %sub3A_452 : vector<16xi32>
      %ge3A_454 = vector.broadcast %multiple_of3A : i32 to vector<16xi32>
      %ge3A_455 = arith.cmpi sge, %get3A_447, %ge3A_454 : vector<16xi32>
      %lt3A_456 = vector.broadcast %add3A_4 : i32 to vector<16xi32>
      %lt3A_457 = arith.cmpi slt, %get3A_447, %lt3A_456 : vector<16xi32>
      %and3A_458 = arith.andi %ge3A_455, %lt3A_457 : vector<16xi1>
      %ne3A_459 = arith.cmpi ne, %get3A_447, %get3A_449 : vector<16xi32>
      %and3A_460 = arith.andi %and3A_458, %ne3A_459 : vector<16xi1>
      %gather3A_461 = tpu.vector_load_idx %arg7[%sub3A_453] masked %and3A_460 : memref<25000xf32, #tpu.memory_space<vmem>>[vector<16xi32>], vector<16xf32>, vector<16xi1>
      %add3A_462 = arith.addf %get3A_451, %gather3A_461 : vector<16xf32>
      tpu.vector_store_idx %arg7[%sub3A_453], %add3A_462 masked %and3A_460 : memref<25000xf32, #tpu.memory_space<vmem>>[vector<16xi32>], vector<16xf32>, vector<16xi1>
      %get3A_463 = arith.constant 384 : index
      %get3A_464 = tpu.vector_load %arg8[%get3A_463] {strides = array<i32>} : memref<2064xi32, #tpu.memory_space<vmem>>, vector<16xi32>,
      %get3A_465 = arith.constant 385 : index
      %get3A_466 = tpu.vector_load %arg8[%get3A_465] {strides = array<i32>} : memref<2064xi32, #tpu.memory_space<vmem>>, vector<16xi32>,
      %get3A_467 = arith.constant 384 : index
      %get3A_468 = tpu.vector_load %arg9[%get3A_467] {strides = array<i32>} : memref<2048xf32, #tpu.memory_space<vmem>>, vector<16xf32>,
      %sub3A_469 = vector.broadcast %multiple_of3A : i32 to vector<16xi32>
      %sub3A_470 = arith.subi %get3A_464, %sub3A_469 : vector<16xi32>
      %ge3A_471 = vector.broadcast %multiple_of3A : i32 to vector<16xi32>
      %ge3A_472 = arith.cmpi sge, %get3A_464, %ge3A_471 : vector<16xi32>
      %lt3A_473 = vector.broadcast %add3A_4 : i32 to vector<16xi32>
      %lt3A_474 = arith.cmpi slt, %get3A_464, %lt3A_473 : vector<16xi32>
      %and3A_475 = arith.andi %ge3A_472, %lt3A_474 : vector<16xi1>
      %ne3A_476 = arith.cmpi ne, %get3A_464, %get3A_466 : vector<16xi32>
      %and3A_477 = arith.andi %and3A_475, %ne3A_476 : vector<16xi1>
      %gather3A_478 = tpu.vector_load_idx %arg7[%sub3A_470] masked %and3A_477 : memref<25000xf32, #tpu.memory_space<vmem>>[vector<16xi32>], vector<16xf32>, vector<16xi1>
      %add3A_479 = arith.addf %get3A_468, %gather3A_478 : vector<16xf32>
      tpu.vector_store_idx %arg7[%sub3A_470], %add3A_479 masked %and3A_477 : memref<25000xf32, #tpu.memory_space<vmem>>[vector<16xi32>], vector<16xf32>, vector<16xi1>
      %get3A_480 = arith.constant 400 : index
      %get3A_481 = tpu.vector_load %arg8[%get3A_480] {strides = array<i32>} : memref<2064xi32, #tpu.memory_space<vmem>>, vector<16xi32>,
      %get3A_482 = arith.constant 401 : index
      %get3A_483 = tpu.vector_load %arg8[%get3A_482] {strides = array<i32>} : memref<2064xi32, #tpu.memory_space<vmem>>, vector<16xi32>,
      %get3A_484 = arith.constant 400 : index
      %get3A_485 = tpu.vector_load %arg9[%get3A_484] {strides = array<i32>} : memref<2048xf32, #tpu.memory_space<vmem>>, vector<16xf32>,
      %sub3A_486 = vector.broadcast %multiple_of3A : i32 to vector<16xi32>
      %sub3A_487 = arith.subi %get3A_481, %sub3A_486 : vector<16xi32>
      %ge3A_488 = vector.broadcast %multiple_of3A : i32 to vector<16xi32>
      %ge3A_489 = arith.cmpi sge, %get3A_481, %ge3A_488 : vector<16xi32>
      %lt3A_490 = vector.broadcast %add3A_4 : i32 to vector<16xi32>
      %lt3A_491 = arith.cmpi slt, %get3A_481, %lt3A_490 : vector<16xi32>
      %and3A_492 = arith.andi %ge3A_489, %lt3A_491 : vector<16xi1>
      %ne3A_493 = arith.cmpi ne, %get3A_481, %get3A_483 : vector<16xi32>
      %and3A_494 = arith.andi %and3A_492, %ne3A_493 : vector<16xi1>
      %gather3A_495 = tpu.vector_load_idx %arg7[%sub3A_487] masked %and3A_494 : memref<25000xf32, #tpu.memory_space<vmem>>[vector<16xi32>], vector<16xf32>, vector<16xi1>
      %add3A_496 = arith.addf %get3A_485, %gather3A_495 : vector<16xf32>
      tpu.vector_store_idx %arg7[%sub3A_487], %add3A_496 masked %and3A_494 : memref<25000xf32, #tpu.memory_space<vmem>>[vector<16xi32>], vector<16xf32>, vector<16xi1>
      %get3A_497 = arith.constant 416 : index
      %get3A_498 = tpu.vector_load %arg8[%get3A_497] {strides = array<i32>} : memref<2064xi32, #tpu.memory_space<vmem>>, vector<16xi32>,
      %get3A_499 = arith.constant 417 : index
      %get3A_500 = tpu.vector_load %arg8[%get3A_499] {strides = array<i32>} : memref<2064xi32, #tpu.memory_space<vmem>>, vector<16xi32>,
      %get3A_501 = arith.constant 416 : index
      %get3A_502 = tpu.vector_load %arg9[%get3A_501] {strides = array<i32>} : memref<2048xf32, #tpu.memory_space<vmem>>, vector<16xf32>,
      %sub3A_503 = vector.broadcast %multiple_of3A : i32 to vector<16xi32>
      %sub3A_504 = arith.subi %get3A_498, %sub3A_503 : vector<16xi32>
      %ge3A_505 = vector.broadcast %multiple_of3A : i32 to vector<16xi32>
      %ge3A_506 = arith.cmpi sge, %get3A_498, %ge3A_505 : vector<16xi32>
      %lt3A_507 = vector.broadcast %add3A_4 : i32 to vector<16xi32>
      %lt3A_508 = arith.cmpi slt, %get3A_498, %lt3A_507 : vector<16xi32>
      %and3A_509 = arith.andi %ge3A_506, %lt3A_508 : vector<16xi1>
      %ne3A_510 = arith.cmpi ne, %get3A_498, %get3A_500 : vector<16xi32>
      %and3A_511 = arith.andi %and3A_509, %ne3A_510 : vector<16xi1>
      %gather3A_512 = tpu.vector_load_idx %arg7[%sub3A_504] masked %and3A_511 : memref<25000xf32, #tpu.memory_space<vmem>>[vector<16xi32>], vector<16xf32>, vector<16xi1>
      %add3A_513 = arith.addf %get3A_502, %gather3A_512 : vector<16xf32>
      tpu.vector_store_idx %arg7[%sub3A_504], %add3A_513 masked %and3A_511 : memref<25000xf32, #tpu.memory_space<vmem>>[vector<16xi32>], vector<16xf32>, vector<16xi1>
      %get3A_514 = arith.constant 432 : index
      %get3A_515 = tpu.vector_load %arg8[%get3A_514] {strides = array<i32>} : memref<2064xi32, #tpu.memory_space<vmem>>, vector<16xi32>,
      %get3A_516 = arith.constant 433 : index
      %get3A_517 = tpu.vector_load %arg8[%get3A_516] {strides = array<i32>} : memref<2064xi32, #tpu.memory_space<vmem>>, vector<16xi32>,
      %get3A_518 = arith.constant 432 : index
      %get3A_519 = tpu.vector_load %arg9[%get3A_518] {strides = array<i32>} : memref<2048xf32, #tpu.memory_space<vmem>>, vector<16xf32>,
      %sub3A_520 = vector.broadcast %multiple_of3A : i32 to vector<16xi32>
      %sub3A_521 = arith.subi %get3A_515, %sub3A_520 : vector<16xi32>
      %ge3A_522 = vector.broadcast %multiple_of3A : i32 to vector<16xi32>
      %ge3A_523 = arith.cmpi sge, %get3A_515, %ge3A_522 : vector<16xi32>
      %lt3A_524 = vector.broadcast %add3A_4 : i32 to vector<16xi32>
      %lt3A_525 = arith.cmpi slt, %get3A_515, %lt3A_524 : vector<16xi32>
      %and3A_526 = arith.andi %ge3A_523, %lt3A_525 : vector<16xi1>
      %ne3A_527 = arith.cmpi ne, %get3A_515, %get3A_517 : vector<16xi32>
      %and3A_528 = arith.andi %and3A_526, %ne3A_527 : vector<16xi1>
      %gather3A_529 = tpu.vector_load_idx %arg7[%sub3A_521] masked %and3A_528 : memref<25000xf32, #tpu.memory_space<vmem>>[vector<16xi32>], vector<16xf32>, vector<16xi1>
      %add3A_530 = arith.addf %get3A_519, %gather3A_529 : vector<16xf32>
      tpu.vector_store_idx %arg7[%sub3A_521], %add3A_530 masked %and3A_528 : memref<25000xf32, #tpu.memory_space<vmem>>[vector<16xi32>], vector<16xf32>, vector<16xi1>
      %get3A_531 = arith.constant 448 : index
      %get3A_532 = tpu.vector_load %arg8[%get3A_531] {strides = array<i32>} : memref<2064xi32, #tpu.memory_space<vmem>>, vector<16xi32>,
      %get3A_533 = arith.constant 449 : index
      %get3A_534 = tpu.vector_load %arg8[%get3A_533] {strides = array<i32>} : memref<2064xi32, #tpu.memory_space<vmem>>, vector<16xi32>,
      %get3A_535 = arith.constant 448 : index
      %get3A_536 = tpu.vector_load %arg9[%get3A_535] {strides = array<i32>} : memref<2048xf32, #tpu.memory_space<vmem>>, vector<16xf32>,
      %sub3A_537 = vector.broadcast %multiple_of3A : i32 to vector<16xi32>
      %sub3A_538 = arith.subi %get3A_532, %sub3A_537 : vector<16xi32>
      %ge3A_539 = vector.broadcast %multiple_of3A : i32 to vector<16xi32>
      %ge3A_540 = arith.cmpi sge, %get3A_532, %ge3A_539 : vector<16xi32>
      %lt3A_541 = vector.broadcast %add3A_4 : i32 to vector<16xi32>
      %lt3A_542 = arith.cmpi slt, %get3A_532, %lt3A_541 : vector<16xi32>
      %and3A_543 = arith.andi %ge3A_540, %lt3A_542 : vector<16xi1>
      %ne3A_544 = arith.cmpi ne, %get3A_532, %get3A_534 : vector<16xi32>
      %and3A_545 = arith.andi %and3A_543, %ne3A_544 : vector<16xi1>
      %gather3A_546 = tpu.vector_load_idx %arg7[%sub3A_538] masked %and3A_545 : memref<25000xf32, #tpu.memory_space<vmem>>[vector<16xi32>], vector<16xf32>, vector<16xi1>
      %add3A_547 = arith.addf %get3A_536, %gather3A_546 : vector<16xf32>
      tpu.vector_store_idx %arg7[%sub3A_538], %add3A_547 masked %and3A_545 : memref<25000xf32, #tpu.memory_space<vmem>>[vector<16xi32>], vector<16xf32>, vector<16xi1>
      %get3A_548 = arith.constant 464 : index
      %get3A_549 = tpu.vector_load %arg8[%get3A_548] {strides = array<i32>} : memref<2064xi32, #tpu.memory_space<vmem>>, vector<16xi32>,
      %get3A_550 = arith.constant 465 : index
      %get3A_551 = tpu.vector_load %arg8[%get3A_550] {strides = array<i32>} : memref<2064xi32, #tpu.memory_space<vmem>>, vector<16xi32>,
      %get3A_552 = arith.constant 464 : index
      %get3A_553 = tpu.vector_load %arg9[%get3A_552] {strides = array<i32>} : memref<2048xf32, #tpu.memory_space<vmem>>, vector<16xf32>,
      %sub3A_554 = vector.broadcast %multiple_of3A : i32 to vector<16xi32>
      %sub3A_555 = arith.subi %get3A_549, %sub3A_554 : vector<16xi32>
      %ge3A_556 = vector.broadcast %multiple_of3A : i32 to vector<16xi32>
      %ge3A_557 = arith.cmpi sge, %get3A_549, %ge3A_556 : vector<16xi32>
      %lt3A_558 = vector.broadcast %add3A_4 : i32 to vector<16xi32>
      %lt3A_559 = arith.cmpi slt, %get3A_549, %lt3A_558 : vector<16xi32>
      %and3A_560 = arith.andi %ge3A_557, %lt3A_559 : vector<16xi1>
      %ne3A_561 = arith.cmpi ne, %get3A_549, %get3A_551 : vector<16xi32>
      %and3A_562 = arith.andi %and3A_560, %ne3A_561 : vector<16xi1>
      %gather3A_563 = tpu.vector_load_idx %arg7[%sub3A_555] masked %and3A_562 : memref<25000xf32, #tpu.memory_space<vmem>>[vector<16xi32>], vector<16xf32>, vector<16xi1>
      %add3A_564 = arith.addf %get3A_553, %gather3A_563 : vector<16xf32>
      tpu.vector_store_idx %arg7[%sub3A_555], %add3A_564 masked %and3A_562 : memref<25000xf32, #tpu.memory_space<vmem>>[vector<16xi32>], vector<16xf32>, vector<16xi1>
      %get3A_565 = arith.constant 480 : index
      %get3A_566 = tpu.vector_load %arg8[%get3A_565] {strides = array<i32>} : memref<2064xi32, #tpu.memory_space<vmem>>, vector<16xi32>,
      %get3A_567 = arith.constant 481 : index
      %get3A_568 = tpu.vector_load %arg8[%get3A_567] {strides = array<i32>} : memref<2064xi32, #tpu.memory_space<vmem>>, vector<16xi32>,
      %get3A_569 = arith.constant 480 : index
      %get3A_570 = tpu.vector_load %arg9[%get3A_569] {strides = array<i32>} : memref<2048xf32, #tpu.memory_space<vmem>>, vector<16xf32>,
      %sub3A_571 = vector.broadcast %multiple_of3A : i32 to vector<16xi32>
      %sub3A_572 = arith.subi %get3A_566, %sub3A_571 : vector<16xi32>
      %ge3A_573 = vector.broadcast %multiple_of3A : i32 to vector<16xi32>
      %ge3A_574 = arith.cmpi sge, %get3A_566, %ge3A_573 : vector<16xi32>
      %lt3A_575 = vector.broadcast %add3A_4 : i32 to vector<16xi32>
      %lt3A_576 = arith.cmpi slt, %get3A_566, %lt3A_575 : vector<16xi32>
      %and3A_577 = arith.andi %ge3A_574, %lt3A_576 : vector<16xi1>
      %ne3A_578 = arith.cmpi ne, %get3A_566, %get3A_568 : vector<16xi32>
      %and3A_579 = arith.andi %and3A_577, %ne3A_578 : vector<16xi1>
      %gather3A_580 = tpu.vector_load_idx %arg7[%sub3A_572] masked %and3A_579 : memref<25000xf32, #tpu.memory_space<vmem>>[vector<16xi32>], vector<16xf32>, vector<16xi1>
      %add3A_581 = arith.addf %get3A_570, %gather3A_580 : vector<16xf32>
      tpu.vector_store_idx %arg7[%sub3A_572], %add3A_581 masked %and3A_579 : memref<25000xf32, #tpu.memory_space<vmem>>[vector<16xi32>], vector<16xf32>, vector<16xi1>
      %get3A_582 = arith.constant 496 : index
      %get3A_583 = tpu.vector_load %arg8[%get3A_582] {strides = array<i32>} : memref<2064xi32, #tpu.memory_space<vmem>>, vector<16xi32>,
      %get3A_584 = arith.constant 497 : index
      %get3A_585 = tpu.vector_load %arg8[%get3A_584] {strides = array<i32>} : memref<2064xi32, #tpu.memory_space<vmem>>, vector<16xi32>,
      %get3A_586 = arith.constant 496 : index
      %get3A_587 = tpu.vector_load %arg9[%get3A_586] {strides = array<i32>} : memref<2048xf32, #tpu.memory_space<vmem>>, vector<16xf32>,
      %sub3A_588 = vector.broadcast %multiple_of3A : i32 to vector<16xi32>
      %sub3A_589 = arith.subi %get3A_583, %sub3A_588 : vector<16xi32>
      %ge3A_590 = vector.broadcast %multiple_of3A : i32 to vector<16xi32>
      %ge3A_591 = arith.cmpi sge, %get3A_583, %ge3A_590 : vector<16xi32>
      %lt3A_592 = vector.broadcast %add3A_4 : i32 to vector<16xi32>
      %lt3A_593 = arith.cmpi slt, %get3A_583, %lt3A_592 : vector<16xi32>
      %and3A_594 = arith.andi %ge3A_591, %lt3A_593 : vector<16xi1>
      %ne3A_595 = arith.cmpi ne, %get3A_583, %get3A_585 : vector<16xi32>
      %and3A_596 = arith.andi %and3A_594, %ne3A_595 : vector<16xi1>
      %gather3A_597 = tpu.vector_load_idx %arg7[%sub3A_589] masked %and3A_596 : memref<25000xf32, #tpu.memory_space<vmem>>[vector<16xi32>], vector<16xf32>, vector<16xi1>
      %add3A_598 = arith.addf %get3A_587, %gather3A_597 : vector<16xf32>
      tpu.vector_store_idx %arg7[%sub3A_589], %add3A_598 masked %and3A_596 : memref<25000xf32, #tpu.memory_space<vmem>>[vector<16xi32>], vector<16xf32>, vector<16xi1>
      %get3A_599 = arith.constant 512 : index
      %get3A_600 = tpu.vector_load %arg8[%get3A_599] {strides = array<i32>} : memref<2064xi32, #tpu.memory_space<vmem>>, vector<16xi32>,
      %get3A_601 = arith.constant 513 : index
      %get3A_602 = tpu.vector_load %arg8[%get3A_601] {strides = array<i32>} : memref<2064xi32, #tpu.memory_space<vmem>>, vector<16xi32>,
      %get3A_603 = arith.constant 512 : index
      %get3A_604 = tpu.vector_load %arg9[%get3A_603] {strides = array<i32>} : memref<2048xf32, #tpu.memory_space<vmem>>, vector<16xf32>,
      %sub3A_605 = vector.broadcast %multiple_of3A : i32 to vector<16xi32>
      %sub3A_606 = arith.subi %get3A_600, %sub3A_605 : vector<16xi32>
      %ge3A_607 = vector.broadcast %multiple_of3A : i32 to vector<16xi32>
      %ge3A_608 = arith.cmpi sge, %get3A_600, %ge3A_607 : vector<16xi32>
      %lt3A_609 = vector.broadcast %add3A_4 : i32 to vector<16xi32>
      %lt3A_610 = arith.cmpi slt, %get3A_600, %lt3A_609 : vector<16xi32>
      %and3A_611 = arith.andi %ge3A_608, %lt3A_610 : vector<16xi1>
      %ne3A_612 = arith.cmpi ne, %get3A_600, %get3A_602 : vector<16xi32>
      %and3A_613 = arith.andi %and3A_611, %ne3A_612 : vector<16xi1>
      %gather3A_614 = tpu.vector_load_idx %arg7[%sub3A_606] masked %and3A_613 : memref<25000xf32, #tpu.memory_space<vmem>>[vector<16xi32>], vector<16xf32>, vector<16xi1>
      %add3A_615 = arith.addf %get3A_604, %gather3A_614 : vector<16xf32>
      tpu.vector_store_idx %arg7[%sub3A_606], %add3A_615 masked %and3A_613 : memref<25000xf32, #tpu.memory_space<vmem>>[vector<16xi32>], vector<16xf32>, vector<16xi1>
      %get3A_616 = arith.constant 528 : index
      %get3A_617 = tpu.vector_load %arg8[%get3A_616] {strides = array<i32>} : memref<2064xi32, #tpu.memory_space<vmem>>, vector<16xi32>,
      %get3A_618 = arith.constant 529 : index
      %get3A_619 = tpu.vector_load %arg8[%get3A_618] {strides = array<i32>} : memref<2064xi32, #tpu.memory_space<vmem>>, vector<16xi32>,
      %get3A_620 = arith.constant 528 : index
      %get3A_621 = tpu.vector_load %arg9[%get3A_620] {strides = array<i32>} : memref<2048xf32, #tpu.memory_space<vmem>>, vector<16xf32>,
      %sub3A_622 = vector.broadcast %multiple_of3A : i32 to vector<16xi32>
      %sub3A_623 = arith.subi %get3A_617, %sub3A_622 : vector<16xi32>
      %ge3A_624 = vector.broadcast %multiple_of3A : i32 to vector<16xi32>
      %ge3A_625 = arith.cmpi sge, %get3A_617, %ge3A_624 : vector<16xi32>
      %lt3A_626 = vector.broadcast %add3A_4 : i32 to vector<16xi32>
      %lt3A_627 = arith.cmpi slt, %get3A_617, %lt3A_626 : vector<16xi32>
      %and3A_628 = arith.andi %ge3A_625, %lt3A_627 : vector<16xi1>
      %ne3A_629 = arith.cmpi ne, %get3A_617, %get3A_619 : vector<16xi32>
      %and3A_630 = arith.andi %and3A_628, %ne3A_629 : vector<16xi1>
      %gather3A_631 = tpu.vector_load_idx %arg7[%sub3A_623] masked %and3A_630 : memref<25000xf32, #tpu.memory_space<vmem>>[vector<16xi32>], vector<16xf32>, vector<16xi1>
      %add3A_632 = arith.addf %get3A_621, %gather3A_631 : vector<16xf32>
      tpu.vector_store_idx %arg7[%sub3A_623], %add3A_632 masked %and3A_630 : memref<25000xf32, #tpu.memory_space<vmem>>[vector<16xi32>], vector<16xf32>, vector<16xi1>
      %get3A_633 = arith.constant 544 : index
      %get3A_634 = tpu.vector_load %arg8[%get3A_633] {strides = array<i32>} : memref<2064xi32, #tpu.memory_space<vmem>>, vector<16xi32>,
      %get3A_635 = arith.constant 545 : index
      %get3A_636 = tpu.vector_load %arg8[%get3A_635] {strides = array<i32>} : memref<2064xi32, #tpu.memory_space<vmem>>, vector<16xi32>,
      %get3A_637 = arith.constant 544 : index
      %get3A_638 = tpu.vector_load %arg9[%get3A_637] {strides = array<i32>} : memref<2048xf32, #tpu.memory_space<vmem>>, vector<16xf32>,
      %sub3A_639 = vector.broadcast %multiple_of3A : i32 to vector<16xi32>
      %sub3A_640 = arith.subi %get3A_634, %sub3A_639 : vector<16xi32>
      %ge3A_641 = vector.broadcast %multiple_of3A : i32 to vector<16xi32>
      %ge3A_642 = arith.cmpi sge, %get3A_634, %ge3A_641 : vector<16xi32>
      %lt3A_643 = vector.broadcast %add3A_4 : i32 to vector<16xi32>
      %lt3A_644 = arith.cmpi slt, %get3A_634, %lt3A_643 : vector<16xi32>
      %and3A_645 = arith.andi %ge3A_642, %lt3A_644 : vector<16xi1>
      %ne3A_646 = arith.cmpi ne, %get3A_634, %get3A_636 : vector<16xi32>
      %and3A_647 = arith.andi %and3A_645, %ne3A_646 : vector<16xi1>
      %gather3A_648 = tpu.vector_load_idx %arg7[%sub3A_640] masked %and3A_647 : memref<25000xf32, #tpu.memory_space<vmem>>[vector<16xi32>], vector<16xf32>, vector<16xi1>
      %add3A_649 = arith.addf %get3A_638, %gather3A_648 : vector<16xf32>
      tpu.vector_store_idx %arg7[%sub3A_640], %add3A_649 masked %and3A_647 : memref<25000xf32, #tpu.memory_space<vmem>>[vector<16xi32>], vector<16xf32>, vector<16xi1>
      %get3A_650 = arith.constant 560 : index
      %get3A_651 = tpu.vector_load %arg8[%get3A_650] {strides = array<i32>} : memref<2064xi32, #tpu.memory_space<vmem>>, vector<16xi32>,
      %get3A_652 = arith.constant 561 : index
      %get3A_653 = tpu.vector_load %arg8[%get3A_652] {strides = array<i32>} : memref<2064xi32, #tpu.memory_space<vmem>>, vector<16xi32>,
      %get3A_654 = arith.constant 560 : index
      %get3A_655 = tpu.vector_load %arg9[%get3A_654] {strides = array<i32>} : memref<2048xf32, #tpu.memory_space<vmem>>, vector<16xf32>,
      %sub3A_656 = vector.broadcast %multiple_of3A : i32 to vector<16xi32>
      %sub3A_657 = arith.subi %get3A_651, %sub3A_656 : vector<16xi32>
      %ge3A_658 = vector.broadcast %multiple_of3A : i32 to vector<16xi32>
      %ge3A_659 = arith.cmpi sge, %get3A_651, %ge3A_658 : vector<16xi32>
      %lt3A_660 = vector.broadcast %add3A_4 : i32 to vector<16xi32>
      %lt3A_661 = arith.cmpi slt, %get3A_651, %lt3A_660 : vector<16xi32>
      %and3A_662 = arith.andi %ge3A_659, %lt3A_661 : vector<16xi1>
      %ne3A_663 = arith.cmpi ne, %get3A_651, %get3A_653 : vector<16xi32>
      %and3A_664 = arith.andi %and3A_662, %ne3A_663 : vector<16xi1>
      %gather3A_665 = tpu.vector_load_idx %arg7[%sub3A_657] masked %and3A_664 : memref<25000xf32, #tpu.memory_space<vmem>>[vector<16xi32>], vector<16xf32>, vector<16xi1>
      %add3A_666 = arith.addf %get3A_655, %gather3A_665 : vector<16xf32>
      tpu.vector_store_idx %arg7[%sub3A_657], %add3A_666 masked %and3A_664 : memref<25000xf32, #tpu.memory_space<vmem>>[vector<16xi32>], vector<16xf32>, vector<16xi1>
      %get3A_667 = arith.constant 576 : index
      %get3A_668 = tpu.vector_load %arg8[%get3A_667] {strides = array<i32>} : memref<2064xi32, #tpu.memory_space<vmem>>, vector<16xi32>,
      %get3A_669 = arith.constant 577 : index
      %get3A_670 = tpu.vector_load %arg8[%get3A_669] {strides = array<i32>} : memref<2064xi32, #tpu.memory_space<vmem>>, vector<16xi32>,
      %get3A_671 = arith.constant 576 : index
      %get3A_672 = tpu.vector_load %arg9[%get3A_671] {strides = array<i32>} : memref<2048xf32, #tpu.memory_space<vmem>>, vector<16xf32>,
      %sub3A_673 = vector.broadcast %multiple_of3A : i32 to vector<16xi32>
      %sub3A_674 = arith.subi %get3A_668, %sub3A_673 : vector<16xi32>
      %ge3A_675 = vector.broadcast %multiple_of3A : i32 to vector<16xi32>
      %ge3A_676 = arith.cmpi sge, %get3A_668, %ge3A_675 : vector<16xi32>
      %lt3A_677 = vector.broadcast %add3A_4 : i32 to vector<16xi32>
      %lt3A_678 = arith.cmpi slt, %get3A_668, %lt3A_677 : vector<16xi32>
      %and3A_679 = arith.andi %ge3A_676, %lt3A_678 : vector<16xi1>
      %ne3A_680 = arith.cmpi ne, %get3A_668, %get3A_670 : vector<16xi32>
      %and3A_681 = arith.andi %and3A_679, %ne3A_680 : vector<16xi1>
      %gather3A_682 = tpu.vector_load_idx %arg7[%sub3A_674] masked %and3A_681 : memref<25000xf32, #tpu.memory_space<vmem>>[vector<16xi32>], vector<16xf32>, vector<16xi1>
      %add3A_683 = arith.addf %get3A_672, %gather3A_682 : vector<16xf32>
      tpu.vector_store_idx %arg7[%sub3A_674], %add3A_683 masked %and3A_681 : memref<25000xf32, #tpu.memory_space<vmem>>[vector<16xi32>], vector<16xf32>, vector<16xi1>
      %get3A_684 = arith.constant 592 : index
      %get3A_685 = tpu.vector_load %arg8[%get3A_684] {strides = array<i32>} : memref<2064xi32, #tpu.memory_space<vmem>>, vector<16xi32>,
      %get3A_686 = arith.constant 593 : index
      %get3A_687 = tpu.vector_load %arg8[%get3A_686] {strides = array<i32>} : memref<2064xi32, #tpu.memory_space<vmem>>, vector<16xi32>,
      %get3A_688 = arith.constant 592 : index
      %get3A_689 = tpu.vector_load %arg9[%get3A_688] {strides = array<i32>} : memref<2048xf32, #tpu.memory_space<vmem>>, vector<16xf32>,
      %sub3A_690 = vector.broadcast %multiple_of3A : i32 to vector<16xi32>
      %sub3A_691 = arith.subi %get3A_685, %sub3A_690 : vector<16xi32>
      %ge3A_692 = vector.broadcast %multiple_of3A : i32 to vector<16xi32>
      %ge3A_693 = arith.cmpi sge, %get3A_685, %ge3A_692 : vector<16xi32>
      %lt3A_694 = vector.broadcast %add3A_4 : i32 to vector<16xi32>
      %lt3A_695 = arith.cmpi slt, %get3A_685, %lt3A_694 : vector<16xi32>
      %and3A_696 = arith.andi %ge3A_693, %lt3A_695 : vector<16xi1>
      %ne3A_697 = arith.cmpi ne, %get3A_685, %get3A_687 : vector<16xi32>
      %and3A_698 = arith.andi %and3A_696, %ne3A_697 : vector<16xi1>
      %gather3A_699 = tpu.vector_load_idx %arg7[%sub3A_691] masked %and3A_698 : memref<25000xf32, #tpu.memory_space<vmem>>[vector<16xi32>], vector<16xf32>, vector<16xi1>
      %add3A_700 = arith.addf %get3A_689, %gather3A_699 : vector<16xf32>
      tpu.vector_store_idx %arg7[%sub3A_691], %add3A_700 masked %and3A_698 : memref<25000xf32, #tpu.memory_space<vmem>>[vector<16xi32>], vector<16xf32>, vector<16xi1>
      %get3A_701 = arith.constant 608 : index
      %get3A_702 = tpu.vector_load %arg8[%get3A_701] {strides = array<i32>} : memref<2064xi32, #tpu.memory_space<vmem>>, vector<16xi32>,
      %get3A_703 = arith.constant 609 : index
      %get3A_704 = tpu.vector_load %arg8[%get3A_703] {strides = array<i32>} : memref<2064xi32, #tpu.memory_space<vmem>>, vector<16xi32>,
      %get3A_705 = arith.constant 608 : index
      %get3A_706 = tpu.vector_load %arg9[%get3A_705] {strides = array<i32>} : memref<2048xf32, #tpu.memory_space<vmem>>, vector<16xf32>,
      %sub3A_707 = vector.broadcast %multiple_of3A : i32 to vector<16xi32>
      %sub3A_708 = arith.subi %get3A_702, %sub3A_707 : vector<16xi32>
      %ge3A_709 = vector.broadcast %multiple_of3A : i32 to vector<16xi32>
      %ge3A_710 = arith.cmpi sge, %get3A_702, %ge3A_709 : vector<16xi32>
      %lt3A_711 = vector.broadcast %add3A_4 : i32 to vector<16xi32>
      %lt3A_712 = arith.cmpi slt, %get3A_702, %lt3A_711 : vector<16xi32>
      %and3A_713 = arith.andi %ge3A_710, %lt3A_712 : vector<16xi1>
      %ne3A_714 = arith.cmpi ne, %get3A_702, %get3A_704 : vector<16xi32>
      %and3A_715 = arith.andi %and3A_713, %ne3A_714 : vector<16xi1>
      %gather3A_716 = tpu.vector_load_idx %arg7[%sub3A_708] masked %and3A_715 : memref<25000xf32, #tpu.memory_space<vmem>>[vector<16xi32>], vector<16xf32>, vector<16xi1>
      %add3A_717 = arith.addf %get3A_706, %gather3A_716 : vector<16xf32>
      tpu.vector_store_idx %arg7[%sub3A_708], %add3A_717 masked %and3A_715 : memref<25000xf32, #tpu.memory_space<vmem>>[vector<16xi32>], vector<16xf32>, vector<16xi1>
      %get3A_718 = arith.constant 624 : index
      %get3A_719 = tpu.vector_load %arg8[%get3A_718] {strides = array<i32>} : memref<2064xi32, #tpu.memory_space<vmem>>, vector<16xi32>,
      %get3A_720 = arith.constant 625 : index
      %get3A_721 = tpu.vector_load %arg8[%get3A_720] {strides = array<i32>} : memref<2064xi32, #tpu.memory_space<vmem>>, vector<16xi32>,
      %get3A_722 = arith.constant 624 : index
      %get3A_723 = tpu.vector_load %arg9[%get3A_722] {strides = array<i32>} : memref<2048xf32, #tpu.memory_space<vmem>>, vector<16xf32>,
      %sub3A_724 = vector.broadcast %multiple_of3A : i32 to vector<16xi32>
      %sub3A_725 = arith.subi %get3A_719, %sub3A_724 : vector<16xi32>
      %ge3A_726 = vector.broadcast %multiple_of3A : i32 to vector<16xi32>
      %ge3A_727 = arith.cmpi sge, %get3A_719, %ge3A_726 : vector<16xi32>
      %lt3A_728 = vector.broadcast %add3A_4 : i32 to vector<16xi32>
      %lt3A_729 = arith.cmpi slt, %get3A_719, %lt3A_728 : vector<16xi32>
      %and3A_730 = arith.andi %ge3A_727, %lt3A_729 : vector<16xi1>
      %ne3A_731 = arith.cmpi ne, %get3A_719, %get3A_721 : vector<16xi32>
      %and3A_732 = arith.andi %and3A_730, %ne3A_731 : vector<16xi1>
      %gather3A_733 = tpu.vector_load_idx %arg7[%sub3A_725] masked %and3A_732 : memref<25000xf32, #tpu.memory_space<vmem>>[vector<16xi32>], vector<16xf32>, vector<16xi1>
      %add3A_734 = arith.addf %get3A_723, %gather3A_733 : vector<16xf32>
      tpu.vector_store_idx %arg7[%sub3A_725], %add3A_734 masked %and3A_732 : memref<25000xf32, #tpu.memory_space<vmem>>[vector<16xi32>], vector<16xf32>, vector<16xi1>
      %get3A_735 = arith.constant 640 : index
      %get3A_736 = tpu.vector_load %arg8[%get3A_735] {strides = array<i32>} : memref<2064xi32, #tpu.memory_space<vmem>>, vector<16xi32>,
      %get3A_737 = arith.constant 641 : index
      %get3A_738 = tpu.vector_load %arg8[%get3A_737] {strides = array<i32>} : memref<2064xi32, #tpu.memory_space<vmem>>, vector<16xi32>,
      %get3A_739 = arith.constant 640 : index
      %get3A_740 = tpu.vector_load %arg9[%get3A_739] {strides = array<i32>} : memref<2048xf32, #tpu.memory_space<vmem>>, vector<16xf32>,
      %sub3A_741 = vector.broadcast %multiple_of3A : i32 to vector<16xi32>
      %sub3A_742 = arith.subi %get3A_736, %sub3A_741 : vector<16xi32>
      %ge3A_743 = vector.broadcast %multiple_of3A : i32 to vector<16xi32>
      %ge3A_744 = arith.cmpi sge, %get3A_736, %ge3A_743 : vector<16xi32>
      %lt3A_745 = vector.broadcast %add3A_4 : i32 to vector<16xi32>
      %lt3A_746 = arith.cmpi slt, %get3A_736, %lt3A_745 : vector<16xi32>
      %and3A_747 = arith.andi %ge3A_744, %lt3A_746 : vector<16xi1>
      %ne3A_748 = arith.cmpi ne, %get3A_736, %get3A_738 : vector<16xi32>
      %and3A_749 = arith.andi %and3A_747, %ne3A_748 : vector<16xi1>
      %gather3A_750 = tpu.vector_load_idx %arg7[%sub3A_742] masked %and3A_749 : memref<25000xf32, #tpu.memory_space<vmem>>[vector<16xi32>], vector<16xf32>, vector<16xi1>
      %add3A_751 = arith.addf %get3A_740, %gather3A_750 : vector<16xf32>
      tpu.vector_store_idx %arg7[%sub3A_742], %add3A_751 masked %and3A_749 : memref<25000xf32, #tpu.memory_space<vmem>>[vector<16xi32>], vector<16xf32>, vector<16xi1>
      %get3A_752 = arith.constant 656 : index
      %get3A_753 = tpu.vector_load %arg8[%get3A_752] {strides = array<i32>} : memref<2064xi32, #tpu.memory_space<vmem>>, vector<16xi32>,
      %get3A_754 = arith.constant 657 : index
      %get3A_755 = tpu.vector_load %arg8[%get3A_754] {strides = array<i32>} : memref<2064xi32, #tpu.memory_space<vmem>>, vector<16xi32>,
      %get3A_756 = arith.constant 656 : index
      %get3A_757 = tpu.vector_load %arg9[%get3A_756] {strides = array<i32>} : memref<2048xf32, #tpu.memory_space<vmem>>, vector<16xf32>,
      %sub3A_758 = vector.broadcast %multiple_of3A : i32 to vector<16xi32>
      %sub3A_759 = arith.subi %get3A_753, %sub3A_758 : vector<16xi32>
      %ge3A_760 = vector.broadcast %multiple_of3A : i32 to vector<16xi32>
      %ge3A_761 = arith.cmpi sge, %get3A_753, %ge3A_760 : vector<16xi32>
      %lt3A_762 = vector.broadcast %add3A_4 : i32 to vector<16xi32>
      %lt3A_763 = arith.cmpi slt, %get3A_753, %lt3A_762 : vector<16xi32>
      %and3A_764 = arith.andi %ge3A_761, %lt3A_763 : vector<16xi1>
      %ne3A_765 = arith.cmpi ne, %get3A_753, %get3A_755 : vector<16xi32>
      %and3A_766 = arith.andi %and3A_764, %ne3A_765 : vector<16xi1>
      %gather3A_767 = tpu.vector_load_idx %arg7[%sub3A_759] masked %and3A_766 : memref<25000xf32, #tpu.memory_space<vmem>>[vector<16xi32>], vector<16xf32>, vector<16xi1>
      %add3A_768 = arith.addf %get3A_757, %gather3A_767 : vector<16xf32>
      tpu.vector_store_idx %arg7[%sub3A_759], %add3A_768 masked %and3A_766 : memref<25000xf32, #tpu.memory_space<vmem>>[vector<16xi32>], vector<16xf32>, vector<16xi1>
      %get3A_769 = arith.constant 672 : index
      %get3A_770 = tpu.vector_load %arg8[%get3A_769] {strides = array<i32>} : memref<2064xi32, #tpu.memory_space<vmem>>, vector<16xi32>,
      %get3A_771 = arith.constant 673 : index
      %get3A_772 = tpu.vector_load %arg8[%get3A_771] {strides = array<i32>} : memref<2064xi32, #tpu.memory_space<vmem>>, vector<16xi32>,
      %get3A_773 = arith.constant 672 : index
      %get3A_774 = tpu.vector_load %arg9[%get3A_773] {strides = array<i32>} : memref<2048xf32, #tpu.memory_space<vmem>>, vector<16xf32>,
      %sub3A_775 = vector.broadcast %multiple_of3A : i32 to vector<16xi32>
      %sub3A_776 = arith.subi %get3A_770, %sub3A_775 : vector<16xi32>
      %ge3A_777 = vector.broadcast %multiple_of3A : i32 to vector<16xi32>
      %ge3A_778 = arith.cmpi sge, %get3A_770, %ge3A_777 : vector<16xi32>
      %lt3A_779 = vector.broadcast %add3A_4 : i32 to vector<16xi32>
      %lt3A_780 = arith.cmpi slt, %get3A_770, %lt3A_779 : vector<16xi32>
      %and3A_781 = arith.andi %ge3A_778, %lt3A_780 : vector<16xi1>
      %ne3A_782 = arith.cmpi ne, %get3A_770, %get3A_772 : vector<16xi32>
      %and3A_783 = arith.andi %and3A_781, %ne3A_782 : vector<16xi1>
      %gather3A_784 = tpu.vector_load_idx %arg7[%sub3A_776] masked %and3A_783 : memref<25000xf32, #tpu.memory_space<vmem>>[vector<16xi32>], vector<16xf32>, vector<16xi1>
      %add3A_785 = arith.addf %get3A_774, %gather3A_784 : vector<16xf32>
      tpu.vector_store_idx %arg7[%sub3A_776], %add3A_785 masked %and3A_783 : memref<25000xf32, #tpu.memory_space<vmem>>[vector<16xi32>], vector<16xf32>, vector<16xi1>
      %get3A_786 = arith.constant 688 : index
      %get3A_787 = tpu.vector_load %arg8[%get3A_786] {strides = array<i32>} : memref<2064xi32, #tpu.memory_space<vmem>>, vector<16xi32>,
      %get3A_788 = arith.constant 689 : index
      %get3A_789 = tpu.vector_load %arg8[%get3A_788] {strides = array<i32>} : memref<2064xi32, #tpu.memory_space<vmem>>, vector<16xi32>,
      %get3A_790 = arith.constant 688 : index
      %get3A_791 = tpu.vector_load %arg9[%get3A_790] {strides = array<i32>} : memref<2048xf32, #tpu.memory_space<vmem>>, vector<16xf32>,
      %sub3A_792 = vector.broadcast %multiple_of3A : i32 to vector<16xi32>
      %sub3A_793 = arith.subi %get3A_787, %sub3A_792 : vector<16xi32>
      %ge3A_794 = vector.broadcast %multiple_of3A : i32 to vector<16xi32>
      %ge3A_795 = arith.cmpi sge, %get3A_787, %ge3A_794 : vector<16xi32>
      %lt3A_796 = vector.broadcast %add3A_4 : i32 to vector<16xi32>
      %lt3A_797 = arith.cmpi slt, %get3A_787, %lt3A_796 : vector<16xi32>
      %and3A_798 = arith.andi %ge3A_795, %lt3A_797 : vector<16xi1>
      %ne3A_799 = arith.cmpi ne, %get3A_787, %get3A_789 : vector<16xi32>
      %and3A_800 = arith.andi %and3A_798, %ne3A_799 : vector<16xi1>
      %gather3A_801 = tpu.vector_load_idx %arg7[%sub3A_793] masked %and3A_800 : memref<25000xf32, #tpu.memory_space<vmem>>[vector<16xi32>], vector<16xf32>, vector<16xi1>
      %add3A_802 = arith.addf %get3A_791, %gather3A_801 : vector<16xf32>
      tpu.vector_store_idx %arg7[%sub3A_793], %add3A_802 masked %and3A_800 : memref<25000xf32, #tpu.memory_space<vmem>>[vector<16xi32>], vector<16xf32>, vector<16xi1>
      %get3A_803 = arith.constant 704 : index
      %get3A_804 = tpu.vector_load %arg8[%get3A_803] {strides = array<i32>} : memref<2064xi32, #tpu.memory_space<vmem>>, vector<16xi32>,
      %get3A_805 = arith.constant 705 : index
      %get3A_806 = tpu.vector_load %arg8[%get3A_805] {strides = array<i32>} : memref<2064xi32, #tpu.memory_space<vmem>>, vector<16xi32>,
      %get3A_807 = arith.constant 704 : index
      %get3A_808 = tpu.vector_load %arg9[%get3A_807] {strides = array<i32>} : memref<2048xf32, #tpu.memory_space<vmem>>, vector<16xf32>,
      %sub3A_809 = vector.broadcast %multiple_of3A : i32 to vector<16xi32>
      %sub3A_810 = arith.subi %get3A_804, %sub3A_809 : vector<16xi32>
      %ge3A_811 = vector.broadcast %multiple_of3A : i32 to vector<16xi32>
      %ge3A_812 = arith.cmpi sge, %get3A_804, %ge3A_811 : vector<16xi32>
      %lt3A_813 = vector.broadcast %add3A_4 : i32 to vector<16xi32>
      %lt3A_814 = arith.cmpi slt, %get3A_804, %lt3A_813 : vector<16xi32>
      %and3A_815 = arith.andi %ge3A_812, %lt3A_814 : vector<16xi1>
      %ne3A_816 = arith.cmpi ne, %get3A_804, %get3A_806 : vector<16xi32>
      %and3A_817 = arith.andi %and3A_815, %ne3A_816 : vector<16xi1>
      %gather3A_818 = tpu.vector_load_idx %arg7[%sub3A_810] masked %and3A_817 : memref<25000xf32, #tpu.memory_space<vmem>>[vector<16xi32>], vector<16xf32>, vector<16xi1>
      %add3A_819 = arith.addf %get3A_808, %gather3A_818 : vector<16xf32>
      tpu.vector_store_idx %arg7[%sub3A_810], %add3A_819 masked %and3A_817 : memref<25000xf32, #tpu.memory_space<vmem>>[vector<16xi32>], vector<16xf32>, vector<16xi1>
      %get3A_820 = arith.constant 720 : index
      %get3A_821 = tpu.vector_load %arg8[%get3A_820] {strides = array<i32>} : memref<2064xi32, #tpu.memory_space<vmem>>, vector<16xi32>,
      %get3A_822 = arith.constant 721 : index
      %get3A_823 = tpu.vector_load %arg8[%get3A_822] {strides = array<i32>} : memref<2064xi32, #tpu.memory_space<vmem>>, vector<16xi32>,
      %get3A_824 = arith.constant 720 : index
      %get3A_825 = tpu.vector_load %arg9[%get3A_824] {strides = array<i32>} : memref<2048xf32, #tpu.memory_space<vmem>>, vector<16xf32>,
      %sub3A_826 = vector.broadcast %multiple_of3A : i32 to vector<16xi32>
      %sub3A_827 = arith.subi %get3A_821, %sub3A_826 : vector<16xi32>
      %ge3A_828 = vector.broadcast %multiple_of3A : i32 to vector<16xi32>
      %ge3A_829 = arith.cmpi sge, %get3A_821, %ge3A_828 : vector<16xi32>
      %lt3A_830 = vector.broadcast %add3A_4 : i32 to vector<16xi32>
      %lt3A_831 = arith.cmpi slt, %get3A_821, %lt3A_830 : vector<16xi32>
      %and3A_832 = arith.andi %ge3A_829, %lt3A_831 : vector<16xi1>
      %ne3A_833 = arith.cmpi ne, %get3A_821, %get3A_823 : vector<16xi32>
      %and3A_834 = arith.andi %and3A_832, %ne3A_833 : vector<16xi1>
      %gather3A_835 = tpu.vector_load_idx %arg7[%sub3A_827] masked %and3A_834 : memref<25000xf32, #tpu.memory_space<vmem>>[vector<16xi32>], vector<16xf32>, vector<16xi1>
      %add3A_836 = arith.addf %get3A_825, %gather3A_835 : vector<16xf32>
      tpu.vector_store_idx %arg7[%sub3A_827], %add3A_836 masked %and3A_834 : memref<25000xf32, #tpu.memory_space<vmem>>[vector<16xi32>], vector<16xf32>, vector<16xi1>
      %get3A_837 = arith.constant 736 : index
      %get3A_838 = tpu.vector_load %arg8[%get3A_837] {strides = array<i32>} : memref<2064xi32, #tpu.memory_space<vmem>>, vector<16xi32>,
      %get3A_839 = arith.constant 737 : index
      %get3A_840 = tpu.vector_load %arg8[%get3A_839] {strides = array<i32>} : memref<2064xi32, #tpu.memory_space<vmem>>, vector<16xi32>,
      %get3A_841 = arith.constant 736 : index
      %get3A_842 = tpu.vector_load %arg9[%get3A_841] {strides = array<i32>} : memref<2048xf32, #tpu.memory_space<vmem>>, vector<16xf32>,
      %sub3A_843 = vector.broadcast %multiple_of3A : i32 to vector<16xi32>
      %sub3A_844 = arith.subi %get3A_838, %sub3A_843 : vector<16xi32>
      %ge3A_845 = vector.broadcast %multiple_of3A : i32 to vector<16xi32>
      %ge3A_846 = arith.cmpi sge, %get3A_838, %ge3A_845 : vector<16xi32>
      %lt3A_847 = vector.broadcast %add3A_4 : i32 to vector<16xi32>
      %lt3A_848 = arith.cmpi slt, %get3A_838, %lt3A_847 : vector<16xi32>
      %and3A_849 = arith.andi %ge3A_846, %lt3A_848 : vector<16xi1>
      %ne3A_850 = arith.cmpi ne, %get3A_838, %get3A_840 : vector<16xi32>
      %and3A_851 = arith.andi %and3A_849, %ne3A_850 : vector<16xi1>
      %gather3A_852 = tpu.vector_load_idx %arg7[%sub3A_844] masked %and3A_851 : memref<25000xf32, #tpu.memory_space<vmem>>[vector<16xi32>], vector<16xf32>, vector<16xi1>
      %add3A_853 = arith.addf %get3A_842, %gather3A_852 : vector<16xf32>
      tpu.vector_store_idx %arg7[%sub3A_844], %add3A_853 masked %and3A_851 : memref<25000xf32, #tpu.memory_space<vmem>>[vector<16xi32>], vector<16xf32>, vector<16xi1>
      %get3A_854 = arith.constant 752 : index
      %get3A_855 = tpu.vector_load %arg8[%get3A_854] {strides = array<i32>} : memref<2064xi32, #tpu.memory_space<vmem>>, vector<16xi32>,
      %get3A_856 = arith.constant 753 : index
      %get3A_857 = tpu.vector_load %arg8[%get3A_856] {strides = array<i32>} : memref<2064xi32, #tpu.memory_space<vmem>>, vector<16xi32>,
      %get3A_858 = arith.constant 752 : index
      %get3A_859 = tpu.vector_load %arg9[%get3A_858] {strides = array<i32>} : memref<2048xf32, #tpu.memory_space<vmem>>, vector<16xf32>,
      %sub3A_860 = vector.broadcast %multiple_of3A : i32 to vector<16xi32>
      %sub3A_861 = arith.subi %get3A_855, %sub3A_860 : vector<16xi32>
      %ge3A_862 = vector.broadcast %multiple_of3A : i32 to vector<16xi32>
      %ge3A_863 = arith.cmpi sge, %get3A_855, %ge3A_862 : vector<16xi32>
      %lt3A_864 = vector.broadcast %add3A_4 : i32 to vector<16xi32>
      %lt3A_865 = arith.cmpi slt, %get3A_855, %lt3A_864 : vector<16xi32>
      %and3A_866 = arith.andi %ge3A_863, %lt3A_865 : vector<16xi1>
      %ne3A_867 = arith.cmpi ne, %get3A_855, %get3A_857 : vector<16xi32>
      %and3A_868 = arith.andi %and3A_866, %ne3A_867 : vector<16xi1>
      %gather3A_869 = tpu.vector_load_idx %arg7[%sub3A_861] masked %and3A_868 : memref<25000xf32, #tpu.memory_space<vmem>>[vector<16xi32>], vector<16xf32>, vector<16xi1>
      %add3A_870 = arith.addf %get3A_859, %gather3A_869 : vector<16xf32>
      tpu.vector_store_idx %arg7[%sub3A_861], %add3A_870 masked %and3A_868 : memref<25000xf32, #tpu.memory_space<vmem>>[vector<16xi32>], vector<16xf32>, vector<16xi1>
      %get3A_871 = arith.constant 768 : index
      %get3A_872 = tpu.vector_load %arg8[%get3A_871] {strides = array<i32>} : memref<2064xi32, #tpu.memory_space<vmem>>, vector<16xi32>,
      %get3A_873 = arith.constant 769 : index
      %get3A_874 = tpu.vector_load %arg8[%get3A_873] {strides = array<i32>} : memref<2064xi32, #tpu.memory_space<vmem>>, vector<16xi32>,
      %get3A_875 = arith.constant 768 : index
      %get3A_876 = tpu.vector_load %arg9[%get3A_875] {strides = array<i32>} : memref<2048xf32, #tpu.memory_space<vmem>>, vector<16xf32>,
      %sub3A_877 = vector.broadcast %multiple_of3A : i32 to vector<16xi32>
      %sub3A_878 = arith.subi %get3A_872, %sub3A_877 : vector<16xi32>
      %ge3A_879 = vector.broadcast %multiple_of3A : i32 to vector<16xi32>
      %ge3A_880 = arith.cmpi sge, %get3A_872, %ge3A_879 : vector<16xi32>
      %lt3A_881 = vector.broadcast %add3A_4 : i32 to vector<16xi32>
      %lt3A_882 = arith.cmpi slt, %get3A_872, %lt3A_881 : vector<16xi32>
      %and3A_883 = arith.andi %ge3A_880, %lt3A_882 : vector<16xi1>
      %ne3A_884 = arith.cmpi ne, %get3A_872, %get3A_874 : vector<16xi32>
      %and3A_885 = arith.andi %and3A_883, %ne3A_884 : vector<16xi1>
      %gather3A_886 = tpu.vector_load_idx %arg7[%sub3A_878] masked %and3A_885 : memref<25000xf32, #tpu.memory_space<vmem>>[vector<16xi32>], vector<16xf32>, vector<16xi1>
      %add3A_887 = arith.addf %get3A_876, %gather3A_886 : vector<16xf32>
      tpu.vector_store_idx %arg7[%sub3A_878], %add3A_887 masked %and3A_885 : memref<25000xf32, #tpu.memory_space<vmem>>[vector<16xi32>], vector<16xf32>, vector<16xi1>
      %get3A_888 = arith.constant 784 : index
      %get3A_889 = tpu.vector_load %arg8[%get3A_888] {strides = array<i32>} : memref<2064xi32, #tpu.memory_space<vmem>>, vector<16xi32>,
      %get3A_890 = arith.constant 785 : index
      %get3A_891 = tpu.vector_load %arg8[%get3A_890] {strides = array<i32>} : memref<2064xi32, #tpu.memory_space<vmem>>, vector<16xi32>,
      %get3A_892 = arith.constant 784 : index
      %get3A_893 = tpu.vector_load %arg9[%get3A_892] {strides = array<i32>} : memref<2048xf32, #tpu.memory_space<vmem>>, vector<16xf32>,
      %sub3A_894 = vector.broadcast %multiple_of3A : i32 to vector<16xi32>
      %sub3A_895 = arith.subi %get3A_889, %sub3A_894 : vector<16xi32>
      %ge3A_896 = vector.broadcast %multiple_of3A : i32 to vector<16xi32>
      %ge3A_897 = arith.cmpi sge, %get3A_889, %ge3A_896 : vector<16xi32>
      %lt3A_898 = vector.broadcast %add3A_4 : i32 to vector<16xi32>
      %lt3A_899 = arith.cmpi slt, %get3A_889, %lt3A_898 : vector<16xi32>
      %and3A_900 = arith.andi %ge3A_897, %lt3A_899 : vector<16xi1>
      %ne3A_901 = arith.cmpi ne, %get3A_889, %get3A_891 : vector<16xi32>
      %and3A_902 = arith.andi %and3A_900, %ne3A_901 : vector<16xi1>
      %gather3A_903 = tpu.vector_load_idx %arg7[%sub3A_895] masked %and3A_902 : memref<25000xf32, #tpu.memory_space<vmem>>[vector<16xi32>], vector<16xf32>, vector<16xi1>
      %add3A_904 = arith.addf %get3A_893, %gather3A_903 : vector<16xf32>
      tpu.vector_store_idx %arg7[%sub3A_895], %add3A_904 masked %and3A_902 : memref<25000xf32, #tpu.memory_space<vmem>>[vector<16xi32>], vector<16xf32>, vector<16xi1>
      %get3A_905 = arith.constant 800 : index
      %get3A_906 = tpu.vector_load %arg8[%get3A_905] {strides = array<i32>} : memref<2064xi32, #tpu.memory_space<vmem>>, vector<16xi32>,
      %get3A_907 = arith.constant 801 : index
      %get3A_908 = tpu.vector_load %arg8[%get3A_907] {strides = array<i32>} : memref<2064xi32, #tpu.memory_space<vmem>>, vector<16xi32>,
      %get3A_909 = arith.constant 800 : index
      %get3A_910 = tpu.vector_load %arg9[%get3A_909] {strides = array<i32>} : memref<2048xf32, #tpu.memory_space<vmem>>, vector<16xf32>,
      %sub3A_911 = vector.broadcast %multiple_of3A : i32 to vector<16xi32>
      %sub3A_912 = arith.subi %get3A_906, %sub3A_911 : vector<16xi32>
      %ge3A_913 = vector.broadcast %multiple_of3A : i32 to vector<16xi32>
      %ge3A_914 = arith.cmpi sge, %get3A_906, %ge3A_913 : vector<16xi32>
      %lt3A_915 = vector.broadcast %add3A_4 : i32 to vector<16xi32>
      %lt3A_916 = arith.cmpi slt, %get3A_906, %lt3A_915 : vector<16xi32>
      %and3A_917 = arith.andi %ge3A_914, %lt3A_916 : vector<16xi1>
      %ne3A_918 = arith.cmpi ne, %get3A_906, %get3A_908 : vector<16xi32>
      %and3A_919 = arith.andi %and3A_917, %ne3A_918 : vector<16xi1>
      %gather3A_920 = tpu.vector_load_idx %arg7[%sub3A_912] masked %and3A_919 : memref<25000xf32, #tpu.memory_space<vmem>>[vector<16xi32>], vector<16xf32>, vector<16xi1>
      %add3A_921 = arith.addf %get3A_910, %gather3A_920 : vector<16xf32>
      tpu.vector_store_idx %arg7[%sub3A_912], %add3A_921 masked %and3A_919 : memref<25000xf32, #tpu.memory_space<vmem>>[vector<16xi32>], vector<16xf32>, vector<16xi1>
      %get3A_922 = arith.constant 816 : index
      %get3A_923 = tpu.vector_load %arg8[%get3A_922] {strides = array<i32>} : memref<2064xi32, #tpu.memory_space<vmem>>, vector<16xi32>,
      %get3A_924 = arith.constant 817 : index
      %get3A_925 = tpu.vector_load %arg8[%get3A_924] {strides = array<i32>} : memref<2064xi32, #tpu.memory_space<vmem>>, vector<16xi32>,
      %get3A_926 = arith.constant 816 : index
      %get3A_927 = tpu.vector_load %arg9[%get3A_926] {strides = array<i32>} : memref<2048xf32, #tpu.memory_space<vmem>>, vector<16xf32>,
      %sub3A_928 = vector.broadcast %multiple_of3A : i32 to vector<16xi32>
      %sub3A_929 = arith.subi %get3A_923, %sub3A_928 : vector<16xi32>
      %ge3A_930 = vector.broadcast %multiple_of3A : i32 to vector<16xi32>
      %ge3A_931 = arith.cmpi sge, %get3A_923, %ge3A_930 : vector<16xi32>
      %lt3A_932 = vector.broadcast %add3A_4 : i32 to vector<16xi32>
      %lt3A_933 = arith.cmpi slt, %get3A_923, %lt3A_932 : vector<16xi32>
      %and3A_934 = arith.andi %ge3A_931, %lt3A_933 : vector<16xi1>
      %ne3A_935 = arith.cmpi ne, %get3A_923, %get3A_925 : vector<16xi32>
      %and3A_936 = arith.andi %and3A_934, %ne3A_935 : vector<16xi1>
      %gather3A_937 = tpu.vector_load_idx %arg7[%sub3A_929] masked %and3A_936 : memref<25000xf32, #tpu.memory_space<vmem>>[vector<16xi32>], vector<16xf32>, vector<16xi1>
      %add3A_938 = arith.addf %get3A_927, %gather3A_937 : vector<16xf32>
      tpu.vector_store_idx %arg7[%sub3A_929], %add3A_938 masked %and3A_936 : memref<25000xf32, #tpu.memory_space<vmem>>[vector<16xi32>], vector<16xf32>, vector<16xi1>
      %get3A_939 = arith.constant 832 : index
      %get3A_940 = tpu.vector_load %arg8[%get3A_939] {strides = array<i32>} : memref<2064xi32, #tpu.memory_space<vmem>>, vector<16xi32>,
      %get3A_941 = arith.constant 833 : index
      %get3A_942 = tpu.vector_load %arg8[%get3A_941] {strides = array<i32>} : memref<2064xi32, #tpu.memory_space<vmem>>, vector<16xi32>,
      %get3A_943 = arith.constant 832 : index
      %get3A_944 = tpu.vector_load %arg9[%get3A_943] {strides = array<i32>} : memref<2048xf32, #tpu.memory_space<vmem>>, vector<16xf32>,
      %sub3A_945 = vector.broadcast %multiple_of3A : i32 to vector<16xi32>
      %sub3A_946 = arith.subi %get3A_940, %sub3A_945 : vector<16xi32>
      %ge3A_947 = vector.broadcast %multiple_of3A : i32 to vector<16xi32>
      %ge3A_948 = arith.cmpi sge, %get3A_940, %ge3A_947 : vector<16xi32>
      %lt3A_949 = vector.broadcast %add3A_4 : i32 to vector<16xi32>
      %lt3A_950 = arith.cmpi slt, %get3A_940, %lt3A_949 : vector<16xi32>
      %and3A_951 = arith.andi %ge3A_948, %lt3A_950 : vector<16xi1>
      %ne3A_952 = arith.cmpi ne, %get3A_940, %get3A_942 : vector<16xi32>
      %and3A_953 = arith.andi %and3A_951, %ne3A_952 : vector<16xi1>
      %gather3A_954 = tpu.vector_load_idx %arg7[%sub3A_946] masked %and3A_953 : memref<25000xf32, #tpu.memory_space<vmem>>[vector<16xi32>], vector<16xf32>, vector<16xi1>
      %add3A_955 = arith.addf %get3A_944, %gather3A_954 : vector<16xf32>
      tpu.vector_store_idx %arg7[%sub3A_946], %add3A_955 masked %and3A_953 : memref<25000xf32, #tpu.memory_space<vmem>>[vector<16xi32>], vector<16xf32>, vector<16xi1>
      %get3A_956 = arith.constant 848 : index
      %get3A_957 = tpu.vector_load %arg8[%get3A_956] {strides = array<i32>} : memref<2064xi32, #tpu.memory_space<vmem>>, vector<16xi32>,
      %get3A_958 = arith.constant 849 : index
      %get3A_959 = tpu.vector_load %arg8[%get3A_958] {strides = array<i32>} : memref<2064xi32, #tpu.memory_space<vmem>>, vector<16xi32>,
      %get3A_960 = arith.constant 848 : index
      %get3A_961 = tpu.vector_load %arg9[%get3A_960] {strides = array<i32>} : memref<2048xf32, #tpu.memory_space<vmem>>, vector<16xf32>,
      %sub3A_962 = vector.broadcast %multiple_of3A : i32 to vector<16xi32>
      %sub3A_963 = arith.subi %get3A_957, %sub3A_962 : vector<16xi32>
      %ge3A_964 = vector.broadcast %multiple_of3A : i32 to vector<16xi32>
      %ge3A_965 = arith.cmpi sge, %get3A_957, %ge3A_964 : vector<16xi32>
      %lt3A_966 = vector.broadcast %add3A_4 : i32 to vector<16xi32>
      %lt3A_967 = arith.cmpi slt, %get3A_957, %lt3A_966 : vector<16xi32>
      %and3A_968 = arith.andi %ge3A_965, %lt3A_967 : vector<16xi1>
      %ne3A_969 = arith.cmpi ne, %get3A_957, %get3A_959 : vector<16xi32>
      %and3A_970 = arith.andi %and3A_968, %ne3A_969 : vector<16xi1>
      %gather3A_971 = tpu.vector_load_idx %arg7[%sub3A_963] masked %and3A_970 : memref<25000xf32, #tpu.memory_space<vmem>>[vector<16xi32>], vector<16xf32>, vector<16xi1>
      %add3A_972 = arith.addf %get3A_961, %gather3A_971 : vector<16xf32>
      tpu.vector_store_idx %arg7[%sub3A_963], %add3A_972 masked %and3A_970 : memref<25000xf32, #tpu.memory_space<vmem>>[vector<16xi32>], vector<16xf32>, vector<16xi1>
      %get3A_973 = arith.constant 864 : index
      %get3A_974 = tpu.vector_load %arg8[%get3A_973] {strides = array<i32>} : memref<2064xi32, #tpu.memory_space<vmem>>, vector<16xi32>,
      %get3A_975 = arith.constant 865 : index
      %get3A_976 = tpu.vector_load %arg8[%get3A_975] {strides = array<i32>} : memref<2064xi32, #tpu.memory_space<vmem>>, vector<16xi32>,
      %get3A_977 = arith.constant 864 : index
      %get3A_978 = tpu.vector_load %arg9[%get3A_977] {strides = array<i32>} : memref<2048xf32, #tpu.memory_space<vmem>>, vector<16xf32>,
      %sub3A_979 = vector.broadcast %multiple_of3A : i32 to vector<16xi32>
      %sub3A_980 = arith.subi %get3A_974, %sub3A_979 : vector<16xi32>
      %ge3A_981 = vector.broadcast %multiple_of3A : i32 to vector<16xi32>
      %ge3A_982 = arith.cmpi sge, %get3A_974, %ge3A_981 : vector<16xi32>
      %lt3A_983 = vector.broadcast %add3A_4 : i32 to vector<16xi32>
      %lt3A_984 = arith.cmpi slt, %get3A_974, %lt3A_983 : vector<16xi32>
      %and3A_985 = arith.andi %ge3A_982, %lt3A_984 : vector<16xi1>
      %ne3A_986 = arith.cmpi ne, %get3A_974, %get3A_976 : vector<16xi32>
      %and3A_987 = arith.andi %and3A_985, %ne3A_986 : vector<16xi1>
      %gather3A_988 = tpu.vector_load_idx %arg7[%sub3A_980] masked %and3A_987 : memref<25000xf32, #tpu.memory_space<vmem>>[vector<16xi32>], vector<16xf32>, vector<16xi1>
      %add3A_989 = arith.addf %get3A_978, %gather3A_988 : vector<16xf32>
      tpu.vector_store_idx %arg7[%sub3A_980], %add3A_989 masked %and3A_987 : memref<25000xf32, #tpu.memory_space<vmem>>[vector<16xi32>], vector<16xf32>, vector<16xi1>
      %get3A_990 = arith.constant 880 : index
      %get3A_991 = tpu.vector_load %arg8[%get3A_990] {strides = array<i32>} : memref<2064xi32, #tpu.memory_space<vmem>>, vector<16xi32>,
      %get3A_992 = arith.constant 881 : index
      %get3A_993 = tpu.vector_load %arg8[%get3A_992] {strides = array<i32>} : memref<2064xi32, #tpu.memory_space<vmem>>, vector<16xi32>,
      %get3A_994 = arith.constant 880 : index
      %get3A_995 = tpu.vector_load %arg9[%get3A_994] {strides = array<i32>} : memref<2048xf32, #tpu.memory_space<vmem>>, vector<16xf32>,
      %sub3A_996 = vector.broadcast %multiple_of3A : i32 to vector<16xi32>
      %sub3A_997 = arith.subi %get3A_991, %sub3A_996 : vector<16xi32>
      %ge3A_998 = vector.broadcast %multiple_of3A : i32 to vector<16xi32>
      %ge3A_999 = arith.cmpi sge, %get3A_991, %ge3A_998 : vector<16xi32>
      %lt3A_1000 = vector.broadcast %add3A_4 : i32 to vector<16xi32>
      %lt3A_1001 = arith.cmpi slt, %get3A_991, %lt3A_1000 : vector<16xi32>
      %and3A_1002 = arith.andi %ge3A_999, %lt3A_1001 : vector<16xi1>
      %ne3A_1003 = arith.cmpi ne, %get3A_991, %get3A_993 : vector<16xi32>
      %and3A_1004 = arith.andi %and3A_1002, %ne3A_1003 : vector<16xi1>
      %gather3A_1005 = tpu.vector_load_idx %arg7[%sub3A_997] masked %and3A_1004 : memref<25000xf32, #tpu.memory_space<vmem>>[vector<16xi32>], vector<16xf32>, vector<16xi1>
      %add3A_1006 = arith.addf %get3A_995, %gather3A_1005 : vector<16xf32>
      tpu.vector_store_idx %arg7[%sub3A_997], %add3A_1006 masked %and3A_1004 : memref<25000xf32, #tpu.memory_space<vmem>>[vector<16xi32>], vector<16xf32>, vector<16xi1>
      %get3A_1007 = arith.constant 896 : index
      %get3A_1008 = tpu.vector_load %arg8[%get3A_1007] {strides = array<i32>} : memref<2064xi32, #tpu.memory_space<vmem>>, vector<16xi32>,
      %get3A_1009 = arith.constant 897 : index
      %get3A_1010 = tpu.vector_load %arg8[%get3A_1009] {strides = array<i32>} : memref<2064xi32, #tpu.memory_space<vmem>>, vector<16xi32>,
      %get3A_1011 = arith.constant 896 : index
      %get3A_1012 = tpu.vector_load %arg9[%get3A_1011] {strides = array<i32>} : memref<2048xf32, #tpu.memory_space<vmem>>, vector<16xf32>,
      %sub3A_1013 = vector.broadcast %multiple_of3A : i32 to vector<16xi32>
      %sub3A_1014 = arith.subi %get3A_1008, %sub3A_1013 : vector<16xi32>
      %ge3A_1015 = vector.broadcast %multiple_of3A : i32 to vector<16xi32>
      %ge3A_1016 = arith.cmpi sge, %get3A_1008, %ge3A_1015 : vector<16xi32>
      %lt3A_1017 = vector.broadcast %add3A_4 : i32 to vector<16xi32>
      %lt3A_1018 = arith.cmpi slt, %get3A_1008, %lt3A_1017 : vector<16xi32>
      %and3A_1019 = arith.andi %ge3A_1016, %lt3A_1018 : vector<16xi1>
      %ne3A_1020 = arith.cmpi ne, %get3A_1008, %get3A_1010 : vector<16xi32>
      %and3A_1021 = arith.andi %and3A_1019, %ne3A_1020 : vector<16xi1>
      %gather3A_1022 = tpu.vector_load_idx %arg7[%sub3A_1014] masked %and3A_1021 : memref<25000xf32, #tpu.memory_space<vmem>>[vector<16xi32>], vector<16xf32>, vector<16xi1>
      %add3A_1023 = arith.addf %get3A_1012, %gather3A_1022 : vector<16xf32>
      tpu.vector_store_idx %arg7[%sub3A_1014], %add3A_1023 masked %and3A_1021 : memref<25000xf32, #tpu.memory_space<vmem>>[vector<16xi32>], vector<16xf32>, vector<16xi1>
      %get3A_1024 = arith.constant 912 : index
      %get3A_1025 = tpu.vector_load %arg8[%get3A_1024] {strides = array<i32>} : memref<2064xi32, #tpu.memory_space<vmem>>, vector<16xi32>,
      %get3A_1026 = arith.constant 913 : index
      %get3A_1027 = tpu.vector_load %arg8[%get3A_1026] {strides = array<i32>} : memref<2064xi32, #tpu.memory_space<vmem>>, vector<16xi32>,
      %get3A_1028 = arith.constant 912 : index
      %get3A_1029 = tpu.vector_load %arg9[%get3A_1028] {strides = array<i32>} : memref<2048xf32, #tpu.memory_space<vmem>>, vector<16xf32>,
      %sub3A_1030 = vector.broadcast %multiple_of3A : i32 to vector<16xi32>
      %sub3A_1031 = arith.subi %get3A_1025, %sub3A_1030 : vector<16xi32>
      %ge3A_1032 = vector.broadcast %multiple_of3A : i32 to vector<16xi32>
      %ge3A_1033 = arith.cmpi sge, %get3A_1025, %ge3A_1032 : vector<16xi32>
      %lt3A_1034 = vector.broadcast %add3A_4 : i32 to vector<16xi32>
      %lt3A_1035 = arith.cmpi slt, %get3A_1025, %lt3A_1034 : vector<16xi32>
      %and3A_1036 = arith.andi %ge3A_1033, %lt3A_1035 : vector<16xi1>
      %ne3A_1037 = arith.cmpi ne, %get3A_1025, %get3A_1027 : vector<16xi32>
      %and3A_1038 = arith.andi %and3A_1036, %ne3A_1037 : vector<16xi1>
      %gather3A_1039 = tpu.vector_load_idx %arg7[%sub3A_1031] masked %and3A_1038 : memref<25000xf32, #tpu.memory_space<vmem>>[vector<16xi32>], vector<16xf32>, vector<16xi1>
      %add3A_1040 = arith.addf %get3A_1029, %gather3A_1039 : vector<16xf32>
      tpu.vector_store_idx %arg7[%sub3A_1031], %add3A_1040 masked %and3A_1038 : memref<25000xf32, #tpu.memory_space<vmem>>[vector<16xi32>], vector<16xf32>, vector<16xi1>
      %get3A_1041 = arith.constant 928 : index
      %get3A_1042 = tpu.vector_load %arg8[%get3A_1041] {strides = array<i32>} : memref<2064xi32, #tpu.memory_space<vmem>>, vector<16xi32>,
      %get3A_1043 = arith.constant 929 : index
      %get3A_1044 = tpu.vector_load %arg8[%get3A_1043] {strides = array<i32>} : memref<2064xi32, #tpu.memory_space<vmem>>, vector<16xi32>,
      %get3A_1045 = arith.constant 928 : index
      %get3A_1046 = tpu.vector_load %arg9[%get3A_1045] {strides = array<i32>} : memref<2048xf32, #tpu.memory_space<vmem>>, vector<16xf32>,
      %sub3A_1047 = vector.broadcast %multiple_of3A : i32 to vector<16xi32>
      %sub3A_1048 = arith.subi %get3A_1042, %sub3A_1047 : vector<16xi32>
      %ge3A_1049 = vector.broadcast %multiple_of3A : i32 to vector<16xi32>
      %ge3A_1050 = arith.cmpi sge, %get3A_1042, %ge3A_1049 : vector<16xi32>
      %lt3A_1051 = vector.broadcast %add3A_4 : i32 to vector<16xi32>
      %lt3A_1052 = arith.cmpi slt, %get3A_1042, %lt3A_1051 : vector<16xi32>
      %and3A_1053 = arith.andi %ge3A_1050, %lt3A_1052 : vector<16xi1>
      %ne3A_1054 = arith.cmpi ne, %get3A_1042, %get3A_1044 : vector<16xi32>
      %and3A_1055 = arith.andi %and3A_1053, %ne3A_1054 : vector<16xi1>
      %gather3A_1056 = tpu.vector_load_idx %arg7[%sub3A_1048] masked %and3A_1055 : memref<25000xf32, #tpu.memory_space<vmem>>[vector<16xi32>], vector<16xf32>, vector<16xi1>
      %add3A_1057 = arith.addf %get3A_1046, %gather3A_1056 : vector<16xf32>
      tpu.vector_store_idx %arg7[%sub3A_1048], %add3A_1057 masked %and3A_1055 : memref<25000xf32, #tpu.memory_space<vmem>>[vector<16xi32>], vector<16xf32>, vector<16xi1>
      %get3A_1058 = arith.constant 944 : index
      %get3A_1059 = tpu.vector_load %arg8[%get3A_1058] {strides = array<i32>} : memref<2064xi32, #tpu.memory_space<vmem>>, vector<16xi32>,
      %get3A_1060 = arith.constant 945 : index
      %get3A_1061 = tpu.vector_load %arg8[%get3A_1060] {strides = array<i32>} : memref<2064xi32, #tpu.memory_space<vmem>>, vector<16xi32>,
      %get3A_1062 = arith.constant 944 : index
      %get3A_1063 = tpu.vector_load %arg9[%get3A_1062] {strides = array<i32>} : memref<2048xf32, #tpu.memory_space<vmem>>, vector<16xf32>,
      %sub3A_1064 = vector.broadcast %multiple_of3A : i32 to vector<16xi32>
      %sub3A_1065 = arith.subi %get3A_1059, %sub3A_1064 : vector<16xi32>
      %ge3A_1066 = vector.broadcast %multiple_of3A : i32 to vector<16xi32>
      %ge3A_1067 = arith.cmpi sge, %get3A_1059, %ge3A_1066 : vector<16xi32>
      %lt3A_1068 = vector.broadcast %add3A_4 : i32 to vector<16xi32>
      %lt3A_1069 = arith.cmpi slt, %get3A_1059, %lt3A_1068 : vector<16xi32>
      %and3A_1070 = arith.andi %ge3A_1067, %lt3A_1069 : vector<16xi1>
      %ne3A_1071 = arith.cmpi ne, %get3A_1059, %get3A_1061 : vector<16xi32>
      %and3A_1072 = arith.andi %and3A_1070, %ne3A_1071 : vector<16xi1>
      %gather3A_1073 = tpu.vector_load_idx %arg7[%sub3A_1065] masked %and3A_1072 : memref<25000xf32, #tpu.memory_space<vmem>>[vector<16xi32>], vector<16xf32>, vector<16xi1>
      %add3A_1074 = arith.addf %get3A_1063, %gather3A_1073 : vector<16xf32>
      tpu.vector_store_idx %arg7[%sub3A_1065], %add3A_1074 masked %and3A_1072 : memref<25000xf32, #tpu.memory_space<vmem>>[vector<16xi32>], vector<16xf32>, vector<16xi1>
      %get3A_1075 = arith.constant 960 : index
      %get3A_1076 = tpu.vector_load %arg8[%get3A_1075] {strides = array<i32>} : memref<2064xi32, #tpu.memory_space<vmem>>, vector<16xi32>,
      %get3A_1077 = arith.constant 961 : index
      %get3A_1078 = tpu.vector_load %arg8[%get3A_1077] {strides = array<i32>} : memref<2064xi32, #tpu.memory_space<vmem>>, vector<16xi32>,
      %get3A_1079 = arith.constant 960 : index
      %get3A_1080 = tpu.vector_load %arg9[%get3A_1079] {strides = array<i32>} : memref<2048xf32, #tpu.memory_space<vmem>>, vector<16xf32>,
      %sub3A_1081 = vector.broadcast %multiple_of3A : i32 to vector<16xi32>
      %sub3A_1082 = arith.subi %get3A_1076, %sub3A_1081 : vector<16xi32>
      %ge3A_1083 = vector.broadcast %multiple_of3A : i32 to vector<16xi32>
      %ge3A_1084 = arith.cmpi sge, %get3A_1076, %ge3A_1083 : vector<16xi32>
      %lt3A_1085 = vector.broadcast %add3A_4 : i32 to vector<16xi32>
      %lt3A_1086 = arith.cmpi slt, %get3A_1076, %lt3A_1085 : vector<16xi32>
      %and3A_1087 = arith.andi %ge3A_1084, %lt3A_1086 : vector<16xi1>
      %ne3A_1088 = arith.cmpi ne, %get3A_1076, %get3A_1078 : vector<16xi32>
      %and3A_1089 = arith.andi %and3A_1087, %ne3A_1088 : vector<16xi1>
      %gather3A_1090 = tpu.vector_load_idx %arg7[%sub3A_1082] masked %and3A_1089 : memref<25000xf32, #tpu.memory_space<vmem>>[vector<16xi32>], vector<16xf32>, vector<16xi1>
      %add3A_1091 = arith.addf %get3A_1080, %gather3A_1090 : vector<16xf32>
      tpu.vector_store_idx %arg7[%sub3A_1082], %add3A_1091 masked %and3A_1089 : memref<25000xf32, #tpu.memory_space<vmem>>[vector<16xi32>], vector<16xf32>, vector<16xi1>
      %get3A_1092 = arith.constant 976 : index
      %get3A_1093 = tpu.vector_load %arg8[%get3A_1092] {strides = array<i32>} : memref<2064xi32, #tpu.memory_space<vmem>>, vector<16xi32>,
      %get3A_1094 = arith.constant 977 : index
      %get3A_1095 = tpu.vector_load %arg8[%get3A_1094] {strides = array<i32>} : memref<2064xi32, #tpu.memory_space<vmem>>, vector<16xi32>,
      %get3A_1096 = arith.constant 976 : index
      %get3A_1097 = tpu.vector_load %arg9[%get3A_1096] {strides = array<i32>} : memref<2048xf32, #tpu.memory_space<vmem>>, vector<16xf32>,
      %sub3A_1098 = vector.broadcast %multiple_of3A : i32 to vector<16xi32>
      %sub3A_1099 = arith.subi %get3A_1093, %sub3A_1098 : vector<16xi32>
      %ge3A_1100 = vector.broadcast %multiple_of3A : i32 to vector<16xi32>
      %ge3A_1101 = arith.cmpi sge, %get3A_1093, %ge3A_1100 : vector<16xi32>
      %lt3A_1102 = vector.broadcast %add3A_4 : i32 to vector<16xi32>
      %lt3A_1103 = arith.cmpi slt, %get3A_1093, %lt3A_1102 : vector<16xi32>
      %and3A_1104 = arith.andi %ge3A_1101, %lt3A_1103 : vector<16xi1>
      %ne3A_1105 = arith.cmpi ne, %get3A_1093, %get3A_1095 : vector<16xi32>
      %and3A_1106 = arith.andi %and3A_1104, %ne3A_1105 : vector<16xi1>
      %gather3A_1107 = tpu.vector_load_idx %arg7[%sub3A_1099] masked %and3A_1106 : memref<25000xf32, #tpu.memory_space<vmem>>[vector<16xi32>], vector<16xf32>, vector<16xi1>
      %add3A_1108 = arith.addf %get3A_1097, %gather3A_1107 : vector<16xf32>
      tpu.vector_store_idx %arg7[%sub3A_1099], %add3A_1108 masked %and3A_1106 : memref<25000xf32, #tpu.memory_space<vmem>>[vector<16xi32>], vector<16xf32>, vector<16xi1>
      %get3A_1109 = arith.constant 992 : index
      %get3A_1110 = tpu.vector_load %arg8[%get3A_1109] {strides = array<i32>} : memref<2064xi32, #tpu.memory_space<vmem>>, vector<16xi32>,
      %get3A_1111 = arith.constant 993 : index
      %get3A_1112 = tpu.vector_load %arg8[%get3A_1111] {strides = array<i32>} : memref<2064xi32, #tpu.memory_space<vmem>>, vector<16xi32>,
      %get3A_1113 = arith.constant 992 : index
      %get3A_1114 = tpu.vector_load %arg9[%get3A_1113] {strides = array<i32>} : memref<2048xf32, #tpu.memory_space<vmem>>, vector<16xf32>,
      %sub3A_1115 = vector.broadcast %multiple_of3A : i32 to vector<16xi32>
      %sub3A_1116 = arith.subi %get3A_1110, %sub3A_1115 : vector<16xi32>
      %ge3A_1117 = vector.broadcast %multiple_of3A : i32 to vector<16xi32>
      %ge3A_1118 = arith.cmpi sge, %get3A_1110, %ge3A_1117 : vector<16xi32>
      %lt3A_1119 = vector.broadcast %add3A_4 : i32 to vector<16xi32>
      %lt3A_1120 = arith.cmpi slt, %get3A_1110, %lt3A_1119 : vector<16xi32>
      %and3A_1121 = arith.andi %ge3A_1118, %lt3A_1120 : vector<16xi1>
      %ne3A_1122 = arith.cmpi ne, %get3A_1110, %get3A_1112 : vector<16xi32>
      %and3A_1123 = arith.andi %and3A_1121, %ne3A_1122 : vector<16xi1>
      %gather3A_1124 = tpu.vector_load_idx %arg7[%sub3A_1116] masked %and3A_1123 : memref<25000xf32, #tpu.memory_space<vmem>>[vector<16xi32>], vector<16xf32>, vector<16xi1>
      %add3A_1125 = arith.addf %get3A_1114, %gather3A_1124 : vector<16xf32>
      tpu.vector_store_idx %arg7[%sub3A_1116], %add3A_1125 masked %and3A_1123 : memref<25000xf32, #tpu.memory_space<vmem>>[vector<16xi32>], vector<16xf32>, vector<16xi1>
      %get3A_1126 = arith.constant 1008 : index
      %get3A_1127 = tpu.vector_load %arg8[%get3A_1126] {strides = array<i32>} : memref<2064xi32, #tpu.memory_space<vmem>>, vector<16xi32>,
      %get3A_1128 = arith.constant 1009 : index
      %get3A_1129 = tpu.vector_load %arg8[%get3A_1128] {strides = array<i32>} : memref<2064xi32, #tpu.memory_space<vmem>>, vector<16xi32>,
      %get3A_1130 = arith.constant 1008 : index
      %get3A_1131 = tpu.vector_load %arg9[%get3A_1130] {strides = array<i32>} : memref<2048xf32, #tpu.memory_space<vmem>>, vector<16xf32>,
      %sub3A_1132 = vector.broadcast %multiple_of3A : i32 to vector<16xi32>
      %sub3A_1133 = arith.subi %get3A_1127, %sub3A_1132 : vector<16xi32>
      %ge3A_1134 = vector.broadcast %multiple_of3A : i32 to vector<16xi32>
      %ge3A_1135 = arith.cmpi sge, %get3A_1127, %ge3A_1134 : vector<16xi32>
      %lt3A_1136 = vector.broadcast %add3A_4 : i32 to vector<16xi32>
      %lt3A_1137 = arith.cmpi slt, %get3A_1127, %lt3A_1136 : vector<16xi32>
      %and3A_1138 = arith.andi %ge3A_1135, %lt3A_1137 : vector<16xi1>
      %ne3A_1139 = arith.cmpi ne, %get3A_1127, %get3A_1129 : vector<16xi32>
      %and3A_1140 = arith.andi %and3A_1138, %ne3A_1139 : vector<16xi1>
      %gather3A_1141 = tpu.vector_load_idx %arg7[%sub3A_1133] masked %and3A_1140 : memref<25000xf32, #tpu.memory_space<vmem>>[vector<16xi32>], vector<16xf32>, vector<16xi1>
      %add3A_1142 = arith.addf %get3A_1131, %gather3A_1141 : vector<16xf32>
      tpu.vector_store_idx %arg7[%sub3A_1133], %add3A_1142 masked %and3A_1140 : memref<25000xf32, #tpu.memory_space<vmem>>[vector<16xi32>], vector<16xf32>, vector<16xi1>
      %get3A_1143 = arith.constant 1024 : index
      %get3A_1144 = tpu.vector_load %arg8[%get3A_1143] {strides = array<i32>} : memref<2064xi32, #tpu.memory_space<vmem>>, vector<16xi32>,
      %get3A_1145 = arith.constant 1025 : index
      %get3A_1146 = tpu.vector_load %arg8[%get3A_1145] {strides = array<i32>} : memref<2064xi32, #tpu.memory_space<vmem>>, vector<16xi32>,
      %get3A_1147 = arith.constant 1024 : index
      %get3A_1148 = tpu.vector_load %arg9[%get3A_1147] {strides = array<i32>} : memref<2048xf32, #tpu.memory_space<vmem>>, vector<16xf32>,
      %sub3A_1149 = vector.broadcast %multiple_of3A : i32 to vector<16xi32>
      %sub3A_1150 = arith.subi %get3A_1144, %sub3A_1149 : vector<16xi32>
      %ge3A_1151 = vector.broadcast %multiple_of3A : i32 to vector<16xi32>
      %ge3A_1152 = arith.cmpi sge, %get3A_1144, %ge3A_1151 : vector<16xi32>
      %lt3A_1153 = vector.broadcast %add3A_4 : i32 to vector<16xi32>
      %lt3A_1154 = arith.cmpi slt, %get3A_1144, %lt3A_1153 : vector<16xi32>
      %and3A_1155 = arith.andi %ge3A_1152, %lt3A_1154 : vector<16xi1>
      %ne3A_1156 = arith.cmpi ne, %get3A_1144, %get3A_1146 : vector<16xi32>
      %and3A_1157 = arith.andi %and3A_1155, %ne3A_1156 : vector<16xi1>
      %gather3A_1158 = tpu.vector_load_idx %arg7[%sub3A_1150] masked %and3A_1157 : memref<25000xf32, #tpu.memory_space<vmem>>[vector<16xi32>], vector<16xf32>, vector<16xi1>
      %add3A_1159 = arith.addf %get3A_1148, %gather3A_1158 : vector<16xf32>
      tpu.vector_store_idx %arg7[%sub3A_1150], %add3A_1159 masked %and3A_1157 : memref<25000xf32, #tpu.memory_space<vmem>>[vector<16xi32>], vector<16xf32>, vector<16xi1>
      %get3A_1160 = arith.constant 1040 : index
      %get3A_1161 = tpu.vector_load %arg8[%get3A_1160] {strides = array<i32>} : memref<2064xi32, #tpu.memory_space<vmem>>, vector<16xi32>,
      %get3A_1162 = arith.constant 1041 : index
      %get3A_1163 = tpu.vector_load %arg8[%get3A_1162] {strides = array<i32>} : memref<2064xi32, #tpu.memory_space<vmem>>, vector<16xi32>,
      %get3A_1164 = arith.constant 1040 : index
      %get3A_1165 = tpu.vector_load %arg9[%get3A_1164] {strides = array<i32>} : memref<2048xf32, #tpu.memory_space<vmem>>, vector<16xf32>,
      %sub3A_1166 = vector.broadcast %multiple_of3A : i32 to vector<16xi32>
      %sub3A_1167 = arith.subi %get3A_1161, %sub3A_1166 : vector<16xi32>
      %ge3A_1168 = vector.broadcast %multiple_of3A : i32 to vector<16xi32>
      %ge3A_1169 = arith.cmpi sge, %get3A_1161, %ge3A_1168 : vector<16xi32>
      %lt3A_1170 = vector.broadcast %add3A_4 : i32 to vector<16xi32>
      %lt3A_1171 = arith.cmpi slt, %get3A_1161, %lt3A_1170 : vector<16xi32>
      %and3A_1172 = arith.andi %ge3A_1169, %lt3A_1171 : vector<16xi1>
      %ne3A_1173 = arith.cmpi ne, %get3A_1161, %get3A_1163 : vector<16xi32>
      %and3A_1174 = arith.andi %and3A_1172, %ne3A_1173 : vector<16xi1>
      %gather3A_1175 = tpu.vector_load_idx %arg7[%sub3A_1167] masked %and3A_1174 : memref<25000xf32, #tpu.memory_space<vmem>>[vector<16xi32>], vector<16xf32>, vector<16xi1>
      %add3A_1176 = arith.addf %get3A_1165, %gather3A_1175 : vector<16xf32>
      tpu.vector_store_idx %arg7[%sub3A_1167], %add3A_1176 masked %and3A_1174 : memref<25000xf32, #tpu.memory_space<vmem>>[vector<16xi32>], vector<16xf32>, vector<16xi1>
      %get3A_1177 = arith.constant 1056 : index
      %get3A_1178 = tpu.vector_load %arg8[%get3A_1177] {strides = array<i32>} : memref<2064xi32, #tpu.memory_space<vmem>>, vector<16xi32>,
      %get3A_1179 = arith.constant 1057 : index
      %get3A_1180 = tpu.vector_load %arg8[%get3A_1179] {strides = array<i32>} : memref<2064xi32, #tpu.memory_space<vmem>>, vector<16xi32>,
      %get3A_1181 = arith.constant 1056 : index
      %get3A_1182 = tpu.vector_load %arg9[%get3A_1181] {strides = array<i32>} : memref<2048xf32, #tpu.memory_space<vmem>>, vector<16xf32>,
      %sub3A_1183 = vector.broadcast %multiple_of3A : i32 to vector<16xi32>
      %sub3A_1184 = arith.subi %get3A_1178, %sub3A_1183 : vector<16xi32>
      %ge3A_1185 = vector.broadcast %multiple_of3A : i32 to vector<16xi32>
      %ge3A_1186 = arith.cmpi sge, %get3A_1178, %ge3A_1185 : vector<16xi32>
      %lt3A_1187 = vector.broadcast %add3A_4 : i32 to vector<16xi32>
      %lt3A_1188 = arith.cmpi slt, %get3A_1178, %lt3A_1187 : vector<16xi32>
      %and3A_1189 = arith.andi %ge3A_1186, %lt3A_1188 : vector<16xi1>
      %ne3A_1190 = arith.cmpi ne, %get3A_1178, %get3A_1180 : vector<16xi32>
      %and3A_1191 = arith.andi %and3A_1189, %ne3A_1190 : vector<16xi1>
      %gather3A_1192 = tpu.vector_load_idx %arg7[%sub3A_1184] masked %and3A_1191 : memref<25000xf32, #tpu.memory_space<vmem>>[vector<16xi32>], vector<16xf32>, vector<16xi1>
      %add3A_1193 = arith.addf %get3A_1182, %gather3A_1192 : vector<16xf32>
      tpu.vector_store_idx %arg7[%sub3A_1184], %add3A_1193 masked %and3A_1191 : memref<25000xf32, #tpu.memory_space<vmem>>[vector<16xi32>], vector<16xf32>, vector<16xi1>
      %get3A_1194 = arith.constant 1072 : index
      %get3A_1195 = tpu.vector_load %arg8[%get3A_1194] {strides = array<i32>} : memref<2064xi32, #tpu.memory_space<vmem>>, vector<16xi32>,
      %get3A_1196 = arith.constant 1073 : index
      %get3A_1197 = tpu.vector_load %arg8[%get3A_1196] {strides = array<i32>} : memref<2064xi32, #tpu.memory_space<vmem>>, vector<16xi32>,
      %get3A_1198 = arith.constant 1072 : index
      %get3A_1199 = tpu.vector_load %arg9[%get3A_1198] {strides = array<i32>} : memref<2048xf32, #tpu.memory_space<vmem>>, vector<16xf32>,
      %sub3A_1200 = vector.broadcast %multiple_of3A : i32 to vector<16xi32>
      %sub3A_1201 = arith.subi %get3A_1195, %sub3A_1200 : vector<16xi32>
      %ge3A_1202 = vector.broadcast %multiple_of3A : i32 to vector<16xi32>
      %ge3A_1203 = arith.cmpi sge, %get3A_1195, %ge3A_1202 : vector<16xi32>
      %lt3A_1204 = vector.broadcast %add3A_4 : i32 to vector<16xi32>
      %lt3A_1205 = arith.cmpi slt, %get3A_1195, %lt3A_1204 : vector<16xi32>
      %and3A_1206 = arith.andi %ge3A_1203, %lt3A_1205 : vector<16xi1>
      %ne3A_1207 = arith.cmpi ne, %get3A_1195, %get3A_1197 : vector<16xi32>
      %and3A_1208 = arith.andi %and3A_1206, %ne3A_1207 : vector<16xi1>
      %gather3A_1209 = tpu.vector_load_idx %arg7[%sub3A_1201] masked %and3A_1208 : memref<25000xf32, #tpu.memory_space<vmem>>[vector<16xi32>], vector<16xf32>, vector<16xi1>
      %add3A_1210 = arith.addf %get3A_1199, %gather3A_1209 : vector<16xf32>
      tpu.vector_store_idx %arg7[%sub3A_1201], %add3A_1210 masked %and3A_1208 : memref<25000xf32, #tpu.memory_space<vmem>>[vector<16xi32>], vector<16xf32>, vector<16xi1>
      %get3A_1211 = arith.constant 1088 : index
      %get3A_1212 = tpu.vector_load %arg8[%get3A_1211] {strides = array<i32>} : memref<2064xi32, #tpu.memory_space<vmem>>, vector<16xi32>,
      %get3A_1213 = arith.constant 1089 : index
      %get3A_1214 = tpu.vector_load %arg8[%get3A_1213] {strides = array<i32>} : memref<2064xi32, #tpu.memory_space<vmem>>, vector<16xi32>,
      %get3A_1215 = arith.constant 1088 : index
      %get3A_1216 = tpu.vector_load %arg9[%get3A_1215] {strides = array<i32>} : memref<2048xf32, #tpu.memory_space<vmem>>, vector<16xf32>,
      %sub3A_1217 = vector.broadcast %multiple_of3A : i32 to vector<16xi32>
      %sub3A_1218 = arith.subi %get3A_1212, %sub3A_1217 : vector<16xi32>
      %ge3A_1219 = vector.broadcast %multiple_of3A : i32 to vector<16xi32>
      %ge3A_1220 = arith.cmpi sge, %get3A_1212, %ge3A_1219 : vector<16xi32>
      %lt3A_1221 = vector.broadcast %add3A_4 : i32 to vector<16xi32>
      %lt3A_1222 = arith.cmpi slt, %get3A_1212, %lt3A_1221 : vector<16xi32>
      %and3A_1223 = arith.andi %ge3A_1220, %lt3A_1222 : vector<16xi1>
      %ne3A_1224 = arith.cmpi ne, %get3A_1212, %get3A_1214 : vector<16xi32>
      %and3A_1225 = arith.andi %and3A_1223, %ne3A_1224 : vector<16xi1>
      %gather3A_1226 = tpu.vector_load_idx %arg7[%sub3A_1218] masked %and3A_1225 : memref<25000xf32, #tpu.memory_space<vmem>>[vector<16xi32>], vector<16xf32>, vector<16xi1>
      %add3A_1227 = arith.addf %get3A_1216, %gather3A_1226 : vector<16xf32>
      tpu.vector_store_idx %arg7[%sub3A_1218], %add3A_1227 masked %and3A_1225 : memref<25000xf32, #tpu.memory_space<vmem>>[vector<16xi32>], vector<16xf32>, vector<16xi1>
      %get3A_1228 = arith.constant 1104 : index
      %get3A_1229 = tpu.vector_load %arg8[%get3A_1228] {strides = array<i32>} : memref<2064xi32, #tpu.memory_space<vmem>>, vector<16xi32>,
      %get3A_1230 = arith.constant 1105 : index
      %get3A_1231 = tpu.vector_load %arg8[%get3A_1230] {strides = array<i32>} : memref<2064xi32, #tpu.memory_space<vmem>>, vector<16xi32>,
      %get3A_1232 = arith.constant 1104 : index
      %get3A_1233 = tpu.vector_load %arg9[%get3A_1232] {strides = array<i32>} : memref<2048xf32, #tpu.memory_space<vmem>>, vector<16xf32>,
      %sub3A_1234 = vector.broadcast %multiple_of3A : i32 to vector<16xi32>
      %sub3A_1235 = arith.subi %get3A_1229, %sub3A_1234 : vector<16xi32>
      %ge3A_1236 = vector.broadcast %multiple_of3A : i32 to vector<16xi32>
      %ge3A_1237 = arith.cmpi sge, %get3A_1229, %ge3A_1236 : vector<16xi32>
      %lt3A_1238 = vector.broadcast %add3A_4 : i32 to vector<16xi32>
      %lt3A_1239 = arith.cmpi slt, %get3A_1229, %lt3A_1238 : vector<16xi32>
      %and3A_1240 = arith.andi %ge3A_1237, %lt3A_1239 : vector<16xi1>
      %ne3A_1241 = arith.cmpi ne, %get3A_1229, %get3A_1231 : vector<16xi32>
      %and3A_1242 = arith.andi %and3A_1240, %ne3A_1241 : vector<16xi1>
      %gather3A_1243 = tpu.vector_load_idx %arg7[%sub3A_1235] masked %and3A_1242 : memref<25000xf32, #tpu.memory_space<vmem>>[vector<16xi32>], vector<16xf32>, vector<16xi1>
      %add3A_1244 = arith.addf %get3A_1233, %gather3A_1243 : vector<16xf32>
      tpu.vector_store_idx %arg7[%sub3A_1235], %add3A_1244 masked %and3A_1242 : memref<25000xf32, #tpu.memory_space<vmem>>[vector<16xi32>], vector<16xf32>, vector<16xi1>
      %get3A_1245 = arith.constant 1120 : index
      %get3A_1246 = tpu.vector_load %arg8[%get3A_1245] {strides = array<i32>} : memref<2064xi32, #tpu.memory_space<vmem>>, vector<16xi32>,
      %get3A_1247 = arith.constant 1121 : index
      %get3A_1248 = tpu.vector_load %arg8[%get3A_1247] {strides = array<i32>} : memref<2064xi32, #tpu.memory_space<vmem>>, vector<16xi32>,
      %get3A_1249 = arith.constant 1120 : index
      %get3A_1250 = tpu.vector_load %arg9[%get3A_1249] {strides = array<i32>} : memref<2048xf32, #tpu.memory_space<vmem>>, vector<16xf32>,
      %sub3A_1251 = vector.broadcast %multiple_of3A : i32 to vector<16xi32>
      %sub3A_1252 = arith.subi %get3A_1246, %sub3A_1251 : vector<16xi32>
      %ge3A_1253 = vector.broadcast %multiple_of3A : i32 to vector<16xi32>
      %ge3A_1254 = arith.cmpi sge, %get3A_1246, %ge3A_1253 : vector<16xi32>
      %lt3A_1255 = vector.broadcast %add3A_4 : i32 to vector<16xi32>
      %lt3A_1256 = arith.cmpi slt, %get3A_1246, %lt3A_1255 : vector<16xi32>
      %and3A_1257 = arith.andi %ge3A_1254, %lt3A_1256 : vector<16xi1>
      %ne3A_1258 = arith.cmpi ne, %get3A_1246, %get3A_1248 : vector<16xi32>
      %and3A_1259 = arith.andi %and3A_1257, %ne3A_1258 : vector<16xi1>
      %gather3A_1260 = tpu.vector_load_idx %arg7[%sub3A_1252] masked %and3A_1259 : memref<25000xf32, #tpu.memory_space<vmem>>[vector<16xi32>], vector<16xf32>, vector<16xi1>
      %add3A_1261 = arith.addf %get3A_1250, %gather3A_1260 : vector<16xf32>
      tpu.vector_store_idx %arg7[%sub3A_1252], %add3A_1261 masked %and3A_1259 : memref<25000xf32, #tpu.memory_space<vmem>>[vector<16xi32>], vector<16xf32>, vector<16xi1>
      %get3A_1262 = arith.constant 1136 : index
      %get3A_1263 = tpu.vector_load %arg8[%get3A_1262] {strides = array<i32>} : memref<2064xi32, #tpu.memory_space<vmem>>, vector<16xi32>,
      %get3A_1264 = arith.constant 1137 : index
      %get3A_1265 = tpu.vector_load %arg8[%get3A_1264] {strides = array<i32>} : memref<2064xi32, #tpu.memory_space<vmem>>, vector<16xi32>,
      %get3A_1266 = arith.constant 1136 : index
      %get3A_1267 = tpu.vector_load %arg9[%get3A_1266] {strides = array<i32>} : memref<2048xf32, #tpu.memory_space<vmem>>, vector<16xf32>,
      %sub3A_1268 = vector.broadcast %multiple_of3A : i32 to vector<16xi32>
      %sub3A_1269 = arith.subi %get3A_1263, %sub3A_1268 : vector<16xi32>
      %ge3A_1270 = vector.broadcast %multiple_of3A : i32 to vector<16xi32>
      %ge3A_1271 = arith.cmpi sge, %get3A_1263, %ge3A_1270 : vector<16xi32>
      %lt3A_1272 = vector.broadcast %add3A_4 : i32 to vector<16xi32>
      %lt3A_1273 = arith.cmpi slt, %get3A_1263, %lt3A_1272 : vector<16xi32>
      %and3A_1274 = arith.andi %ge3A_1271, %lt3A_1273 : vector<16xi1>
      %ne3A_1275 = arith.cmpi ne, %get3A_1263, %get3A_1265 : vector<16xi32>
      %and3A_1276 = arith.andi %and3A_1274, %ne3A_1275 : vector<16xi1>
      %gather3A_1277 = tpu.vector_load_idx %arg7[%sub3A_1269] masked %and3A_1276 : memref<25000xf32, #tpu.memory_space<vmem>>[vector<16xi32>], vector<16xf32>, vector<16xi1>
      %add3A_1278 = arith.addf %get3A_1267, %gather3A_1277 : vector<16xf32>
      tpu.vector_store_idx %arg7[%sub3A_1269], %add3A_1278 masked %and3A_1276 : memref<25000xf32, #tpu.memory_space<vmem>>[vector<16xi32>], vector<16xf32>, vector<16xi1>
      %get3A_1279 = arith.constant 1152 : index
      %get3A_1280 = tpu.vector_load %arg8[%get3A_1279] {strides = array<i32>} : memref<2064xi32, #tpu.memory_space<vmem>>, vector<16xi32>,
      %get3A_1281 = arith.constant 1153 : index
      %get3A_1282 = tpu.vector_load %arg8[%get3A_1281] {strides = array<i32>} : memref<2064xi32, #tpu.memory_space<vmem>>, vector<16xi32>,
      %get3A_1283 = arith.constant 1152 : index
      %get3A_1284 = tpu.vector_load %arg9[%get3A_1283] {strides = array<i32>} : memref<2048xf32, #tpu.memory_space<vmem>>, vector<16xf32>,
      %sub3A_1285 = vector.broadcast %multiple_of3A : i32 to vector<16xi32>
      %sub3A_1286 = arith.subi %get3A_1280, %sub3A_1285 : vector<16xi32>
      %ge3A_1287 = vector.broadcast %multiple_of3A : i32 to vector<16xi32>
      %ge3A_1288 = arith.cmpi sge, %get3A_1280, %ge3A_1287 : vector<16xi32>
      %lt3A_1289 = vector.broadcast %add3A_4 : i32 to vector<16xi32>
      %lt3A_1290 = arith.cmpi slt, %get3A_1280, %lt3A_1289 : vector<16xi32>
      %and3A_1291 = arith.andi %ge3A_1288, %lt3A_1290 : vector<16xi1>
      %ne3A_1292 = arith.cmpi ne, %get3A_1280, %get3A_1282 : vector<16xi32>
      %and3A_1293 = arith.andi %and3A_1291, %ne3A_1292 : vector<16xi1>
      %gather3A_1294 = tpu.vector_load_idx %arg7[%sub3A_1286] masked %and3A_1293 : memref<25000xf32, #tpu.memory_space<vmem>>[vector<16xi32>], vector<16xf32>, vector<16xi1>
      %add3A_1295 = arith.addf %get3A_1284, %gather3A_1294 : vector<16xf32>
      tpu.vector_store_idx %arg7[%sub3A_1286], %add3A_1295 masked %and3A_1293 : memref<25000xf32, #tpu.memory_space<vmem>>[vector<16xi32>], vector<16xf32>, vector<16xi1>
      %get3A_1296 = arith.constant 1168 : index
      %get3A_1297 = tpu.vector_load %arg8[%get3A_1296] {strides = array<i32>} : memref<2064xi32, #tpu.memory_space<vmem>>, vector<16xi32>,
      %get3A_1298 = arith.constant 1169 : index
      %get3A_1299 = tpu.vector_load %arg8[%get3A_1298] {strides = array<i32>} : memref<2064xi32, #tpu.memory_space<vmem>>, vector<16xi32>,
      %get3A_1300 = arith.constant 1168 : index
      %get3A_1301 = tpu.vector_load %arg9[%get3A_1300] {strides = array<i32>} : memref<2048xf32, #tpu.memory_space<vmem>>, vector<16xf32>,
      %sub3A_1302 = vector.broadcast %multiple_of3A : i32 to vector<16xi32>
      %sub3A_1303 = arith.subi %get3A_1297, %sub3A_1302 : vector<16xi32>
      %ge3A_1304 = vector.broadcast %multiple_of3A : i32 to vector<16xi32>
      %ge3A_1305 = arith.cmpi sge, %get3A_1297, %ge3A_1304 : vector<16xi32>
      %lt3A_1306 = vector.broadcast %add3A_4 : i32 to vector<16xi32>
      %lt3A_1307 = arith.cmpi slt, %get3A_1297, %lt3A_1306 : vector<16xi32>
      %and3A_1308 = arith.andi %ge3A_1305, %lt3A_1307 : vector<16xi1>
      %ne3A_1309 = arith.cmpi ne, %get3A_1297, %get3A_1299 : vector<16xi32>
      %and3A_1310 = arith.andi %and3A_1308, %ne3A_1309 : vector<16xi1>
      %gather3A_1311 = tpu.vector_load_idx %arg7[%sub3A_1303] masked %and3A_1310 : memref<25000xf32, #tpu.memory_space<vmem>>[vector<16xi32>], vector<16xf32>, vector<16xi1>
      %add3A_1312 = arith.addf %get3A_1301, %gather3A_1311 : vector<16xf32>
      tpu.vector_store_idx %arg7[%sub3A_1303], %add3A_1312 masked %and3A_1310 : memref<25000xf32, #tpu.memory_space<vmem>>[vector<16xi32>], vector<16xf32>, vector<16xi1>
      %get3A_1313 = arith.constant 1184 : index
      %get3A_1314 = tpu.vector_load %arg8[%get3A_1313] {strides = array<i32>} : memref<2064xi32, #tpu.memory_space<vmem>>, vector<16xi32>,
      %get3A_1315 = arith.constant 1185 : index
      %get3A_1316 = tpu.vector_load %arg8[%get3A_1315] {strides = array<i32>} : memref<2064xi32, #tpu.memory_space<vmem>>, vector<16xi32>,
      %get3A_1317 = arith.constant 1184 : index
      %get3A_1318 = tpu.vector_load %arg9[%get3A_1317] {strides = array<i32>} : memref<2048xf32, #tpu.memory_space<vmem>>, vector<16xf32>,
      %sub3A_1319 = vector.broadcast %multiple_of3A : i32 to vector<16xi32>
      %sub3A_1320 = arith.subi %get3A_1314, %sub3A_1319 : vector<16xi32>
      %ge3A_1321 = vector.broadcast %multiple_of3A : i32 to vector<16xi32>
      %ge3A_1322 = arith.cmpi sge, %get3A_1314, %ge3A_1321 : vector<16xi32>
      %lt3A_1323 = vector.broadcast %add3A_4 : i32 to vector<16xi32>
      %lt3A_1324 = arith.cmpi slt, %get3A_1314, %lt3A_1323 : vector<16xi32>
      %and3A_1325 = arith.andi %ge3A_1322, %lt3A_1324 : vector<16xi1>
      %ne3A_1326 = arith.cmpi ne, %get3A_1314, %get3A_1316 : vector<16xi32>
      %and3A_1327 = arith.andi %and3A_1325, %ne3A_1326 : vector<16xi1>
      %gather3A_1328 = tpu.vector_load_idx %arg7[%sub3A_1320] masked %and3A_1327 : memref<25000xf32, #tpu.memory_space<vmem>>[vector<16xi32>], vector<16xf32>, vector<16xi1>
      %add3A_1329 = arith.addf %get3A_1318, %gather3A_1328 : vector<16xf32>
      tpu.vector_store_idx %arg7[%sub3A_1320], %add3A_1329 masked %and3A_1327 : memref<25000xf32, #tpu.memory_space<vmem>>[vector<16xi32>], vector<16xf32>, vector<16xi1>
      %get3A_1330 = arith.constant 1200 : index
      %get3A_1331 = tpu.vector_load %arg8[%get3A_1330] {strides = array<i32>} : memref<2064xi32, #tpu.memory_space<vmem>>, vector<16xi32>,
      %get3A_1332 = arith.constant 1201 : index
      %get3A_1333 = tpu.vector_load %arg8[%get3A_1332] {strides = array<i32>} : memref<2064xi32, #tpu.memory_space<vmem>>, vector<16xi32>,
      %get3A_1334 = arith.constant 1200 : index
      %get3A_1335 = tpu.vector_load %arg9[%get3A_1334] {strides = array<i32>} : memref<2048xf32, #tpu.memory_space<vmem>>, vector<16xf32>,
      %sub3A_1336 = vector.broadcast %multiple_of3A : i32 to vector<16xi32>
      %sub3A_1337 = arith.subi %get3A_1331, %sub3A_1336 : vector<16xi32>
      %ge3A_1338 = vector.broadcast %multiple_of3A : i32 to vector<16xi32>
      %ge3A_1339 = arith.cmpi sge, %get3A_1331, %ge3A_1338 : vector<16xi32>
      %lt3A_1340 = vector.broadcast %add3A_4 : i32 to vector<16xi32>
      %lt3A_1341 = arith.cmpi slt, %get3A_1331, %lt3A_1340 : vector<16xi32>
      %and3A_1342 = arith.andi %ge3A_1339, %lt3A_1341 : vector<16xi1>
      %ne3A_1343 = arith.cmpi ne, %get3A_1331, %get3A_1333 : vector<16xi32>
      %and3A_1344 = arith.andi %and3A_1342, %ne3A_1343 : vector<16xi1>
      %gather3A_1345 = tpu.vector_load_idx %arg7[%sub3A_1337] masked %and3A_1344 : memref<25000xf32, #tpu.memory_space<vmem>>[vector<16xi32>], vector<16xf32>, vector<16xi1>
      %add3A_1346 = arith.addf %get3A_1335, %gather3A_1345 : vector<16xf32>
      tpu.vector_store_idx %arg7[%sub3A_1337], %add3A_1346 masked %and3A_1344 : memref<25000xf32, #tpu.memory_space<vmem>>[vector<16xi32>], vector<16xf32>, vector<16xi1>
      %get3A_1347 = arith.constant 1216 : index
      %get3A_1348 = tpu.vector_load %arg8[%get3A_1347] {strides = array<i32>} : memref<2064xi32, #tpu.memory_space<vmem>>, vector<16xi32>,
      %get3A_1349 = arith.constant 1217 : index
      %get3A_1350 = tpu.vector_load %arg8[%get3A_1349] {strides = array<i32>} : memref<2064xi32, #tpu.memory_space<vmem>>, vector<16xi32>,
      %get3A_1351 = arith.constant 1216 : index
      %get3A_1352 = tpu.vector_load %arg9[%get3A_1351] {strides = array<i32>} : memref<2048xf32, #tpu.memory_space<vmem>>, vector<16xf32>,
      %sub3A_1353 = vector.broadcast %multiple_of3A : i32 to vector<16xi32>
      %sub3A_1354 = arith.subi %get3A_1348, %sub3A_1353 : vector<16xi32>
      %ge3A_1355 = vector.broadcast %multiple_of3A : i32 to vector<16xi32>
      %ge3A_1356 = arith.cmpi sge, %get3A_1348, %ge3A_1355 : vector<16xi32>
      %lt3A_1357 = vector.broadcast %add3A_4 : i32 to vector<16xi32>
      %lt3A_1358 = arith.cmpi slt, %get3A_1348, %lt3A_1357 : vector<16xi32>
      %and3A_1359 = arith.andi %ge3A_1356, %lt3A_1358 : vector<16xi1>
      %ne3A_1360 = arith.cmpi ne, %get3A_1348, %get3A_1350 : vector<16xi32>
      %and3A_1361 = arith.andi %and3A_1359, %ne3A_1360 : vector<16xi1>
      %gather3A_1362 = tpu.vector_load_idx %arg7[%sub3A_1354] masked %and3A_1361 : memref<25000xf32, #tpu.memory_space<vmem>>[vector<16xi32>], vector<16xf32>, vector<16xi1>
      %add3A_1363 = arith.addf %get3A_1352, %gather3A_1362 : vector<16xf32>
      tpu.vector_store_idx %arg7[%sub3A_1354], %add3A_1363 masked %and3A_1361 : memref<25000xf32, #tpu.memory_space<vmem>>[vector<16xi32>], vector<16xf32>, vector<16xi1>
      %get3A_1364 = arith.constant 1232 : index
      %get3A_1365 = tpu.vector_load %arg8[%get3A_1364] {strides = array<i32>} : memref<2064xi32, #tpu.memory_space<vmem>>, vector<16xi32>,
      %get3A_1366 = arith.constant 1233 : index
      %get3A_1367 = tpu.vector_load %arg8[%get3A_1366] {strides = array<i32>} : memref<2064xi32, #tpu.memory_space<vmem>>, vector<16xi32>,
      %get3A_1368 = arith.constant 1232 : index
      %get3A_1369 = tpu.vector_load %arg9[%get3A_1368] {strides = array<i32>} : memref<2048xf32, #tpu.memory_space<vmem>>, vector<16xf32>,
      %sub3A_1370 = vector.broadcast %multiple_of3A : i32 to vector<16xi32>
      %sub3A_1371 = arith.subi %get3A_1365, %sub3A_1370 : vector<16xi32>
      %ge3A_1372 = vector.broadcast %multiple_of3A : i32 to vector<16xi32>
      %ge3A_1373 = arith.cmpi sge, %get3A_1365, %ge3A_1372 : vector<16xi32>
      %lt3A_1374 = vector.broadcast %add3A_4 : i32 to vector<16xi32>
      %lt3A_1375 = arith.cmpi slt, %get3A_1365, %lt3A_1374 : vector<16xi32>
      %and3A_1376 = arith.andi %ge3A_1373, %lt3A_1375 : vector<16xi1>
      %ne3A_1377 = arith.cmpi ne, %get3A_1365, %get3A_1367 : vector<16xi32>
      %and3A_1378 = arith.andi %and3A_1376, %ne3A_1377 : vector<16xi1>
      %gather3A_1379 = tpu.vector_load_idx %arg7[%sub3A_1371] masked %and3A_1378 : memref<25000xf32, #tpu.memory_space<vmem>>[vector<16xi32>], vector<16xf32>, vector<16xi1>
      %add3A_1380 = arith.addf %get3A_1369, %gather3A_1379 : vector<16xf32>
      tpu.vector_store_idx %arg7[%sub3A_1371], %add3A_1380 masked %and3A_1378 : memref<25000xf32, #tpu.memory_space<vmem>>[vector<16xi32>], vector<16xf32>, vector<16xi1>
      %get3A_1381 = arith.constant 1248 : index
      %get3A_1382 = tpu.vector_load %arg8[%get3A_1381] {strides = array<i32>} : memref<2064xi32, #tpu.memory_space<vmem>>, vector<16xi32>,
      %get3A_1383 = arith.constant 1249 : index
      %get3A_1384 = tpu.vector_load %arg8[%get3A_1383] {strides = array<i32>} : memref<2064xi32, #tpu.memory_space<vmem>>, vector<16xi32>,
      %get3A_1385 = arith.constant 1248 : index
      %get3A_1386 = tpu.vector_load %arg9[%get3A_1385] {strides = array<i32>} : memref<2048xf32, #tpu.memory_space<vmem>>, vector<16xf32>,
      %sub3A_1387 = vector.broadcast %multiple_of3A : i32 to vector<16xi32>
      %sub3A_1388 = arith.subi %get3A_1382, %sub3A_1387 : vector<16xi32>
      %ge3A_1389 = vector.broadcast %multiple_of3A : i32 to vector<16xi32>
      %ge3A_1390 = arith.cmpi sge, %get3A_1382, %ge3A_1389 : vector<16xi32>
      %lt3A_1391 = vector.broadcast %add3A_4 : i32 to vector<16xi32>
      %lt3A_1392 = arith.cmpi slt, %get3A_1382, %lt3A_1391 : vector<16xi32>
      %and3A_1393 = arith.andi %ge3A_1390, %lt3A_1392 : vector<16xi1>
      %ne3A_1394 = arith.cmpi ne, %get3A_1382, %get3A_1384 : vector<16xi32>
      %and3A_1395 = arith.andi %and3A_1393, %ne3A_1394 : vector<16xi1>
      %gather3A_1396 = tpu.vector_load_idx %arg7[%sub3A_1388] masked %and3A_1395 : memref<25000xf32, #tpu.memory_space<vmem>>[vector<16xi32>], vector<16xf32>, vector<16xi1>
      %add3A_1397 = arith.addf %get3A_1386, %gather3A_1396 : vector<16xf32>
      tpu.vector_store_idx %arg7[%sub3A_1388], %add3A_1397 masked %and3A_1395 : memref<25000xf32, #tpu.memory_space<vmem>>[vector<16xi32>], vector<16xf32>, vector<16xi1>
      %get3A_1398 = arith.constant 1264 : index
      %get3A_1399 = tpu.vector_load %arg8[%get3A_1398] {strides = array<i32>} : memref<2064xi32, #tpu.memory_space<vmem>>, vector<16xi32>,
      %get3A_1400 = arith.constant 1265 : index
      %get3A_1401 = tpu.vector_load %arg8[%get3A_1400] {strides = array<i32>} : memref<2064xi32, #tpu.memory_space<vmem>>, vector<16xi32>,
      %get3A_1402 = arith.constant 1264 : index
      %get3A_1403 = tpu.vector_load %arg9[%get3A_1402] {strides = array<i32>} : memref<2048xf32, #tpu.memory_space<vmem>>, vector<16xf32>,
      %sub3A_1404 = vector.broadcast %multiple_of3A : i32 to vector<16xi32>
      %sub3A_1405 = arith.subi %get3A_1399, %sub3A_1404 : vector<16xi32>
      %ge3A_1406 = vector.broadcast %multiple_of3A : i32 to vector<16xi32>
      %ge3A_1407 = arith.cmpi sge, %get3A_1399, %ge3A_1406 : vector<16xi32>
      %lt3A_1408 = vector.broadcast %add3A_4 : i32 to vector<16xi32>
      %lt3A_1409 = arith.cmpi slt, %get3A_1399, %lt3A_1408 : vector<16xi32>
      %and3A_1410 = arith.andi %ge3A_1407, %lt3A_1409 : vector<16xi1>
      %ne3A_1411 = arith.cmpi ne, %get3A_1399, %get3A_1401 : vector<16xi32>
      %and3A_1412 = arith.andi %and3A_1410, %ne3A_1411 : vector<16xi1>
      %gather3A_1413 = tpu.vector_load_idx %arg7[%sub3A_1405] masked %and3A_1412 : memref<25000xf32, #tpu.memory_space<vmem>>[vector<16xi32>], vector<16xf32>, vector<16xi1>
      %add3A_1414 = arith.addf %get3A_1403, %gather3A_1413 : vector<16xf32>
      tpu.vector_store_idx %arg7[%sub3A_1405], %add3A_1414 masked %and3A_1412 : memref<25000xf32, #tpu.memory_space<vmem>>[vector<16xi32>], vector<16xf32>, vector<16xi1>
      %get3A_1415 = arith.constant 1280 : index
      %get3A_1416 = tpu.vector_load %arg8[%get3A_1415] {strides = array<i32>} : memref<2064xi32, #tpu.memory_space<vmem>>, vector<16xi32>,
      %get3A_1417 = arith.constant 1281 : index
      %get3A_1418 = tpu.vector_load %arg8[%get3A_1417] {strides = array<i32>} : memref<2064xi32, #tpu.memory_space<vmem>>, vector<16xi32>,
      %get3A_1419 = arith.constant 1280 : index
      %get3A_1420 = tpu.vector_load %arg9[%get3A_1419] {strides = array<i32>} : memref<2048xf32, #tpu.memory_space<vmem>>, vector<16xf32>,
      %sub3A_1421 = vector.broadcast %multiple_of3A : i32 to vector<16xi32>
      %sub3A_1422 = arith.subi %get3A_1416, %sub3A_1421 : vector<16xi32>
      %ge3A_1423 = vector.broadcast %multiple_of3A : i32 to vector<16xi32>
      %ge3A_1424 = arith.cmpi sge, %get3A_1416, %ge3A_1423 : vector<16xi32>
      %lt3A_1425 = vector.broadcast %add3A_4 : i32 to vector<16xi32>
      %lt3A_1426 = arith.cmpi slt, %get3A_1416, %lt3A_1425 : vector<16xi32>
      %and3A_1427 = arith.andi %ge3A_1424, %lt3A_1426 : vector<16xi1>
      %ne3A_1428 = arith.cmpi ne, %get3A_1416, %get3A_1418 : vector<16xi32>
      %and3A_1429 = arith.andi %and3A_1427, %ne3A_1428 : vector<16xi1>
      %gather3A_1430 = tpu.vector_load_idx %arg7[%sub3A_1422] masked %and3A_1429 : memref<25000xf32, #tpu.memory_space<vmem>>[vector<16xi32>], vector<16xf32>, vector<16xi1>
      %add3A_1431 = arith.addf %get3A_1420, %gather3A_1430 : vector<16xf32>
      tpu.vector_store_idx %arg7[%sub3A_1422], %add3A_1431 masked %and3A_1429 : memref<25000xf32, #tpu.memory_space<vmem>>[vector<16xi32>], vector<16xf32>, vector<16xi1>
      %get3A_1432 = arith.constant 1296 : index
      %get3A_1433 = tpu.vector_load %arg8[%get3A_1432] {strides = array<i32>} : memref<2064xi32, #tpu.memory_space<vmem>>, vector<16xi32>,
      %get3A_1434 = arith.constant 1297 : index
      %get3A_1435 = tpu.vector_load %arg8[%get3A_1434] {strides = array<i32>} : memref<2064xi32, #tpu.memory_space<vmem>>, vector<16xi32>,
      %get3A_1436 = arith.constant 1296 : index
      %get3A_1437 = tpu.vector_load %arg9[%get3A_1436] {strides = array<i32>} : memref<2048xf32, #tpu.memory_space<vmem>>, vector<16xf32>,
      %sub3A_1438 = vector.broadcast %multiple_of3A : i32 to vector<16xi32>
      %sub3A_1439 = arith.subi %get3A_1433, %sub3A_1438 : vector<16xi32>
      %ge3A_1440 = vector.broadcast %multiple_of3A : i32 to vector<16xi32>
      %ge3A_1441 = arith.cmpi sge, %get3A_1433, %ge3A_1440 : vector<16xi32>
      %lt3A_1442 = vector.broadcast %add3A_4 : i32 to vector<16xi32>
      %lt3A_1443 = arith.cmpi slt, %get3A_1433, %lt3A_1442 : vector<16xi32>
      %and3A_1444 = arith.andi %ge3A_1441, %lt3A_1443 : vector<16xi1>
      %ne3A_1445 = arith.cmpi ne, %get3A_1433, %get3A_1435 : vector<16xi32>
      %and3A_1446 = arith.andi %and3A_1444, %ne3A_1445 : vector<16xi1>
      %gather3A_1447 = tpu.vector_load_idx %arg7[%sub3A_1439] masked %and3A_1446 : memref<25000xf32, #tpu.memory_space<vmem>>[vector<16xi32>], vector<16xf32>, vector<16xi1>
      %add3A_1448 = arith.addf %get3A_1437, %gather3A_1447 : vector<16xf32>
      tpu.vector_store_idx %arg7[%sub3A_1439], %add3A_1448 masked %and3A_1446 : memref<25000xf32, #tpu.memory_space<vmem>>[vector<16xi32>], vector<16xf32>, vector<16xi1>
      %get3A_1449 = arith.constant 1312 : index
      %get3A_1450 = tpu.vector_load %arg8[%get3A_1449] {strides = array<i32>} : memref<2064xi32, #tpu.memory_space<vmem>>, vector<16xi32>,
      %get3A_1451 = arith.constant 1313 : index
      %get3A_1452 = tpu.vector_load %arg8[%get3A_1451] {strides = array<i32>} : memref<2064xi32, #tpu.memory_space<vmem>>, vector<16xi32>,
      %get3A_1453 = arith.constant 1312 : index
      %get3A_1454 = tpu.vector_load %arg9[%get3A_1453] {strides = array<i32>} : memref<2048xf32, #tpu.memory_space<vmem>>, vector<16xf32>,
      %sub3A_1455 = vector.broadcast %multiple_of3A : i32 to vector<16xi32>
      %sub3A_1456 = arith.subi %get3A_1450, %sub3A_1455 : vector<16xi32>
      %ge3A_1457 = vector.broadcast %multiple_of3A : i32 to vector<16xi32>
      %ge3A_1458 = arith.cmpi sge, %get3A_1450, %ge3A_1457 : vector<16xi32>
      %lt3A_1459 = vector.broadcast %add3A_4 : i32 to vector<16xi32>
      %lt3A_1460 = arith.cmpi slt, %get3A_1450, %lt3A_1459 : vector<16xi32>
      %and3A_1461 = arith.andi %ge3A_1458, %lt3A_1460 : vector<16xi1>
      %ne3A_1462 = arith.cmpi ne, %get3A_1450, %get3A_1452 : vector<16xi32>
      %and3A_1463 = arith.andi %and3A_1461, %ne3A_1462 : vector<16xi1>
      %gather3A_1464 = tpu.vector_load_idx %arg7[%sub3A_1456] masked %and3A_1463 : memref<25000xf32, #tpu.memory_space<vmem>>[vector<16xi32>], vector<16xf32>, vector<16xi1>
      %add3A_1465 = arith.addf %get3A_1454, %gather3A_1464 : vector<16xf32>
      tpu.vector_store_idx %arg7[%sub3A_1456], %add3A_1465 masked %and3A_1463 : memref<25000xf32, #tpu.memory_space<vmem>>[vector<16xi32>], vector<16xf32>, vector<16xi1>
      %get3A_1466 = arith.constant 1328 : index
      %get3A_1467 = tpu.vector_load %arg8[%get3A_1466] {strides = array<i32>} : memref<2064xi32, #tpu.memory_space<vmem>>, vector<16xi32>,
      %get3A_1468 = arith.constant 1329 : index
      %get3A_1469 = tpu.vector_load %arg8[%get3A_1468] {strides = array<i32>} : memref<2064xi32, #tpu.memory_space<vmem>>, vector<16xi32>,
      %get3A_1470 = arith.constant 1328 : index
      %get3A_1471 = tpu.vector_load %arg9[%get3A_1470] {strides = array<i32>} : memref<2048xf32, #tpu.memory_space<vmem>>, vector<16xf32>,
      %sub3A_1472 = vector.broadcast %multiple_of3A : i32 to vector<16xi32>
      %sub3A_1473 = arith.subi %get3A_1467, %sub3A_1472 : vector<16xi32>
      %ge3A_1474 = vector.broadcast %multiple_of3A : i32 to vector<16xi32>
      %ge3A_1475 = arith.cmpi sge, %get3A_1467, %ge3A_1474 : vector<16xi32>
      %lt3A_1476 = vector.broadcast %add3A_4 : i32 to vector<16xi32>
      %lt3A_1477 = arith.cmpi slt, %get3A_1467, %lt3A_1476 : vector<16xi32>
      %and3A_1478 = arith.andi %ge3A_1475, %lt3A_1477 : vector<16xi1>
      %ne3A_1479 = arith.cmpi ne, %get3A_1467, %get3A_1469 : vector<16xi32>
      %and3A_1480 = arith.andi %and3A_1478, %ne3A_1479 : vector<16xi1>
      %gather3A_1481 = tpu.vector_load_idx %arg7[%sub3A_1473] masked %and3A_1480 : memref<25000xf32, #tpu.memory_space<vmem>>[vector<16xi32>], vector<16xf32>, vector<16xi1>
      %add3A_1482 = arith.addf %get3A_1471, %gather3A_1481 : vector<16xf32>
      tpu.vector_store_idx %arg7[%sub3A_1473], %add3A_1482 masked %and3A_1480 : memref<25000xf32, #tpu.memory_space<vmem>>[vector<16xi32>], vector<16xf32>, vector<16xi1>
      %get3A_1483 = arith.constant 1344 : index
      %get3A_1484 = tpu.vector_load %arg8[%get3A_1483] {strides = array<i32>} : memref<2064xi32, #tpu.memory_space<vmem>>, vector<16xi32>,
      %get3A_1485 = arith.constant 1345 : index
      %get3A_1486 = tpu.vector_load %arg8[%get3A_1485] {strides = array<i32>} : memref<2064xi32, #tpu.memory_space<vmem>>, vector<16xi32>,
      %get3A_1487 = arith.constant 1344 : index
      %get3A_1488 = tpu.vector_load %arg9[%get3A_1487] {strides = array<i32>} : memref<2048xf32, #tpu.memory_space<vmem>>, vector<16xf32>,
      %sub3A_1489 = vector.broadcast %multiple_of3A : i32 to vector<16xi32>
      %sub3A_1490 = arith.subi %get3A_1484, %sub3A_1489 : vector<16xi32>
      %ge3A_1491 = vector.broadcast %multiple_of3A : i32 to vector<16xi32>
      %ge3A_1492 = arith.cmpi sge, %get3A_1484, %ge3A_1491 : vector<16xi32>
      %lt3A_1493 = vector.broadcast %add3A_4 : i32 to vector<16xi32>
      %lt3A_1494 = arith.cmpi slt, %get3A_1484, %lt3A_1493 : vector<16xi32>
      %and3A_1495 = arith.andi %ge3A_1492, %lt3A_1494 : vector<16xi1>
      %ne3A_1496 = arith.cmpi ne, %get3A_1484, %get3A_1486 : vector<16xi32>
      %and3A_1497 = arith.andi %and3A_1495, %ne3A_1496 : vector<16xi1>
      %gather3A_1498 = tpu.vector_load_idx %arg7[%sub3A_1490] masked %and3A_1497 : memref<25000xf32, #tpu.memory_space<vmem>>[vector<16xi32>], vector<16xf32>, vector<16xi1>
      %add3A_1499 = arith.addf %get3A_1488, %gather3A_1498 : vector<16xf32>
      tpu.vector_store_idx %arg7[%sub3A_1490], %add3A_1499 masked %and3A_1497 : memref<25000xf32, #tpu.memory_space<vmem>>[vector<16xi32>], vector<16xf32>, vector<16xi1>
      %get3A_1500 = arith.constant 1360 : index
      %get3A_1501 = tpu.vector_load %arg8[%get3A_1500] {strides = array<i32>} : memref<2064xi32, #tpu.memory_space<vmem>>, vector<16xi32>,
      %get3A_1502 = arith.constant 1361 : index
      %get3A_1503 = tpu.vector_load %arg8[%get3A_1502] {strides = array<i32>} : memref<2064xi32, #tpu.memory_space<vmem>>, vector<16xi32>,
      %get3A_1504 = arith.constant 1360 : index
      %get3A_1505 = tpu.vector_load %arg9[%get3A_1504] {strides = array<i32>} : memref<2048xf32, #tpu.memory_space<vmem>>, vector<16xf32>,
      %sub3A_1506 = vector.broadcast %multiple_of3A : i32 to vector<16xi32>
      %sub3A_1507 = arith.subi %get3A_1501, %sub3A_1506 : vector<16xi32>
      %ge3A_1508 = vector.broadcast %multiple_of3A : i32 to vector<16xi32>
      %ge3A_1509 = arith.cmpi sge, %get3A_1501, %ge3A_1508 : vector<16xi32>
      %lt3A_1510 = vector.broadcast %add3A_4 : i32 to vector<16xi32>
      %lt3A_1511 = arith.cmpi slt, %get3A_1501, %lt3A_1510 : vector<16xi32>
      %and3A_1512 = arith.andi %ge3A_1509, %lt3A_1511 : vector<16xi1>
      %ne3A_1513 = arith.cmpi ne, %get3A_1501, %get3A_1503 : vector<16xi32>
      %and3A_1514 = arith.andi %and3A_1512, %ne3A_1513 : vector<16xi1>
      %gather3A_1515 = tpu.vector_load_idx %arg7[%sub3A_1507] masked %and3A_1514 : memref<25000xf32, #tpu.memory_space<vmem>>[vector<16xi32>], vector<16xf32>, vector<16xi1>
      %add3A_1516 = arith.addf %get3A_1505, %gather3A_1515 : vector<16xf32>
      tpu.vector_store_idx %arg7[%sub3A_1507], %add3A_1516 masked %and3A_1514 : memref<25000xf32, #tpu.memory_space<vmem>>[vector<16xi32>], vector<16xf32>, vector<16xi1>
      %get3A_1517 = arith.constant 1376 : index
      %get3A_1518 = tpu.vector_load %arg8[%get3A_1517] {strides = array<i32>} : memref<2064xi32, #tpu.memory_space<vmem>>, vector<16xi32>,
      %get3A_1519 = arith.constant 1377 : index
      %get3A_1520 = tpu.vector_load %arg8[%get3A_1519] {strides = array<i32>} : memref<2064xi32, #tpu.memory_space<vmem>>, vector<16xi32>,
      %get3A_1521 = arith.constant 1376 : index
      %get3A_1522 = tpu.vector_load %arg9[%get3A_1521] {strides = array<i32>} : memref<2048xf32, #tpu.memory_space<vmem>>, vector<16xf32>,
      %sub3A_1523 = vector.broadcast %multiple_of3A : i32 to vector<16xi32>
      %sub3A_1524 = arith.subi %get3A_1518, %sub3A_1523 : vector<16xi32>
      %ge3A_1525 = vector.broadcast %multiple_of3A : i32 to vector<16xi32>
      %ge3A_1526 = arith.cmpi sge, %get3A_1518, %ge3A_1525 : vector<16xi32>
      %lt3A_1527 = vector.broadcast %add3A_4 : i32 to vector<16xi32>
      %lt3A_1528 = arith.cmpi slt, %get3A_1518, %lt3A_1527 : vector<16xi32>
      %and3A_1529 = arith.andi %ge3A_1526, %lt3A_1528 : vector<16xi1>
      %ne3A_1530 = arith.cmpi ne, %get3A_1518, %get3A_1520 : vector<16xi32>
      %and3A_1531 = arith.andi %and3A_1529, %ne3A_1530 : vector<16xi1>
      %gather3A_1532 = tpu.vector_load_idx %arg7[%sub3A_1524] masked %and3A_1531 : memref<25000xf32, #tpu.memory_space<vmem>>[vector<16xi32>], vector<16xf32>, vector<16xi1>
      %add3A_1533 = arith.addf %get3A_1522, %gather3A_1532 : vector<16xf32>
      tpu.vector_store_idx %arg7[%sub3A_1524], %add3A_1533 masked %and3A_1531 : memref<25000xf32, #tpu.memory_space<vmem>>[vector<16xi32>], vector<16xf32>, vector<16xi1>
      %get3A_1534 = arith.constant 1392 : index
      %get3A_1535 = tpu.vector_load %arg8[%get3A_1534] {strides = array<i32>} : memref<2064xi32, #tpu.memory_space<vmem>>, vector<16xi32>,
      %get3A_1536 = arith.constant 1393 : index
      %get3A_1537 = tpu.vector_load %arg8[%get3A_1536] {strides = array<i32>} : memref<2064xi32, #tpu.memory_space<vmem>>, vector<16xi32>,
      %get3A_1538 = arith.constant 1392 : index
      %get3A_1539 = tpu.vector_load %arg9[%get3A_1538] {strides = array<i32>} : memref<2048xf32, #tpu.memory_space<vmem>>, vector<16xf32>,
      %sub3A_1540 = vector.broadcast %multiple_of3A : i32 to vector<16xi32>
      %sub3A_1541 = arith.subi %get3A_1535, %sub3A_1540 : vector<16xi32>
      %ge3A_1542 = vector.broadcast %multiple_of3A : i32 to vector<16xi32>
      %ge3A_1543 = arith.cmpi sge, %get3A_1535, %ge3A_1542 : vector<16xi32>
      %lt3A_1544 = vector.broadcast %add3A_4 : i32 to vector<16xi32>
      %lt3A_1545 = arith.cmpi slt, %get3A_1535, %lt3A_1544 : vector<16xi32>
      %and3A_1546 = arith.andi %ge3A_1543, %lt3A_1545 : vector<16xi1>
      %ne3A_1547 = arith.cmpi ne, %get3A_1535, %get3A_1537 : vector<16xi32>
      %and3A_1548 = arith.andi %and3A_1546, %ne3A_1547 : vector<16xi1>
      %gather3A_1549 = tpu.vector_load_idx %arg7[%sub3A_1541] masked %and3A_1548 : memref<25000xf32, #tpu.memory_space<vmem>>[vector<16xi32>], vector<16xf32>, vector<16xi1>
      %add3A_1550 = arith.addf %get3A_1539, %gather3A_1549 : vector<16xf32>
      tpu.vector_store_idx %arg7[%sub3A_1541], %add3A_1550 masked %and3A_1548 : memref<25000xf32, #tpu.memory_space<vmem>>[vector<16xi32>], vector<16xf32>, vector<16xi1>
      %get3A_1551 = arith.constant 1408 : index
      %get3A_1552 = tpu.vector_load %arg8[%get3A_1551] {strides = array<i32>} : memref<2064xi32, #tpu.memory_space<vmem>>, vector<16xi32>,
      %get3A_1553 = arith.constant 1409 : index
      %get3A_1554 = tpu.vector_load %arg8[%get3A_1553] {strides = array<i32>} : memref<2064xi32, #tpu.memory_space<vmem>>, vector<16xi32>,
      %get3A_1555 = arith.constant 1408 : index
      %get3A_1556 = tpu.vector_load %arg9[%get3A_1555] {strides = array<i32>} : memref<2048xf32, #tpu.memory_space<vmem>>, vector<16xf32>,
      %sub3A_1557 = vector.broadcast %multiple_of3A : i32 to vector<16xi32>
      %sub3A_1558 = arith.subi %get3A_1552, %sub3A_1557 : vector<16xi32>
      %ge3A_1559 = vector.broadcast %multiple_of3A : i32 to vector<16xi32>
      %ge3A_1560 = arith.cmpi sge, %get3A_1552, %ge3A_1559 : vector<16xi32>
      %lt3A_1561 = vector.broadcast %add3A_4 : i32 to vector<16xi32>
      %lt3A_1562 = arith.cmpi slt, %get3A_1552, %lt3A_1561 : vector<16xi32>
      %and3A_1563 = arith.andi %ge3A_1560, %lt3A_1562 : vector<16xi1>
      %ne3A_1564 = arith.cmpi ne, %get3A_1552, %get3A_1554 : vector<16xi32>
      %and3A_1565 = arith.andi %and3A_1563, %ne3A_1564 : vector<16xi1>
      %gather3A_1566 = tpu.vector_load_idx %arg7[%sub3A_1558] masked %and3A_1565 : memref<25000xf32, #tpu.memory_space<vmem>>[vector<16xi32>], vector<16xf32>, vector<16xi1>
      %add3A_1567 = arith.addf %get3A_1556, %gather3A_1566 : vector<16xf32>
      tpu.vector_store_idx %arg7[%sub3A_1558], %add3A_1567 masked %and3A_1565 : memref<25000xf32, #tpu.memory_space<vmem>>[vector<16xi32>], vector<16xf32>, vector<16xi1>
      %get3A_1568 = arith.constant 1424 : index
      %get3A_1569 = tpu.vector_load %arg8[%get3A_1568] {strides = array<i32>} : memref<2064xi32, #tpu.memory_space<vmem>>, vector<16xi32>,
      %get3A_1570 = arith.constant 1425 : index
      %get3A_1571 = tpu.vector_load %arg8[%get3A_1570] {strides = array<i32>} : memref<2064xi32, #tpu.memory_space<vmem>>, vector<16xi32>,
      %get3A_1572 = arith.constant 1424 : index
      %get3A_1573 = tpu.vector_load %arg9[%get3A_1572] {strides = array<i32>} : memref<2048xf32, #tpu.memory_space<vmem>>, vector<16xf32>,
      %sub3A_1574 = vector.broadcast %multiple_of3A : i32 to vector<16xi32>
      %sub3A_1575 = arith.subi %get3A_1569, %sub3A_1574 : vector<16xi32>
      %ge3A_1576 = vector.broadcast %multiple_of3A : i32 to vector<16xi32>
      %ge3A_1577 = arith.cmpi sge, %get3A_1569, %ge3A_1576 : vector<16xi32>
      %lt3A_1578 = vector.broadcast %add3A_4 : i32 to vector<16xi32>
      %lt3A_1579 = arith.cmpi slt, %get3A_1569, %lt3A_1578 : vector<16xi32>
      %and3A_1580 = arith.andi %ge3A_1577, %lt3A_1579 : vector<16xi1>
      %ne3A_1581 = arith.cmpi ne, %get3A_1569, %get3A_1571 : vector<16xi32>
      %and3A_1582 = arith.andi %and3A_1580, %ne3A_1581 : vector<16xi1>
      %gather3A_1583 = tpu.vector_load_idx %arg7[%sub3A_1575] masked %and3A_1582 : memref<25000xf32, #tpu.memory_space<vmem>>[vector<16xi32>], vector<16xf32>, vector<16xi1>
      %add3A_1584 = arith.addf %get3A_1573, %gather3A_1583 : vector<16xf32>
      tpu.vector_store_idx %arg7[%sub3A_1575], %add3A_1584 masked %and3A_1582 : memref<25000xf32, #tpu.memory_space<vmem>>[vector<16xi32>], vector<16xf32>, vector<16xi1>
      %get3A_1585 = arith.constant 1440 : index
      %get3A_1586 = tpu.vector_load %arg8[%get3A_1585] {strides = array<i32>} : memref<2064xi32, #tpu.memory_space<vmem>>, vector<16xi32>,
      %get3A_1587 = arith.constant 1441 : index
      %get3A_1588 = tpu.vector_load %arg8[%get3A_1587] {strides = array<i32>} : memref<2064xi32, #tpu.memory_space<vmem>>, vector<16xi32>,
      %get3A_1589 = arith.constant 1440 : index
      %get3A_1590 = tpu.vector_load %arg9[%get3A_1589] {strides = array<i32>} : memref<2048xf32, #tpu.memory_space<vmem>>, vector<16xf32>,
      %sub3A_1591 = vector.broadcast %multiple_of3A : i32 to vector<16xi32>
      %sub3A_1592 = arith.subi %get3A_1586, %sub3A_1591 : vector<16xi32>
      %ge3A_1593 = vector.broadcast %multiple_of3A : i32 to vector<16xi32>
      %ge3A_1594 = arith.cmpi sge, %get3A_1586, %ge3A_1593 : vector<16xi32>
      %lt3A_1595 = vector.broadcast %add3A_4 : i32 to vector<16xi32>
      %lt3A_1596 = arith.cmpi slt, %get3A_1586, %lt3A_1595 : vector<16xi32>
      %and3A_1597 = arith.andi %ge3A_1594, %lt3A_1596 : vector<16xi1>
      %ne3A_1598 = arith.cmpi ne, %get3A_1586, %get3A_1588 : vector<16xi32>
      %and3A_1599 = arith.andi %and3A_1597, %ne3A_1598 : vector<16xi1>
      %gather3A_1600 = tpu.vector_load_idx %arg7[%sub3A_1592] masked %and3A_1599 : memref<25000xf32, #tpu.memory_space<vmem>>[vector<16xi32>], vector<16xf32>, vector<16xi1>
      %add3A_1601 = arith.addf %get3A_1590, %gather3A_1600 : vector<16xf32>
      tpu.vector_store_idx %arg7[%sub3A_1592], %add3A_1601 masked %and3A_1599 : memref<25000xf32, #tpu.memory_space<vmem>>[vector<16xi32>], vector<16xf32>, vector<16xi1>
      %get3A_1602 = arith.constant 1456 : index
      %get3A_1603 = tpu.vector_load %arg8[%get3A_1602] {strides = array<i32>} : memref<2064xi32, #tpu.memory_space<vmem>>, vector<16xi32>,
      %get3A_1604 = arith.constant 1457 : index
      %get3A_1605 = tpu.vector_load %arg8[%get3A_1604] {strides = array<i32>} : memref<2064xi32, #tpu.memory_space<vmem>>, vector<16xi32>,
      %get3A_1606 = arith.constant 1456 : index
      %get3A_1607 = tpu.vector_load %arg9[%get3A_1606] {strides = array<i32>} : memref<2048xf32, #tpu.memory_space<vmem>>, vector<16xf32>,
      %sub3A_1608 = vector.broadcast %multiple_of3A : i32 to vector<16xi32>
      %sub3A_1609 = arith.subi %get3A_1603, %sub3A_1608 : vector<16xi32>
      %ge3A_1610 = vector.broadcast %multiple_of3A : i32 to vector<16xi32>
      %ge3A_1611 = arith.cmpi sge, %get3A_1603, %ge3A_1610 : vector<16xi32>
      %lt3A_1612 = vector.broadcast %add3A_4 : i32 to vector<16xi32>
      %lt3A_1613 = arith.cmpi slt, %get3A_1603, %lt3A_1612 : vector<16xi32>
      %and3A_1614 = arith.andi %ge3A_1611, %lt3A_1613 : vector<16xi1>
      %ne3A_1615 = arith.cmpi ne, %get3A_1603, %get3A_1605 : vector<16xi32>
      %and3A_1616 = arith.andi %and3A_1614, %ne3A_1615 : vector<16xi1>
      %gather3A_1617 = tpu.vector_load_idx %arg7[%sub3A_1609] masked %and3A_1616 : memref<25000xf32, #tpu.memory_space<vmem>>[vector<16xi32>], vector<16xf32>, vector<16xi1>
      %add3A_1618 = arith.addf %get3A_1607, %gather3A_1617 : vector<16xf32>
      tpu.vector_store_idx %arg7[%sub3A_1609], %add3A_1618 masked %and3A_1616 : memref<25000xf32, #tpu.memory_space<vmem>>[vector<16xi32>], vector<16xf32>, vector<16xi1>
      %get3A_1619 = arith.constant 1472 : index
      %get3A_1620 = tpu.vector_load %arg8[%get3A_1619] {strides = array<i32>} : memref<2064xi32, #tpu.memory_space<vmem>>, vector<16xi32>,
      %get3A_1621 = arith.constant 1473 : index
      %get3A_1622 = tpu.vector_load %arg8[%get3A_1621] {strides = array<i32>} : memref<2064xi32, #tpu.memory_space<vmem>>, vector<16xi32>,
      %get3A_1623 = arith.constant 1472 : index
      %get3A_1624 = tpu.vector_load %arg9[%get3A_1623] {strides = array<i32>} : memref<2048xf32, #tpu.memory_space<vmem>>, vector<16xf32>,
      %sub3A_1625 = vector.broadcast %multiple_of3A : i32 to vector<16xi32>
      %sub3A_1626 = arith.subi %get3A_1620, %sub3A_1625 : vector<16xi32>
      %ge3A_1627 = vector.broadcast %multiple_of3A : i32 to vector<16xi32>
      %ge3A_1628 = arith.cmpi sge, %get3A_1620, %ge3A_1627 : vector<16xi32>
      %lt3A_1629 = vector.broadcast %add3A_4 : i32 to vector<16xi32>
      %lt3A_1630 = arith.cmpi slt, %get3A_1620, %lt3A_1629 : vector<16xi32>
      %and3A_1631 = arith.andi %ge3A_1628, %lt3A_1630 : vector<16xi1>
      %ne3A_1632 = arith.cmpi ne, %get3A_1620, %get3A_1622 : vector<16xi32>
      %and3A_1633 = arith.andi %and3A_1631, %ne3A_1632 : vector<16xi1>
      %gather3A_1634 = tpu.vector_load_idx %arg7[%sub3A_1626] masked %and3A_1633 : memref<25000xf32, #tpu.memory_space<vmem>>[vector<16xi32>], vector<16xf32>, vector<16xi1>
      %add3A_1635 = arith.addf %get3A_1624, %gather3A_1634 : vector<16xf32>
      tpu.vector_store_idx %arg7[%sub3A_1626], %add3A_1635 masked %and3A_1633 : memref<25000xf32, #tpu.memory_space<vmem>>[vector<16xi32>], vector<16xf32>, vector<16xi1>
      %get3A_1636 = arith.constant 1488 : index
      %get3A_1637 = tpu.vector_load %arg8[%get3A_1636] {strides = array<i32>} : memref<2064xi32, #tpu.memory_space<vmem>>, vector<16xi32>,
      %get3A_1638 = arith.constant 1489 : index
      %get3A_1639 = tpu.vector_load %arg8[%get3A_1638] {strides = array<i32>} : memref<2064xi32, #tpu.memory_space<vmem>>, vector<16xi32>,
      %get3A_1640 = arith.constant 1488 : index
      %get3A_1641 = tpu.vector_load %arg9[%get3A_1640] {strides = array<i32>} : memref<2048xf32, #tpu.memory_space<vmem>>, vector<16xf32>,
      %sub3A_1642 = vector.broadcast %multiple_of3A : i32 to vector<16xi32>
      %sub3A_1643 = arith.subi %get3A_1637, %sub3A_1642 : vector<16xi32>
      %ge3A_1644 = vector.broadcast %multiple_of3A : i32 to vector<16xi32>
      %ge3A_1645 = arith.cmpi sge, %get3A_1637, %ge3A_1644 : vector<16xi32>
      %lt3A_1646 = vector.broadcast %add3A_4 : i32 to vector<16xi32>
      %lt3A_1647 = arith.cmpi slt, %get3A_1637, %lt3A_1646 : vector<16xi32>
      %and3A_1648 = arith.andi %ge3A_1645, %lt3A_1647 : vector<16xi1>
      %ne3A_1649 = arith.cmpi ne, %get3A_1637, %get3A_1639 : vector<16xi32>
      %and3A_1650 = arith.andi %and3A_1648, %ne3A_1649 : vector<16xi1>
      %gather3A_1651 = tpu.vector_load_idx %arg7[%sub3A_1643] masked %and3A_1650 : memref<25000xf32, #tpu.memory_space<vmem>>[vector<16xi32>], vector<16xf32>, vector<16xi1>
      %add3A_1652 = arith.addf %get3A_1641, %gather3A_1651 : vector<16xf32>
      tpu.vector_store_idx %arg7[%sub3A_1643], %add3A_1652 masked %and3A_1650 : memref<25000xf32, #tpu.memory_space<vmem>>[vector<16xi32>], vector<16xf32>, vector<16xi1>
      %get3A_1653 = arith.constant 1504 : index
      %get3A_1654 = tpu.vector_load %arg8[%get3A_1653] {strides = array<i32>} : memref<2064xi32, #tpu.memory_space<vmem>>, vector<16xi32>,
      %get3A_1655 = arith.constant 1505 : index
      %get3A_1656 = tpu.vector_load %arg8[%get3A_1655] {strides = array<i32>} : memref<2064xi32, #tpu.memory_space<vmem>>, vector<16xi32>,
      %get3A_1657 = arith.constant 1504 : index
      %get3A_1658 = tpu.vector_load %arg9[%get3A_1657] {strides = array<i32>} : memref<2048xf32, #tpu.memory_space<vmem>>, vector<16xf32>,
      %sub3A_1659 = vector.broadcast %multiple_of3A : i32 to vector<16xi32>
      %sub3A_1660 = arith.subi %get3A_1654, %sub3A_1659 : vector<16xi32>
      %ge3A_1661 = vector.broadcast %multiple_of3A : i32 to vector<16xi32>
      %ge3A_1662 = arith.cmpi sge, %get3A_1654, %ge3A_1661 : vector<16xi32>
      %lt3A_1663 = vector.broadcast %add3A_4 : i32 to vector<16xi32>
      %lt3A_1664 = arith.cmpi slt, %get3A_1654, %lt3A_1663 : vector<16xi32>
      %and3A_1665 = arith.andi %ge3A_1662, %lt3A_1664 : vector<16xi1>
      %ne3A_1666 = arith.cmpi ne, %get3A_1654, %get3A_1656 : vector<16xi32>
      %and3A_1667 = arith.andi %and3A_1665, %ne3A_1666 : vector<16xi1>
      %gather3A_1668 = tpu.vector_load_idx %arg7[%sub3A_1660] masked %and3A_1667 : memref<25000xf32, #tpu.memory_space<vmem>>[vector<16xi32>], vector<16xf32>, vector<16xi1>
      %add3A_1669 = arith.addf %get3A_1658, %gather3A_1668 : vector<16xf32>
      tpu.vector_store_idx %arg7[%sub3A_1660], %add3A_1669 masked %and3A_1667 : memref<25000xf32, #tpu.memory_space<vmem>>[vector<16xi32>], vector<16xf32>, vector<16xi1>
      %get3A_1670 = arith.constant 1520 : index
      %get3A_1671 = tpu.vector_load %arg8[%get3A_1670] {strides = array<i32>} : memref<2064xi32, #tpu.memory_space<vmem>>, vector<16xi32>,
      %get3A_1672 = arith.constant 1521 : index
      %get3A_1673 = tpu.vector_load %arg8[%get3A_1672] {strides = array<i32>} : memref<2064xi32, #tpu.memory_space<vmem>>, vector<16xi32>,
      %get3A_1674 = arith.constant 1520 : index
      %get3A_1675 = tpu.vector_load %arg9[%get3A_1674] {strides = array<i32>} : memref<2048xf32, #tpu.memory_space<vmem>>, vector<16xf32>,
      %sub3A_1676 = vector.broadcast %multiple_of3A : i32 to vector<16xi32>
      %sub3A_1677 = arith.subi %get3A_1671, %sub3A_1676 : vector<16xi32>
      %ge3A_1678 = vector.broadcast %multiple_of3A : i32 to vector<16xi32>
      %ge3A_1679 = arith.cmpi sge, %get3A_1671, %ge3A_1678 : vector<16xi32>
      %lt3A_1680 = vector.broadcast %add3A_4 : i32 to vector<16xi32>
      %lt3A_1681 = arith.cmpi slt, %get3A_1671, %lt3A_1680 : vector<16xi32>
      %and3A_1682 = arith.andi %ge3A_1679, %lt3A_1681 : vector<16xi1>
      %ne3A_1683 = arith.cmpi ne, %get3A_1671, %get3A_1673 : vector<16xi32>
      %and3A_1684 = arith.andi %and3A_1682, %ne3A_1683 : vector<16xi1>
      %gather3A_1685 = tpu.vector_load_idx %arg7[%sub3A_1677] masked %and3A_1684 : memref<25000xf32, #tpu.memory_space<vmem>>[vector<16xi32>], vector<16xf32>, vector<16xi1>
      %add3A_1686 = arith.addf %get3A_1675, %gather3A_1685 : vector<16xf32>
      tpu.vector_store_idx %arg7[%sub3A_1677], %add3A_1686 masked %and3A_1684 : memref<25000xf32, #tpu.memory_space<vmem>>[vector<16xi32>], vector<16xf32>, vector<16xi1>
      %get3A_1687 = arith.constant 1536 : index
      %get3A_1688 = tpu.vector_load %arg8[%get3A_1687] {strides = array<i32>} : memref<2064xi32, #tpu.memory_space<vmem>>, vector<16xi32>,
      %get3A_1689 = arith.constant 1537 : index
      %get3A_1690 = tpu.vector_load %arg8[%get3A_1689] {strides = array<i32>} : memref<2064xi32, #tpu.memory_space<vmem>>, vector<16xi32>,
      %get3A_1691 = arith.constant 1536 : index
      %get3A_1692 = tpu.vector_load %arg9[%get3A_1691] {strides = array<i32>} : memref<2048xf32, #tpu.memory_space<vmem>>, vector<16xf32>,
      %sub3A_1693 = vector.broadcast %multiple_of3A : i32 to vector<16xi32>
      %sub3A_1694 = arith.subi %get3A_1688, %sub3A_1693 : vector<16xi32>
      %ge3A_1695 = vector.broadcast %multiple_of3A : i32 to vector<16xi32>
      %ge3A_1696 = arith.cmpi sge, %get3A_1688, %ge3A_1695 : vector<16xi32>
      %lt3A_1697 = vector.broadcast %add3A_4 : i32 to vector<16xi32>
      %lt3A_1698 = arith.cmpi slt, %get3A_1688, %lt3A_1697 : vector<16xi32>
      %and3A_1699 = arith.andi %ge3A_1696, %lt3A_1698 : vector<16xi1>
      %ne3A_1700 = arith.cmpi ne, %get3A_1688, %get3A_1690 : vector<16xi32>
      %and3A_1701 = arith.andi %and3A_1699, %ne3A_1700 : vector<16xi1>
      %gather3A_1702 = tpu.vector_load_idx %arg7[%sub3A_1694] masked %and3A_1701 : memref<25000xf32, #tpu.memory_space<vmem>>[vector<16xi32>], vector<16xf32>, vector<16xi1>
      %add3A_1703 = arith.addf %get3A_1692, %gather3A_1702 : vector<16xf32>
      tpu.vector_store_idx %arg7[%sub3A_1694], %add3A_1703 masked %and3A_1701 : memref<25000xf32, #tpu.memory_space<vmem>>[vector<16xi32>], vector<16xf32>, vector<16xi1>
      %get3A_1704 = arith.constant 1552 : index
      %get3A_1705 = tpu.vector_load %arg8[%get3A_1704] {strides = array<i32>} : memref<2064xi32, #tpu.memory_space<vmem>>, vector<16xi32>,
      %get3A_1706 = arith.constant 1553 : index
      %get3A_1707 = tpu.vector_load %arg8[%get3A_1706] {strides = array<i32>} : memref<2064xi32, #tpu.memory_space<vmem>>, vector<16xi32>,
      %get3A_1708 = arith.constant 1552 : index
      %get3A_1709 = tpu.vector_load %arg9[%get3A_1708] {strides = array<i32>} : memref<2048xf32, #tpu.memory_space<vmem>>, vector<16xf32>,
      %sub3A_1710 = vector.broadcast %multiple_of3A : i32 to vector<16xi32>
      %sub3A_1711 = arith.subi %get3A_1705, %sub3A_1710 : vector<16xi32>
      %ge3A_1712 = vector.broadcast %multiple_of3A : i32 to vector<16xi32>
      %ge3A_1713 = arith.cmpi sge, %get3A_1705, %ge3A_1712 : vector<16xi32>
      %lt3A_1714 = vector.broadcast %add3A_4 : i32 to vector<16xi32>
      %lt3A_1715 = arith.cmpi slt, %get3A_1705, %lt3A_1714 : vector<16xi32>
      %and3A_1716 = arith.andi %ge3A_1713, %lt3A_1715 : vector<16xi1>
      %ne3A_1717 = arith.cmpi ne, %get3A_1705, %get3A_1707 : vector<16xi32>
      %and3A_1718 = arith.andi %and3A_1716, %ne3A_1717 : vector<16xi1>
      %gather3A_1719 = tpu.vector_load_idx %arg7[%sub3A_1711] masked %and3A_1718 : memref<25000xf32, #tpu.memory_space<vmem>>[vector<16xi32>], vector<16xf32>, vector<16xi1>
      %add3A_1720 = arith.addf %get3A_1709, %gather3A_1719 : vector<16xf32>
      tpu.vector_store_idx %arg7[%sub3A_1711], %add3A_1720 masked %and3A_1718 : memref<25000xf32, #tpu.memory_space<vmem>>[vector<16xi32>], vector<16xf32>, vector<16xi1>
      %get3A_1721 = arith.constant 1568 : index
      %get3A_1722 = tpu.vector_load %arg8[%get3A_1721] {strides = array<i32>} : memref<2064xi32, #tpu.memory_space<vmem>>, vector<16xi32>,
      %get3A_1723 = arith.constant 1569 : index
      %get3A_1724 = tpu.vector_load %arg8[%get3A_1723] {strides = array<i32>} : memref<2064xi32, #tpu.memory_space<vmem>>, vector<16xi32>,
      %get3A_1725 = arith.constant 1568 : index
      %get3A_1726 = tpu.vector_load %arg9[%get3A_1725] {strides = array<i32>} : memref<2048xf32, #tpu.memory_space<vmem>>, vector<16xf32>,
      %sub3A_1727 = vector.broadcast %multiple_of3A : i32 to vector<16xi32>
      %sub3A_1728 = arith.subi %get3A_1722, %sub3A_1727 : vector<16xi32>
      %ge3A_1729 = vector.broadcast %multiple_of3A : i32 to vector<16xi32>
      %ge3A_1730 = arith.cmpi sge, %get3A_1722, %ge3A_1729 : vector<16xi32>
      %lt3A_1731 = vector.broadcast %add3A_4 : i32 to vector<16xi32>
      %lt3A_1732 = arith.cmpi slt, %get3A_1722, %lt3A_1731 : vector<16xi32>
      %and3A_1733 = arith.andi %ge3A_1730, %lt3A_1732 : vector<16xi1>
      %ne3A_1734 = arith.cmpi ne, %get3A_1722, %get3A_1724 : vector<16xi32>
      %and3A_1735 = arith.andi %and3A_1733, %ne3A_1734 : vector<16xi1>
      %gather3A_1736 = tpu.vector_load_idx %arg7[%sub3A_1728] masked %and3A_1735 : memref<25000xf32, #tpu.memory_space<vmem>>[vector<16xi32>], vector<16xf32>, vector<16xi1>
      %add3A_1737 = arith.addf %get3A_1726, %gather3A_1736 : vector<16xf32>
      tpu.vector_store_idx %arg7[%sub3A_1728], %add3A_1737 masked %and3A_1735 : memref<25000xf32, #tpu.memory_space<vmem>>[vector<16xi32>], vector<16xf32>, vector<16xi1>
      %get3A_1738 = arith.constant 1584 : index
      %get3A_1739 = tpu.vector_load %arg8[%get3A_1738] {strides = array<i32>} : memref<2064xi32, #tpu.memory_space<vmem>>, vector<16xi32>,
      %get3A_1740 = arith.constant 1585 : index
      %get3A_1741 = tpu.vector_load %arg8[%get3A_1740] {strides = array<i32>} : memref<2064xi32, #tpu.memory_space<vmem>>, vector<16xi32>,
      %get3A_1742 = arith.constant 1584 : index
      %get3A_1743 = tpu.vector_load %arg9[%get3A_1742] {strides = array<i32>} : memref<2048xf32, #tpu.memory_space<vmem>>, vector<16xf32>,
      %sub3A_1744 = vector.broadcast %multiple_of3A : i32 to vector<16xi32>
      %sub3A_1745 = arith.subi %get3A_1739, %sub3A_1744 : vector<16xi32>
      %ge3A_1746 = vector.broadcast %multiple_of3A : i32 to vector<16xi32>
      %ge3A_1747 = arith.cmpi sge, %get3A_1739, %ge3A_1746 : vector<16xi32>
      %lt3A_1748 = vector.broadcast %add3A_4 : i32 to vector<16xi32>
      %lt3A_1749 = arith.cmpi slt, %get3A_1739, %lt3A_1748 : vector<16xi32>
      %and3A_1750 = arith.andi %ge3A_1747, %lt3A_1749 : vector<16xi1>
      %ne3A_1751 = arith.cmpi ne, %get3A_1739, %get3A_1741 : vector<16xi32>
      %and3A_1752 = arith.andi %and3A_1750, %ne3A_1751 : vector<16xi1>
      %gather3A_1753 = tpu.vector_load_idx %arg7[%sub3A_1745] masked %and3A_1752 : memref<25000xf32, #tpu.memory_space<vmem>>[vector<16xi32>], vector<16xf32>, vector<16xi1>
      %add3A_1754 = arith.addf %get3A_1743, %gather3A_1753 : vector<16xf32>
      tpu.vector_store_idx %arg7[%sub3A_1745], %add3A_1754 masked %and3A_1752 : memref<25000xf32, #tpu.memory_space<vmem>>[vector<16xi32>], vector<16xf32>, vector<16xi1>
      %get3A_1755 = arith.constant 1600 : index
      %get3A_1756 = tpu.vector_load %arg8[%get3A_1755] {strides = array<i32>} : memref<2064xi32, #tpu.memory_space<vmem>>, vector<16xi32>,
      %get3A_1757 = arith.constant 1601 : index
      %get3A_1758 = tpu.vector_load %arg8[%get3A_1757] {strides = array<i32>} : memref<2064xi32, #tpu.memory_space<vmem>>, vector<16xi32>,
      %get3A_1759 = arith.constant 1600 : index
      %get3A_1760 = tpu.vector_load %arg9[%get3A_1759] {strides = array<i32>} : memref<2048xf32, #tpu.memory_space<vmem>>, vector<16xf32>,
      %sub3A_1761 = vector.broadcast %multiple_of3A : i32 to vector<16xi32>
      %sub3A_1762 = arith.subi %get3A_1756, %sub3A_1761 : vector<16xi32>
      %ge3A_1763 = vector.broadcast %multiple_of3A : i32 to vector<16xi32>
      %ge3A_1764 = arith.cmpi sge, %get3A_1756, %ge3A_1763 : vector<16xi32>
      %lt3A_1765 = vector.broadcast %add3A_4 : i32 to vector<16xi32>
      %lt3A_1766 = arith.cmpi slt, %get3A_1756, %lt3A_1765 : vector<16xi32>
      %and3A_1767 = arith.andi %ge3A_1764, %lt3A_1766 : vector<16xi1>
      %ne3A_1768 = arith.cmpi ne, %get3A_1756, %get3A_1758 : vector<16xi32>
      %and3A_1769 = arith.andi %and3A_1767, %ne3A_1768 : vector<16xi1>
      %gather3A_1770 = tpu.vector_load_idx %arg7[%sub3A_1762] masked %and3A_1769 : memref<25000xf32, #tpu.memory_space<vmem>>[vector<16xi32>], vector<16xf32>, vector<16xi1>
      %add3A_1771 = arith.addf %get3A_1760, %gather3A_1770 : vector<16xf32>
      tpu.vector_store_idx %arg7[%sub3A_1762], %add3A_1771 masked %and3A_1769 : memref<25000xf32, #tpu.memory_space<vmem>>[vector<16xi32>], vector<16xf32>, vector<16xi1>
      %get3A_1772 = arith.constant 1616 : index
      %get3A_1773 = tpu.vector_load %arg8[%get3A_1772] {strides = array<i32>} : memref<2064xi32, #tpu.memory_space<vmem>>, vector<16xi32>,
      %get3A_1774 = arith.constant 1617 : index
      %get3A_1775 = tpu.vector_load %arg8[%get3A_1774] {strides = array<i32>} : memref<2064xi32, #tpu.memory_space<vmem>>, vector<16xi32>,
      %get3A_1776 = arith.constant 1616 : index
      %get3A_1777 = tpu.vector_load %arg9[%get3A_1776] {strides = array<i32>} : memref<2048xf32, #tpu.memory_space<vmem>>, vector<16xf32>,
      %sub3A_1778 = vector.broadcast %multiple_of3A : i32 to vector<16xi32>
      %sub3A_1779 = arith.subi %get3A_1773, %sub3A_1778 : vector<16xi32>
      %ge3A_1780 = vector.broadcast %multiple_of3A : i32 to vector<16xi32>
      %ge3A_1781 = arith.cmpi sge, %get3A_1773, %ge3A_1780 : vector<16xi32>
      %lt3A_1782 = vector.broadcast %add3A_4 : i32 to vector<16xi32>
      %lt3A_1783 = arith.cmpi slt, %get3A_1773, %lt3A_1782 : vector<16xi32>
      %and3A_1784 = arith.andi %ge3A_1781, %lt3A_1783 : vector<16xi1>
      %ne3A_1785 = arith.cmpi ne, %get3A_1773, %get3A_1775 : vector<16xi32>
      %and3A_1786 = arith.andi %and3A_1784, %ne3A_1785 : vector<16xi1>
      %gather3A_1787 = tpu.vector_load_idx %arg7[%sub3A_1779] masked %and3A_1786 : memref<25000xf32, #tpu.memory_space<vmem>>[vector<16xi32>], vector<16xf32>, vector<16xi1>
      %add3A_1788 = arith.addf %get3A_1777, %gather3A_1787 : vector<16xf32>
      tpu.vector_store_idx %arg7[%sub3A_1779], %add3A_1788 masked %and3A_1786 : memref<25000xf32, #tpu.memory_space<vmem>>[vector<16xi32>], vector<16xf32>, vector<16xi1>
      %get3A_1789 = arith.constant 1632 : index
      %get3A_1790 = tpu.vector_load %arg8[%get3A_1789] {strides = array<i32>} : memref<2064xi32, #tpu.memory_space<vmem>>, vector<16xi32>,
      %get3A_1791 = arith.constant 1633 : index
      %get3A_1792 = tpu.vector_load %arg8[%get3A_1791] {strides = array<i32>} : memref<2064xi32, #tpu.memory_space<vmem>>, vector<16xi32>,
      %get3A_1793 = arith.constant 1632 : index
      %get3A_1794 = tpu.vector_load %arg9[%get3A_1793] {strides = array<i32>} : memref<2048xf32, #tpu.memory_space<vmem>>, vector<16xf32>,
      %sub3A_1795 = vector.broadcast %multiple_of3A : i32 to vector<16xi32>
      %sub3A_1796 = arith.subi %get3A_1790, %sub3A_1795 : vector<16xi32>
      %ge3A_1797 = vector.broadcast %multiple_of3A : i32 to vector<16xi32>
      %ge3A_1798 = arith.cmpi sge, %get3A_1790, %ge3A_1797 : vector<16xi32>
      %lt3A_1799 = vector.broadcast %add3A_4 : i32 to vector<16xi32>
      %lt3A_1800 = arith.cmpi slt, %get3A_1790, %lt3A_1799 : vector<16xi32>
      %and3A_1801 = arith.andi %ge3A_1798, %lt3A_1800 : vector<16xi1>
      %ne3A_1802 = arith.cmpi ne, %get3A_1790, %get3A_1792 : vector<16xi32>
      %and3A_1803 = arith.andi %and3A_1801, %ne3A_1802 : vector<16xi1>
      %gather3A_1804 = tpu.vector_load_idx %arg7[%sub3A_1796] masked %and3A_1803 : memref<25000xf32, #tpu.memory_space<vmem>>[vector<16xi32>], vector<16xf32>, vector<16xi1>
      %add3A_1805 = arith.addf %get3A_1794, %gather3A_1804 : vector<16xf32>
      tpu.vector_store_idx %arg7[%sub3A_1796], %add3A_1805 masked %and3A_1803 : memref<25000xf32, #tpu.memory_space<vmem>>[vector<16xi32>], vector<16xf32>, vector<16xi1>
      %get3A_1806 = arith.constant 1648 : index
      %get3A_1807 = tpu.vector_load %arg8[%get3A_1806] {strides = array<i32>} : memref<2064xi32, #tpu.memory_space<vmem>>, vector<16xi32>,
      %get3A_1808 = arith.constant 1649 : index
      %get3A_1809 = tpu.vector_load %arg8[%get3A_1808] {strides = array<i32>} : memref<2064xi32, #tpu.memory_space<vmem>>, vector<16xi32>,
      %get3A_1810 = arith.constant 1648 : index
      %get3A_1811 = tpu.vector_load %arg9[%get3A_1810] {strides = array<i32>} : memref<2048xf32, #tpu.memory_space<vmem>>, vector<16xf32>,
      %sub3A_1812 = vector.broadcast %multiple_of3A : i32 to vector<16xi32>
      %sub3A_1813 = arith.subi %get3A_1807, %sub3A_1812 : vector<16xi32>
      %ge3A_1814 = vector.broadcast %multiple_of3A : i32 to vector<16xi32>
      %ge3A_1815 = arith.cmpi sge, %get3A_1807, %ge3A_1814 : vector<16xi32>
      %lt3A_1816 = vector.broadcast %add3A_4 : i32 to vector<16xi32>
      %lt3A_1817 = arith.cmpi slt, %get3A_1807, %lt3A_1816 : vector<16xi32>
      %and3A_1818 = arith.andi %ge3A_1815, %lt3A_1817 : vector<16xi1>
      %ne3A_1819 = arith.cmpi ne, %get3A_1807, %get3A_1809 : vector<16xi32>
      %and3A_1820 = arith.andi %and3A_1818, %ne3A_1819 : vector<16xi1>
      %gather3A_1821 = tpu.vector_load_idx %arg7[%sub3A_1813] masked %and3A_1820 : memref<25000xf32, #tpu.memory_space<vmem>>[vector<16xi32>], vector<16xf32>, vector<16xi1>
      %add3A_1822 = arith.addf %get3A_1811, %gather3A_1821 : vector<16xf32>
      tpu.vector_store_idx %arg7[%sub3A_1813], %add3A_1822 masked %and3A_1820 : memref<25000xf32, #tpu.memory_space<vmem>>[vector<16xi32>], vector<16xf32>, vector<16xi1>
      %get3A_1823 = arith.constant 1664 : index
      %get3A_1824 = tpu.vector_load %arg8[%get3A_1823] {strides = array<i32>} : memref<2064xi32, #tpu.memory_space<vmem>>, vector<16xi32>,
      %get3A_1825 = arith.constant 1665 : index
      %get3A_1826 = tpu.vector_load %arg8[%get3A_1825] {strides = array<i32>} : memref<2064xi32, #tpu.memory_space<vmem>>, vector<16xi32>,
      %get3A_1827 = arith.constant 1664 : index
      %get3A_1828 = tpu.vector_load %arg9[%get3A_1827] {strides = array<i32>} : memref<2048xf32, #tpu.memory_space<vmem>>, vector<16xf32>,
      %sub3A_1829 = vector.broadcast %multiple_of3A : i32 to vector<16xi32>
      %sub3A_1830 = arith.subi %get3A_1824, %sub3A_1829 : vector<16xi32>
      %ge3A_1831 = vector.broadcast %multiple_of3A : i32 to vector<16xi32>
      %ge3A_1832 = arith.cmpi sge, %get3A_1824, %ge3A_1831 : vector<16xi32>
      %lt3A_1833 = vector.broadcast %add3A_4 : i32 to vector<16xi32>
      %lt3A_1834 = arith.cmpi slt, %get3A_1824, %lt3A_1833 : vector<16xi32>
      %and3A_1835 = arith.andi %ge3A_1832, %lt3A_1834 : vector<16xi1>
      %ne3A_1836 = arith.cmpi ne, %get3A_1824, %get3A_1826 : vector<16xi32>
      %and3A_1837 = arith.andi %and3A_1835, %ne3A_1836 : vector<16xi1>
      %gather3A_1838 = tpu.vector_load_idx %arg7[%sub3A_1830] masked %and3A_1837 : memref<25000xf32, #tpu.memory_space<vmem>>[vector<16xi32>], vector<16xf32>, vector<16xi1>
      %add3A_1839 = arith.addf %get3A_1828, %gather3A_1838 : vector<16xf32>
      tpu.vector_store_idx %arg7[%sub3A_1830], %add3A_1839 masked %and3A_1837 : memref<25000xf32, #tpu.memory_space<vmem>>[vector<16xi32>], vector<16xf32>, vector<16xi1>
      %get3A_1840 = arith.constant 1680 : index
      %get3A_1841 = tpu.vector_load %arg8[%get3A_1840] {strides = array<i32>} : memref<2064xi32, #tpu.memory_space<vmem>>, vector<16xi32>,
      %get3A_1842 = arith.constant 1681 : index
      %get3A_1843 = tpu.vector_load %arg8[%get3A_1842] {strides = array<i32>} : memref<2064xi32, #tpu.memory_space<vmem>>, vector<16xi32>,
      %get3A_1844 = arith.constant 1680 : index
      %get3A_1845 = tpu.vector_load %arg9[%get3A_1844] {strides = array<i32>} : memref<2048xf32, #tpu.memory_space<vmem>>, vector<16xf32>,
      %sub3A_1846 = vector.broadcast %multiple_of3A : i32 to vector<16xi32>
      %sub3A_1847 = arith.subi %get3A_1841, %sub3A_1846 : vector<16xi32>
      %ge3A_1848 = vector.broadcast %multiple_of3A : i32 to vector<16xi32>
      %ge3A_1849 = arith.cmpi sge, %get3A_1841, %ge3A_1848 : vector<16xi32>
      %lt3A_1850 = vector.broadcast %add3A_4 : i32 to vector<16xi32>
      %lt3A_1851 = arith.cmpi slt, %get3A_1841, %lt3A_1850 : vector<16xi32>
      %and3A_1852 = arith.andi %ge3A_1849, %lt3A_1851 : vector<16xi1>
      %ne3A_1853 = arith.cmpi ne, %get3A_1841, %get3A_1843 : vector<16xi32>
      %and3A_1854 = arith.andi %and3A_1852, %ne3A_1853 : vector<16xi1>
      %gather3A_1855 = tpu.vector_load_idx %arg7[%sub3A_1847] masked %and3A_1854 : memref<25000xf32, #tpu.memory_space<vmem>>[vector<16xi32>], vector<16xf32>, vector<16xi1>
      %add3A_1856 = arith.addf %get3A_1845, %gather3A_1855 : vector<16xf32>
      tpu.vector_store_idx %arg7[%sub3A_1847], %add3A_1856 masked %and3A_1854 : memref<25000xf32, #tpu.memory_space<vmem>>[vector<16xi32>], vector<16xf32>, vector<16xi1>
      %get3A_1857 = arith.constant 1696 : index
      %get3A_1858 = tpu.vector_load %arg8[%get3A_1857] {strides = array<i32>} : memref<2064xi32, #tpu.memory_space<vmem>>, vector<16xi32>,
      %get3A_1859 = arith.constant 1697 : index
      %get3A_1860 = tpu.vector_load %arg8[%get3A_1859] {strides = array<i32>} : memref<2064xi32, #tpu.memory_space<vmem>>, vector<16xi32>,
      %get3A_1861 = arith.constant 1696 : index
      %get3A_1862 = tpu.vector_load %arg9[%get3A_1861] {strides = array<i32>} : memref<2048xf32, #tpu.memory_space<vmem>>, vector<16xf32>,
      %sub3A_1863 = vector.broadcast %multiple_of3A : i32 to vector<16xi32>
      %sub3A_1864 = arith.subi %get3A_1858, %sub3A_1863 : vector<16xi32>
      %ge3A_1865 = vector.broadcast %multiple_of3A : i32 to vector<16xi32>
      %ge3A_1866 = arith.cmpi sge, %get3A_1858, %ge3A_1865 : vector<16xi32>
      %lt3A_1867 = vector.broadcast %add3A_4 : i32 to vector<16xi32>
      %lt3A_1868 = arith.cmpi slt, %get3A_1858, %lt3A_1867 : vector<16xi32>
      %and3A_1869 = arith.andi %ge3A_1866, %lt3A_1868 : vector<16xi1>
      %ne3A_1870 = arith.cmpi ne, %get3A_1858, %get3A_1860 : vector<16xi32>
      %and3A_1871 = arith.andi %and3A_1869, %ne3A_1870 : vector<16xi1>
      %gather3A_1872 = tpu.vector_load_idx %arg7[%sub3A_1864] masked %and3A_1871 : memref<25000xf32, #tpu.memory_space<vmem>>[vector<16xi32>], vector<16xf32>, vector<16xi1>
      %add3A_1873 = arith.addf %get3A_1862, %gather3A_1872 : vector<16xf32>
      tpu.vector_store_idx %arg7[%sub3A_1864], %add3A_1873 masked %and3A_1871 : memref<25000xf32, #tpu.memory_space<vmem>>[vector<16xi32>], vector<16xf32>, vector<16xi1>
      %get3A_1874 = arith.constant 1712 : index
      %get3A_1875 = tpu.vector_load %arg8[%get3A_1874] {strides = array<i32>} : memref<2064xi32, #tpu.memory_space<vmem>>, vector<16xi32>,
      %get3A_1876 = arith.constant 1713 : index
      %get3A_1877 = tpu.vector_load %arg8[%get3A_1876] {strides = array<i32>} : memref<2064xi32, #tpu.memory_space<vmem>>, vector<16xi32>,
      %get3A_1878 = arith.constant 1712 : index
      %get3A_1879 = tpu.vector_load %arg9[%get3A_1878] {strides = array<i32>} : memref<2048xf32, #tpu.memory_space<vmem>>, vector<16xf32>,
      %sub3A_1880 = vector.broadcast %multiple_of3A : i32 to vector<16xi32>
      %sub3A_1881 = arith.subi %get3A_1875, %sub3A_1880 : vector<16xi32>
      %ge3A_1882 = vector.broadcast %multiple_of3A : i32 to vector<16xi32>
      %ge3A_1883 = arith.cmpi sge, %get3A_1875, %ge3A_1882 : vector<16xi32>
      %lt3A_1884 = vector.broadcast %add3A_4 : i32 to vector<16xi32>
      %lt3A_1885 = arith.cmpi slt, %get3A_1875, %lt3A_1884 : vector<16xi32>
      %and3A_1886 = arith.andi %ge3A_1883, %lt3A_1885 : vector<16xi1>
      %ne3A_1887 = arith.cmpi ne, %get3A_1875, %get3A_1877 : vector<16xi32>
      %and3A_1888 = arith.andi %and3A_1886, %ne3A_1887 : vector<16xi1>
      %gather3A_1889 = tpu.vector_load_idx %arg7[%sub3A_1881] masked %and3A_1888 : memref<25000xf32, #tpu.memory_space<vmem>>[vector<16xi32>], vector<16xf32>, vector<16xi1>
      %add3A_1890 = arith.addf %get3A_1879, %gather3A_1889 : vector<16xf32>
      tpu.vector_store_idx %arg7[%sub3A_1881], %add3A_1890 masked %and3A_1888 : memref<25000xf32, #tpu.memory_space<vmem>>[vector<16xi32>], vector<16xf32>, vector<16xi1>
      %get3A_1891 = arith.constant 1728 : index
      %get3A_1892 = tpu.vector_load %arg8[%get3A_1891] {strides = array<i32>} : memref<2064xi32, #tpu.memory_space<vmem>>, vector<16xi32>,
      %get3A_1893 = arith.constant 1729 : index
      %get3A_1894 = tpu.vector_load %arg8[%get3A_1893] {strides = array<i32>} : memref<2064xi32, #tpu.memory_space<vmem>>, vector<16xi32>,
      %get3A_1895 = arith.constant 1728 : index
      %get3A_1896 = tpu.vector_load %arg9[%get3A_1895] {strides = array<i32>} : memref<2048xf32, #tpu.memory_space<vmem>>, vector<16xf32>,
      %sub3A_1897 = vector.broadcast %multiple_of3A : i32 to vector<16xi32>
      %sub3A_1898 = arith.subi %get3A_1892, %sub3A_1897 : vector<16xi32>
      %ge3A_1899 = vector.broadcast %multiple_of3A : i32 to vector<16xi32>
      %ge3A_1900 = arith.cmpi sge, %get3A_1892, %ge3A_1899 : vector<16xi32>
      %lt3A_1901 = vector.broadcast %add3A_4 : i32 to vector<16xi32>
      %lt3A_1902 = arith.cmpi slt, %get3A_1892, %lt3A_1901 : vector<16xi32>
      %and3A_1903 = arith.andi %ge3A_1900, %lt3A_1902 : vector<16xi1>
      %ne3A_1904 = arith.cmpi ne, %get3A_1892, %get3A_1894 : vector<16xi32>
      %and3A_1905 = arith.andi %and3A_1903, %ne3A_1904 : vector<16xi1>
      %gather3A_1906 = tpu.vector_load_idx %arg7[%sub3A_1898] masked %and3A_1905 : memref<25000xf32, #tpu.memory_space<vmem>>[vector<16xi32>], vector<16xf32>, vector<16xi1>
      %add3A_1907 = arith.addf %get3A_1896, %gather3A_1906 : vector<16xf32>
      tpu.vector_store_idx %arg7[%sub3A_1898], %add3A_1907 masked %and3A_1905 : memref<25000xf32, #tpu.memory_space<vmem>>[vector<16xi32>], vector<16xf32>, vector<16xi1>
      %get3A_1908 = arith.constant 1744 : index
      %get3A_1909 = tpu.vector_load %arg8[%get3A_1908] {strides = array<i32>} : memref<2064xi32, #tpu.memory_space<vmem>>, vector<16xi32>,
      %get3A_1910 = arith.constant 1745 : index
      %get3A_1911 = tpu.vector_load %arg8[%get3A_1910] {strides = array<i32>} : memref<2064xi32, #tpu.memory_space<vmem>>, vector<16xi32>,
      %get3A_1912 = arith.constant 1744 : index
      %get3A_1913 = tpu.vector_load %arg9[%get3A_1912] {strides = array<i32>} : memref<2048xf32, #tpu.memory_space<vmem>>, vector<16xf32>,
      %sub3A_1914 = vector.broadcast %multiple_of3A : i32 to vector<16xi32>
      %sub3A_1915 = arith.subi %get3A_1909, %sub3A_1914 : vector<16xi32>
      %ge3A_1916 = vector.broadcast %multiple_of3A : i32 to vector<16xi32>
      %ge3A_1917 = arith.cmpi sge, %get3A_1909, %ge3A_1916 : vector<16xi32>
      %lt3A_1918 = vector.broadcast %add3A_4 : i32 to vector<16xi32>
      %lt3A_1919 = arith.cmpi slt, %get3A_1909, %lt3A_1918 : vector<16xi32>
      %and3A_1920 = arith.andi %ge3A_1917, %lt3A_1919 : vector<16xi1>
      %ne3A_1921 = arith.cmpi ne, %get3A_1909, %get3A_1911 : vector<16xi32>
      %and3A_1922 = arith.andi %and3A_1920, %ne3A_1921 : vector<16xi1>
      %gather3A_1923 = tpu.vector_load_idx %arg7[%sub3A_1915] masked %and3A_1922 : memref<25000xf32, #tpu.memory_space<vmem>>[vector<16xi32>], vector<16xf32>, vector<16xi1>
      %add3A_1924 = arith.addf %get3A_1913, %gather3A_1923 : vector<16xf32>
      tpu.vector_store_idx %arg7[%sub3A_1915], %add3A_1924 masked %and3A_1922 : memref<25000xf32, #tpu.memory_space<vmem>>[vector<16xi32>], vector<16xf32>, vector<16xi1>
      %get3A_1925 = arith.constant 1760 : index
      %get3A_1926 = tpu.vector_load %arg8[%get3A_1925] {strides = array<i32>} : memref<2064xi32, #tpu.memory_space<vmem>>, vector<16xi32>,
      %get3A_1927 = arith.constant 1761 : index
      %get3A_1928 = tpu.vector_load %arg8[%get3A_1927] {strides = array<i32>} : memref<2064xi32, #tpu.memory_space<vmem>>, vector<16xi32>,
      %get3A_1929 = arith.constant 1760 : index
      %get3A_1930 = tpu.vector_load %arg9[%get3A_1929] {strides = array<i32>} : memref<2048xf32, #tpu.memory_space<vmem>>, vector<16xf32>,
      %sub3A_1931 = vector.broadcast %multiple_of3A : i32 to vector<16xi32>
      %sub3A_1932 = arith.subi %get3A_1926, %sub3A_1931 : vector<16xi32>
      %ge3A_1933 = vector.broadcast %multiple_of3A : i32 to vector<16xi32>
      %ge3A_1934 = arith.cmpi sge, %get3A_1926, %ge3A_1933 : vector<16xi32>
      %lt3A_1935 = vector.broadcast %add3A_4 : i32 to vector<16xi32>
      %lt3A_1936 = arith.cmpi slt, %get3A_1926, %lt3A_1935 : vector<16xi32>
      %and3A_1937 = arith.andi %ge3A_1934, %lt3A_1936 : vector<16xi1>
      %ne3A_1938 = arith.cmpi ne, %get3A_1926, %get3A_1928 : vector<16xi32>
      %and3A_1939 = arith.andi %and3A_1937, %ne3A_1938 : vector<16xi1>
      %gather3A_1940 = tpu.vector_load_idx %arg7[%sub3A_1932] masked %and3A_1939 : memref<25000xf32, #tpu.memory_space<vmem>>[vector<16xi32>], vector<16xf32>, vector<16xi1>
      %add3A_1941 = arith.addf %get3A_1930, %gather3A_1940 : vector<16xf32>
      tpu.vector_store_idx %arg7[%sub3A_1932], %add3A_1941 masked %and3A_1939 : memref<25000xf32, #tpu.memory_space<vmem>>[vector<16xi32>], vector<16xf32>, vector<16xi1>
      %get3A_1942 = arith.constant 1776 : index
      %get3A_1943 = tpu.vector_load %arg8[%get3A_1942] {strides = array<i32>} : memref<2064xi32, #tpu.memory_space<vmem>>, vector<16xi32>,
      %get3A_1944 = arith.constant 1777 : index
      %get3A_1945 = tpu.vector_load %arg8[%get3A_1944] {strides = array<i32>} : memref<2064xi32, #tpu.memory_space<vmem>>, vector<16xi32>,
      %get3A_1946 = arith.constant 1776 : index
      %get3A_1947 = tpu.vector_load %arg9[%get3A_1946] {strides = array<i32>} : memref<2048xf32, #tpu.memory_space<vmem>>, vector<16xf32>,
      %sub3A_1948 = vector.broadcast %multiple_of3A : i32 to vector<16xi32>
      %sub3A_1949 = arith.subi %get3A_1943, %sub3A_1948 : vector<16xi32>
      %ge3A_1950 = vector.broadcast %multiple_of3A : i32 to vector<16xi32>
      %ge3A_1951 = arith.cmpi sge, %get3A_1943, %ge3A_1950 : vector<16xi32>
      %lt3A_1952 = vector.broadcast %add3A_4 : i32 to vector<16xi32>
      %lt3A_1953 = arith.cmpi slt, %get3A_1943, %lt3A_1952 : vector<16xi32>
      %and3A_1954 = arith.andi %ge3A_1951, %lt3A_1953 : vector<16xi1>
      %ne3A_1955 = arith.cmpi ne, %get3A_1943, %get3A_1945 : vector<16xi32>
      %and3A_1956 = arith.andi %and3A_1954, %ne3A_1955 : vector<16xi1>
      %gather3A_1957 = tpu.vector_load_idx %arg7[%sub3A_1949] masked %and3A_1956 : memref<25000xf32, #tpu.memory_space<vmem>>[vector<16xi32>], vector<16xf32>, vector<16xi1>
      %add3A_1958 = arith.addf %get3A_1947, %gather3A_1957 : vector<16xf32>
      tpu.vector_store_idx %arg7[%sub3A_1949], %add3A_1958 masked %and3A_1956 : memref<25000xf32, #tpu.memory_space<vmem>>[vector<16xi32>], vector<16xf32>, vector<16xi1>
      %get3A_1959 = arith.constant 1792 : index
      %get3A_1960 = tpu.vector_load %arg8[%get3A_1959] {strides = array<i32>} : memref<2064xi32, #tpu.memory_space<vmem>>, vector<16xi32>,
      %get3A_1961 = arith.constant 1793 : index
      %get3A_1962 = tpu.vector_load %arg8[%get3A_1961] {strides = array<i32>} : memref<2064xi32, #tpu.memory_space<vmem>>, vector<16xi32>,
      %get3A_1963 = arith.constant 1792 : index
      %get3A_1964 = tpu.vector_load %arg9[%get3A_1963] {strides = array<i32>} : memref<2048xf32, #tpu.memory_space<vmem>>, vector<16xf32>,
      %sub3A_1965 = vector.broadcast %multiple_of3A : i32 to vector<16xi32>
      %sub3A_1966 = arith.subi %get3A_1960, %sub3A_1965 : vector<16xi32>
      %ge3A_1967 = vector.broadcast %multiple_of3A : i32 to vector<16xi32>
      %ge3A_1968 = arith.cmpi sge, %get3A_1960, %ge3A_1967 : vector<16xi32>
      %lt3A_1969 = vector.broadcast %add3A_4 : i32 to vector<16xi32>
      %lt3A_1970 = arith.cmpi slt, %get3A_1960, %lt3A_1969 : vector<16xi32>
      %and3A_1971 = arith.andi %ge3A_1968, %lt3A_1970 : vector<16xi1>
      %ne3A_1972 = arith.cmpi ne, %get3A_1960, %get3A_1962 : vector<16xi32>
      %and3A_1973 = arith.andi %and3A_1971, %ne3A_1972 : vector<16xi1>
      %gather3A_1974 = tpu.vector_load_idx %arg7[%sub3A_1966] masked %and3A_1973 : memref<25000xf32, #tpu.memory_space<vmem>>[vector<16xi32>], vector<16xf32>, vector<16xi1>
      %add3A_1975 = arith.addf %get3A_1964, %gather3A_1974 : vector<16xf32>
      tpu.vector_store_idx %arg7[%sub3A_1966], %add3A_1975 masked %and3A_1973 : memref<25000xf32, #tpu.memory_space<vmem>>[vector<16xi32>], vector<16xf32>, vector<16xi1>
      %get3A_1976 = arith.constant 1808 : index
      %get3A_1977 = tpu.vector_load %arg8[%get3A_1976] {strides = array<i32>} : memref<2064xi32, #tpu.memory_space<vmem>>, vector<16xi32>,
      %get3A_1978 = arith.constant 1809 : index
      %get3A_1979 = tpu.vector_load %arg8[%get3A_1978] {strides = array<i32>} : memref<2064xi32, #tpu.memory_space<vmem>>, vector<16xi32>,
      %get3A_1980 = arith.constant 1808 : index
      %get3A_1981 = tpu.vector_load %arg9[%get3A_1980] {strides = array<i32>} : memref<2048xf32, #tpu.memory_space<vmem>>, vector<16xf32>,
      %sub3A_1982 = vector.broadcast %multiple_of3A : i32 to vector<16xi32>
      %sub3A_1983 = arith.subi %get3A_1977, %sub3A_1982 : vector<16xi32>
      %ge3A_1984 = vector.broadcast %multiple_of3A : i32 to vector<16xi32>
      %ge3A_1985 = arith.cmpi sge, %get3A_1977, %ge3A_1984 : vector<16xi32>
      %lt3A_1986 = vector.broadcast %add3A_4 : i32 to vector<16xi32>
      %lt3A_1987 = arith.cmpi slt, %get3A_1977, %lt3A_1986 : vector<16xi32>
      %and3A_1988 = arith.andi %ge3A_1985, %lt3A_1987 : vector<16xi1>
      %ne3A_1989 = arith.cmpi ne, %get3A_1977, %get3A_1979 : vector<16xi32>
      %and3A_1990 = arith.andi %and3A_1988, %ne3A_1989 : vector<16xi1>
      %gather3A_1991 = tpu.vector_load_idx %arg7[%sub3A_1983] masked %and3A_1990 : memref<25000xf32, #tpu.memory_space<vmem>>[vector<16xi32>], vector<16xf32>, vector<16xi1>
      %add3A_1992 = arith.addf %get3A_1981, %gather3A_1991 : vector<16xf32>
      tpu.vector_store_idx %arg7[%sub3A_1983], %add3A_1992 masked %and3A_1990 : memref<25000xf32, #tpu.memory_space<vmem>>[vector<16xi32>], vector<16xf32>, vector<16xi1>
      %get3A_1993 = arith.constant 1824 : index
      %get3A_1994 = tpu.vector_load %arg8[%get3A_1993] {strides = array<i32>} : memref<2064xi32, #tpu.memory_space<vmem>>, vector<16xi32>,
      %get3A_1995 = arith.constant 1825 : index
      %get3A_1996 = tpu.vector_load %arg8[%get3A_1995] {strides = array<i32>} : memref<2064xi32, #tpu.memory_space<vmem>>, vector<16xi32>,
      %get3A_1997 = arith.constant 1824 : index
      %get3A_1998 = tpu.vector_load %arg9[%get3A_1997] {strides = array<i32>} : memref<2048xf32, #tpu.memory_space<vmem>>, vector<16xf32>,
      %sub3A_1999 = vector.broadcast %multiple_of3A : i32 to vector<16xi32>
      %sub3A_2000 = arith.subi %get3A_1994, %sub3A_1999 : vector<16xi32>
      %ge3A_2001 = vector.broadcast %multiple_of3A : i32 to vector<16xi32>
      %ge3A_2002 = arith.cmpi sge, %get3A_1994, %ge3A_2001 : vector<16xi32>
      %lt3A_2003 = vector.broadcast %add3A_4 : i32 to vector<16xi32>
      %lt3A_2004 = arith.cmpi slt, %get3A_1994, %lt3A_2003 : vector<16xi32>
      %and3A_2005 = arith.andi %ge3A_2002, %lt3A_2004 : vector<16xi1>
      %ne3A_2006 = arith.cmpi ne, %get3A_1994, %get3A_1996 : vector<16xi32>
      %and3A_2007 = arith.andi %and3A_2005, %ne3A_2006 : vector<16xi1>
      %gather3A_2008 = tpu.vector_load_idx %arg7[%sub3A_2000] masked %and3A_2007 : memref<25000xf32, #tpu.memory_space<vmem>>[vector<16xi32>], vector<16xf32>, vector<16xi1>
      %add3A_2009 = arith.addf %get3A_1998, %gather3A_2008 : vector<16xf32>
      tpu.vector_store_idx %arg7[%sub3A_2000], %add3A_2009 masked %and3A_2007 : memref<25000xf32, #tpu.memory_space<vmem>>[vector<16xi32>], vector<16xf32>, vector<16xi1>
      %get3A_2010 = arith.constant 1840 : index
      %get3A_2011 = tpu.vector_load %arg8[%get3A_2010] {strides = array<i32>} : memref<2064xi32, #tpu.memory_space<vmem>>, vector<16xi32>,
      %get3A_2012 = arith.constant 1841 : index
      %get3A_2013 = tpu.vector_load %arg8[%get3A_2012] {strides = array<i32>} : memref<2064xi32, #tpu.memory_space<vmem>>, vector<16xi32>,
      %get3A_2014 = arith.constant 1840 : index
      %get3A_2015 = tpu.vector_load %arg9[%get3A_2014] {strides = array<i32>} : memref<2048xf32, #tpu.memory_space<vmem>>, vector<16xf32>,
      %sub3A_2016 = vector.broadcast %multiple_of3A : i32 to vector<16xi32>
      %sub3A_2017 = arith.subi %get3A_2011, %sub3A_2016 : vector<16xi32>
      %ge3A_2018 = vector.broadcast %multiple_of3A : i32 to vector<16xi32>
      %ge3A_2019 = arith.cmpi sge, %get3A_2011, %ge3A_2018 : vector<16xi32>
      %lt3A_2020 = vector.broadcast %add3A_4 : i32 to vector<16xi32>
      %lt3A_2021 = arith.cmpi slt, %get3A_2011, %lt3A_2020 : vector<16xi32>
      %and3A_2022 = arith.andi %ge3A_2019, %lt3A_2021 : vector<16xi1>
      %ne3A_2023 = arith.cmpi ne, %get3A_2011, %get3A_2013 : vector<16xi32>
      %and3A_2024 = arith.andi %and3A_2022, %ne3A_2023 : vector<16xi1>
      %gather3A_2025 = tpu.vector_load_idx %arg7[%sub3A_2017] masked %and3A_2024 : memref<25000xf32, #tpu.memory_space<vmem>>[vector<16xi32>], vector<16xf32>, vector<16xi1>
      %add3A_2026 = arith.addf %get3A_2015, %gather3A_2025 : vector<16xf32>
      tpu.vector_store_idx %arg7[%sub3A_2017], %add3A_2026 masked %and3A_2024 : memref<25000xf32, #tpu.memory_space<vmem>>[vector<16xi32>], vector<16xf32>, vector<16xi1>
      %get3A_2027 = arith.constant 1856 : index
      %get3A_2028 = tpu.vector_load %arg8[%get3A_2027] {strides = array<i32>} : memref<2064xi32, #tpu.memory_space<vmem>>, vector<16xi32>,
      %get3A_2029 = arith.constant 1857 : index
      %get3A_2030 = tpu.vector_load %arg8[%get3A_2029] {strides = array<i32>} : memref<2064xi32, #tpu.memory_space<vmem>>, vector<16xi32>,
      %get3A_2031 = arith.constant 1856 : index
      %get3A_2032 = tpu.vector_load %arg9[%get3A_2031] {strides = array<i32>} : memref<2048xf32, #tpu.memory_space<vmem>>, vector<16xf32>,
      %sub3A_2033 = vector.broadcast %multiple_of3A : i32 to vector<16xi32>
      %sub3A_2034 = arith.subi %get3A_2028, %sub3A_2033 : vector<16xi32>
      %ge3A_2035 = vector.broadcast %multiple_of3A : i32 to vector<16xi32>
      %ge3A_2036 = arith.cmpi sge, %get3A_2028, %ge3A_2035 : vector<16xi32>
      %lt3A_2037 = vector.broadcast %add3A_4 : i32 to vector<16xi32>
      %lt3A_2038 = arith.cmpi slt, %get3A_2028, %lt3A_2037 : vector<16xi32>
      %and3A_2039 = arith.andi %ge3A_2036, %lt3A_2038 : vector<16xi1>
      %ne3A_2040 = arith.cmpi ne, %get3A_2028, %get3A_2030 : vector<16xi32>
      %and3A_2041 = arith.andi %and3A_2039, %ne3A_2040 : vector<16xi1>
      %gather3A_2042 = tpu.vector_load_idx %arg7[%sub3A_2034] masked %and3A_2041 : memref<25000xf32, #tpu.memory_space<vmem>>[vector<16xi32>], vector<16xf32>, vector<16xi1>
      %add3A_2043 = arith.addf %get3A_2032, %gather3A_2042 : vector<16xf32>
      tpu.vector_store_idx %arg7[%sub3A_2034], %add3A_2043 masked %and3A_2041 : memref<25000xf32, #tpu.memory_space<vmem>>[vector<16xi32>], vector<16xf32>, vector<16xi1>
      %get3A_2044 = arith.constant 1872 : index
      %get3A_2045 = tpu.vector_load %arg8[%get3A_2044] {strides = array<i32>} : memref<2064xi32, #tpu.memory_space<vmem>>, vector<16xi32>,
      %get3A_2046 = arith.constant 1873 : index
      %get3A_2047 = tpu.vector_load %arg8[%get3A_2046] {strides = array<i32>} : memref<2064xi32, #tpu.memory_space<vmem>>, vector<16xi32>,
      %get3A_2048 = arith.constant 1872 : index
      %get3A_2049 = tpu.vector_load %arg9[%get3A_2048] {strides = array<i32>} : memref<2048xf32, #tpu.memory_space<vmem>>, vector<16xf32>,
      %sub3A_2050 = vector.broadcast %multiple_of3A : i32 to vector<16xi32>
      %sub3A_2051 = arith.subi %get3A_2045, %sub3A_2050 : vector<16xi32>
      %ge3A_2052 = vector.broadcast %multiple_of3A : i32 to vector<16xi32>
      %ge3A_2053 = arith.cmpi sge, %get3A_2045, %ge3A_2052 : vector<16xi32>
      %lt3A_2054 = vector.broadcast %add3A_4 : i32 to vector<16xi32>
      %lt3A_2055 = arith.cmpi slt, %get3A_2045, %lt3A_2054 : vector<16xi32>
      %and3A_2056 = arith.andi %ge3A_2053, %lt3A_2055 : vector<16xi1>
      %ne3A_2057 = arith.cmpi ne, %get3A_2045, %get3A_2047 : vector<16xi32>
      %and3A_2058 = arith.andi %and3A_2056, %ne3A_2057 : vector<16xi1>
      %gather3A_2059 = tpu.vector_load_idx %arg7[%sub3A_2051] masked %and3A_2058 : memref<25000xf32, #tpu.memory_space<vmem>>[vector<16xi32>], vector<16xf32>, vector<16xi1>
      %add3A_2060 = arith.addf %get3A_2049, %gather3A_2059 : vector<16xf32>
      tpu.vector_store_idx %arg7[%sub3A_2051], %add3A_2060 masked %and3A_2058 : memref<25000xf32, #tpu.memory_space<vmem>>[vector<16xi32>], vector<16xf32>, vector<16xi1>
      %get3A_2061 = arith.constant 1888 : index
      %get3A_2062 = tpu.vector_load %arg8[%get3A_2061] {strides = array<i32>} : memref<2064xi32, #tpu.memory_space<vmem>>, vector<16xi32>,
      %get3A_2063 = arith.constant 1889 : index
      %get3A_2064 = tpu.vector_load %arg8[%get3A_2063] {strides = array<i32>} : memref<2064xi32, #tpu.memory_space<vmem>>, vector<16xi32>,
      %get3A_2065 = arith.constant 1888 : index
      %get3A_2066 = tpu.vector_load %arg9[%get3A_2065] {strides = array<i32>} : memref<2048xf32, #tpu.memory_space<vmem>>, vector<16xf32>,
      %sub3A_2067 = vector.broadcast %multiple_of3A : i32 to vector<16xi32>
      %sub3A_2068 = arith.subi %get3A_2062, %sub3A_2067 : vector<16xi32>
      %ge3A_2069 = vector.broadcast %multiple_of3A : i32 to vector<16xi32>
      %ge3A_2070 = arith.cmpi sge, %get3A_2062, %ge3A_2069 : vector<16xi32>
      %lt3A_2071 = vector.broadcast %add3A_4 : i32 to vector<16xi32>
      %lt3A_2072 = arith.cmpi slt, %get3A_2062, %lt3A_2071 : vector<16xi32>
      %and3A_2073 = arith.andi %ge3A_2070, %lt3A_2072 : vector<16xi1>
      %ne3A_2074 = arith.cmpi ne, %get3A_2062, %get3A_2064 : vector<16xi32>
      %and3A_2075 = arith.andi %and3A_2073, %ne3A_2074 : vector<16xi1>
      %gather3A_2076 = tpu.vector_load_idx %arg7[%sub3A_2068] masked %and3A_2075 : memref<25000xf32, #tpu.memory_space<vmem>>[vector<16xi32>], vector<16xf32>, vector<16xi1>
      %add3A_2077 = arith.addf %get3A_2066, %gather3A_2076 : vector<16xf32>
      tpu.vector_store_idx %arg7[%sub3A_2068], %add3A_2077 masked %and3A_2075 : memref<25000xf32, #tpu.memory_space<vmem>>[vector<16xi32>], vector<16xf32>, vector<16xi1>
      %get3A_2078 = arith.constant 1904 : index
      %get3A_2079 = tpu.vector_load %arg8[%get3A_2078] {strides = array<i32>} : memref<2064xi32, #tpu.memory_space<vmem>>, vector<16xi32>,
      %get3A_2080 = arith.constant 1905 : index
      %get3A_2081 = tpu.vector_load %arg8[%get3A_2080] {strides = array<i32>} : memref<2064xi32, #tpu.memory_space<vmem>>, vector<16xi32>,
      %get3A_2082 = arith.constant 1904 : index
      %get3A_2083 = tpu.vector_load %arg9[%get3A_2082] {strides = array<i32>} : memref<2048xf32, #tpu.memory_space<vmem>>, vector<16xf32>,
      %sub3A_2084 = vector.broadcast %multiple_of3A : i32 to vector<16xi32>
      %sub3A_2085 = arith.subi %get3A_2079, %sub3A_2084 : vector<16xi32>
      %ge3A_2086 = vector.broadcast %multiple_of3A : i32 to vector<16xi32>
      %ge3A_2087 = arith.cmpi sge, %get3A_2079, %ge3A_2086 : vector<16xi32>
      %lt3A_2088 = vector.broadcast %add3A_4 : i32 to vector<16xi32>
      %lt3A_2089 = arith.cmpi slt, %get3A_2079, %lt3A_2088 : vector<16xi32>
      %and3A_2090 = arith.andi %ge3A_2087, %lt3A_2089 : vector<16xi1>
      %ne3A_2091 = arith.cmpi ne, %get3A_2079, %get3A_2081 : vector<16xi32>
      %and3A_2092 = arith.andi %and3A_2090, %ne3A_2091 : vector<16xi1>
      %gather3A_2093 = tpu.vector_load_idx %arg7[%sub3A_2085] masked %and3A_2092 : memref<25000xf32, #tpu.memory_space<vmem>>[vector<16xi32>], vector<16xf32>, vector<16xi1>
      %add3A_2094 = arith.addf %get3A_2083, %gather3A_2093 : vector<16xf32>
      tpu.vector_store_idx %arg7[%sub3A_2085], %add3A_2094 masked %and3A_2092 : memref<25000xf32, #tpu.memory_space<vmem>>[vector<16xi32>], vector<16xf32>, vector<16xi1>
      %get3A_2095 = arith.constant 1920 : index
      %get3A_2096 = tpu.vector_load %arg8[%get3A_2095] {strides = array<i32>} : memref<2064xi32, #tpu.memory_space<vmem>>, vector<16xi32>,
      %get3A_2097 = arith.constant 1921 : index
      %get3A_2098 = tpu.vector_load %arg8[%get3A_2097] {strides = array<i32>} : memref<2064xi32, #tpu.memory_space<vmem>>, vector<16xi32>,
      %get3A_2099 = arith.constant 1920 : index
      %get3A_2100 = tpu.vector_load %arg9[%get3A_2099] {strides = array<i32>} : memref<2048xf32, #tpu.memory_space<vmem>>, vector<16xf32>,
      %sub3A_2101 = vector.broadcast %multiple_of3A : i32 to vector<16xi32>
      %sub3A_2102 = arith.subi %get3A_2096, %sub3A_2101 : vector<16xi32>
      %ge3A_2103 = vector.broadcast %multiple_of3A : i32 to vector<16xi32>
      %ge3A_2104 = arith.cmpi sge, %get3A_2096, %ge3A_2103 : vector<16xi32>
      %lt3A_2105 = vector.broadcast %add3A_4 : i32 to vector<16xi32>
      %lt3A_2106 = arith.cmpi slt, %get3A_2096, %lt3A_2105 : vector<16xi32>
      %and3A_2107 = arith.andi %ge3A_2104, %lt3A_2106 : vector<16xi1>
      %ne3A_2108 = arith.cmpi ne, %get3A_2096, %get3A_2098 : vector<16xi32>
      %and3A_2109 = arith.andi %and3A_2107, %ne3A_2108 : vector<16xi1>
      %gather3A_2110 = tpu.vector_load_idx %arg7[%sub3A_2102] masked %and3A_2109 : memref<25000xf32, #tpu.memory_space<vmem>>[vector<16xi32>], vector<16xf32>, vector<16xi1>
      %add3A_2111 = arith.addf %get3A_2100, %gather3A_2110 : vector<16xf32>
      tpu.vector_store_idx %arg7[%sub3A_2102], %add3A_2111 masked %and3A_2109 : memref<25000xf32, #tpu.memory_space<vmem>>[vector<16xi32>], vector<16xf32>, vector<16xi1>
      %get3A_2112 = arith.constant 1936 : index
      %get3A_2113 = tpu.vector_load %arg8[%get3A_2112] {strides = array<i32>} : memref<2064xi32, #tpu.memory_space<vmem>>, vector<16xi32>,
      %get3A_2114 = arith.constant 1937 : index
      %get3A_2115 = tpu.vector_load %arg8[%get3A_2114] {strides = array<i32>} : memref<2064xi32, #tpu.memory_space<vmem>>, vector<16xi32>,
      %get3A_2116 = arith.constant 1936 : index
      %get3A_2117 = tpu.vector_load %arg9[%get3A_2116] {strides = array<i32>} : memref<2048xf32, #tpu.memory_space<vmem>>, vector<16xf32>,
      %sub3A_2118 = vector.broadcast %multiple_of3A : i32 to vector<16xi32>
      %sub3A_2119 = arith.subi %get3A_2113, %sub3A_2118 : vector<16xi32>
      %ge3A_2120 = vector.broadcast %multiple_of3A : i32 to vector<16xi32>
      %ge3A_2121 = arith.cmpi sge, %get3A_2113, %ge3A_2120 : vector<16xi32>
      %lt3A_2122 = vector.broadcast %add3A_4 : i32 to vector<16xi32>
      %lt3A_2123 = arith.cmpi slt, %get3A_2113, %lt3A_2122 : vector<16xi32>
      %and3A_2124 = arith.andi %ge3A_2121, %lt3A_2123 : vector<16xi1>
      %ne3A_2125 = arith.cmpi ne, %get3A_2113, %get3A_2115 : vector<16xi32>
      %and3A_2126 = arith.andi %and3A_2124, %ne3A_2125 : vector<16xi1>
      %gather3A_2127 = tpu.vector_load_idx %arg7[%sub3A_2119] masked %and3A_2126 : memref<25000xf32, #tpu.memory_space<vmem>>[vector<16xi32>], vector<16xf32>, vector<16xi1>
      %add3A_2128 = arith.addf %get3A_2117, %gather3A_2127 : vector<16xf32>
      tpu.vector_store_idx %arg7[%sub3A_2119], %add3A_2128 masked %and3A_2126 : memref<25000xf32, #tpu.memory_space<vmem>>[vector<16xi32>], vector<16xf32>, vector<16xi1>
      %get3A_2129 = arith.constant 1952 : index
      %get3A_2130 = tpu.vector_load %arg8[%get3A_2129] {strides = array<i32>} : memref<2064xi32, #tpu.memory_space<vmem>>, vector<16xi32>,
      %get3A_2131 = arith.constant 1953 : index
      %get3A_2132 = tpu.vector_load %arg8[%get3A_2131] {strides = array<i32>} : memref<2064xi32, #tpu.memory_space<vmem>>, vector<16xi32>,
      %get3A_2133 = arith.constant 1952 : index
      %get3A_2134 = tpu.vector_load %arg9[%get3A_2133] {strides = array<i32>} : memref<2048xf32, #tpu.memory_space<vmem>>, vector<16xf32>,
      %sub3A_2135 = vector.broadcast %multiple_of3A : i32 to vector<16xi32>
      %sub3A_2136 = arith.subi %get3A_2130, %sub3A_2135 : vector<16xi32>
      %ge3A_2137 = vector.broadcast %multiple_of3A : i32 to vector<16xi32>
      %ge3A_2138 = arith.cmpi sge, %get3A_2130, %ge3A_2137 : vector<16xi32>
      %lt3A_2139 = vector.broadcast %add3A_4 : i32 to vector<16xi32>
      %lt3A_2140 = arith.cmpi slt, %get3A_2130, %lt3A_2139 : vector<16xi32>
      %and3A_2141 = arith.andi %ge3A_2138, %lt3A_2140 : vector<16xi1>
      %ne3A_2142 = arith.cmpi ne, %get3A_2130, %get3A_2132 : vector<16xi32>
      %and3A_2143 = arith.andi %and3A_2141, %ne3A_2142 : vector<16xi1>
      %gather3A_2144 = tpu.vector_load_idx %arg7[%sub3A_2136] masked %and3A_2143 : memref<25000xf32, #tpu.memory_space<vmem>>[vector<16xi32>], vector<16xf32>, vector<16xi1>
      %add3A_2145 = arith.addf %get3A_2134, %gather3A_2144 : vector<16xf32>
      tpu.vector_store_idx %arg7[%sub3A_2136], %add3A_2145 masked %and3A_2143 : memref<25000xf32, #tpu.memory_space<vmem>>[vector<16xi32>], vector<16xf32>, vector<16xi1>
      %get3A_2146 = arith.constant 1968 : index
      %get3A_2147 = tpu.vector_load %arg8[%get3A_2146] {strides = array<i32>} : memref<2064xi32, #tpu.memory_space<vmem>>, vector<16xi32>,
      %get3A_2148 = arith.constant 1969 : index
      %get3A_2149 = tpu.vector_load %arg8[%get3A_2148] {strides = array<i32>} : memref<2064xi32, #tpu.memory_space<vmem>>, vector<16xi32>,
      %get3A_2150 = arith.constant 1968 : index
      %get3A_2151 = tpu.vector_load %arg9[%get3A_2150] {strides = array<i32>} : memref<2048xf32, #tpu.memory_space<vmem>>, vector<16xf32>,
      %sub3A_2152 = vector.broadcast %multiple_of3A : i32 to vector<16xi32>
      %sub3A_2153 = arith.subi %get3A_2147, %sub3A_2152 : vector<16xi32>
      %ge3A_2154 = vector.broadcast %multiple_of3A : i32 to vector<16xi32>
      %ge3A_2155 = arith.cmpi sge, %get3A_2147, %ge3A_2154 : vector<16xi32>
      %lt3A_2156 = vector.broadcast %add3A_4 : i32 to vector<16xi32>
      %lt3A_2157 = arith.cmpi slt, %get3A_2147, %lt3A_2156 : vector<16xi32>
      %and3A_2158 = arith.andi %ge3A_2155, %lt3A_2157 : vector<16xi1>
      %ne3A_2159 = arith.cmpi ne, %get3A_2147, %get3A_2149 : vector<16xi32>
      %and3A_2160 = arith.andi %and3A_2158, %ne3A_2159 : vector<16xi1>
      %gather3A_2161 = tpu.vector_load_idx %arg7[%sub3A_2153] masked %and3A_2160 : memref<25000xf32, #tpu.memory_space<vmem>>[vector<16xi32>], vector<16xf32>, vector<16xi1>
      %add3A_2162 = arith.addf %get3A_2151, %gather3A_2161 : vector<16xf32>
      tpu.vector_store_idx %arg7[%sub3A_2153], %add3A_2162 masked %and3A_2160 : memref<25000xf32, #tpu.memory_space<vmem>>[vector<16xi32>], vector<16xf32>, vector<16xi1>
      %get3A_2163 = arith.constant 1984 : index
      %get3A_2164 = tpu.vector_load %arg8[%get3A_2163] {strides = array<i32>} : memref<2064xi32, #tpu.memory_space<vmem>>, vector<16xi32>,
      %get3A_2165 = arith.constant 1985 : index
      %get3A_2166 = tpu.vector_load %arg8[%get3A_2165] {strides = array<i32>} : memref<2064xi32, #tpu.memory_space<vmem>>, vector<16xi32>,
      %get3A_2167 = arith.constant 1984 : index
      %get3A_2168 = tpu.vector_load %arg9[%get3A_2167] {strides = array<i32>} : memref<2048xf32, #tpu.memory_space<vmem>>, vector<16xf32>,
      %sub3A_2169 = vector.broadcast %multiple_of3A : i32 to vector<16xi32>
      %sub3A_2170 = arith.subi %get3A_2164, %sub3A_2169 : vector<16xi32>
      %ge3A_2171 = vector.broadcast %multiple_of3A : i32 to vector<16xi32>
      %ge3A_2172 = arith.cmpi sge, %get3A_2164, %ge3A_2171 : vector<16xi32>
      %lt3A_2173 = vector.broadcast %add3A_4 : i32 to vector<16xi32>
      %lt3A_2174 = arith.cmpi slt, %get3A_2164, %lt3A_2173 : vector<16xi32>
      %and3A_2175 = arith.andi %ge3A_2172, %lt3A_2174 : vector<16xi1>
      %ne3A_2176 = arith.cmpi ne, %get3A_2164, %get3A_2166 : vector<16xi32>
      %and3A_2177 = arith.andi %and3A_2175, %ne3A_2176 : vector<16xi1>
      %gather3A_2178 = tpu.vector_load_idx %arg7[%sub3A_2170] masked %and3A_2177 : memref<25000xf32, #tpu.memory_space<vmem>>[vector<16xi32>], vector<16xf32>, vector<16xi1>
      %add3A_2179 = arith.addf %get3A_2168, %gather3A_2178 : vector<16xf32>
      tpu.vector_store_idx %arg7[%sub3A_2170], %add3A_2179 masked %and3A_2177 : memref<25000xf32, #tpu.memory_space<vmem>>[vector<16xi32>], vector<16xf32>, vector<16xi1>
      %get3A_2180 = arith.constant 2000 : index
      %get3A_2181 = tpu.vector_load %arg8[%get3A_2180] {strides = array<i32>} : memref<2064xi32, #tpu.memory_space<vmem>>, vector<16xi32>,
      %get3A_2182 = arith.constant 2001 : index
      %get3A_2183 = tpu.vector_load %arg8[%get3A_2182] {strides = array<i32>} : memref<2064xi32, #tpu.memory_space<vmem>>, vector<16xi32>,
      %get3A_2184 = arith.constant 2000 : index
      %get3A_2185 = tpu.vector_load %arg9[%get3A_2184] {strides = array<i32>} : memref<2048xf32, #tpu.memory_space<vmem>>, vector<16xf32>,
      %sub3A_2186 = vector.broadcast %multiple_of3A : i32 to vector<16xi32>
      %sub3A_2187 = arith.subi %get3A_2181, %sub3A_2186 : vector<16xi32>
      %ge3A_2188 = vector.broadcast %multiple_of3A : i32 to vector<16xi32>
      %ge3A_2189 = arith.cmpi sge, %get3A_2181, %ge3A_2188 : vector<16xi32>
      %lt3A_2190 = vector.broadcast %add3A_4 : i32 to vector<16xi32>
      %lt3A_2191 = arith.cmpi slt, %get3A_2181, %lt3A_2190 : vector<16xi32>
      %and3A_2192 = arith.andi %ge3A_2189, %lt3A_2191 : vector<16xi1>
      %ne3A_2193 = arith.cmpi ne, %get3A_2181, %get3A_2183 : vector<16xi32>
      %and3A_2194 = arith.andi %and3A_2192, %ne3A_2193 : vector<16xi1>
      %gather3A_2195 = tpu.vector_load_idx %arg7[%sub3A_2187] masked %and3A_2194 : memref<25000xf32, #tpu.memory_space<vmem>>[vector<16xi32>], vector<16xf32>, vector<16xi1>
      %add3A_2196 = arith.addf %get3A_2185, %gather3A_2195 : vector<16xf32>
      tpu.vector_store_idx %arg7[%sub3A_2187], %add3A_2196 masked %and3A_2194 : memref<25000xf32, #tpu.memory_space<vmem>>[vector<16xi32>], vector<16xf32>, vector<16xi1>
      %get3A_2197 = arith.constant 2016 : index
      %get3A_2198 = tpu.vector_load %arg8[%get3A_2197] {strides = array<i32>} : memref<2064xi32, #tpu.memory_space<vmem>>, vector<16xi32>,
      %get3A_2199 = arith.constant 2017 : index
      %get3A_2200 = tpu.vector_load %arg8[%get3A_2199] {strides = array<i32>} : memref<2064xi32, #tpu.memory_space<vmem>>, vector<16xi32>,
      %get3A_2201 = arith.constant 2016 : index
      %get3A_2202 = tpu.vector_load %arg9[%get3A_2201] {strides = array<i32>} : memref<2048xf32, #tpu.memory_space<vmem>>, vector<16xf32>,
      %sub3A_2203 = vector.broadcast %multiple_of3A : i32 to vector<16xi32>
      %sub3A_2204 = arith.subi %get3A_2198, %sub3A_2203 : vector<16xi32>
      %ge3A_2205 = vector.broadcast %multiple_of3A : i32 to vector<16xi32>
      %ge3A_2206 = arith.cmpi sge, %get3A_2198, %ge3A_2205 : vector<16xi32>
      %lt3A_2207 = vector.broadcast %add3A_4 : i32 to vector<16xi32>
      %lt3A_2208 = arith.cmpi slt, %get3A_2198, %lt3A_2207 : vector<16xi32>
      %and3A_2209 = arith.andi %ge3A_2206, %lt3A_2208 : vector<16xi1>
      %ne3A_2210 = arith.cmpi ne, %get3A_2198, %get3A_2200 : vector<16xi32>
      %and3A_2211 = arith.andi %and3A_2209, %ne3A_2210 : vector<16xi1>
      %gather3A_2212 = tpu.vector_load_idx %arg7[%sub3A_2204] masked %and3A_2211 : memref<25000xf32, #tpu.memory_space<vmem>>[vector<16xi32>], vector<16xf32>, vector<16xi1>
      %add3A_2213 = arith.addf %get3A_2202, %gather3A_2212 : vector<16xf32>
      tpu.vector_store_idx %arg7[%sub3A_2204], %add3A_2213 masked %and3A_2211 : memref<25000xf32, #tpu.memory_space<vmem>>[vector<16xi32>], vector<16xf32>, vector<16xi1>
      %get3A_2214 = arith.constant 2032 : index
      %get3A_2215 = tpu.vector_load %arg8[%get3A_2214] {strides = array<i32>} : memref<2064xi32, #tpu.memory_space<vmem>>, vector<16xi32>,
      %get3A_2216 = arith.constant 2033 : index
      %get3A_2217 = tpu.vector_load %arg8[%get3A_2216] {strides = array<i32>} : memref<2064xi32, #tpu.memory_space<vmem>>, vector<16xi32>,
      %get3A_2218 = arith.constant 2032 : index
      %get3A_2219 = tpu.vector_load %arg9[%get3A_2218] {strides = array<i32>} : memref<2048xf32, #tpu.memory_space<vmem>>, vector<16xf32>,
      %sub3A_2220 = vector.broadcast %multiple_of3A : i32 to vector<16xi32>
      %sub3A_2221 = arith.subi %get3A_2215, %sub3A_2220 : vector<16xi32>
      %ge3A_2222 = vector.broadcast %multiple_of3A : i32 to vector<16xi32>
      %ge3A_2223 = arith.cmpi sge, %get3A_2215, %ge3A_2222 : vector<16xi32>
      %lt3A_2224 = vector.broadcast %add3A_4 : i32 to vector<16xi32>
      %lt3A_2225 = arith.cmpi slt, %get3A_2215, %lt3A_2224 : vector<16xi32>
      %and3A_2226 = arith.andi %ge3A_2223, %lt3A_2225 : vector<16xi1>
      %ne3A_2227 = arith.cmpi ne, %get3A_2215, %get3A_2217 : vector<16xi32>
      %and3A_2228 = arith.andi %and3A_2226, %ne3A_2227 : vector<16xi1>
      %gather3A_2229 = tpu.vector_load_idx %arg7[%sub3A_2221] masked %and3A_2228 : memref<25000xf32, #tpu.memory_space<vmem>>[vector<16xi32>], vector<16xf32>, vector<16xi1>
      %add3A_2230 = arith.addf %get3A_2219, %gather3A_2229 : vector<16xf32>
      tpu.vector_store_idx %arg7[%sub3A_2221], %add3A_2230 masked %and3A_2228 : memref<25000xf32, #tpu.memory_space<vmem>>[vector<16xi32>], vector<16xf32>, vector<16xi1>
    }
    %while3A_44 = arith.constant 1 : i32
    scf.for %while3A_45 = %while3A_42 to %while3A_38 step %while3A_44  : i32 {
      %mul3A_46 = arith.constant 2048 : i32
      %mul3A_47 = arith.muli %while3A_45, %mul3A_46 : i32
      %add3A_48 = arith.addi %multiple_of3A_13, %mul3A_47 : i32
      %multiple_of3A_49 = tpu.assume_multiple %add3A_48, 8 : i32
      %dma_start3A_50 = tpu.memref_slice %arg2[%multiple_of3A_49] : memref<212992xi32, #tpu.memory_space<hbm>> -> memref<2064xi32, #tpu.memory_space<hbm>>
      %dma_start3A_51 = tpu.memref_slice %arg2[%multiple_of3A_49] : memref<212992xi32, #tpu.memory_space<hbm>> -> memref<2064xi32, #tpu.memory_space<hbm>>
      tpu.enqueue_dma source(%dma_start3A_51 : memref<2064xi32, #tpu.memory_space<hbm>>) target(%arg8 : memref<2064xi32, #tpu.memory_space<vmem>>) target_semaphore(%arg11 : memref<!tpu.dma_semaphore, #tpu.memory_space<semaphore_mem>>)
      %dma_start3A_52 = tpu.memref_slice %arg3[%multiple_of3A_49] : memref<212992xf32, #tpu.memory_space<hbm>> -> memref<2048xf32, #tpu.memory_space<hbm>>
      %dma_start3A_53 = tpu.memref_slice %arg3[%multiple_of3A_49] : memref<212992xf32, #tpu.memory_space<hbm>> -> memref<2048xf32, #tpu.memory_space<hbm>>
      tpu.enqueue_dma source(%dma_start3A_53 : memref<2048xf32, #tpu.memory_space<hbm>>) target(%arg9 : memref<2048xf32, #tpu.memory_space<vmem>>) target_semaphore(%arg12 : memref<!tpu.dma_semaphore, #tpu.memory_space<semaphore_mem>>)
      %dma_wait3A_54 = tpu.memref_slice %arg2[%multiple_of3A_49] : memref<212992xi32, #tpu.memory_space<hbm>> -> memref<2064xi32, #tpu.memory_space<hbm>>
      %dma_wait3A_55 = tpu.memref_slice %arg2[%multiple_of3A_49] : memref<212992xi32, #tpu.memory_space<hbm>> -> memref<2064xi32, #tpu.memory_space<hbm>>
      tpu.wait_dma2 semaphore(%arg11 : memref<!tpu.dma_semaphore, #tpu.memory_space<semaphore_mem>>) src(%dma_wait3A_55 : memref<2064xi32, #tpu.memory_space<hbm>>) dst(%arg8 : memref<2064xi32, #tpu.memory_space<vmem>>)
      %dma_wait3A_56 = tpu.memref_slice %arg3[%multiple_of3A_49] : memref<212992xf32, #tpu.memory_space<hbm>> -> memref<2048xf32, #tpu.memory_space<hbm>>
      %dma_wait3A_57 = tpu.memref_slice %arg3[%multiple_of3A_49] : memref<212992xf32, #tpu.memory_space<hbm>> -> memref<2048xf32, #tpu.memory_space<hbm>>
      tpu.wait_dma2 semaphore(%arg12 : memref<!tpu.dma_semaphore, #tpu.memory_space<semaphore_mem>>) src(%dma_wait3A_57 : memref<2048xf32, #tpu.memory_space<hbm>>) dst(%arg9 : memref<2048xf32, #tpu.memory_space<vmem>>)
      %get3A_58 = arith.constant 0 : index
      %get3A_59 = tpu.vector_load %arg8[%get3A_58] {strides = array<i32>} : memref<2064xi32, #tpu.memory_space<vmem>>, vector<16xi32>,
      %get3A_60 = arith.constant 1 : index
      %get3A_61 = tpu.vector_load %arg8[%get3A_60] {strides = array<i32>} : memref<2064xi32, #tpu.memory_space<vmem>>, vector<16xi32>,
      %get3A_62 = arith.constant 0 : index
      %get3A_63 = tpu.vector_load %arg9[%get3A_62] {strides = array<i32>} : memref<2048xf32, #tpu.memory_space<vmem>>, vector<16xf32>,
      %sub3A_64 = vector.broadcast %multiple_of3A : i32 to vector<16xi32>
      %sub3A_65 = arith.subi %get3A_59, %sub3A_64 : vector<16xi32>
      %ge3A = vector.broadcast %multiple_of3A : i32 to vector<16xi32>
      %ge3A_66 = arith.cmpi sge, %get3A_59, %ge3A : vector<16xi32>
      %lt3A = vector.broadcast %add3A_4 : i32 to vector<16xi32>
      %lt3A_67 = arith.cmpi slt, %get3A_59, %lt3A : vector<16xi32>
      %and3A_68 = arith.andi %ge3A_66, %lt3A_67 : vector<16xi1>
      %ne3A_69 = arith.cmpi ne, %get3A_59, %get3A_61 : vector<16xi32>
      %and3A_70 = arith.andi %and3A_68, %ne3A_69 : vector<16xi1>
      %gather3A = tpu.vector_load_idx %arg7[%sub3A_65] masked %and3A_70 : memref<25000xf32, #tpu.memory_space<vmem>>[vector<16xi32>], vector<16xf32>, vector<16xi1>
      %add3A_71 = arith.addf %get3A_63, %gather3A : vector<16xf32>
      tpu.vector_store_idx %arg7[%sub3A_65], %add3A_71 masked %and3A_70 : memref<25000xf32, #tpu.memory_space<vmem>>[vector<16xi32>], vector<16xf32>, vector<16xi1>
      %get3A_72 = arith.constant 16 : index
      %get3A_73 = tpu.vector_load %arg8[%get3A_72] {strides = array<i32>} : memref<2064xi32, #tpu.memory_space<vmem>>, vector<16xi32>,
      %get3A_74 = arith.constant 17 : index
      %get3A_75 = tpu.vector_load %arg8[%get3A_74] {strides = array<i32>} : memref<2064xi32, #tpu.memory_space<vmem>>, vector<16xi32>,
      %get3A_76 = arith.constant 16 : index
      %get3A_77 = tpu.vector_load %arg9[%get3A_76] {strides = array<i32>} : memref<2048xf32, #tpu.memory_space<vmem>>, vector<16xf32>,
      %sub3A_78 = vector.broadcast %multiple_of3A : i32 to vector<16xi32>
      %sub3A_79 = arith.subi %get3A_73, %sub3A_78 : vector<16xi32>
      %ge3A_80 = vector.broadcast %multiple_of3A : i32 to vector<16xi32>
      %ge3A_81 = arith.cmpi sge, %get3A_73, %ge3A_80 : vector<16xi32>
      %lt3A_82 = vector.broadcast %add3A_4 : i32 to vector<16xi32>
      %lt3A_83 = arith.cmpi slt, %get3A_73, %lt3A_82 : vector<16xi32>
      %and3A_84 = arith.andi %ge3A_81, %lt3A_83 : vector<16xi1>
      %ne3A_85 = arith.cmpi ne, %get3A_73, %get3A_75 : vector<16xi32>
      %and3A_86 = arith.andi %and3A_84, %ne3A_85 : vector<16xi1>
      %gather3A_87 = tpu.vector_load_idx %arg7[%sub3A_79] masked %and3A_86 : memref<25000xf32, #tpu.memory_space<vmem>>[vector<16xi32>], vector<16xf32>, vector<16xi1>
      %add3A_88 = arith.addf %get3A_77, %gather3A_87 : vector<16xf32>
      tpu.vector_store_idx %arg7[%sub3A_79], %add3A_88 masked %and3A_86 : memref<25000xf32, #tpu.memory_space<vmem>>[vector<16xi32>], vector<16xf32>, vector<16xi1>
      %get3A_89 = arith.constant 32 : index
      %get3A_90 = tpu.vector_load %arg8[%get3A_89] {strides = array<i32>} : memref<2064xi32, #tpu.memory_space<vmem>>, vector<16xi32>,
      %get3A_91 = arith.constant 33 : index
      %get3A_92 = tpu.vector_load %arg8[%get3A_91] {strides = array<i32>} : memref<2064xi32, #tpu.memory_space<vmem>>, vector<16xi32>,
      %get3A_93 = arith.constant 32 : index
      %get3A_94 = tpu.vector_load %arg9[%get3A_93] {strides = array<i32>} : memref<2048xf32, #tpu.memory_space<vmem>>, vector<16xf32>,
      %sub3A_95 = vector.broadcast %multiple_of3A : i32 to vector<16xi32>
      %sub3A_96 = arith.subi %get3A_90, %sub3A_95 : vector<16xi32>
      %ge3A_97 = vector.broadcast %multiple_of3A : i32 to vector<16xi32>
      %ge3A_98 = arith.cmpi sge, %get3A_90, %ge3A_97 : vector<16xi32>
      %lt3A_99 = vector.broadcast %add3A_4 : i32 to vector<16xi32>
      %lt3A_100 = arith.cmpi slt, %get3A_90, %lt3A_99 : vector<16xi32>
      %and3A_101 = arith.andi %ge3A_98, %lt3A_100 : vector<16xi1>
      %ne3A_102 = arith.cmpi ne, %get3A_90, %get3A_92 : vector<16xi32>
      %and3A_103 = arith.andi %and3A_101, %ne3A_102 : vector<16xi1>
      %gather3A_104 = tpu.vector_load_idx %arg7[%sub3A_96] masked %and3A_103 : memref<25000xf32, #tpu.memory_space<vmem>>[vector<16xi32>], vector<16xf32>, vector<16xi1>
      %add3A_105 = arith.addf %get3A_94, %gather3A_104 : vector<16xf32>
      tpu.vector_store_idx %arg7[%sub3A_96], %add3A_105 masked %and3A_103 : memref<25000xf32, #tpu.memory_space<vmem>>[vector<16xi32>], vector<16xf32>, vector<16xi1>
      %get3A_106 = arith.constant 48 : index
      %get3A_107 = tpu.vector_load %arg8[%get3A_106] {strides = array<i32>} : memref<2064xi32, #tpu.memory_space<vmem>>, vector<16xi32>,
      %get3A_108 = arith.constant 49 : index
      %get3A_109 = tpu.vector_load %arg8[%get3A_108] {strides = array<i32>} : memref<2064xi32, #tpu.memory_space<vmem>>, vector<16xi32>,
      %get3A_110 = arith.constant 48 : index
      %get3A_111 = tpu.vector_load %arg9[%get3A_110] {strides = array<i32>} : memref<2048xf32, #tpu.memory_space<vmem>>, vector<16xf32>,
      %sub3A_112 = vector.broadcast %multiple_of3A : i32 to vector<16xi32>
      %sub3A_113 = arith.subi %get3A_107, %sub3A_112 : vector<16xi32>
      %ge3A_114 = vector.broadcast %multiple_of3A : i32 to vector<16xi32>
      %ge3A_115 = arith.cmpi sge, %get3A_107, %ge3A_114 : vector<16xi32>
      %lt3A_116 = vector.broadcast %add3A_4 : i32 to vector<16xi32>
      %lt3A_117 = arith.cmpi slt, %get3A_107, %lt3A_116 : vector<16xi32>
      %and3A_118 = arith.andi %ge3A_115, %lt3A_117 : vector<16xi1>
      %ne3A_119 = arith.cmpi ne, %get3A_107, %get3A_109 : vector<16xi32>
      %and3A_120 = arith.andi %and3A_118, %ne3A_119 : vector<16xi1>
      %gather3A_121 = tpu.vector_load_idx %arg7[%sub3A_113] masked %and3A_120 : memref<25000xf32, #tpu.memory_space<vmem>>[vector<16xi32>], vector<16xf32>, vector<16xi1>
      %add3A_122 = arith.addf %get3A_111, %gather3A_121 : vector<16xf32>
      tpu.vector_store_idx %arg7[%sub3A_113], %add3A_122 masked %and3A_120 : memref<25000xf32, #tpu.memory_space<vmem>>[vector<16xi32>], vector<16xf32>, vector<16xi1>
      %get3A_123 = arith.constant 64 : index
      %get3A_124 = tpu.vector_load %arg8[%get3A_123] {strides = array<i32>} : memref<2064xi32, #tpu.memory_space<vmem>>, vector<16xi32>,
      %get3A_125 = arith.constant 65 : index
      %get3A_126 = tpu.vector_load %arg8[%get3A_125] {strides = array<i32>} : memref<2064xi32, #tpu.memory_space<vmem>>, vector<16xi32>,
      %get3A_127 = arith.constant 64 : index
      %get3A_128 = tpu.vector_load %arg9[%get3A_127] {strides = array<i32>} : memref<2048xf32, #tpu.memory_space<vmem>>, vector<16xf32>,
      %sub3A_129 = vector.broadcast %multiple_of3A : i32 to vector<16xi32>
      %sub3A_130 = arith.subi %get3A_124, %sub3A_129 : vector<16xi32>
      %ge3A_131 = vector.broadcast %multiple_of3A : i32 to vector<16xi32>
      %ge3A_132 = arith.cmpi sge, %get3A_124, %ge3A_131 : vector<16xi32>
      %lt3A_133 = vector.broadcast %add3A_4 : i32 to vector<16xi32>
      %lt3A_134 = arith.cmpi slt, %get3A_124, %lt3A_133 : vector<16xi32>
      %and3A_135 = arith.andi %ge3A_132, %lt3A_134 : vector<16xi1>
      %ne3A_136 = arith.cmpi ne, %get3A_124, %get3A_126 : vector<16xi32>
      %and3A_137 = arith.andi %and3A_135, %ne3A_136 : vector<16xi1>
      %gather3A_138 = tpu.vector_load_idx %arg7[%sub3A_130] masked %and3A_137 : memref<25000xf32, #tpu.memory_space<vmem>>[vector<16xi32>], vector<16xf32>, vector<16xi1>
      %add3A_139 = arith.addf %get3A_128, %gather3A_138 : vector<16xf32>
      tpu.vector_store_idx %arg7[%sub3A_130], %add3A_139 masked %and3A_137 : memref<25000xf32, #tpu.memory_space<vmem>>[vector<16xi32>], vector<16xf32>, vector<16xi1>
      %get3A_140 = arith.constant 80 : index
      %get3A_141 = tpu.vector_load %arg8[%get3A_140] {strides = array<i32>} : memref<2064xi32, #tpu.memory_space<vmem>>, vector<16xi32>,
      %get3A_142 = arith.constant 81 : index
      %get3A_143 = tpu.vector_load %arg8[%get3A_142] {strides = array<i32>} : memref<2064xi32, #tpu.memory_space<vmem>>, vector<16xi32>,
      %get3A_144 = arith.constant 80 : index
      %get3A_145 = tpu.vector_load %arg9[%get3A_144] {strides = array<i32>} : memref<2048xf32, #tpu.memory_space<vmem>>, vector<16xf32>,
      %sub3A_146 = vector.broadcast %multiple_of3A : i32 to vector<16xi32>
      %sub3A_147 = arith.subi %get3A_141, %sub3A_146 : vector<16xi32>
      %ge3A_148 = vector.broadcast %multiple_of3A : i32 to vector<16xi32>
      %ge3A_149 = arith.cmpi sge, %get3A_141, %ge3A_148 : vector<16xi32>
      %lt3A_150 = vector.broadcast %add3A_4 : i32 to vector<16xi32>
      %lt3A_151 = arith.cmpi slt, %get3A_141, %lt3A_150 : vector<16xi32>
      %and3A_152 = arith.andi %ge3A_149, %lt3A_151 : vector<16xi1>
      %ne3A_153 = arith.cmpi ne, %get3A_141, %get3A_143 : vector<16xi32>
      %and3A_154 = arith.andi %and3A_152, %ne3A_153 : vector<16xi1>
      %gather3A_155 = tpu.vector_load_idx %arg7[%sub3A_147] masked %and3A_154 : memref<25000xf32, #tpu.memory_space<vmem>>[vector<16xi32>], vector<16xf32>, vector<16xi1>
      %add3A_156 = arith.addf %get3A_145, %gather3A_155 : vector<16xf32>
      tpu.vector_store_idx %arg7[%sub3A_147], %add3A_156 masked %and3A_154 : memref<25000xf32, #tpu.memory_space<vmem>>[vector<16xi32>], vector<16xf32>, vector<16xi1>
      %get3A_157 = arith.constant 96 : index
      %get3A_158 = tpu.vector_load %arg8[%get3A_157] {strides = array<i32>} : memref<2064xi32, #tpu.memory_space<vmem>>, vector<16xi32>,
      %get3A_159 = arith.constant 97 : index
      %get3A_160 = tpu.vector_load %arg8[%get3A_159] {strides = array<i32>} : memref<2064xi32, #tpu.memory_space<vmem>>, vector<16xi32>,
      %get3A_161 = arith.constant 96 : index
      %get3A_162 = tpu.vector_load %arg9[%get3A_161] {strides = array<i32>} : memref<2048xf32, #tpu.memory_space<vmem>>, vector<16xf32>,
      %sub3A_163 = vector.broadcast %multiple_of3A : i32 to vector<16xi32>
      %sub3A_164 = arith.subi %get3A_158, %sub3A_163 : vector<16xi32>
      %ge3A_165 = vector.broadcast %multiple_of3A : i32 to vector<16xi32>
      %ge3A_166 = arith.cmpi sge, %get3A_158, %ge3A_165 : vector<16xi32>
      %lt3A_167 = vector.broadcast %add3A_4 : i32 to vector<16xi32>
      %lt3A_168 = arith.cmpi slt, %get3A_158, %lt3A_167 : vector<16xi32>
      %and3A_169 = arith.andi %ge3A_166, %lt3A_168 : vector<16xi1>
      %ne3A_170 = arith.cmpi ne, %get3A_158, %get3A_160 : vector<16xi32>
      %and3A_171 = arith.andi %and3A_169, %ne3A_170 : vector<16xi1>
      %gather3A_172 = tpu.vector_load_idx %arg7[%sub3A_164] masked %and3A_171 : memref<25000xf32, #tpu.memory_space<vmem>>[vector<16xi32>], vector<16xf32>, vector<16xi1>
      %add3A_173 = arith.addf %get3A_162, %gather3A_172 : vector<16xf32>
      tpu.vector_store_idx %arg7[%sub3A_164], %add3A_173 masked %and3A_171 : memref<25000xf32, #tpu.memory_space<vmem>>[vector<16xi32>], vector<16xf32>, vector<16xi1>
      %get3A_174 = arith.constant 112 : index
      %get3A_175 = tpu.vector_load %arg8[%get3A_174] {strides = array<i32>} : memref<2064xi32, #tpu.memory_space<vmem>>, vector<16xi32>,
      %get3A_176 = arith.constant 113 : index
      %get3A_177 = tpu.vector_load %arg8[%get3A_176] {strides = array<i32>} : memref<2064xi32, #tpu.memory_space<vmem>>, vector<16xi32>,
      %get3A_178 = arith.constant 112 : index
      %get3A_179 = tpu.vector_load %arg9[%get3A_178] {strides = array<i32>} : memref<2048xf32, #tpu.memory_space<vmem>>, vector<16xf32>,
      %sub3A_180 = vector.broadcast %multiple_of3A : i32 to vector<16xi32>
      %sub3A_181 = arith.subi %get3A_175, %sub3A_180 : vector<16xi32>
      %ge3A_182 = vector.broadcast %multiple_of3A : i32 to vector<16xi32>
      %ge3A_183 = arith.cmpi sge, %get3A_175, %ge3A_182 : vector<16xi32>
      %lt3A_184 = vector.broadcast %add3A_4 : i32 to vector<16xi32>
      %lt3A_185 = arith.cmpi slt, %get3A_175, %lt3A_184 : vector<16xi32>
      %and3A_186 = arith.andi %ge3A_183, %lt3A_185 : vector<16xi1>
      %ne3A_187 = arith.cmpi ne, %get3A_175, %get3A_177 : vector<16xi32>
      %and3A_188 = arith.andi %and3A_186, %ne3A_187 : vector<16xi1>
      %gather3A_189 = tpu.vector_load_idx %arg7[%sub3A_181] masked %and3A_188 : memref<25000xf32, #tpu.memory_space<vmem>>[vector<16xi32>], vector<16xf32>, vector<16xi1>
      %add3A_190 = arith.addf %get3A_179, %gather3A_189 : vector<16xf32>
      tpu.vector_store_idx %arg7[%sub3A_181], %add3A_190 masked %and3A_188 : memref<25000xf32, #tpu.memory_space<vmem>>[vector<16xi32>], vector<16xf32>, vector<16xi1>
      %get3A_191 = arith.constant 128 : index
      %get3A_192 = tpu.vector_load %arg8[%get3A_191] {strides = array<i32>} : memref<2064xi32, #tpu.memory_space<vmem>>, vector<16xi32>,
      %get3A_193 = arith.constant 129 : index
      %get3A_194 = tpu.vector_load %arg8[%get3A_193] {strides = array<i32>} : memref<2064xi32, #tpu.memory_space<vmem>>, vector<16xi32>,
      %get3A_195 = arith.constant 128 : index
      %get3A_196 = tpu.vector_load %arg9[%get3A_195] {strides = array<i32>} : memref<2048xf32, #tpu.memory_space<vmem>>, vector<16xf32>,
      %sub3A_197 = vector.broadcast %multiple_of3A : i32 to vector<16xi32>
      %sub3A_198 = arith.subi %get3A_192, %sub3A_197 : vector<16xi32>
      %ge3A_199 = vector.broadcast %multiple_of3A : i32 to vector<16xi32>
      %ge3A_200 = arith.cmpi sge, %get3A_192, %ge3A_199 : vector<16xi32>
      %lt3A_201 = vector.broadcast %add3A_4 : i32 to vector<16xi32>
      %lt3A_202 = arith.cmpi slt, %get3A_192, %lt3A_201 : vector<16xi32>
      %and3A_203 = arith.andi %ge3A_200, %lt3A_202 : vector<16xi1>
      %ne3A_204 = arith.cmpi ne, %get3A_192, %get3A_194 : vector<16xi32>
      %and3A_205 = arith.andi %and3A_203, %ne3A_204 : vector<16xi1>
      %gather3A_206 = tpu.vector_load_idx %arg7[%sub3A_198] masked %and3A_205 : memref<25000xf32, #tpu.memory_space<vmem>>[vector<16xi32>], vector<16xf32>, vector<16xi1>
      %add3A_207 = arith.addf %get3A_196, %gather3A_206 : vector<16xf32>
      tpu.vector_store_idx %arg7[%sub3A_198], %add3A_207 masked %and3A_205 : memref<25000xf32, #tpu.memory_space<vmem>>[vector<16xi32>], vector<16xf32>, vector<16xi1>
      %get3A_208 = arith.constant 144 : index
      %get3A_209 = tpu.vector_load %arg8[%get3A_208] {strides = array<i32>} : memref<2064xi32, #tpu.memory_space<vmem>>, vector<16xi32>,
      %get3A_210 = arith.constant 145 : index
      %get3A_211 = tpu.vector_load %arg8[%get3A_210] {strides = array<i32>} : memref<2064xi32, #tpu.memory_space<vmem>>, vector<16xi32>,
      %get3A_212 = arith.constant 144 : index
      %get3A_213 = tpu.vector_load %arg9[%get3A_212] {strides = array<i32>} : memref<2048xf32, #tpu.memory_space<vmem>>, vector<16xf32>,
      %sub3A_214 = vector.broadcast %multiple_of3A : i32 to vector<16xi32>
      %sub3A_215 = arith.subi %get3A_209, %sub3A_214 : vector<16xi32>
      %ge3A_216 = vector.broadcast %multiple_of3A : i32 to vector<16xi32>
      %ge3A_217 = arith.cmpi sge, %get3A_209, %ge3A_216 : vector<16xi32>
      %lt3A_218 = vector.broadcast %add3A_4 : i32 to vector<16xi32>
      %lt3A_219 = arith.cmpi slt, %get3A_209, %lt3A_218 : vector<16xi32>
      %and3A_220 = arith.andi %ge3A_217, %lt3A_219 : vector<16xi1>
      %ne3A_221 = arith.cmpi ne, %get3A_209, %get3A_211 : vector<16xi32>
      %and3A_222 = arith.andi %and3A_220, %ne3A_221 : vector<16xi1>
      %gather3A_223 = tpu.vector_load_idx %arg7[%sub3A_215] masked %and3A_222 : memref<25000xf32, #tpu.memory_space<vmem>>[vector<16xi32>], vector<16xf32>, vector<16xi1>
      %add3A_224 = arith.addf %get3A_213, %gather3A_223 : vector<16xf32>
      tpu.vector_store_idx %arg7[%sub3A_215], %add3A_224 masked %and3A_222 : memref<25000xf32, #tpu.memory_space<vmem>>[vector<16xi32>], vector<16xf32>, vector<16xi1>
      %get3A_225 = arith.constant 160 : index
      %get3A_226 = tpu.vector_load %arg8[%get3A_225] {strides = array<i32>} : memref<2064xi32, #tpu.memory_space<vmem>>, vector<16xi32>,
      %get3A_227 = arith.constant 161 : index
      %get3A_228 = tpu.vector_load %arg8[%get3A_227] {strides = array<i32>} : memref<2064xi32, #tpu.memory_space<vmem>>, vector<16xi32>,
      %get3A_229 = arith.constant 160 : index
      %get3A_230 = tpu.vector_load %arg9[%get3A_229] {strides = array<i32>} : memref<2048xf32, #tpu.memory_space<vmem>>, vector<16xf32>,
      %sub3A_231 = vector.broadcast %multiple_of3A : i32 to vector<16xi32>
      %sub3A_232 = arith.subi %get3A_226, %sub3A_231 : vector<16xi32>
      %ge3A_233 = vector.broadcast %multiple_of3A : i32 to vector<16xi32>
      %ge3A_234 = arith.cmpi sge, %get3A_226, %ge3A_233 : vector<16xi32>
      %lt3A_235 = vector.broadcast %add3A_4 : i32 to vector<16xi32>
      %lt3A_236 = arith.cmpi slt, %get3A_226, %lt3A_235 : vector<16xi32>
      %and3A_237 = arith.andi %ge3A_234, %lt3A_236 : vector<16xi1>
      %ne3A_238 = arith.cmpi ne, %get3A_226, %get3A_228 : vector<16xi32>
      %and3A_239 = arith.andi %and3A_237, %ne3A_238 : vector<16xi1>
      %gather3A_240 = tpu.vector_load_idx %arg7[%sub3A_232] masked %and3A_239 : memref<25000xf32, #tpu.memory_space<vmem>>[vector<16xi32>], vector<16xf32>, vector<16xi1>
      %add3A_241 = arith.addf %get3A_230, %gather3A_240 : vector<16xf32>
      tpu.vector_store_idx %arg7[%sub3A_232], %add3A_241 masked %and3A_239 : memref<25000xf32, #tpu.memory_space<vmem>>[vector<16xi32>], vector<16xf32>, vector<16xi1>
      %get3A_242 = arith.constant 176 : index
      %get3A_243 = tpu.vector_load %arg8[%get3A_242] {strides = array<i32>} : memref<2064xi32, #tpu.memory_space<vmem>>, vector<16xi32>,
      %get3A_244 = arith.constant 177 : index
      %get3A_245 = tpu.vector_load %arg8[%get3A_244] {strides = array<i32>} : memref<2064xi32, #tpu.memory_space<vmem>>, vector<16xi32>,
      %get3A_246 = arith.constant 176 : index
      %get3A_247 = tpu.vector_load %arg9[%get3A_246] {strides = array<i32>} : memref<2048xf32, #tpu.memory_space<vmem>>, vector<16xf32>,
      %sub3A_248 = vector.broadcast %multiple_of3A : i32 to vector<16xi32>
      %sub3A_249 = arith.subi %get3A_243, %sub3A_248 : vector<16xi32>
      %ge3A_250 = vector.broadcast %multiple_of3A : i32 to vector<16xi32>
      %ge3A_251 = arith.cmpi sge, %get3A_243, %ge3A_250 : vector<16xi32>
      %lt3A_252 = vector.broadcast %add3A_4 : i32 to vector<16xi32>
      %lt3A_253 = arith.cmpi slt, %get3A_243, %lt3A_252 : vector<16xi32>
      %and3A_254 = arith.andi %ge3A_251, %lt3A_253 : vector<16xi1>
      %ne3A_255 = arith.cmpi ne, %get3A_243, %get3A_245 : vector<16xi32>
      %and3A_256 = arith.andi %and3A_254, %ne3A_255 : vector<16xi1>
      %gather3A_257 = tpu.vector_load_idx %arg7[%sub3A_249] masked %and3A_256 : memref<25000xf32, #tpu.memory_space<vmem>>[vector<16xi32>], vector<16xf32>, vector<16xi1>
      %add3A_258 = arith.addf %get3A_247, %gather3A_257 : vector<16xf32>
      tpu.vector_store_idx %arg7[%sub3A_249], %add3A_258 masked %and3A_256 : memref<25000xf32, #tpu.memory_space<vmem>>[vector<16xi32>], vector<16xf32>, vector<16xi1>
      %get3A_259 = arith.constant 192 : index
      %get3A_260 = tpu.vector_load %arg8[%get3A_259] {strides = array<i32>} : memref<2064xi32, #tpu.memory_space<vmem>>, vector<16xi32>,
      %get3A_261 = arith.constant 193 : index
      %get3A_262 = tpu.vector_load %arg8[%get3A_261] {strides = array<i32>} : memref<2064xi32, #tpu.memory_space<vmem>>, vector<16xi32>,
      %get3A_263 = arith.constant 192 : index
      %get3A_264 = tpu.vector_load %arg9[%get3A_263] {strides = array<i32>} : memref<2048xf32, #tpu.memory_space<vmem>>, vector<16xf32>,
      %sub3A_265 = vector.broadcast %multiple_of3A : i32 to vector<16xi32>
      %sub3A_266 = arith.subi %get3A_260, %sub3A_265 : vector<16xi32>
      %ge3A_267 = vector.broadcast %multiple_of3A : i32 to vector<16xi32>
      %ge3A_268 = arith.cmpi sge, %get3A_260, %ge3A_267 : vector<16xi32>
      %lt3A_269 = vector.broadcast %add3A_4 : i32 to vector<16xi32>
      %lt3A_270 = arith.cmpi slt, %get3A_260, %lt3A_269 : vector<16xi32>
      %and3A_271 = arith.andi %ge3A_268, %lt3A_270 : vector<16xi1>
      %ne3A_272 = arith.cmpi ne, %get3A_260, %get3A_262 : vector<16xi32>
      %and3A_273 = arith.andi %and3A_271, %ne3A_272 : vector<16xi1>
      %gather3A_274 = tpu.vector_load_idx %arg7[%sub3A_266] masked %and3A_273 : memref<25000xf32, #tpu.memory_space<vmem>>[vector<16xi32>], vector<16xf32>, vector<16xi1>
      %add3A_275 = arith.addf %get3A_264, %gather3A_274 : vector<16xf32>
      tpu.vector_store_idx %arg7[%sub3A_266], %add3A_275 masked %and3A_273 : memref<25000xf32, #tpu.memory_space<vmem>>[vector<16xi32>], vector<16xf32>, vector<16xi1>
      %get3A_276 = arith.constant 208 : index
      %get3A_277 = tpu.vector_load %arg8[%get3A_276] {strides = array<i32>} : memref<2064xi32, #tpu.memory_space<vmem>>, vector<16xi32>,
      %get3A_278 = arith.constant 209 : index
      %get3A_279 = tpu.vector_load %arg8[%get3A_278] {strides = array<i32>} : memref<2064xi32, #tpu.memory_space<vmem>>, vector<16xi32>,
      %get3A_280 = arith.constant 208 : index
      %get3A_281 = tpu.vector_load %arg9[%get3A_280] {strides = array<i32>} : memref<2048xf32, #tpu.memory_space<vmem>>, vector<16xf32>,
      %sub3A_282 = vector.broadcast %multiple_of3A : i32 to vector<16xi32>
      %sub3A_283 = arith.subi %get3A_277, %sub3A_282 : vector<16xi32>
      %ge3A_284 = vector.broadcast %multiple_of3A : i32 to vector<16xi32>
      %ge3A_285 = arith.cmpi sge, %get3A_277, %ge3A_284 : vector<16xi32>
      %lt3A_286 = vector.broadcast %add3A_4 : i32 to vector<16xi32>
      %lt3A_287 = arith.cmpi slt, %get3A_277, %lt3A_286 : vector<16xi32>
      %and3A_288 = arith.andi %ge3A_285, %lt3A_287 : vector<16xi1>
      %ne3A_289 = arith.cmpi ne, %get3A_277, %get3A_279 : vector<16xi32>
      %and3A_290 = arith.andi %and3A_288, %ne3A_289 : vector<16xi1>
      %gather3A_291 = tpu.vector_load_idx %arg7[%sub3A_283] masked %and3A_290 : memref<25000xf32, #tpu.memory_space<vmem>>[vector<16xi32>], vector<16xf32>, vector<16xi1>
      %add3A_292 = arith.addf %get3A_281, %gather3A_291 : vector<16xf32>
      tpu.vector_store_idx %arg7[%sub3A_283], %add3A_292 masked %and3A_290 : memref<25000xf32, #tpu.memory_space<vmem>>[vector<16xi32>], vector<16xf32>, vector<16xi1>
      %get3A_293 = arith.constant 224 : index
      %get3A_294 = tpu.vector_load %arg8[%get3A_293] {strides = array<i32>} : memref<2064xi32, #tpu.memory_space<vmem>>, vector<16xi32>,
      %get3A_295 = arith.constant 225 : index
      %get3A_296 = tpu.vector_load %arg8[%get3A_295] {strides = array<i32>} : memref<2064xi32, #tpu.memory_space<vmem>>, vector<16xi32>,
      %get3A_297 = arith.constant 224 : index
      %get3A_298 = tpu.vector_load %arg9[%get3A_297] {strides = array<i32>} : memref<2048xf32, #tpu.memory_space<vmem>>, vector<16xf32>,
      %sub3A_299 = vector.broadcast %multiple_of3A : i32 to vector<16xi32>
      %sub3A_300 = arith.subi %get3A_294, %sub3A_299 : vector<16xi32>
      %ge3A_301 = vector.broadcast %multiple_of3A : i32 to vector<16xi32>
      %ge3A_302 = arith.cmpi sge, %get3A_294, %ge3A_301 : vector<16xi32>
      %lt3A_303 = vector.broadcast %add3A_4 : i32 to vector<16xi32>
      %lt3A_304 = arith.cmpi slt, %get3A_294, %lt3A_303 : vector<16xi32>
      %and3A_305 = arith.andi %ge3A_302, %lt3A_304 : vector<16xi1>
      %ne3A_306 = arith.cmpi ne, %get3A_294, %get3A_296 : vector<16xi32>
      %and3A_307 = arith.andi %and3A_305, %ne3A_306 : vector<16xi1>
      %gather3A_308 = tpu.vector_load_idx %arg7[%sub3A_300] masked %and3A_307 : memref<25000xf32, #tpu.memory_space<vmem>>[vector<16xi32>], vector<16xf32>, vector<16xi1>
      %add3A_309 = arith.addf %get3A_298, %gather3A_308 : vector<16xf32>
      tpu.vector_store_idx %arg7[%sub3A_300], %add3A_309 masked %and3A_307 : memref<25000xf32, #tpu.memory_space<vmem>>[vector<16xi32>], vector<16xf32>, vector<16xi1>
      %get3A_310 = arith.constant 240 : index
      %get3A_311 = tpu.vector_load %arg8[%get3A_310] {strides = array<i32>} : memref<2064xi32, #tpu.memory_space<vmem>>, vector<16xi32>,
      %get3A_312 = arith.constant 241 : index
      %get3A_313 = tpu.vector_load %arg8[%get3A_312] {strides = array<i32>} : memref<2064xi32, #tpu.memory_space<vmem>>, vector<16xi32>,
      %get3A_314 = arith.constant 240 : index
      %get3A_315 = tpu.vector_load %arg9[%get3A_314] {strides = array<i32>} : memref<2048xf32, #tpu.memory_space<vmem>>, vector<16xf32>,
      %sub3A_316 = vector.broadcast %multiple_of3A : i32 to vector<16xi32>
      %sub3A_317 = arith.subi %get3A_311, %sub3A_316 : vector<16xi32>
      %ge3A_318 = vector.broadcast %multiple_of3A : i32 to vector<16xi32>
      %ge3A_319 = arith.cmpi sge, %get3A_311, %ge3A_318 : vector<16xi32>
      %lt3A_320 = vector.broadcast %add3A_4 : i32 to vector<16xi32>
      %lt3A_321 = arith.cmpi slt, %get3A_311, %lt3A_320 : vector<16xi32>
      %and3A_322 = arith.andi %ge3A_319, %lt3A_321 : vector<16xi1>
      %ne3A_323 = arith.cmpi ne, %get3A_311, %get3A_313 : vector<16xi32>
      %and3A_324 = arith.andi %and3A_322, %ne3A_323 : vector<16xi1>
      %gather3A_325 = tpu.vector_load_idx %arg7[%sub3A_317] masked %and3A_324 : memref<25000xf32, #tpu.memory_space<vmem>>[vector<16xi32>], vector<16xf32>, vector<16xi1>
      %add3A_326 = arith.addf %get3A_315, %gather3A_325 : vector<16xf32>
      tpu.vector_store_idx %arg7[%sub3A_317], %add3A_326 masked %and3A_324 : memref<25000xf32, #tpu.memory_space<vmem>>[vector<16xi32>], vector<16xf32>, vector<16xi1>
      %get3A_327 = arith.constant 256 : index
      %get3A_328 = tpu.vector_load %arg8[%get3A_327] {strides = array<i32>} : memref<2064xi32, #tpu.memory_space<vmem>>, vector<16xi32>,
      %get3A_329 = arith.constant 257 : index
      %get3A_330 = tpu.vector_load %arg8[%get3A_329] {strides = array<i32>} : memref<2064xi32, #tpu.memory_space<vmem>>, vector<16xi32>,
      %get3A_331 = arith.constant 256 : index
      %get3A_332 = tpu.vector_load %arg9[%get3A_331] {strides = array<i32>} : memref<2048xf32, #tpu.memory_space<vmem>>, vector<16xf32>,
      %sub3A_333 = vector.broadcast %multiple_of3A : i32 to vector<16xi32>
      %sub3A_334 = arith.subi %get3A_328, %sub3A_333 : vector<16xi32>
      %ge3A_335 = vector.broadcast %multiple_of3A : i32 to vector<16xi32>
      %ge3A_336 = arith.cmpi sge, %get3A_328, %ge3A_335 : vector<16xi32>
      %lt3A_337 = vector.broadcast %add3A_4 : i32 to vector<16xi32>
      %lt3A_338 = arith.cmpi slt, %get3A_328, %lt3A_337 : vector<16xi32>
      %and3A_339 = arith.andi %ge3A_336, %lt3A_338 : vector<16xi1>
      %ne3A_340 = arith.cmpi ne, %get3A_328, %get3A_330 : vector<16xi32>
      %and3A_341 = arith.andi %and3A_339, %ne3A_340 : vector<16xi1>
      %gather3A_342 = tpu.vector_load_idx %arg7[%sub3A_334] masked %and3A_341 : memref<25000xf32, #tpu.memory_space<vmem>>[vector<16xi32>], vector<16xf32>, vector<16xi1>
      %add3A_343 = arith.addf %get3A_332, %gather3A_342 : vector<16xf32>
      tpu.vector_store_idx %arg7[%sub3A_334], %add3A_343 masked %and3A_341 : memref<25000xf32, #tpu.memory_space<vmem>>[vector<16xi32>], vector<16xf32>, vector<16xi1>
      %get3A_344 = arith.constant 272 : index
      %get3A_345 = tpu.vector_load %arg8[%get3A_344] {strides = array<i32>} : memref<2064xi32, #tpu.memory_space<vmem>>, vector<16xi32>,
      %get3A_346 = arith.constant 273 : index
      %get3A_347 = tpu.vector_load %arg8[%get3A_346] {strides = array<i32>} : memref<2064xi32, #tpu.memory_space<vmem>>, vector<16xi32>,
      %get3A_348 = arith.constant 272 : index
      %get3A_349 = tpu.vector_load %arg9[%get3A_348] {strides = array<i32>} : memref<2048xf32, #tpu.memory_space<vmem>>, vector<16xf32>,
      %sub3A_350 = vector.broadcast %multiple_of3A : i32 to vector<16xi32>
      %sub3A_351 = arith.subi %get3A_345, %sub3A_350 : vector<16xi32>
      %ge3A_352 = vector.broadcast %multiple_of3A : i32 to vector<16xi32>
      %ge3A_353 = arith.cmpi sge, %get3A_345, %ge3A_352 : vector<16xi32>
      %lt3A_354 = vector.broadcast %add3A_4 : i32 to vector<16xi32>
      %lt3A_355 = arith.cmpi slt, %get3A_345, %lt3A_354 : vector<16xi32>
      %and3A_356 = arith.andi %ge3A_353, %lt3A_355 : vector<16xi1>
      %ne3A_357 = arith.cmpi ne, %get3A_345, %get3A_347 : vector<16xi32>
      %and3A_358 = arith.andi %and3A_356, %ne3A_357 : vector<16xi1>
      %gather3A_359 = tpu.vector_load_idx %arg7[%sub3A_351] masked %and3A_358 : memref<25000xf32, #tpu.memory_space<vmem>>[vector<16xi32>], vector<16xf32>, vector<16xi1>
      %add3A_360 = arith.addf %get3A_349, %gather3A_359 : vector<16xf32>
      tpu.vector_store_idx %arg7[%sub3A_351], %add3A_360 masked %and3A_358 : memref<25000xf32, #tpu.memory_space<vmem>>[vector<16xi32>], vector<16xf32>, vector<16xi1>
      %get3A_361 = arith.constant 288 : index
      %get3A_362 = tpu.vector_load %arg8[%get3A_361] {strides = array<i32>} : memref<2064xi32, #tpu.memory_space<vmem>>, vector<16xi32>,
      %get3A_363 = arith.constant 289 : index
      %get3A_364 = tpu.vector_load %arg8[%get3A_363] {strides = array<i32>} : memref<2064xi32, #tpu.memory_space<vmem>>, vector<16xi32>,
      %get3A_365 = arith.constant 288 : index
      %get3A_366 = tpu.vector_load %arg9[%get3A_365] {strides = array<i32>} : memref<2048xf32, #tpu.memory_space<vmem>>, vector<16xf32>,
      %sub3A_367 = vector.broadcast %multiple_of3A : i32 to vector<16xi32>
      %sub3A_368 = arith.subi %get3A_362, %sub3A_367 : vector<16xi32>
      %ge3A_369 = vector.broadcast %multiple_of3A : i32 to vector<16xi32>
      %ge3A_370 = arith.cmpi sge, %get3A_362, %ge3A_369 : vector<16xi32>
      %lt3A_371 = vector.broadcast %add3A_4 : i32 to vector<16xi32>
      %lt3A_372 = arith.cmpi slt, %get3A_362, %lt3A_371 : vector<16xi32>
      %and3A_373 = arith.andi %ge3A_370, %lt3A_372 : vector<16xi1>
      %ne3A_374 = arith.cmpi ne, %get3A_362, %get3A_364 : vector<16xi32>
      %and3A_375 = arith.andi %and3A_373, %ne3A_374 : vector<16xi1>
      %gather3A_376 = tpu.vector_load_idx %arg7[%sub3A_368] masked %and3A_375 : memref<25000xf32, #tpu.memory_space<vmem>>[vector<16xi32>], vector<16xf32>, vector<16xi1>
      %add3A_377 = arith.addf %get3A_366, %gather3A_376 : vector<16xf32>
      tpu.vector_store_idx %arg7[%sub3A_368], %add3A_377 masked %and3A_375 : memref<25000xf32, #tpu.memory_space<vmem>>[vector<16xi32>], vector<16xf32>, vector<16xi1>
      %get3A_378 = arith.constant 304 : index
      %get3A_379 = tpu.vector_load %arg8[%get3A_378] {strides = array<i32>} : memref<2064xi32, #tpu.memory_space<vmem>>, vector<16xi32>,
      %get3A_380 = arith.constant 305 : index
      %get3A_381 = tpu.vector_load %arg8[%get3A_380] {strides = array<i32>} : memref<2064xi32, #tpu.memory_space<vmem>>, vector<16xi32>,
      %get3A_382 = arith.constant 304 : index
      %get3A_383 = tpu.vector_load %arg9[%get3A_382] {strides = array<i32>} : memref<2048xf32, #tpu.memory_space<vmem>>, vector<16xf32>,
      %sub3A_384 = vector.broadcast %multiple_of3A : i32 to vector<16xi32>
      %sub3A_385 = arith.subi %get3A_379, %sub3A_384 : vector<16xi32>
      %ge3A_386 = vector.broadcast %multiple_of3A : i32 to vector<16xi32>
      %ge3A_387 = arith.cmpi sge, %get3A_379, %ge3A_386 : vector<16xi32>
      %lt3A_388 = vector.broadcast %add3A_4 : i32 to vector<16xi32>
      %lt3A_389 = arith.cmpi slt, %get3A_379, %lt3A_388 : vector<16xi32>
      %and3A_390 = arith.andi %ge3A_387, %lt3A_389 : vector<16xi1>
      %ne3A_391 = arith.cmpi ne, %get3A_379, %get3A_381 : vector<16xi32>
      %and3A_392 = arith.andi %and3A_390, %ne3A_391 : vector<16xi1>
      %gather3A_393 = tpu.vector_load_idx %arg7[%sub3A_385] masked %and3A_392 : memref<25000xf32, #tpu.memory_space<vmem>>[vector<16xi32>], vector<16xf32>, vector<16xi1>
      %add3A_394 = arith.addf %get3A_383, %gather3A_393 : vector<16xf32>
      tpu.vector_store_idx %arg7[%sub3A_385], %add3A_394 masked %and3A_392 : memref<25000xf32, #tpu.memory_space<vmem>>[vector<16xi32>], vector<16xf32>, vector<16xi1>
      %get3A_395 = arith.constant 320 : index
      %get3A_396 = tpu.vector_load %arg8[%get3A_395] {strides = array<i32>} : memref<2064xi32, #tpu.memory_space<vmem>>, vector<16xi32>,
      %get3A_397 = arith.constant 321 : index
      %get3A_398 = tpu.vector_load %arg8[%get3A_397] {strides = array<i32>} : memref<2064xi32, #tpu.memory_space<vmem>>, vector<16xi32>,
      %get3A_399 = arith.constant 320 : index
      %get3A_400 = tpu.vector_load %arg9[%get3A_399] {strides = array<i32>} : memref<2048xf32, #tpu.memory_space<vmem>>, vector<16xf32>,
      %sub3A_401 = vector.broadcast %multiple_of3A : i32 to vector<16xi32>
      %sub3A_402 = arith.subi %get3A_396, %sub3A_401 : vector<16xi32>
      %ge3A_403 = vector.broadcast %multiple_of3A : i32 to vector<16xi32>
      %ge3A_404 = arith.cmpi sge, %get3A_396, %ge3A_403 : vector<16xi32>
      %lt3A_405 = vector.broadcast %add3A_4 : i32 to vector<16xi32>
      %lt3A_406 = arith.cmpi slt, %get3A_396, %lt3A_405 : vector<16xi32>
      %and3A_407 = arith.andi %ge3A_404, %lt3A_406 : vector<16xi1>
      %ne3A_408 = arith.cmpi ne, %get3A_396, %get3A_398 : vector<16xi32>
      %and3A_409 = arith.andi %and3A_407, %ne3A_408 : vector<16xi1>
      %gather3A_410 = tpu.vector_load_idx %arg7[%sub3A_402] masked %and3A_409 : memref<25000xf32, #tpu.memory_space<vmem>>[vector<16xi32>], vector<16xf32>, vector<16xi1>
      %add3A_411 = arith.addf %get3A_400, %gather3A_410 : vector<16xf32>
      tpu.vector_store_idx %arg7[%sub3A_402], %add3A_411 masked %and3A_409 : memref<25000xf32, #tpu.memory_space<vmem>>[vector<16xi32>], vector<16xf32>, vector<16xi1>
      %get3A_412 = arith.constant 336 : index
      %get3A_413 = tpu.vector_load %arg8[%get3A_412] {strides = array<i32>} : memref<2064xi32, #tpu.memory_space<vmem>>, vector<16xi32>,
      %get3A_414 = arith.constant 337 : index
      %get3A_415 = tpu.vector_load %arg8[%get3A_414] {strides = array<i32>} : memref<2064xi32, #tpu.memory_space<vmem>>, vector<16xi32>,
      %get3A_416 = arith.constant 336 : index
      %get3A_417 = tpu.vector_load %arg9[%get3A_416] {strides = array<i32>} : memref<2048xf32, #tpu.memory_space<vmem>>, vector<16xf32>,
      %sub3A_418 = vector.broadcast %multiple_of3A : i32 to vector<16xi32>
      %sub3A_419 = arith.subi %get3A_413, %sub3A_418 : vector<16xi32>
      %ge3A_420 = vector.broadcast %multiple_of3A : i32 to vector<16xi32>
      %ge3A_421 = arith.cmpi sge, %get3A_413, %ge3A_420 : vector<16xi32>
      %lt3A_422 = vector.broadcast %add3A_4 : i32 to vector<16xi32>
      %lt3A_423 = arith.cmpi slt, %get3A_413, %lt3A_422 : vector<16xi32>
      %and3A_424 = arith.andi %ge3A_421, %lt3A_423 : vector<16xi1>
      %ne3A_425 = arith.cmpi ne, %get3A_413, %get3A_415 : vector<16xi32>
      %and3A_426 = arith.andi %and3A_424, %ne3A_425 : vector<16xi1>
      %gather3A_427 = tpu.vector_load_idx %arg7[%sub3A_419] masked %and3A_426 : memref<25000xf32, #tpu.memory_space<vmem>>[vector<16xi32>], vector<16xf32>, vector<16xi1>
      %add3A_428 = arith.addf %get3A_417, %gather3A_427 : vector<16xf32>
      tpu.vector_store_idx %arg7[%sub3A_419], %add3A_428 masked %and3A_426 : memref<25000xf32, #tpu.memory_space<vmem>>[vector<16xi32>], vector<16xf32>, vector<16xi1>
      %get3A_429 = arith.constant 352 : index
      %get3A_430 = tpu.vector_load %arg8[%get3A_429] {strides = array<i32>} : memref<2064xi32, #tpu.memory_space<vmem>>, vector<16xi32>,
      %get3A_431 = arith.constant 353 : index
      %get3A_432 = tpu.vector_load %arg8[%get3A_431] {strides = array<i32>} : memref<2064xi32, #tpu.memory_space<vmem>>, vector<16xi32>,
      %get3A_433 = arith.constant 352 : index
      %get3A_434 = tpu.vector_load %arg9[%get3A_433] {strides = array<i32>} : memref<2048xf32, #tpu.memory_space<vmem>>, vector<16xf32>,
      %sub3A_435 = vector.broadcast %multiple_of3A : i32 to vector<16xi32>
      %sub3A_436 = arith.subi %get3A_430, %sub3A_435 : vector<16xi32>
      %ge3A_437 = vector.broadcast %multiple_of3A : i32 to vector<16xi32>
      %ge3A_438 = arith.cmpi sge, %get3A_430, %ge3A_437 : vector<16xi32>
      %lt3A_439 = vector.broadcast %add3A_4 : i32 to vector<16xi32>
      %lt3A_440 = arith.cmpi slt, %get3A_430, %lt3A_439 : vector<16xi32>
      %and3A_441 = arith.andi %ge3A_438, %lt3A_440 : vector<16xi1>
      %ne3A_442 = arith.cmpi ne, %get3A_430, %get3A_432 : vector<16xi32>
      %and3A_443 = arith.andi %and3A_441, %ne3A_442 : vector<16xi1>
      %gather3A_444 = tpu.vector_load_idx %arg7[%sub3A_436] masked %and3A_443 : memref<25000xf32, #tpu.memory_space<vmem>>[vector<16xi32>], vector<16xf32>, vector<16xi1>
      %add3A_445 = arith.addf %get3A_434, %gather3A_444 : vector<16xf32>
      tpu.vector_store_idx %arg7[%sub3A_436], %add3A_445 masked %and3A_443 : memref<25000xf32, #tpu.memory_space<vmem>>[vector<16xi32>], vector<16xf32>, vector<16xi1>
      %get3A_446 = arith.constant 368 : index
      %get3A_447 = tpu.vector_load %arg8[%get3A_446] {strides = array<i32>} : memref<2064xi32, #tpu.memory_space<vmem>>, vector<16xi32>,
      %get3A_448 = arith.constant 369 : index
      %get3A_449 = tpu.vector_load %arg8[%get3A_448] {strides = array<i32>} : memref<2064xi32, #tpu.memory_space<vmem>>, vector<16xi32>,
      %get3A_450 = arith.constant 368 : index
      %get3A_451 = tpu.vector_load %arg9[%get3A_450] {strides = array<i32>} : memref<2048xf32, #tpu.memory_space<vmem>>, vector<16xf32>,
      %sub3A_452 = vector.broadcast %multiple_of3A : i32 to vector<16xi32>
      %sub3A_453 = arith.subi %get3A_447, %sub3A_452 : vector<16xi32>
      %ge3A_454 = vector.broadcast %multiple_of3A : i32 to vector<16xi32>
      %ge3A_455 = arith.cmpi sge, %get3A_447, %ge3A_454 : vector<16xi32>
      %lt3A_456 = vector.broadcast %add3A_4 : i32 to vector<16xi32>
      %lt3A_457 = arith.cmpi slt, %get3A_447, %lt3A_456 : vector<16xi32>
      %and3A_458 = arith.andi %ge3A_455, %lt3A_457 : vector<16xi1>
      %ne3A_459 = arith.cmpi ne, %get3A_447, %get3A_449 : vector<16xi32>
      %and3A_460 = arith.andi %and3A_458, %ne3A_459 : vector<16xi1>
      %gather3A_461 = tpu.vector_load_idx %arg7[%sub3A_453] masked %and3A_460 : memref<25000xf32, #tpu.memory_space<vmem>>[vector<16xi32>], vector<16xf32>, vector<16xi1>
      %add3A_462 = arith.addf %get3A_451, %gather3A_461 : vector<16xf32>
      tpu.vector_store_idx %arg7[%sub3A_453], %add3A_462 masked %and3A_460 : memref<25000xf32, #tpu.memory_space<vmem>>[vector<16xi32>], vector<16xf32>, vector<16xi1>
      %get3A_463 = arith.constant 384 : index
      %get3A_464 = tpu.vector_load %arg8[%get3A_463] {strides = array<i32>} : memref<2064xi32, #tpu.memory_space<vmem>>, vector<16xi32>,
      %get3A_465 = arith.constant 385 : index
      %get3A_466 = tpu.vector_load %arg8[%get3A_465] {strides = array<i32>} : memref<2064xi32, #tpu.memory_space<vmem>>, vector<16xi32>,
      %get3A_467 = arith.constant 384 : index
      %get3A_468 = tpu.vector_load %arg9[%get3A_467] {strides = array<i32>} : memref<2048xf32, #tpu.memory_space<vmem>>, vector<16xf32>,
      %sub3A_469 = vector.broadcast %multiple_of3A : i32 to vector<16xi32>
      %sub3A_470 = arith.subi %get3A_464, %sub3A_469 : vector<16xi32>
      %ge3A_471 = vector.broadcast %multiple_of3A : i32 to vector<16xi32>
      %ge3A_472 = arith.cmpi sge, %get3A_464, %ge3A_471 : vector<16xi32>
      %lt3A_473 = vector.broadcast %add3A_4 : i32 to vector<16xi32>
      %lt3A_474 = arith.cmpi slt, %get3A_464, %lt3A_473 : vector<16xi32>
      %and3A_475 = arith.andi %ge3A_472, %lt3A_474 : vector<16xi1>
      %ne3A_476 = arith.cmpi ne, %get3A_464, %get3A_466 : vector<16xi32>
      %and3A_477 = arith.andi %and3A_475, %ne3A_476 : vector<16xi1>
      %gather3A_478 = tpu.vector_load_idx %arg7[%sub3A_470] masked %and3A_477 : memref<25000xf32, #tpu.memory_space<vmem>>[vector<16xi32>], vector<16xf32>, vector<16xi1>
      %add3A_479 = arith.addf %get3A_468, %gather3A_478 : vector<16xf32>
      tpu.vector_store_idx %arg7[%sub3A_470], %add3A_479 masked %and3A_477 : memref<25000xf32, #tpu.memory_space<vmem>>[vector<16xi32>], vector<16xf32>, vector<16xi1>
      %get3A_480 = arith.constant 400 : index
      %get3A_481 = tpu.vector_load %arg8[%get3A_480] {strides = array<i32>} : memref<2064xi32, #tpu.memory_space<vmem>>, vector<16xi32>,
      %get3A_482 = arith.constant 401 : index
      %get3A_483 = tpu.vector_load %arg8[%get3A_482] {strides = array<i32>} : memref<2064xi32, #tpu.memory_space<vmem>>, vector<16xi32>,
      %get3A_484 = arith.constant 400 : index
      %get3A_485 = tpu.vector_load %arg9[%get3A_484] {strides = array<i32>} : memref<2048xf32, #tpu.memory_space<vmem>>, vector<16xf32>,
      %sub3A_486 = vector.broadcast %multiple_of3A : i32 to vector<16xi32>
      %sub3A_487 = arith.subi %get3A_481, %sub3A_486 : vector<16xi32>
      %ge3A_488 = vector.broadcast %multiple_of3A : i32 to vector<16xi32>
      %ge3A_489 = arith.cmpi sge, %get3A_481, %ge3A_488 : vector<16xi32>
      %lt3A_490 = vector.broadcast %add3A_4 : i32 to vector<16xi32>
      %lt3A_491 = arith.cmpi slt, %get3A_481, %lt3A_490 : vector<16xi32>
      %and3A_492 = arith.andi %ge3A_489, %lt3A_491 : vector<16xi1>
      %ne3A_493 = arith.cmpi ne, %get3A_481, %get3A_483 : vector<16xi32>
      %and3A_494 = arith.andi %and3A_492, %ne3A_493 : vector<16xi1>
      %gather3A_495 = tpu.vector_load_idx %arg7[%sub3A_487] masked %and3A_494 : memref<25000xf32, #tpu.memory_space<vmem>>[vector<16xi32>], vector<16xf32>, vector<16xi1>
      %add3A_496 = arith.addf %get3A_485, %gather3A_495 : vector<16xf32>
      tpu.vector_store_idx %arg7[%sub3A_487], %add3A_496 masked %and3A_494 : memref<25000xf32, #tpu.memory_space<vmem>>[vector<16xi32>], vector<16xf32>, vector<16xi1>
      %get3A_497 = arith.constant 416 : index
      %get3A_498 = tpu.vector_load %arg8[%get3A_497] {strides = array<i32>} : memref<2064xi32, #tpu.memory_space<vmem>>, vector<16xi32>,
      %get3A_499 = arith.constant 417 : index
      %get3A_500 = tpu.vector_load %arg8[%get3A_499] {strides = array<i32>} : memref<2064xi32, #tpu.memory_space<vmem>>, vector<16xi32>,
      %get3A_501 = arith.constant 416 : index
      %get3A_502 = tpu.vector_load %arg9[%get3A_501] {strides = array<i32>} : memref<2048xf32, #tpu.memory_space<vmem>>, vector<16xf32>,
      %sub3A_503 = vector.broadcast %multiple_of3A : i32 to vector<16xi32>
      %sub3A_504 = arith.subi %get3A_498, %sub3A_503 : vector<16xi32>
      %ge3A_505 = vector.broadcast %multiple_of3A : i32 to vector<16xi32>
      %ge3A_506 = arith.cmpi sge, %get3A_498, %ge3A_505 : vector<16xi32>
      %lt3A_507 = vector.broadcast %add3A_4 : i32 to vector<16xi32>
      %lt3A_508 = arith.cmpi slt, %get3A_498, %lt3A_507 : vector<16xi32>
      %and3A_509 = arith.andi %ge3A_506, %lt3A_508 : vector<16xi1>
      %ne3A_510 = arith.cmpi ne, %get3A_498, %get3A_500 : vector<16xi32>
      %and3A_511 = arith.andi %and3A_509, %ne3A_510 : vector<16xi1>
      %gather3A_512 = tpu.vector_load_idx %arg7[%sub3A_504] masked %and3A_511 : memref<25000xf32, #tpu.memory_space<vmem>>[vector<16xi32>], vector<16xf32>, vector<16xi1>
      %add3A_513 = arith.addf %get3A_502, %gather3A_512 : vector<16xf32>
      tpu.vector_store_idx %arg7[%sub3A_504], %add3A_513 masked %and3A_511 : memref<25000xf32, #tpu.memory_space<vmem>>[vector<16xi32>], vector<16xf32>, vector<16xi1>
      %get3A_514 = arith.constant 432 : index
      %get3A_515 = tpu.vector_load %arg8[%get3A_514] {strides = array<i32>} : memref<2064xi32, #tpu.memory_space<vmem>>, vector<16xi32>,
      %get3A_516 = arith.constant 433 : index
      %get3A_517 = tpu.vector_load %arg8[%get3A_516] {strides = array<i32>} : memref<2064xi32, #tpu.memory_space<vmem>>, vector<16xi32>,
      %get3A_518 = arith.constant 432 : index
      %get3A_519 = tpu.vector_load %arg9[%get3A_518] {strides = array<i32>} : memref<2048xf32, #tpu.memory_space<vmem>>, vector<16xf32>,
      %sub3A_520 = vector.broadcast %multiple_of3A : i32 to vector<16xi32>
      %sub3A_521 = arith.subi %get3A_515, %sub3A_520 : vector<16xi32>
      %ge3A_522 = vector.broadcast %multiple_of3A : i32 to vector<16xi32>
      %ge3A_523 = arith.cmpi sge, %get3A_515, %ge3A_522 : vector<16xi32>
      %lt3A_524 = vector.broadcast %add3A_4 : i32 to vector<16xi32>
      %lt3A_525 = arith.cmpi slt, %get3A_515, %lt3A_524 : vector<16xi32>
      %and3A_526 = arith.andi %ge3A_523, %lt3A_525 : vector<16xi1>
      %ne3A_527 = arith.cmpi ne, %get3A_515, %get3A_517 : vector<16xi32>
      %and3A_528 = arith.andi %and3A_526, %ne3A_527 : vector<16xi1>
      %gather3A_529 = tpu.vector_load_idx %arg7[%sub3A_521] masked %and3A_528 : memref<25000xf32, #tpu.memory_space<vmem>>[vector<16xi32>], vector<16xf32>, vector<16xi1>
      %add3A_530 = arith.addf %get3A_519, %gather3A_529 : vector<16xf32>
      tpu.vector_store_idx %arg7[%sub3A_521], %add3A_530 masked %and3A_528 : memref<25000xf32, #tpu.memory_space<vmem>>[vector<16xi32>], vector<16xf32>, vector<16xi1>
      %get3A_531 = arith.constant 448 : index
      %get3A_532 = tpu.vector_load %arg8[%get3A_531] {strides = array<i32>} : memref<2064xi32, #tpu.memory_space<vmem>>, vector<16xi32>,
      %get3A_533 = arith.constant 449 : index
      %get3A_534 = tpu.vector_load %arg8[%get3A_533] {strides = array<i32>} : memref<2064xi32, #tpu.memory_space<vmem>>, vector<16xi32>,
      %get3A_535 = arith.constant 448 : index
      %get3A_536 = tpu.vector_load %arg9[%get3A_535] {strides = array<i32>} : memref<2048xf32, #tpu.memory_space<vmem>>, vector<16xf32>,
      %sub3A_537 = vector.broadcast %multiple_of3A : i32 to vector<16xi32>
      %sub3A_538 = arith.subi %get3A_532, %sub3A_537 : vector<16xi32>
      %ge3A_539 = vector.broadcast %multiple_of3A : i32 to vector<16xi32>
      %ge3A_540 = arith.cmpi sge, %get3A_532, %ge3A_539 : vector<16xi32>
      %lt3A_541 = vector.broadcast %add3A_4 : i32 to vector<16xi32>
      %lt3A_542 = arith.cmpi slt, %get3A_532, %lt3A_541 : vector<16xi32>
      %and3A_543 = arith.andi %ge3A_540, %lt3A_542 : vector<16xi1>
      %ne3A_544 = arith.cmpi ne, %get3A_532, %get3A_534 : vector<16xi32>
      %and3A_545 = arith.andi %and3A_543, %ne3A_544 : vector<16xi1>
      %gather3A_546 = tpu.vector_load_idx %arg7[%sub3A_538] masked %and3A_545 : memref<25000xf32, #tpu.memory_space<vmem>>[vector<16xi32>], vector<16xf32>, vector<16xi1>
      %add3A_547 = arith.addf %get3A_536, %gather3A_546 : vector<16xf32>
      tpu.vector_store_idx %arg7[%sub3A_538], %add3A_547 masked %and3A_545 : memref<25000xf32, #tpu.memory_space<vmem>>[vector<16xi32>], vector<16xf32>, vector<16xi1>
      %get3A_548 = arith.constant 464 : index
      %get3A_549 = tpu.vector_load %arg8[%get3A_548] {strides = array<i32>} : memref<2064xi32, #tpu.memory_space<vmem>>, vector<16xi32>,
      %get3A_550 = arith.constant 465 : index
      %get3A_551 = tpu.vector_load %arg8[%get3A_550] {strides = array<i32>} : memref<2064xi32, #tpu.memory_space<vmem>>, vector<16xi32>,
      %get3A_552 = arith.constant 464 : index
      %get3A_553 = tpu.vector_load %arg9[%get3A_552] {strides = array<i32>} : memref<2048xf32, #tpu.memory_space<vmem>>, vector<16xf32>,
      %sub3A_554 = vector.broadcast %multiple_of3A : i32 to vector<16xi32>
      %sub3A_555 = arith.subi %get3A_549, %sub3A_554 : vector<16xi32>
      %ge3A_556 = vector.broadcast %multiple_of3A : i32 to vector<16xi32>
      %ge3A_557 = arith.cmpi sge, %get3A_549, %ge3A_556 : vector<16xi32>
      %lt3A_558 = vector.broadcast %add3A_4 : i32 to vector<16xi32>
      %lt3A_559 = arith.cmpi slt, %get3A_549, %lt3A_558 : vector<16xi32>
      %and3A_560 = arith.andi %ge3A_557, %lt3A_559 : vector<16xi1>
      %ne3A_561 = arith.cmpi ne, %get3A_549, %get3A_551 : vector<16xi32>
      %and3A_562 = arith.andi %and3A_560, %ne3A_561 : vector<16xi1>
      %gather3A_563 = tpu.vector_load_idx %arg7[%sub3A_555] masked %and3A_562 : memref<25000xf32, #tpu.memory_space<vmem>>[vector<16xi32>], vector<16xf32>, vector<16xi1>
      %add3A_564 = arith.addf %get3A_553, %gather3A_563 : vector<16xf32>
      tpu.vector_store_idx %arg7[%sub3A_555], %add3A_564 masked %and3A_562 : memref<25000xf32, #tpu.memory_space<vmem>>[vector<16xi32>], vector<16xf32>, vector<16xi1>
      %get3A_565 = arith.constant 480 : index
      %get3A_566 = tpu.vector_load %arg8[%get3A_565] {strides = array<i32>} : memref<2064xi32, #tpu.memory_space<vmem>>, vector<16xi32>,
      %get3A_567 = arith.constant 481 : index
      %get3A_568 = tpu.vector_load %arg8[%get3A_567] {strides = array<i32>} : memref<2064xi32, #tpu.memory_space<vmem>>, vector<16xi32>,
      %get3A_569 = arith.constant 480 : index
      %get3A_570 = tpu.vector_load %arg9[%get3A_569] {strides = array<i32>} : memref<2048xf32, #tpu.memory_space<vmem>>, vector<16xf32>,
      %sub3A_571 = vector.broadcast %multiple_of3A : i32 to vector<16xi32>
      %sub3A_572 = arith.subi %get3A_566, %sub3A_571 : vector<16xi32>
      %ge3A_573 = vector.broadcast %multiple_of3A : i32 to vector<16xi32>
      %ge3A_574 = arith.cmpi sge, %get3A_566, %ge3A_573 : vector<16xi32>
      %lt3A_575 = vector.broadcast %add3A_4 : i32 to vector<16xi32>
      %lt3A_576 = arith.cmpi slt, %get3A_566, %lt3A_575 : vector<16xi32>
      %and3A_577 = arith.andi %ge3A_574, %lt3A_576 : vector<16xi1>
      %ne3A_578 = arith.cmpi ne, %get3A_566, %get3A_568 : vector<16xi32>
      %and3A_579 = arith.andi %and3A_577, %ne3A_578 : vector<16xi1>
      %gather3A_580 = tpu.vector_load_idx %arg7[%sub3A_572] masked %and3A_579 : memref<25000xf32, #tpu.memory_space<vmem>>[vector<16xi32>], vector<16xf32>, vector<16xi1>
      %add3A_581 = arith.addf %get3A_570, %gather3A_580 : vector<16xf32>
      tpu.vector_store_idx %arg7[%sub3A_572], %add3A_581 masked %and3A_579 : memref<25000xf32, #tpu.memory_space<vmem>>[vector<16xi32>], vector<16xf32>, vector<16xi1>
      %get3A_582 = arith.constant 496 : index
      %get3A_583 = tpu.vector_load %arg8[%get3A_582] {strides = array<i32>} : memref<2064xi32, #tpu.memory_space<vmem>>, vector<16xi32>,
      %get3A_584 = arith.constant 497 : index
      %get3A_585 = tpu.vector_load %arg8[%get3A_584] {strides = array<i32>} : memref<2064xi32, #tpu.memory_space<vmem>>, vector<16xi32>,
      %get3A_586 = arith.constant 496 : index
      %get3A_587 = tpu.vector_load %arg9[%get3A_586] {strides = array<i32>} : memref<2048xf32, #tpu.memory_space<vmem>>, vector<16xf32>,
      %sub3A_588 = vector.broadcast %multiple_of3A : i32 to vector<16xi32>
      %sub3A_589 = arith.subi %get3A_583, %sub3A_588 : vector<16xi32>
      %ge3A_590 = vector.broadcast %multiple_of3A : i32 to vector<16xi32>
      %ge3A_591 = arith.cmpi sge, %get3A_583, %ge3A_590 : vector<16xi32>
      %lt3A_592 = vector.broadcast %add3A_4 : i32 to vector<16xi32>
      %lt3A_593 = arith.cmpi slt, %get3A_583, %lt3A_592 : vector<16xi32>
      %and3A_594 = arith.andi %ge3A_591, %lt3A_593 : vector<16xi1>
      %ne3A_595 = arith.cmpi ne, %get3A_583, %get3A_585 : vector<16xi32>
      %and3A_596 = arith.andi %and3A_594, %ne3A_595 : vector<16xi1>
      %gather3A_597 = tpu.vector_load_idx %arg7[%sub3A_589] masked %and3A_596 : memref<25000xf32, #tpu.memory_space<vmem>>[vector<16xi32>], vector<16xf32>, vector<16xi1>
      %add3A_598 = arith.addf %get3A_587, %gather3A_597 : vector<16xf32>
      tpu.vector_store_idx %arg7[%sub3A_589], %add3A_598 masked %and3A_596 : memref<25000xf32, #tpu.memory_space<vmem>>[vector<16xi32>], vector<16xf32>, vector<16xi1>
      %get3A_599 = arith.constant 512 : index
      %get3A_600 = tpu.vector_load %arg8[%get3A_599] {strides = array<i32>} : memref<2064xi32, #tpu.memory_space<vmem>>, vector<16xi32>,
      %get3A_601 = arith.constant 513 : index
      %get3A_602 = tpu.vector_load %arg8[%get3A_601] {strides = array<i32>} : memref<2064xi32, #tpu.memory_space<vmem>>, vector<16xi32>,
      %get3A_603 = arith.constant 512 : index
      %get3A_604 = tpu.vector_load %arg9[%get3A_603] {strides = array<i32>} : memref<2048xf32, #tpu.memory_space<vmem>>, vector<16xf32>,
      %sub3A_605 = vector.broadcast %multiple_of3A : i32 to vector<16xi32>
      %sub3A_606 = arith.subi %get3A_600, %sub3A_605 : vector<16xi32>
      %ge3A_607 = vector.broadcast %multiple_of3A : i32 to vector<16xi32>
      %ge3A_608 = arith.cmpi sge, %get3A_600, %ge3A_607 : vector<16xi32>
      %lt3A_609 = vector.broadcast %add3A_4 : i32 to vector<16xi32>
      %lt3A_610 = arith.cmpi slt, %get3A_600, %lt3A_609 : vector<16xi32>
      %and3A_611 = arith.andi %ge3A_608, %lt3A_610 : vector<16xi1>
      %ne3A_612 = arith.cmpi ne, %get3A_600, %get3A_602 : vector<16xi32>
      %and3A_613 = arith.andi %and3A_611, %ne3A_612 : vector<16xi1>
      %gather3A_614 = tpu.vector_load_idx %arg7[%sub3A_606] masked %and3A_613 : memref<25000xf32, #tpu.memory_space<vmem>>[vector<16xi32>], vector<16xf32>, vector<16xi1>
      %add3A_615 = arith.addf %get3A_604, %gather3A_614 : vector<16xf32>
      tpu.vector_store_idx %arg7[%sub3A_606], %add3A_615 masked %and3A_613 : memref<25000xf32, #tpu.memory_space<vmem>>[vector<16xi32>], vector<16xf32>, vector<16xi1>
      %get3A_616 = arith.constant 528 : index
      %get3A_617 = tpu.vector_load %arg8[%get3A_616] {strides = array<i32>} : memref<2064xi32, #tpu.memory_space<vmem>>, vector<16xi32>,
      %get3A_618 = arith.constant 529 : index
      %get3A_619 = tpu.vector_load %arg8[%get3A_618] {strides = array<i32>} : memref<2064xi32, #tpu.memory_space<vmem>>, vector<16xi32>,
      %get3A_620 = arith.constant 528 : index
      %get3A_621 = tpu.vector_load %arg9[%get3A_620] {strides = array<i32>} : memref<2048xf32, #tpu.memory_space<vmem>>, vector<16xf32>,
      %sub3A_622 = vector.broadcast %multiple_of3A : i32 to vector<16xi32>
      %sub3A_623 = arith.subi %get3A_617, %sub3A_622 : vector<16xi32>
      %ge3A_624 = vector.broadcast %multiple_of3A : i32 to vector<16xi32>
      %ge3A_625 = arith.cmpi sge, %get3A_617, %ge3A_624 : vector<16xi32>
      %lt3A_626 = vector.broadcast %add3A_4 : i32 to vector<16xi32>
      %lt3A_627 = arith.cmpi slt, %get3A_617, %lt3A_626 : vector<16xi32>
      %and3A_628 = arith.andi %ge3A_625, %lt3A_627 : vector<16xi1>
      %ne3A_629 = arith.cmpi ne, %get3A_617, %get3A_619 : vector<16xi32>
      %and3A_630 = arith.andi %and3A_628, %ne3A_629 : vector<16xi1>
      %gather3A_631 = tpu.vector_load_idx %arg7[%sub3A_623] masked %and3A_630 : memref<25000xf32, #tpu.memory_space<vmem>>[vector<16xi32>], vector<16xf32>, vector<16xi1>
      %add3A_632 = arith.addf %get3A_621, %gather3A_631 : vector<16xf32>
      tpu.vector_store_idx %arg7[%sub3A_623], %add3A_632 masked %and3A_630 : memref<25000xf32, #tpu.memory_space<vmem>>[vector<16xi32>], vector<16xf32>, vector<16xi1>
      %get3A_633 = arith.constant 544 : index
      %get3A_634 = tpu.vector_load %arg8[%get3A_633] {strides = array<i32>} : memref<2064xi32, #tpu.memory_space<vmem>>, vector<16xi32>,
      %get3A_635 = arith.constant 545 : index
      %get3A_636 = tpu.vector_load %arg8[%get3A_635] {strides = array<i32>} : memref<2064xi32, #tpu.memory_space<vmem>>, vector<16xi32>,
      %get3A_637 = arith.constant 544 : index
      %get3A_638 = tpu.vector_load %arg9[%get3A_637] {strides = array<i32>} : memref<2048xf32, #tpu.memory_space<vmem>>, vector<16xf32>,
      %sub3A_639 = vector.broadcast %multiple_of3A : i32 to vector<16xi32>
      %sub3A_640 = arith.subi %get3A_634, %sub3A_639 : vector<16xi32>
      %ge3A_641 = vector.broadcast %multiple_of3A : i32 to vector<16xi32>
      %ge3A_642 = arith.cmpi sge, %get3A_634, %ge3A_641 : vector<16xi32>
      %lt3A_643 = vector.broadcast %add3A_4 : i32 to vector<16xi32>
      %lt3A_644 = arith.cmpi slt, %get3A_634, %lt3A_643 : vector<16xi32>
      %and3A_645 = arith.andi %ge3A_642, %lt3A_644 : vector<16xi1>
      %ne3A_646 = arith.cmpi ne, %get3A_634, %get3A_636 : vector<16xi32>
      %and3A_647 = arith.andi %and3A_645, %ne3A_646 : vector<16xi1>
      %gather3A_648 = tpu.vector_load_idx %arg7[%sub3A_640] masked %and3A_647 : memref<25000xf32, #tpu.memory_space<vmem>>[vector<16xi32>], vector<16xf32>, vector<16xi1>
      %add3A_649 = arith.addf %get3A_638, %gather3A_648 : vector<16xf32>
      tpu.vector_store_idx %arg7[%sub3A_640], %add3A_649 masked %and3A_647 : memref<25000xf32, #tpu.memory_space<vmem>>[vector<16xi32>], vector<16xf32>, vector<16xi1>
      %get3A_650 = arith.constant 560 : index
      %get3A_651 = tpu.vector_load %arg8[%get3A_650] {strides = array<i32>} : memref<2064xi32, #tpu.memory_space<vmem>>, vector<16xi32>,
      %get3A_652 = arith.constant 561 : index
      %get3A_653 = tpu.vector_load %arg8[%get3A_652] {strides = array<i32>} : memref<2064xi32, #tpu.memory_space<vmem>>, vector<16xi32>,
      %get3A_654 = arith.constant 560 : index
      %get3A_655 = tpu.vector_load %arg9[%get3A_654] {strides = array<i32>} : memref<2048xf32, #tpu.memory_space<vmem>>, vector<16xf32>,
      %sub3A_656 = vector.broadcast %multiple_of3A : i32 to vector<16xi32>
      %sub3A_657 = arith.subi %get3A_651, %sub3A_656 : vector<16xi32>
      %ge3A_658 = vector.broadcast %multiple_of3A : i32 to vector<16xi32>
      %ge3A_659 = arith.cmpi sge, %get3A_651, %ge3A_658 : vector<16xi32>
      %lt3A_660 = vector.broadcast %add3A_4 : i32 to vector<16xi32>
      %lt3A_661 = arith.cmpi slt, %get3A_651, %lt3A_660 : vector<16xi32>
      %and3A_662 = arith.andi %ge3A_659, %lt3A_661 : vector<16xi1>
      %ne3A_663 = arith.cmpi ne, %get3A_651, %get3A_653 : vector<16xi32>
      %and3A_664 = arith.andi %and3A_662, %ne3A_663 : vector<16xi1>
      %gather3A_665 = tpu.vector_load_idx %arg7[%sub3A_657] masked %and3A_664 : memref<25000xf32, #tpu.memory_space<vmem>>[vector<16xi32>], vector<16xf32>, vector<16xi1>
      %add3A_666 = arith.addf %get3A_655, %gather3A_665 : vector<16xf32>
      tpu.vector_store_idx %arg7[%sub3A_657], %add3A_666 masked %and3A_664 : memref<25000xf32, #tpu.memory_space<vmem>>[vector<16xi32>], vector<16xf32>, vector<16xi1>
      %get3A_667 = arith.constant 576 : index
      %get3A_668 = tpu.vector_load %arg8[%get3A_667] {strides = array<i32>} : memref<2064xi32, #tpu.memory_space<vmem>>, vector<16xi32>,
      %get3A_669 = arith.constant 577 : index
      %get3A_670 = tpu.vector_load %arg8[%get3A_669] {strides = array<i32>} : memref<2064xi32, #tpu.memory_space<vmem>>, vector<16xi32>,
      %get3A_671 = arith.constant 576 : index
      %get3A_672 = tpu.vector_load %arg9[%get3A_671] {strides = array<i32>} : memref<2048xf32, #tpu.memory_space<vmem>>, vector<16xf32>,
      %sub3A_673 = vector.broadcast %multiple_of3A : i32 to vector<16xi32>
      %sub3A_674 = arith.subi %get3A_668, %sub3A_673 : vector<16xi32>
      %ge3A_675 = vector.broadcast %multiple_of3A : i32 to vector<16xi32>
      %ge3A_676 = arith.cmpi sge, %get3A_668, %ge3A_675 : vector<16xi32>
      %lt3A_677 = vector.broadcast %add3A_4 : i32 to vector<16xi32>
      %lt3A_678 = arith.cmpi slt, %get3A_668, %lt3A_677 : vector<16xi32>
      %and3A_679 = arith.andi %ge3A_676, %lt3A_678 : vector<16xi1>
      %ne3A_680 = arith.cmpi ne, %get3A_668, %get3A_670 : vector<16xi32>
      %and3A_681 = arith.andi %and3A_679, %ne3A_680 : vector<16xi1>
      %gather3A_682 = tpu.vector_load_idx %arg7[%sub3A_674] masked %and3A_681 : memref<25000xf32, #tpu.memory_space<vmem>>[vector<16xi32>], vector<16xf32>, vector<16xi1>
      %add3A_683 = arith.addf %get3A_672, %gather3A_682 : vector<16xf32>
      tpu.vector_store_idx %arg7[%sub3A_674], %add3A_683 masked %and3A_681 : memref<25000xf32, #tpu.memory_space<vmem>>[vector<16xi32>], vector<16xf32>, vector<16xi1>
      %get3A_684 = arith.constant 592 : index
      %get3A_685 = tpu.vector_load %arg8[%get3A_684] {strides = array<i32>} : memref<2064xi32, #tpu.memory_space<vmem>>, vector<16xi32>,
      %get3A_686 = arith.constant 593 : index
      %get3A_687 = tpu.vector_load %arg8[%get3A_686] {strides = array<i32>} : memref<2064xi32, #tpu.memory_space<vmem>>, vector<16xi32>,
      %get3A_688 = arith.constant 592 : index
      %get3A_689 = tpu.vector_load %arg9[%get3A_688] {strides = array<i32>} : memref<2048xf32, #tpu.memory_space<vmem>>, vector<16xf32>,
      %sub3A_690 = vector.broadcast %multiple_of3A : i32 to vector<16xi32>
      %sub3A_691 = arith.subi %get3A_685, %sub3A_690 : vector<16xi32>
      %ge3A_692 = vector.broadcast %multiple_of3A : i32 to vector<16xi32>
      %ge3A_693 = arith.cmpi sge, %get3A_685, %ge3A_692 : vector<16xi32>
      %lt3A_694 = vector.broadcast %add3A_4 : i32 to vector<16xi32>
      %lt3A_695 = arith.cmpi slt, %get3A_685, %lt3A_694 : vector<16xi32>
      %and3A_696 = arith.andi %ge3A_693, %lt3A_695 : vector<16xi1>
      %ne3A_697 = arith.cmpi ne, %get3A_685, %get3A_687 : vector<16xi32>
      %and3A_698 = arith.andi %and3A_696, %ne3A_697 : vector<16xi1>
      %gather3A_699 = tpu.vector_load_idx %arg7[%sub3A_691] masked %and3A_698 : memref<25000xf32, #tpu.memory_space<vmem>>[vector<16xi32>], vector<16xf32>, vector<16xi1>
      %add3A_700 = arith.addf %get3A_689, %gather3A_699 : vector<16xf32>
      tpu.vector_store_idx %arg7[%sub3A_691], %add3A_700 masked %and3A_698 : memref<25000xf32, #tpu.memory_space<vmem>>[vector<16xi32>], vector<16xf32>, vector<16xi1>
      %get3A_701 = arith.constant 608 : index
      %get3A_702 = tpu.vector_load %arg8[%get3A_701] {strides = array<i32>} : memref<2064xi32, #tpu.memory_space<vmem>>, vector<16xi32>,
      %get3A_703 = arith.constant 609 : index
      %get3A_704 = tpu.vector_load %arg8[%get3A_703] {strides = array<i32>} : memref<2064xi32, #tpu.memory_space<vmem>>, vector<16xi32>,
      %get3A_705 = arith.constant 608 : index
      %get3A_706 = tpu.vector_load %arg9[%get3A_705] {strides = array<i32>} : memref<2048xf32, #tpu.memory_space<vmem>>, vector<16xf32>,
      %sub3A_707 = vector.broadcast %multiple_of3A : i32 to vector<16xi32>
      %sub3A_708 = arith.subi %get3A_702, %sub3A_707 : vector<16xi32>
      %ge3A_709 = vector.broadcast %multiple_of3A : i32 to vector<16xi32>
      %ge3A_710 = arith.cmpi sge, %get3A_702, %ge3A_709 : vector<16xi32>
      %lt3A_711 = vector.broadcast %add3A_4 : i32 to vector<16xi32>
      %lt3A_712 = arith.cmpi slt, %get3A_702, %lt3A_711 : vector<16xi32>
      %and3A_713 = arith.andi %ge3A_710, %lt3A_712 : vector<16xi1>
      %ne3A_714 = arith.cmpi ne, %get3A_702, %get3A_704 : vector<16xi32>
      %and3A_715 = arith.andi %and3A_713, %ne3A_714 : vector<16xi1>
      %gather3A_716 = tpu.vector_load_idx %arg7[%sub3A_708] masked %and3A_715 : memref<25000xf32, #tpu.memory_space<vmem>>[vector<16xi32>], vector<16xf32>, vector<16xi1>
      %add3A_717 = arith.addf %get3A_706, %gather3A_716 : vector<16xf32>
      tpu.vector_store_idx %arg7[%sub3A_708], %add3A_717 masked %and3A_715 : memref<25000xf32, #tpu.memory_space<vmem>>[vector<16xi32>], vector<16xf32>, vector<16xi1>
      %get3A_718 = arith.constant 624 : index
      %get3A_719 = tpu.vector_load %arg8[%get3A_718] {strides = array<i32>} : memref<2064xi32, #tpu.memory_space<vmem>>, vector<16xi32>,
      %get3A_720 = arith.constant 625 : index
      %get3A_721 = tpu.vector_load %arg8[%get3A_720] {strides = array<i32>} : memref<2064xi32, #tpu.memory_space<vmem>>, vector<16xi32>,
      %get3A_722 = arith.constant 624 : index
      %get3A_723 = tpu.vector_load %arg9[%get3A_722] {strides = array<i32>} : memref<2048xf32, #tpu.memory_space<vmem>>, vector<16xf32>,
      %sub3A_724 = vector.broadcast %multiple_of3A : i32 to vector<16xi32>
      %sub3A_725 = arith.subi %get3A_719, %sub3A_724 : vector<16xi32>
      %ge3A_726 = vector.broadcast %multiple_of3A : i32 to vector<16xi32>
      %ge3A_727 = arith.cmpi sge, %get3A_719, %ge3A_726 : vector<16xi32>
      %lt3A_728 = vector.broadcast %add3A_4 : i32 to vector<16xi32>
      %lt3A_729 = arith.cmpi slt, %get3A_719, %lt3A_728 : vector<16xi32>
      %and3A_730 = arith.andi %ge3A_727, %lt3A_729 : vector<16xi1>
      %ne3A_731 = arith.cmpi ne, %get3A_719, %get3A_721 : vector<16xi32>
      %and3A_732 = arith.andi %and3A_730, %ne3A_731 : vector<16xi1>
      %gather3A_733 = tpu.vector_load_idx %arg7[%sub3A_725] masked %and3A_732 : memref<25000xf32, #tpu.memory_space<vmem>>[vector<16xi32>], vector<16xf32>, vector<16xi1>
      %add3A_734 = arith.addf %get3A_723, %gather3A_733 : vector<16xf32>
      tpu.vector_store_idx %arg7[%sub3A_725], %add3A_734 masked %and3A_732 : memref<25000xf32, #tpu.memory_space<vmem>>[vector<16xi32>], vector<16xf32>, vector<16xi1>
      %get3A_735 = arith.constant 640 : index
      %get3A_736 = tpu.vector_load %arg8[%get3A_735] {strides = array<i32>} : memref<2064xi32, #tpu.memory_space<vmem>>, vector<16xi32>,
      %get3A_737 = arith.constant 641 : index
      %get3A_738 = tpu.vector_load %arg8[%get3A_737] {strides = array<i32>} : memref<2064xi32, #tpu.memory_space<vmem>>, vector<16xi32>,
      %get3A_739 = arith.constant 640 : index
      %get3A_740 = tpu.vector_load %arg9[%get3A_739] {strides = array<i32>} : memref<2048xf32, #tpu.memory_space<vmem>>, vector<16xf32>,
      %sub3A_741 = vector.broadcast %multiple_of3A : i32 to vector<16xi32>
      %sub3A_742 = arith.subi %get3A_736, %sub3A_741 : vector<16xi32>
      %ge3A_743 = vector.broadcast %multiple_of3A : i32 to vector<16xi32>
      %ge3A_744 = arith.cmpi sge, %get3A_736, %ge3A_743 : vector<16xi32>
      %lt3A_745 = vector.broadcast %add3A_4 : i32 to vector<16xi32>
      %lt3A_746 = arith.cmpi slt, %get3A_736, %lt3A_745 : vector<16xi32>
      %and3A_747 = arith.andi %ge3A_744, %lt3A_746 : vector<16xi1>
      %ne3A_748 = arith.cmpi ne, %get3A_736, %get3A_738 : vector<16xi32>
      %and3A_749 = arith.andi %and3A_747, %ne3A_748 : vector<16xi1>
      %gather3A_750 = tpu.vector_load_idx %arg7[%sub3A_742] masked %and3A_749 : memref<25000xf32, #tpu.memory_space<vmem>>[vector<16xi32>], vector<16xf32>, vector<16xi1>
      %add3A_751 = arith.addf %get3A_740, %gather3A_750 : vector<16xf32>
      tpu.vector_store_idx %arg7[%sub3A_742], %add3A_751 masked %and3A_749 : memref<25000xf32, #tpu.memory_space<vmem>>[vector<16xi32>], vector<16xf32>, vector<16xi1>
      %get3A_752 = arith.constant 656 : index
      %get3A_753 = tpu.vector_load %arg8[%get3A_752] {strides = array<i32>} : memref<2064xi32, #tpu.memory_space<vmem>>, vector<16xi32>,
      %get3A_754 = arith.constant 657 : index
      %get3A_755 = tpu.vector_load %arg8[%get3A_754] {strides = array<i32>} : memref<2064xi32, #tpu.memory_space<vmem>>, vector<16xi32>,
      %get3A_756 = arith.constant 656 : index
      %get3A_757 = tpu.vector_load %arg9[%get3A_756] {strides = array<i32>} : memref<2048xf32, #tpu.memory_space<vmem>>, vector<16xf32>,
      %sub3A_758 = vector.broadcast %multiple_of3A : i32 to vector<16xi32>
      %sub3A_759 = arith.subi %get3A_753, %sub3A_758 : vector<16xi32>
      %ge3A_760 = vector.broadcast %multiple_of3A : i32 to vector<16xi32>
      %ge3A_761 = arith.cmpi sge, %get3A_753, %ge3A_760 : vector<16xi32>
      %lt3A_762 = vector.broadcast %add3A_4 : i32 to vector<16xi32>
      %lt3A_763 = arith.cmpi slt, %get3A_753, %lt3A_762 : vector<16xi32>
      %and3A_764 = arith.andi %ge3A_761, %lt3A_763 : vector<16xi1>
      %ne3A_765 = arith.cmpi ne, %get3A_753, %get3A_755 : vector<16xi32>
      %and3A_766 = arith.andi %and3A_764, %ne3A_765 : vector<16xi1>
      %gather3A_767 = tpu.vector_load_idx %arg7[%sub3A_759] masked %and3A_766 : memref<25000xf32, #tpu.memory_space<vmem>>[vector<16xi32>], vector<16xf32>, vector<16xi1>
      %add3A_768 = arith.addf %get3A_757, %gather3A_767 : vector<16xf32>
      tpu.vector_store_idx %arg7[%sub3A_759], %add3A_768 masked %and3A_766 : memref<25000xf32, #tpu.memory_space<vmem>>[vector<16xi32>], vector<16xf32>, vector<16xi1>
      %get3A_769 = arith.constant 672 : index
      %get3A_770 = tpu.vector_load %arg8[%get3A_769] {strides = array<i32>} : memref<2064xi32, #tpu.memory_space<vmem>>, vector<16xi32>,
      %get3A_771 = arith.constant 673 : index
      %get3A_772 = tpu.vector_load %arg8[%get3A_771] {strides = array<i32>} : memref<2064xi32, #tpu.memory_space<vmem>>, vector<16xi32>,
      %get3A_773 = arith.constant 672 : index
      %get3A_774 = tpu.vector_load %arg9[%get3A_773] {strides = array<i32>} : memref<2048xf32, #tpu.memory_space<vmem>>, vector<16xf32>,
      %sub3A_775 = vector.broadcast %multiple_of3A : i32 to vector<16xi32>
      %sub3A_776 = arith.subi %get3A_770, %sub3A_775 : vector<16xi32>
      %ge3A_777 = vector.broadcast %multiple_of3A : i32 to vector<16xi32>
      %ge3A_778 = arith.cmpi sge, %get3A_770, %ge3A_777 : vector<16xi32>
      %lt3A_779 = vector.broadcast %add3A_4 : i32 to vector<16xi32>
      %lt3A_780 = arith.cmpi slt, %get3A_770, %lt3A_779 : vector<16xi32>
      %and3A_781 = arith.andi %ge3A_778, %lt3A_780 : vector<16xi1>
      %ne3A_782 = arith.cmpi ne, %get3A_770, %get3A_772 : vector<16xi32>
      %and3A_783 = arith.andi %and3A_781, %ne3A_782 : vector<16xi1>
      %gather3A_784 = tpu.vector_load_idx %arg7[%sub3A_776] masked %and3A_783 : memref<25000xf32, #tpu.memory_space<vmem>>[vector<16xi32>], vector<16xf32>, vector<16xi1>
      %add3A_785 = arith.addf %get3A_774, %gather3A_784 : vector<16xf32>
      tpu.vector_store_idx %arg7[%sub3A_776], %add3A_785 masked %and3A_783 : memref<25000xf32, #tpu.memory_space<vmem>>[vector<16xi32>], vector<16xf32>, vector<16xi1>
      %get3A_786 = arith.constant 688 : index
      %get3A_787 = tpu.vector_load %arg8[%get3A_786] {strides = array<i32>} : memref<2064xi32, #tpu.memory_space<vmem>>, vector<16xi32>,
      %get3A_788 = arith.constant 689 : index
      %get3A_789 = tpu.vector_load %arg8[%get3A_788] {strides = array<i32>} : memref<2064xi32, #tpu.memory_space<vmem>>, vector<16xi32>,
      %get3A_790 = arith.constant 688 : index
      %get3A_791 = tpu.vector_load %arg9[%get3A_790] {strides = array<i32>} : memref<2048xf32, #tpu.memory_space<vmem>>, vector<16xf32>,
      %sub3A_792 = vector.broadcast %multiple_of3A : i32 to vector<16xi32>
      %sub3A_793 = arith.subi %get3A_787, %sub3A_792 : vector<16xi32>
      %ge3A_794 = vector.broadcast %multiple_of3A : i32 to vector<16xi32>
      %ge3A_795 = arith.cmpi sge, %get3A_787, %ge3A_794 : vector<16xi32>
      %lt3A_796 = vector.broadcast %add3A_4 : i32 to vector<16xi32>
      %lt3A_797 = arith.cmpi slt, %get3A_787, %lt3A_796 : vector<16xi32>
      %and3A_798 = arith.andi %ge3A_795, %lt3A_797 : vector<16xi1>
      %ne3A_799 = arith.cmpi ne, %get3A_787, %get3A_789 : vector<16xi32>
      %and3A_800 = arith.andi %and3A_798, %ne3A_799 : vector<16xi1>
      %gather3A_801 = tpu.vector_load_idx %arg7[%sub3A_793] masked %and3A_800 : memref<25000xf32, #tpu.memory_space<vmem>>[vector<16xi32>], vector<16xf32>, vector<16xi1>
      %add3A_802 = arith.addf %get3A_791, %gather3A_801 : vector<16xf32>
      tpu.vector_store_idx %arg7[%sub3A_793], %add3A_802 masked %and3A_800 : memref<25000xf32, #tpu.memory_space<vmem>>[vector<16xi32>], vector<16xf32>, vector<16xi1>
      %get3A_803 = arith.constant 704 : index
      %get3A_804 = tpu.vector_load %arg8[%get3A_803] {strides = array<i32>} : memref<2064xi32, #tpu.memory_space<vmem>>, vector<16xi32>,
      %get3A_805 = arith.constant 705 : index
      %get3A_806 = tpu.vector_load %arg8[%get3A_805] {strides = array<i32>} : memref<2064xi32, #tpu.memory_space<vmem>>, vector<16xi32>,
      %get3A_807 = arith.constant 704 : index
      %get3A_808 = tpu.vector_load %arg9[%get3A_807] {strides = array<i32>} : memref<2048xf32, #tpu.memory_space<vmem>>, vector<16xf32>,
      %sub3A_809 = vector.broadcast %multiple_of3A : i32 to vector<16xi32>
      %sub3A_810 = arith.subi %get3A_804, %sub3A_809 : vector<16xi32>
      %ge3A_811 = vector.broadcast %multiple_of3A : i32 to vector<16xi32>
      %ge3A_812 = arith.cmpi sge, %get3A_804, %ge3A_811 : vector<16xi32>
      %lt3A_813 = vector.broadcast %add3A_4 : i32 to vector<16xi32>
      %lt3A_814 = arith.cmpi slt, %get3A_804, %lt3A_813 : vector<16xi32>
      %and3A_815 = arith.andi %ge3A_812, %lt3A_814 : vector<16xi1>
      %ne3A_816 = arith.cmpi ne, %get3A_804, %get3A_806 : vector<16xi32>
      %and3A_817 = arith.andi %and3A_815, %ne3A_816 : vector<16xi1>
      %gather3A_818 = tpu.vector_load_idx %arg7[%sub3A_810] masked %and3A_817 : memref<25000xf32, #tpu.memory_space<vmem>>[vector<16xi32>], vector<16xf32>, vector<16xi1>
      %add3A_819 = arith.addf %get3A_808, %gather3A_818 : vector<16xf32>
      tpu.vector_store_idx %arg7[%sub3A_810], %add3A_819 masked %and3A_817 : memref<25000xf32, #tpu.memory_space<vmem>>[vector<16xi32>], vector<16xf32>, vector<16xi1>
      %get3A_820 = arith.constant 720 : index
      %get3A_821 = tpu.vector_load %arg8[%get3A_820] {strides = array<i32>} : memref<2064xi32, #tpu.memory_space<vmem>>, vector<16xi32>,
      %get3A_822 = arith.constant 721 : index
      %get3A_823 = tpu.vector_load %arg8[%get3A_822] {strides = array<i32>} : memref<2064xi32, #tpu.memory_space<vmem>>, vector<16xi32>,
      %get3A_824 = arith.constant 720 : index
      %get3A_825 = tpu.vector_load %arg9[%get3A_824] {strides = array<i32>} : memref<2048xf32, #tpu.memory_space<vmem>>, vector<16xf32>,
      %sub3A_826 = vector.broadcast %multiple_of3A : i32 to vector<16xi32>
      %sub3A_827 = arith.subi %get3A_821, %sub3A_826 : vector<16xi32>
      %ge3A_828 = vector.broadcast %multiple_of3A : i32 to vector<16xi32>
      %ge3A_829 = arith.cmpi sge, %get3A_821, %ge3A_828 : vector<16xi32>
      %lt3A_830 = vector.broadcast %add3A_4 : i32 to vector<16xi32>
      %lt3A_831 = arith.cmpi slt, %get3A_821, %lt3A_830 : vector<16xi32>
      %and3A_832 = arith.andi %ge3A_829, %lt3A_831 : vector<16xi1>
      %ne3A_833 = arith.cmpi ne, %get3A_821, %get3A_823 : vector<16xi32>
      %and3A_834 = arith.andi %and3A_832, %ne3A_833 : vector<16xi1>
      %gather3A_835 = tpu.vector_load_idx %arg7[%sub3A_827] masked %and3A_834 : memref<25000xf32, #tpu.memory_space<vmem>>[vector<16xi32>], vector<16xf32>, vector<16xi1>
      %add3A_836 = arith.addf %get3A_825, %gather3A_835 : vector<16xf32>
      tpu.vector_store_idx %arg7[%sub3A_827], %add3A_836 masked %and3A_834 : memref<25000xf32, #tpu.memory_space<vmem>>[vector<16xi32>], vector<16xf32>, vector<16xi1>
      %get3A_837 = arith.constant 736 : index
      %get3A_838 = tpu.vector_load %arg8[%get3A_837] {strides = array<i32>} : memref<2064xi32, #tpu.memory_space<vmem>>, vector<16xi32>,
      %get3A_839 = arith.constant 737 : index
      %get3A_840 = tpu.vector_load %arg8[%get3A_839] {strides = array<i32>} : memref<2064xi32, #tpu.memory_space<vmem>>, vector<16xi32>,
      %get3A_841 = arith.constant 736 : index
      %get3A_842 = tpu.vector_load %arg9[%get3A_841] {strides = array<i32>} : memref<2048xf32, #tpu.memory_space<vmem>>, vector<16xf32>,
      %sub3A_843 = vector.broadcast %multiple_of3A : i32 to vector<16xi32>
      %sub3A_844 = arith.subi %get3A_838, %sub3A_843 : vector<16xi32>
      %ge3A_845 = vector.broadcast %multiple_of3A : i32 to vector<16xi32>
      %ge3A_846 = arith.cmpi sge, %get3A_838, %ge3A_845 : vector<16xi32>
      %lt3A_847 = vector.broadcast %add3A_4 : i32 to vector<16xi32>
      %lt3A_848 = arith.cmpi slt, %get3A_838, %lt3A_847 : vector<16xi32>
      %and3A_849 = arith.andi %ge3A_846, %lt3A_848 : vector<16xi1>
      %ne3A_850 = arith.cmpi ne, %get3A_838, %get3A_840 : vector<16xi32>
      %and3A_851 = arith.andi %and3A_849, %ne3A_850 : vector<16xi1>
      %gather3A_852 = tpu.vector_load_idx %arg7[%sub3A_844] masked %and3A_851 : memref<25000xf32, #tpu.memory_space<vmem>>[vector<16xi32>], vector<16xf32>, vector<16xi1>
      %add3A_853 = arith.addf %get3A_842, %gather3A_852 : vector<16xf32>
      tpu.vector_store_idx %arg7[%sub3A_844], %add3A_853 masked %and3A_851 : memref<25000xf32, #tpu.memory_space<vmem>>[vector<16xi32>], vector<16xf32>, vector<16xi1>
      %get3A_854 = arith.constant 752 : index
      %get3A_855 = tpu.vector_load %arg8[%get3A_854] {strides = array<i32>} : memref<2064xi32, #tpu.memory_space<vmem>>, vector<16xi32>,
      %get3A_856 = arith.constant 753 : index
      %get3A_857 = tpu.vector_load %arg8[%get3A_856] {strides = array<i32>} : memref<2064xi32, #tpu.memory_space<vmem>>, vector<16xi32>,
      %get3A_858 = arith.constant 752 : index
      %get3A_859 = tpu.vector_load %arg9[%get3A_858] {strides = array<i32>} : memref<2048xf32, #tpu.memory_space<vmem>>, vector<16xf32>,
      %sub3A_860 = vector.broadcast %multiple_of3A : i32 to vector<16xi32>
      %sub3A_861 = arith.subi %get3A_855, %sub3A_860 : vector<16xi32>
      %ge3A_862 = vector.broadcast %multiple_of3A : i32 to vector<16xi32>
      %ge3A_863 = arith.cmpi sge, %get3A_855, %ge3A_862 : vector<16xi32>
      %lt3A_864 = vector.broadcast %add3A_4 : i32 to vector<16xi32>
      %lt3A_865 = arith.cmpi slt, %get3A_855, %lt3A_864 : vector<16xi32>
      %and3A_866 = arith.andi %ge3A_863, %lt3A_865 : vector<16xi1>
      %ne3A_867 = arith.cmpi ne, %get3A_855, %get3A_857 : vector<16xi32>
      %and3A_868 = arith.andi %and3A_866, %ne3A_867 : vector<16xi1>
      %gather3A_869 = tpu.vector_load_idx %arg7[%sub3A_861] masked %and3A_868 : memref<25000xf32, #tpu.memory_space<vmem>>[vector<16xi32>], vector<16xf32>, vector<16xi1>
      %add3A_870 = arith.addf %get3A_859, %gather3A_869 : vector<16xf32>
      tpu.vector_store_idx %arg7[%sub3A_861], %add3A_870 masked %and3A_868 : memref<25000xf32, #tpu.memory_space<vmem>>[vector<16xi32>], vector<16xf32>, vector<16xi1>
      %get3A_871 = arith.constant 768 : index
      %get3A_872 = tpu.vector_load %arg8[%get3A_871] {strides = array<i32>} : memref<2064xi32, #tpu.memory_space<vmem>>, vector<16xi32>,
      %get3A_873 = arith.constant 769 : index
      %get3A_874 = tpu.vector_load %arg8[%get3A_873] {strides = array<i32>} : memref<2064xi32, #tpu.memory_space<vmem>>, vector<16xi32>,
      %get3A_875 = arith.constant 768 : index
      %get3A_876 = tpu.vector_load %arg9[%get3A_875] {strides = array<i32>} : memref<2048xf32, #tpu.memory_space<vmem>>, vector<16xf32>,
      %sub3A_877 = vector.broadcast %multiple_of3A : i32 to vector<16xi32>
      %sub3A_878 = arith.subi %get3A_872, %sub3A_877 : vector<16xi32>
      %ge3A_879 = vector.broadcast %multiple_of3A : i32 to vector<16xi32>
      %ge3A_880 = arith.cmpi sge, %get3A_872, %ge3A_879 : vector<16xi32>
      %lt3A_881 = vector.broadcast %add3A_4 : i32 to vector<16xi32>
      %lt3A_882 = arith.cmpi slt, %get3A_872, %lt3A_881 : vector<16xi32>
      %and3A_883 = arith.andi %ge3A_880, %lt3A_882 : vector<16xi1>
      %ne3A_884 = arith.cmpi ne, %get3A_872, %get3A_874 : vector<16xi32>
      %and3A_885 = arith.andi %and3A_883, %ne3A_884 : vector<16xi1>
      %gather3A_886 = tpu.vector_load_idx %arg7[%sub3A_878] masked %and3A_885 : memref<25000xf32, #tpu.memory_space<vmem>>[vector<16xi32>], vector<16xf32>, vector<16xi1>
      %add3A_887 = arith.addf %get3A_876, %gather3A_886 : vector<16xf32>
      tpu.vector_store_idx %arg7[%sub3A_878], %add3A_887 masked %and3A_885 : memref<25000xf32, #tpu.memory_space<vmem>>[vector<16xi32>], vector<16xf32>, vector<16xi1>
      %get3A_888 = arith.constant 784 : index
      %get3A_889 = tpu.vector_load %arg8[%get3A_888] {strides = array<i32>} : memref<2064xi32, #tpu.memory_space<vmem>>, vector<16xi32>,
      %get3A_890 = arith.constant 785 : index
      %get3A_891 = tpu.vector_load %arg8[%get3A_890] {strides = array<i32>} : memref<2064xi32, #tpu.memory_space<vmem>>, vector<16xi32>,
      %get3A_892 = arith.constant 784 : index
      %get3A_893 = tpu.vector_load %arg9[%get3A_892] {strides = array<i32>} : memref<2048xf32, #tpu.memory_space<vmem>>, vector<16xf32>,
      %sub3A_894 = vector.broadcast %multiple_of3A : i32 to vector<16xi32>
      %sub3A_895 = arith.subi %get3A_889, %sub3A_894 : vector<16xi32>
      %ge3A_896 = vector.broadcast %multiple_of3A : i32 to vector<16xi32>
      %ge3A_897 = arith.cmpi sge, %get3A_889, %ge3A_896 : vector<16xi32>
      %lt3A_898 = vector.broadcast %add3A_4 : i32 to vector<16xi32>
      %lt3A_899 = arith.cmpi slt, %get3A_889, %lt3A_898 : vector<16xi32>
      %and3A_900 = arith.andi %ge3A_897, %lt3A_899 : vector<16xi1>
      %ne3A_901 = arith.cmpi ne, %get3A_889, %get3A_891 : vector<16xi32>
      %and3A_902 = arith.andi %and3A_900, %ne3A_901 : vector<16xi1>
      %gather3A_903 = tpu.vector_load_idx %arg7[%sub3A_895] masked %and3A_902 : memref<25000xf32, #tpu.memory_space<vmem>>[vector<16xi32>], vector<16xf32>, vector<16xi1>
      %add3A_904 = arith.addf %get3A_893, %gather3A_903 : vector<16xf32>
      tpu.vector_store_idx %arg7[%sub3A_895], %add3A_904 masked %and3A_902 : memref<25000xf32, #tpu.memory_space<vmem>>[vector<16xi32>], vector<16xf32>, vector<16xi1>
      %get3A_905 = arith.constant 800 : index
      %get3A_906 = tpu.vector_load %arg8[%get3A_905] {strides = array<i32>} : memref<2064xi32, #tpu.memory_space<vmem>>, vector<16xi32>,
      %get3A_907 = arith.constant 801 : index
      %get3A_908 = tpu.vector_load %arg8[%get3A_907] {strides = array<i32>} : memref<2064xi32, #tpu.memory_space<vmem>>, vector<16xi32>,
      %get3A_909 = arith.constant 800 : index
      %get3A_910 = tpu.vector_load %arg9[%get3A_909] {strides = array<i32>} : memref<2048xf32, #tpu.memory_space<vmem>>, vector<16xf32>,
      %sub3A_911 = vector.broadcast %multiple_of3A : i32 to vector<16xi32>
      %sub3A_912 = arith.subi %get3A_906, %sub3A_911 : vector<16xi32>
      %ge3A_913 = vector.broadcast %multiple_of3A : i32 to vector<16xi32>
      %ge3A_914 = arith.cmpi sge, %get3A_906, %ge3A_913 : vector<16xi32>
      %lt3A_915 = vector.broadcast %add3A_4 : i32 to vector<16xi32>
      %lt3A_916 = arith.cmpi slt, %get3A_906, %lt3A_915 : vector<16xi32>
      %and3A_917 = arith.andi %ge3A_914, %lt3A_916 : vector<16xi1>
      %ne3A_918 = arith.cmpi ne, %get3A_906, %get3A_908 : vector<16xi32>
      %and3A_919 = arith.andi %and3A_917, %ne3A_918 : vector<16xi1>
      %gather3A_920 = tpu.vector_load_idx %arg7[%sub3A_912] masked %and3A_919 : memref<25000xf32, #tpu.memory_space<vmem>>[vector<16xi32>], vector<16xf32>, vector<16xi1>
      %add3A_921 = arith.addf %get3A_910, %gather3A_920 : vector<16xf32>
      tpu.vector_store_idx %arg7[%sub3A_912], %add3A_921 masked %and3A_919 : memref<25000xf32, #tpu.memory_space<vmem>>[vector<16xi32>], vector<16xf32>, vector<16xi1>
      %get3A_922 = arith.constant 816 : index
      %get3A_923 = tpu.vector_load %arg8[%get3A_922] {strides = array<i32>} : memref<2064xi32, #tpu.memory_space<vmem>>, vector<16xi32>,
      %get3A_924 = arith.constant 817 : index
      %get3A_925 = tpu.vector_load %arg8[%get3A_924] {strides = array<i32>} : memref<2064xi32, #tpu.memory_space<vmem>>, vector<16xi32>,
      %get3A_926 = arith.constant 816 : index
      %get3A_927 = tpu.vector_load %arg9[%get3A_926] {strides = array<i32>} : memref<2048xf32, #tpu.memory_space<vmem>>, vector<16xf32>,
      %sub3A_928 = vector.broadcast %multiple_of3A : i32 to vector<16xi32>
      %sub3A_929 = arith.subi %get3A_923, %sub3A_928 : vector<16xi32>
      %ge3A_930 = vector.broadcast %multiple_of3A : i32 to vector<16xi32>
      %ge3A_931 = arith.cmpi sge, %get3A_923, %ge3A_930 : vector<16xi32>
      %lt3A_932 = vector.broadcast %add3A_4 : i32 to vector<16xi32>
      %lt3A_933 = arith.cmpi slt, %get3A_923, %lt3A_932 : vector<16xi32>
      %and3A_934 = arith.andi %ge3A_931, %lt3A_933 : vector<16xi1>
      %ne3A_935 = arith.cmpi ne, %get3A_923, %get3A_925 : vector<16xi32>
      %and3A_936 = arith.andi %and3A_934, %ne3A_935 : vector<16xi1>
      %gather3A_937 = tpu.vector_load_idx %arg7[%sub3A_929] masked %and3A_936 : memref<25000xf32, #tpu.memory_space<vmem>>[vector<16xi32>], vector<16xf32>, vector<16xi1>
      %add3A_938 = arith.addf %get3A_927, %gather3A_937 : vector<16xf32>
      tpu.vector_store_idx %arg7[%sub3A_929], %add3A_938 masked %and3A_936 : memref<25000xf32, #tpu.memory_space<vmem>>[vector<16xi32>], vector<16xf32>, vector<16xi1>
      %get3A_939 = arith.constant 832 : index
      %get3A_940 = tpu.vector_load %arg8[%get3A_939] {strides = array<i32>} : memref<2064xi32, #tpu.memory_space<vmem>>, vector<16xi32>,
      %get3A_941 = arith.constant 833 : index
      %get3A_942 = tpu.vector_load %arg8[%get3A_941] {strides = array<i32>} : memref<2064xi32, #tpu.memory_space<vmem>>, vector<16xi32>,
      %get3A_943 = arith.constant 832 : index
      %get3A_944 = tpu.vector_load %arg9[%get3A_943] {strides = array<i32>} : memref<2048xf32, #tpu.memory_space<vmem>>, vector<16xf32>,
      %sub3A_945 = vector.broadcast %multiple_of3A : i32 to vector<16xi32>
      %sub3A_946 = arith.subi %get3A_940, %sub3A_945 : vector<16xi32>
      %ge3A_947 = vector.broadcast %multiple_of3A : i32 to vector<16xi32>
      %ge3A_948 = arith.cmpi sge, %get3A_940, %ge3A_947 : vector<16xi32>
      %lt3A_949 = vector.broadcast %add3A_4 : i32 to vector<16xi32>
      %lt3A_950 = arith.cmpi slt, %get3A_940, %lt3A_949 : vector<16xi32>
      %and3A_951 = arith.andi %ge3A_948, %lt3A_950 : vector<16xi1>
      %ne3A_952 = arith.cmpi ne, %get3A_940, %get3A_942 : vector<16xi32>
      %and3A_953 = arith.andi %and3A_951, %ne3A_952 : vector<16xi1>
      %gather3A_954 = tpu.vector_load_idx %arg7[%sub3A_946] masked %and3A_953 : memref<25000xf32, #tpu.memory_space<vmem>>[vector<16xi32>], vector<16xf32>, vector<16xi1>
      %add3A_955 = arith.addf %get3A_944, %gather3A_954 : vector<16xf32>
      tpu.vector_store_idx %arg7[%sub3A_946], %add3A_955 masked %and3A_953 : memref<25000xf32, #tpu.memory_space<vmem>>[vector<16xi32>], vector<16xf32>, vector<16xi1>
      %get3A_956 = arith.constant 848 : index
      %get3A_957 = tpu.vector_load %arg8[%get3A_956] {strides = array<i32>} : memref<2064xi32, #tpu.memory_space<vmem>>, vector<16xi32>,
      %get3A_958 = arith.constant 849 : index
      %get3A_959 = tpu.vector_load %arg8[%get3A_958] {strides = array<i32>} : memref<2064xi32, #tpu.memory_space<vmem>>, vector<16xi32>,
      %get3A_960 = arith.constant 848 : index
      %get3A_961 = tpu.vector_load %arg9[%get3A_960] {strides = array<i32>} : memref<2048xf32, #tpu.memory_space<vmem>>, vector<16xf32>,
      %sub3A_962 = vector.broadcast %multiple_of3A : i32 to vector<16xi32>
      %sub3A_963 = arith.subi %get3A_957, %sub3A_962 : vector<16xi32>
      %ge3A_964 = vector.broadcast %multiple_of3A : i32 to vector<16xi32>
      %ge3A_965 = arith.cmpi sge, %get3A_957, %ge3A_964 : vector<16xi32>
      %lt3A_966 = vector.broadcast %add3A_4 : i32 to vector<16xi32>
      %lt3A_967 = arith.cmpi slt, %get3A_957, %lt3A_966 : vector<16xi32>
      %and3A_968 = arith.andi %ge3A_965, %lt3A_967 : vector<16xi1>
      %ne3A_969 = arith.cmpi ne, %get3A_957, %get3A_959 : vector<16xi32>
      %and3A_970 = arith.andi %and3A_968, %ne3A_969 : vector<16xi1>
      %gather3A_971 = tpu.vector_load_idx %arg7[%sub3A_963] masked %and3A_970 : memref<25000xf32, #tpu.memory_space<vmem>>[vector<16xi32>], vector<16xf32>, vector<16xi1>
      %add3A_972 = arith.addf %get3A_961, %gather3A_971 : vector<16xf32>
      tpu.vector_store_idx %arg7[%sub3A_963], %add3A_972 masked %and3A_970 : memref<25000xf32, #tpu.memory_space<vmem>>[vector<16xi32>], vector<16xf32>, vector<16xi1>
      %get3A_973 = arith.constant 864 : index
      %get3A_974 = tpu.vector_load %arg8[%get3A_973] {strides = array<i32>} : memref<2064xi32, #tpu.memory_space<vmem>>, vector<16xi32>,
      %get3A_975 = arith.constant 865 : index
      %get3A_976 = tpu.vector_load %arg8[%get3A_975] {strides = array<i32>} : memref<2064xi32, #tpu.memory_space<vmem>>, vector<16xi32>,
      %get3A_977 = arith.constant 864 : index
      %get3A_978 = tpu.vector_load %arg9[%get3A_977] {strides = array<i32>} : memref<2048xf32, #tpu.memory_space<vmem>>, vector<16xf32>,
      %sub3A_979 = vector.broadcast %multiple_of3A : i32 to vector<16xi32>
      %sub3A_980 = arith.subi %get3A_974, %sub3A_979 : vector<16xi32>
      %ge3A_981 = vector.broadcast %multiple_of3A : i32 to vector<16xi32>
      %ge3A_982 = arith.cmpi sge, %get3A_974, %ge3A_981 : vector<16xi32>
      %lt3A_983 = vector.broadcast %add3A_4 : i32 to vector<16xi32>
      %lt3A_984 = arith.cmpi slt, %get3A_974, %lt3A_983 : vector<16xi32>
      %and3A_985 = arith.andi %ge3A_982, %lt3A_984 : vector<16xi1>
      %ne3A_986 = arith.cmpi ne, %get3A_974, %get3A_976 : vector<16xi32>
      %and3A_987 = arith.andi %and3A_985, %ne3A_986 : vector<16xi1>
      %gather3A_988 = tpu.vector_load_idx %arg7[%sub3A_980] masked %and3A_987 : memref<25000xf32, #tpu.memory_space<vmem>>[vector<16xi32>], vector<16xf32>, vector<16xi1>
      %add3A_989 = arith.addf %get3A_978, %gather3A_988 : vector<16xf32>
      tpu.vector_store_idx %arg7[%sub3A_980], %add3A_989 masked %and3A_987 : memref<25000xf32, #tpu.memory_space<vmem>>[vector<16xi32>], vector<16xf32>, vector<16xi1>
      %get3A_990 = arith.constant 880 : index
      %get3A_991 = tpu.vector_load %arg8[%get3A_990] {strides = array<i32>} : memref<2064xi32, #tpu.memory_space<vmem>>, vector<16xi32>,
      %get3A_992 = arith.constant 881 : index
      %get3A_993 = tpu.vector_load %arg8[%get3A_992] {strides = array<i32>} : memref<2064xi32, #tpu.memory_space<vmem>>, vector<16xi32>,
      %get3A_994 = arith.constant 880 : index
      %get3A_995 = tpu.vector_load %arg9[%get3A_994] {strides = array<i32>} : memref<2048xf32, #tpu.memory_space<vmem>>, vector<16xf32>,
      %sub3A_996 = vector.broadcast %multiple_of3A : i32 to vector<16xi32>
      %sub3A_997 = arith.subi %get3A_991, %sub3A_996 : vector<16xi32>
      %ge3A_998 = vector.broadcast %multiple_of3A : i32 to vector<16xi32>
      %ge3A_999 = arith.cmpi sge, %get3A_991, %ge3A_998 : vector<16xi32>
      %lt3A_1000 = vector.broadcast %add3A_4 : i32 to vector<16xi32>
      %lt3A_1001 = arith.cmpi slt, %get3A_991, %lt3A_1000 : vector<16xi32>
      %and3A_1002 = arith.andi %ge3A_999, %lt3A_1001 : vector<16xi1>
      %ne3A_1003 = arith.cmpi ne, %get3A_991, %get3A_993 : vector<16xi32>
      %and3A_1004 = arith.andi %and3A_1002, %ne3A_1003 : vector<16xi1>
      %gather3A_1005 = tpu.vector_load_idx %arg7[%sub3A_997] masked %and3A_1004 : memref<25000xf32, #tpu.memory_space<vmem>>[vector<16xi32>], vector<16xf32>, vector<16xi1>
      %add3A_1006 = arith.addf %get3A_995, %gather3A_1005 : vector<16xf32>
      tpu.vector_store_idx %arg7[%sub3A_997], %add3A_1006 masked %and3A_1004 : memref<25000xf32, #tpu.memory_space<vmem>>[vector<16xi32>], vector<16xf32>, vector<16xi1>
      %get3A_1007 = arith.constant 896 : index
      %get3A_1008 = tpu.vector_load %arg8[%get3A_1007] {strides = array<i32>} : memref<2064xi32, #tpu.memory_space<vmem>>, vector<16xi32>,
      %get3A_1009 = arith.constant 897 : index
      %get3A_1010 = tpu.vector_load %arg8[%get3A_1009] {strides = array<i32>} : memref<2064xi32, #tpu.memory_space<vmem>>, vector<16xi32>,
      %get3A_1011 = arith.constant 896 : index
      %get3A_1012 = tpu.vector_load %arg9[%get3A_1011] {strides = array<i32>} : memref<2048xf32, #tpu.memory_space<vmem>>, vector<16xf32>,
      %sub3A_1013 = vector.broadcast %multiple_of3A : i32 to vector<16xi32>
      %sub3A_1014 = arith.subi %get3A_1008, %sub3A_1013 : vector<16xi32>
      %ge3A_1015 = vector.broadcast %multiple_of3A : i32 to vector<16xi32>
      %ge3A_1016 = arith.cmpi sge, %get3A_1008, %ge3A_1015 : vector<16xi32>
      %lt3A_1017 = vector.broadcast %add3A_4 : i32 to vector<16xi32>
      %lt3A_1018 = arith.cmpi slt, %get3A_1008, %lt3A_1017 : vector<16xi32>
      %and3A_1019 = arith.andi %ge3A_1016, %lt3A_1018 : vector<16xi1>
      %ne3A_1020 = arith.cmpi ne, %get3A_1008, %get3A_1010 : vector<16xi32>
      %and3A_1021 = arith.andi %and3A_1019, %ne3A_1020 : vector<16xi1>
      %gather3A_1022 = tpu.vector_load_idx %arg7[%sub3A_1014] masked %and3A_1021 : memref<25000xf32, #tpu.memory_space<vmem>>[vector<16xi32>], vector<16xf32>, vector<16xi1>
      %add3A_1023 = arith.addf %get3A_1012, %gather3A_1022 : vector<16xf32>
      tpu.vector_store_idx %arg7[%sub3A_1014], %add3A_1023 masked %and3A_1021 : memref<25000xf32, #tpu.memory_space<vmem>>[vector<16xi32>], vector<16xf32>, vector<16xi1>
      %get3A_1024 = arith.constant 912 : index
      %get3A_1025 = tpu.vector_load %arg8[%get3A_1024] {strides = array<i32>} : memref<2064xi32, #tpu.memory_space<vmem>>, vector<16xi32>,
      %get3A_1026 = arith.constant 913 : index
      %get3A_1027 = tpu.vector_load %arg8[%get3A_1026] {strides = array<i32>} : memref<2064xi32, #tpu.memory_space<vmem>>, vector<16xi32>,
      %get3A_1028 = arith.constant 912 : index
      %get3A_1029 = tpu.vector_load %arg9[%get3A_1028] {strides = array<i32>} : memref<2048xf32, #tpu.memory_space<vmem>>, vector<16xf32>,
      %sub3A_1030 = vector.broadcast %multiple_of3A : i32 to vector<16xi32>
      %sub3A_1031 = arith.subi %get3A_1025, %sub3A_1030 : vector<16xi32>
      %ge3A_1032 = vector.broadcast %multiple_of3A : i32 to vector<16xi32>
      %ge3A_1033 = arith.cmpi sge, %get3A_1025, %ge3A_1032 : vector<16xi32>
      %lt3A_1034 = vector.broadcast %add3A_4 : i32 to vector<16xi32>
      %lt3A_1035 = arith.cmpi slt, %get3A_1025, %lt3A_1034 : vector<16xi32>
      %and3A_1036 = arith.andi %ge3A_1033, %lt3A_1035 : vector<16xi1>
      %ne3A_1037 = arith.cmpi ne, %get3A_1025, %get3A_1027 : vector<16xi32>
      %and3A_1038 = arith.andi %and3A_1036, %ne3A_1037 : vector<16xi1>
      %gather3A_1039 = tpu.vector_load_idx %arg7[%sub3A_1031] masked %and3A_1038 : memref<25000xf32, #tpu.memory_space<vmem>>[vector<16xi32>], vector<16xf32>, vector<16xi1>
      %add3A_1040 = arith.addf %get3A_1029, %gather3A_1039 : vector<16xf32>
      tpu.vector_store_idx %arg7[%sub3A_1031], %add3A_1040 masked %and3A_1038 : memref<25000xf32, #tpu.memory_space<vmem>>[vector<16xi32>], vector<16xf32>, vector<16xi1>
      %get3A_1041 = arith.constant 928 : index
      %get3A_1042 = tpu.vector_load %arg8[%get3A_1041] {strides = array<i32>} : memref<2064xi32, #tpu.memory_space<vmem>>, vector<16xi32>,
      %get3A_1043 = arith.constant 929 : index
      %get3A_1044 = tpu.vector_load %arg8[%get3A_1043] {strides = array<i32>} : memref<2064xi32, #tpu.memory_space<vmem>>, vector<16xi32>,
      %get3A_1045 = arith.constant 928 : index
      %get3A_1046 = tpu.vector_load %arg9[%get3A_1045] {strides = array<i32>} : memref<2048xf32, #tpu.memory_space<vmem>>, vector<16xf32>,
      %sub3A_1047 = vector.broadcast %multiple_of3A : i32 to vector<16xi32>
      %sub3A_1048 = arith.subi %get3A_1042, %sub3A_1047 : vector<16xi32>
      %ge3A_1049 = vector.broadcast %multiple_of3A : i32 to vector<16xi32>
      %ge3A_1050 = arith.cmpi sge, %get3A_1042, %ge3A_1049 : vector<16xi32>
      %lt3A_1051 = vector.broadcast %add3A_4 : i32 to vector<16xi32>
      %lt3A_1052 = arith.cmpi slt, %get3A_1042, %lt3A_1051 : vector<16xi32>
      %and3A_1053 = arith.andi %ge3A_1050, %lt3A_1052 : vector<16xi1>
      %ne3A_1054 = arith.cmpi ne, %get3A_1042, %get3A_1044 : vector<16xi32>
      %and3A_1055 = arith.andi %and3A_1053, %ne3A_1054 : vector<16xi1>
      %gather3A_1056 = tpu.vector_load_idx %arg7[%sub3A_1048] masked %and3A_1055 : memref<25000xf32, #tpu.memory_space<vmem>>[vector<16xi32>], vector<16xf32>, vector<16xi1>
      %add3A_1057 = arith.addf %get3A_1046, %gather3A_1056 : vector<16xf32>
      tpu.vector_store_idx %arg7[%sub3A_1048], %add3A_1057 masked %and3A_1055 : memref<25000xf32, #tpu.memory_space<vmem>>[vector<16xi32>], vector<16xf32>, vector<16xi1>
      %get3A_1058 = arith.constant 944 : index
      %get3A_1059 = tpu.vector_load %arg8[%get3A_1058] {strides = array<i32>} : memref<2064xi32, #tpu.memory_space<vmem>>, vector<16xi32>,
      %get3A_1060 = arith.constant 945 : index
      %get3A_1061 = tpu.vector_load %arg8[%get3A_1060] {strides = array<i32>} : memref<2064xi32, #tpu.memory_space<vmem>>, vector<16xi32>,
      %get3A_1062 = arith.constant 944 : index
      %get3A_1063 = tpu.vector_load %arg9[%get3A_1062] {strides = array<i32>} : memref<2048xf32, #tpu.memory_space<vmem>>, vector<16xf32>,
      %sub3A_1064 = vector.broadcast %multiple_of3A : i32 to vector<16xi32>
      %sub3A_1065 = arith.subi %get3A_1059, %sub3A_1064 : vector<16xi32>
      %ge3A_1066 = vector.broadcast %multiple_of3A : i32 to vector<16xi32>
      %ge3A_1067 = arith.cmpi sge, %get3A_1059, %ge3A_1066 : vector<16xi32>
      %lt3A_1068 = vector.broadcast %add3A_4 : i32 to vector<16xi32>
      %lt3A_1069 = arith.cmpi slt, %get3A_1059, %lt3A_1068 : vector<16xi32>
      %and3A_1070 = arith.andi %ge3A_1067, %lt3A_1069 : vector<16xi1>
      %ne3A_1071 = arith.cmpi ne, %get3A_1059, %get3A_1061 : vector<16xi32>
      %and3A_1072 = arith.andi %and3A_1070, %ne3A_1071 : vector<16xi1>
      %gather3A_1073 = tpu.vector_load_idx %arg7[%sub3A_1065] masked %and3A_1072 : memref<25000xf32, #tpu.memory_space<vmem>>[vector<16xi32>], vector<16xf32>, vector<16xi1>
      %add3A_1074 = arith.addf %get3A_1063, %gather3A_1073 : vector<16xf32>
      tpu.vector_store_idx %arg7[%sub3A_1065], %add3A_1074 masked %and3A_1072 : memref<25000xf32, #tpu.memory_space<vmem>>[vector<16xi32>], vector<16xf32>, vector<16xi1>
      %get3A_1075 = arith.constant 960 : index
      %get3A_1076 = tpu.vector_load %arg8[%get3A_1075] {strides = array<i32>} : memref<2064xi32, #tpu.memory_space<vmem>>, vector<16xi32>,
      %get3A_1077 = arith.constant 961 : index
      %get3A_1078 = tpu.vector_load %arg8[%get3A_1077] {strides = array<i32>} : memref<2064xi32, #tpu.memory_space<vmem>>, vector<16xi32>,
      %get3A_1079 = arith.constant 960 : index
      %get3A_1080 = tpu.vector_load %arg9[%get3A_1079] {strides = array<i32>} : memref<2048xf32, #tpu.memory_space<vmem>>, vector<16xf32>,
      %sub3A_1081 = vector.broadcast %multiple_of3A : i32 to vector<16xi32>
      %sub3A_1082 = arith.subi %get3A_1076, %sub3A_1081 : vector<16xi32>
      %ge3A_1083 = vector.broadcast %multiple_of3A : i32 to vector<16xi32>
      %ge3A_1084 = arith.cmpi sge, %get3A_1076, %ge3A_1083 : vector<16xi32>
      %lt3A_1085 = vector.broadcast %add3A_4 : i32 to vector<16xi32>
      %lt3A_1086 = arith.cmpi slt, %get3A_1076, %lt3A_1085 : vector<16xi32>
      %and3A_1087 = arith.andi %ge3A_1084, %lt3A_1086 : vector<16xi1>
      %ne3A_1088 = arith.cmpi ne, %get3A_1076, %get3A_1078 : vector<16xi32>
      %and3A_1089 = arith.andi %and3A_1087, %ne3A_1088 : vector<16xi1>
      %gather3A_1090 = tpu.vector_load_idx %arg7[%sub3A_1082] masked %and3A_1089 : memref<25000xf32, #tpu.memory_space<vmem>>[vector<16xi32>], vector<16xf32>, vector<16xi1>
      %add3A_1091 = arith.addf %get3A_1080, %gather3A_1090 : vector<16xf32>
      tpu.vector_store_idx %arg7[%sub3A_1082], %add3A_1091 masked %and3A_1089 : memref<25000xf32, #tpu.memory_space<vmem>>[vector<16xi32>], vector<16xf32>, vector<16xi1>
      %get3A_1092 = arith.constant 976 : index
      %get3A_1093 = tpu.vector_load %arg8[%get3A_1092] {strides = array<i32>} : memref<2064xi32, #tpu.memory_space<vmem>>, vector<16xi32>,
      %get3A_1094 = arith.constant 977 : index
      %get3A_1095 = tpu.vector_load %arg8[%get3A_1094] {strides = array<i32>} : memref<2064xi32, #tpu.memory_space<vmem>>, vector<16xi32>,
      %get3A_1096 = arith.constant 976 : index
      %get3A_1097 = tpu.vector_load %arg9[%get3A_1096] {strides = array<i32>} : memref<2048xf32, #tpu.memory_space<vmem>>, vector<16xf32>,
      %sub3A_1098 = vector.broadcast %multiple_of3A : i32 to vector<16xi32>
      %sub3A_1099 = arith.subi %get3A_1093, %sub3A_1098 : vector<16xi32>
      %ge3A_1100 = vector.broadcast %multiple_of3A : i32 to vector<16xi32>
      %ge3A_1101 = arith.cmpi sge, %get3A_1093, %ge3A_1100 : vector<16xi32>
      %lt3A_1102 = vector.broadcast %add3A_4 : i32 to vector<16xi32>
      %lt3A_1103 = arith.cmpi slt, %get3A_1093, %lt3A_1102 : vector<16xi32>
      %and3A_1104 = arith.andi %ge3A_1101, %lt3A_1103 : vector<16xi1>
      %ne3A_1105 = arith.cmpi ne, %get3A_1093, %get3A_1095 : vector<16xi32>
      %and3A_1106 = arith.andi %and3A_1104, %ne3A_1105 : vector<16xi1>
      %gather3A_1107 = tpu.vector_load_idx %arg7[%sub3A_1099] masked %and3A_1106 : memref<25000xf32, #tpu.memory_space<vmem>>[vector<16xi32>], vector<16xf32>, vector<16xi1>
      %add3A_1108 = arith.addf %get3A_1097, %gather3A_1107 : vector<16xf32>
      tpu.vector_store_idx %arg7[%sub3A_1099], %add3A_1108 masked %and3A_1106 : memref<25000xf32, #tpu.memory_space<vmem>>[vector<16xi32>], vector<16xf32>, vector<16xi1>
      %get3A_1109 = arith.constant 992 : index
      %get3A_1110 = tpu.vector_load %arg8[%get3A_1109] {strides = array<i32>} : memref<2064xi32, #tpu.memory_space<vmem>>, vector<16xi32>,
      %get3A_1111 = arith.constant 993 : index
      %get3A_1112 = tpu.vector_load %arg8[%get3A_1111] {strides = array<i32>} : memref<2064xi32, #tpu.memory_space<vmem>>, vector<16xi32>,
      %get3A_1113 = arith.constant 992 : index
      %get3A_1114 = tpu.vector_load %arg9[%get3A_1113] {strides = array<i32>} : memref<2048xf32, #tpu.memory_space<vmem>>, vector<16xf32>,
      %sub3A_1115 = vector.broadcast %multiple_of3A : i32 to vector<16xi32>
      %sub3A_1116 = arith.subi %get3A_1110, %sub3A_1115 : vector<16xi32>
      %ge3A_1117 = vector.broadcast %multiple_of3A : i32 to vector<16xi32>
      %ge3A_1118 = arith.cmpi sge, %get3A_1110, %ge3A_1117 : vector<16xi32>
      %lt3A_1119 = vector.broadcast %add3A_4 : i32 to vector<16xi32>
      %lt3A_1120 = arith.cmpi slt, %get3A_1110, %lt3A_1119 : vector<16xi32>
      %and3A_1121 = arith.andi %ge3A_1118, %lt3A_1120 : vector<16xi1>
      %ne3A_1122 = arith.cmpi ne, %get3A_1110, %get3A_1112 : vector<16xi32>
      %and3A_1123 = arith.andi %and3A_1121, %ne3A_1122 : vector<16xi1>
      %gather3A_1124 = tpu.vector_load_idx %arg7[%sub3A_1116] masked %and3A_1123 : memref<25000xf32, #tpu.memory_space<vmem>>[vector<16xi32>], vector<16xf32>, vector<16xi1>
      %add3A_1125 = arith.addf %get3A_1114, %gather3A_1124 : vector<16xf32>
      tpu.vector_store_idx %arg7[%sub3A_1116], %add3A_1125 masked %and3A_1123 : memref<25000xf32, #tpu.memory_space<vmem>>[vector<16xi32>], vector<16xf32>, vector<16xi1>
      %get3A_1126 = arith.constant 1008 : index
      %get3A_1127 = tpu.vector_load %arg8[%get3A_1126] {strides = array<i32>} : memref<2064xi32, #tpu.memory_space<vmem>>, vector<16xi32>,
      %get3A_1128 = arith.constant 1009 : index
      %get3A_1129 = tpu.vector_load %arg8[%get3A_1128] {strides = array<i32>} : memref<2064xi32, #tpu.memory_space<vmem>>, vector<16xi32>,
      %get3A_1130 = arith.constant 1008 : index
      %get3A_1131 = tpu.vector_load %arg9[%get3A_1130] {strides = array<i32>} : memref<2048xf32, #tpu.memory_space<vmem>>, vector<16xf32>,
      %sub3A_1132 = vector.broadcast %multiple_of3A : i32 to vector<16xi32>
      %sub3A_1133 = arith.subi %get3A_1127, %sub3A_1132 : vector<16xi32>
      %ge3A_1134 = vector.broadcast %multiple_of3A : i32 to vector<16xi32>
      %ge3A_1135 = arith.cmpi sge, %get3A_1127, %ge3A_1134 : vector<16xi32>
      %lt3A_1136 = vector.broadcast %add3A_4 : i32 to vector<16xi32>
      %lt3A_1137 = arith.cmpi slt, %get3A_1127, %lt3A_1136 : vector<16xi32>
      %and3A_1138 = arith.andi %ge3A_1135, %lt3A_1137 : vector<16xi1>
      %ne3A_1139 = arith.cmpi ne, %get3A_1127, %get3A_1129 : vector<16xi32>
      %and3A_1140 = arith.andi %and3A_1138, %ne3A_1139 : vector<16xi1>
      %gather3A_1141 = tpu.vector_load_idx %arg7[%sub3A_1133] masked %and3A_1140 : memref<25000xf32, #tpu.memory_space<vmem>>[vector<16xi32>], vector<16xf32>, vector<16xi1>
      %add3A_1142 = arith.addf %get3A_1131, %gather3A_1141 : vector<16xf32>
      tpu.vector_store_idx %arg7[%sub3A_1133], %add3A_1142 masked %and3A_1140 : memref<25000xf32, #tpu.memory_space<vmem>>[vector<16xi32>], vector<16xf32>, vector<16xi1>
      %get3A_1143 = arith.constant 1024 : index
      %get3A_1144 = tpu.vector_load %arg8[%get3A_1143] {strides = array<i32>} : memref<2064xi32, #tpu.memory_space<vmem>>, vector<16xi32>,
      %get3A_1145 = arith.constant 1025 : index
      %get3A_1146 = tpu.vector_load %arg8[%get3A_1145] {strides = array<i32>} : memref<2064xi32, #tpu.memory_space<vmem>>, vector<16xi32>,
      %get3A_1147 = arith.constant 1024 : index
      %get3A_1148 = tpu.vector_load %arg9[%get3A_1147] {strides = array<i32>} : memref<2048xf32, #tpu.memory_space<vmem>>, vector<16xf32>,
      %sub3A_1149 = vector.broadcast %multiple_of3A : i32 to vector<16xi32>
      %sub3A_1150 = arith.subi %get3A_1144, %sub3A_1149 : vector<16xi32>
      %ge3A_1151 = vector.broadcast %multiple_of3A : i32 to vector<16xi32>
      %ge3A_1152 = arith.cmpi sge, %get3A_1144, %ge3A_1151 : vector<16xi32>
      %lt3A_1153 = vector.broadcast %add3A_4 : i32 to vector<16xi32>
      %lt3A_1154 = arith.cmpi slt, %get3A_1144, %lt3A_1153 : vector<16xi32>
      %and3A_1155 = arith.andi %ge3A_1152, %lt3A_1154 : vector<16xi1>
      %ne3A_1156 = arith.cmpi ne, %get3A_1144, %get3A_1146 : vector<16xi32>
      %and3A_1157 = arith.andi %and3A_1155, %ne3A_1156 : vector<16xi1>
      %gather3A_1158 = tpu.vector_load_idx %arg7[%sub3A_1150] masked %and3A_1157 : memref<25000xf32, #tpu.memory_space<vmem>>[vector<16xi32>], vector<16xf32>, vector<16xi1>
      %add3A_1159 = arith.addf %get3A_1148, %gather3A_1158 : vector<16xf32>
      tpu.vector_store_idx %arg7[%sub3A_1150], %add3A_1159 masked %and3A_1157 : memref<25000xf32, #tpu.memory_space<vmem>>[vector<16xi32>], vector<16xf32>, vector<16xi1>
      %get3A_1160 = arith.constant 1040 : index
      %get3A_1161 = tpu.vector_load %arg8[%get3A_1160] {strides = array<i32>} : memref<2064xi32, #tpu.memory_space<vmem>>, vector<16xi32>,
      %get3A_1162 = arith.constant 1041 : index
      %get3A_1163 = tpu.vector_load %arg8[%get3A_1162] {strides = array<i32>} : memref<2064xi32, #tpu.memory_space<vmem>>, vector<16xi32>,
      %get3A_1164 = arith.constant 1040 : index
      %get3A_1165 = tpu.vector_load %arg9[%get3A_1164] {strides = array<i32>} : memref<2048xf32, #tpu.memory_space<vmem>>, vector<16xf32>,
      %sub3A_1166 = vector.broadcast %multiple_of3A : i32 to vector<16xi32>
      %sub3A_1167 = arith.subi %get3A_1161, %sub3A_1166 : vector<16xi32>
      %ge3A_1168 = vector.broadcast %multiple_of3A : i32 to vector<16xi32>
      %ge3A_1169 = arith.cmpi sge, %get3A_1161, %ge3A_1168 : vector<16xi32>
      %lt3A_1170 = vector.broadcast %add3A_4 : i32 to vector<16xi32>
      %lt3A_1171 = arith.cmpi slt, %get3A_1161, %lt3A_1170 : vector<16xi32>
      %and3A_1172 = arith.andi %ge3A_1169, %lt3A_1171 : vector<16xi1>
      %ne3A_1173 = arith.cmpi ne, %get3A_1161, %get3A_1163 : vector<16xi32>
      %and3A_1174 = arith.andi %and3A_1172, %ne3A_1173 : vector<16xi1>
      %gather3A_1175 = tpu.vector_load_idx %arg7[%sub3A_1167] masked %and3A_1174 : memref<25000xf32, #tpu.memory_space<vmem>>[vector<16xi32>], vector<16xf32>, vector<16xi1>
      %add3A_1176 = arith.addf %get3A_1165, %gather3A_1175 : vector<16xf32>
      tpu.vector_store_idx %arg7[%sub3A_1167], %add3A_1176 masked %and3A_1174 : memref<25000xf32, #tpu.memory_space<vmem>>[vector<16xi32>], vector<16xf32>, vector<16xi1>
      %get3A_1177 = arith.constant 1056 : index
      %get3A_1178 = tpu.vector_load %arg8[%get3A_1177] {strides = array<i32>} : memref<2064xi32, #tpu.memory_space<vmem>>, vector<16xi32>,
      %get3A_1179 = arith.constant 1057 : index
      %get3A_1180 = tpu.vector_load %arg8[%get3A_1179] {strides = array<i32>} : memref<2064xi32, #tpu.memory_space<vmem>>, vector<16xi32>,
      %get3A_1181 = arith.constant 1056 : index
      %get3A_1182 = tpu.vector_load %arg9[%get3A_1181] {strides = array<i32>} : memref<2048xf32, #tpu.memory_space<vmem>>, vector<16xf32>,
      %sub3A_1183 = vector.broadcast %multiple_of3A : i32 to vector<16xi32>
      %sub3A_1184 = arith.subi %get3A_1178, %sub3A_1183 : vector<16xi32>
      %ge3A_1185 = vector.broadcast %multiple_of3A : i32 to vector<16xi32>
      %ge3A_1186 = arith.cmpi sge, %get3A_1178, %ge3A_1185 : vector<16xi32>
      %lt3A_1187 = vector.broadcast %add3A_4 : i32 to vector<16xi32>
      %lt3A_1188 = arith.cmpi slt, %get3A_1178, %lt3A_1187 : vector<16xi32>
      %and3A_1189 = arith.andi %ge3A_1186, %lt3A_1188 : vector<16xi1>
      %ne3A_1190 = arith.cmpi ne, %get3A_1178, %get3A_1180 : vector<16xi32>
      %and3A_1191 = arith.andi %and3A_1189, %ne3A_1190 : vector<16xi1>
      %gather3A_1192 = tpu.vector_load_idx %arg7[%sub3A_1184] masked %and3A_1191 : memref<25000xf32, #tpu.memory_space<vmem>>[vector<16xi32>], vector<16xf32>, vector<16xi1>
      %add3A_1193 = arith.addf %get3A_1182, %gather3A_1192 : vector<16xf32>
      tpu.vector_store_idx %arg7[%sub3A_1184], %add3A_1193 masked %and3A_1191 : memref<25000xf32, #tpu.memory_space<vmem>>[vector<16xi32>], vector<16xf32>, vector<16xi1>
      %get3A_1194 = arith.constant 1072 : index
      %get3A_1195 = tpu.vector_load %arg8[%get3A_1194] {strides = array<i32>} : memref<2064xi32, #tpu.memory_space<vmem>>, vector<16xi32>,
      %get3A_1196 = arith.constant 1073 : index
      %get3A_1197 = tpu.vector_load %arg8[%get3A_1196] {strides = array<i32>} : memref<2064xi32, #tpu.memory_space<vmem>>, vector<16xi32>,
      %get3A_1198 = arith.constant 1072 : index
      %get3A_1199 = tpu.vector_load %arg9[%get3A_1198] {strides = array<i32>} : memref<2048xf32, #tpu.memory_space<vmem>>, vector<16xf32>,
      %sub3A_1200 = vector.broadcast %multiple_of3A : i32 to vector<16xi32>
      %sub3A_1201 = arith.subi %get3A_1195, %sub3A_1200 : vector<16xi32>
      %ge3A_1202 = vector.broadcast %multiple_of3A : i32 to vector<16xi32>
      %ge3A_1203 = arith.cmpi sge, %get3A_1195, %ge3A_1202 : vector<16xi32>
      %lt3A_1204 = vector.broadcast %add3A_4 : i32 to vector<16xi32>
      %lt3A_1205 = arith.cmpi slt, %get3A_1195, %lt3A_1204 : vector<16xi32>
      %and3A_1206 = arith.andi %ge3A_1203, %lt3A_1205 : vector<16xi1>
      %ne3A_1207 = arith.cmpi ne, %get3A_1195, %get3A_1197 : vector<16xi32>
      %and3A_1208 = arith.andi %and3A_1206, %ne3A_1207 : vector<16xi1>
      %gather3A_1209 = tpu.vector_load_idx %arg7[%sub3A_1201] masked %and3A_1208 : memref<25000xf32, #tpu.memory_space<vmem>>[vector<16xi32>], vector<16xf32>, vector<16xi1>
      %add3A_1210 = arith.addf %get3A_1199, %gather3A_1209 : vector<16xf32>
      tpu.vector_store_idx %arg7[%sub3A_1201], %add3A_1210 masked %and3A_1208 : memref<25000xf32, #tpu.memory_space<vmem>>[vector<16xi32>], vector<16xf32>, vector<16xi1>
      %get3A_1211 = arith.constant 1088 : index
      %get3A_1212 = tpu.vector_load %arg8[%get3A_1211] {strides = array<i32>} : memref<2064xi32, #tpu.memory_space<vmem>>, vector<16xi32>,
      %get3A_1213 = arith.constant 1089 : index
      %get3A_1214 = tpu.vector_load %arg8[%get3A_1213] {strides = array<i32>} : memref<2064xi32, #tpu.memory_space<vmem>>, vector<16xi32>,
      %get3A_1215 = arith.constant 1088 : index
      %get3A_1216 = tpu.vector_load %arg9[%get3A_1215] {strides = array<i32>} : memref<2048xf32, #tpu.memory_space<vmem>>, vector<16xf32>,
      %sub3A_1217 = vector.broadcast %multiple_of3A : i32 to vector<16xi32>
      %sub3A_1218 = arith.subi %get3A_1212, %sub3A_1217 : vector<16xi32>
      %ge3A_1219 = vector.broadcast %multiple_of3A : i32 to vector<16xi32>
      %ge3A_1220 = arith.cmpi sge, %get3A_1212, %ge3A_1219 : vector<16xi32>
      %lt3A_1221 = vector.broadcast %add3A_4 : i32 to vector<16xi32>
      %lt3A_1222 = arith.cmpi slt, %get3A_1212, %lt3A_1221 : vector<16xi32>
      %and3A_1223 = arith.andi %ge3A_1220, %lt3A_1222 : vector<16xi1>
      %ne3A_1224 = arith.cmpi ne, %get3A_1212, %get3A_1214 : vector<16xi32>
      %and3A_1225 = arith.andi %and3A_1223, %ne3A_1224 : vector<16xi1>
      %gather3A_1226 = tpu.vector_load_idx %arg7[%sub3A_1218] masked %and3A_1225 : memref<25000xf32, #tpu.memory_space<vmem>>[vector<16xi32>], vector<16xf32>, vector<16xi1>
      %add3A_1227 = arith.addf %get3A_1216, %gather3A_1226 : vector<16xf32>
      tpu.vector_store_idx %arg7[%sub3A_1218], %add3A_1227 masked %and3A_1225 : memref<25000xf32, #tpu.memory_space<vmem>>[vector<16xi32>], vector<16xf32>, vector<16xi1>
      %get3A_1228 = arith.constant 1104 : index
      %get3A_1229 = tpu.vector_load %arg8[%get3A_1228] {strides = array<i32>} : memref<2064xi32, #tpu.memory_space<vmem>>, vector<16xi32>,
      %get3A_1230 = arith.constant 1105 : index
      %get3A_1231 = tpu.vector_load %arg8[%get3A_1230] {strides = array<i32>} : memref<2064xi32, #tpu.memory_space<vmem>>, vector<16xi32>,
      %get3A_1232 = arith.constant 1104 : index
      %get3A_1233 = tpu.vector_load %arg9[%get3A_1232] {strides = array<i32>} : memref<2048xf32, #tpu.memory_space<vmem>>, vector<16xf32>,
      %sub3A_1234 = vector.broadcast %multiple_of3A : i32 to vector<16xi32>
      %sub3A_1235 = arith.subi %get3A_1229, %sub3A_1234 : vector<16xi32>
      %ge3A_1236 = vector.broadcast %multiple_of3A : i32 to vector<16xi32>
      %ge3A_1237 = arith.cmpi sge, %get3A_1229, %ge3A_1236 : vector<16xi32>
      %lt3A_1238 = vector.broadcast %add3A_4 : i32 to vector<16xi32>
      %lt3A_1239 = arith.cmpi slt, %get3A_1229, %lt3A_1238 : vector<16xi32>
      %and3A_1240 = arith.andi %ge3A_1237, %lt3A_1239 : vector<16xi1>
      %ne3A_1241 = arith.cmpi ne, %get3A_1229, %get3A_1231 : vector<16xi32>
      %and3A_1242 = arith.andi %and3A_1240, %ne3A_1241 : vector<16xi1>
      %gather3A_1243 = tpu.vector_load_idx %arg7[%sub3A_1235] masked %and3A_1242 : memref<25000xf32, #tpu.memory_space<vmem>>[vector<16xi32>], vector<16xf32>, vector<16xi1>
      %add3A_1244 = arith.addf %get3A_1233, %gather3A_1243 : vector<16xf32>
      tpu.vector_store_idx %arg7[%sub3A_1235], %add3A_1244 masked %and3A_1242 : memref<25000xf32, #tpu.memory_space<vmem>>[vector<16xi32>], vector<16xf32>, vector<16xi1>
      %get3A_1245 = arith.constant 1120 : index
      %get3A_1246 = tpu.vector_load %arg8[%get3A_1245] {strides = array<i32>} : memref<2064xi32, #tpu.memory_space<vmem>>, vector<16xi32>,
      %get3A_1247 = arith.constant 1121 : index
      %get3A_1248 = tpu.vector_load %arg8[%get3A_1247] {strides = array<i32>} : memref<2064xi32, #tpu.memory_space<vmem>>, vector<16xi32>,
      %get3A_1249 = arith.constant 1120 : index
      %get3A_1250 = tpu.vector_load %arg9[%get3A_1249] {strides = array<i32>} : memref<2048xf32, #tpu.memory_space<vmem>>, vector<16xf32>,
      %sub3A_1251 = vector.broadcast %multiple_of3A : i32 to vector<16xi32>
      %sub3A_1252 = arith.subi %get3A_1246, %sub3A_1251 : vector<16xi32>
      %ge3A_1253 = vector.broadcast %multiple_of3A : i32 to vector<16xi32>
      %ge3A_1254 = arith.cmpi sge, %get3A_1246, %ge3A_1253 : vector<16xi32>
      %lt3A_1255 = vector.broadcast %add3A_4 : i32 to vector<16xi32>
      %lt3A_1256 = arith.cmpi slt, %get3A_1246, %lt3A_1255 : vector<16xi32>
      %and3A_1257 = arith.andi %ge3A_1254, %lt3A_1256 : vector<16xi1>
      %ne3A_1258 = arith.cmpi ne, %get3A_1246, %get3A_1248 : vector<16xi32>
      %and3A_1259 = arith.andi %and3A_1257, %ne3A_1258 : vector<16xi1>
      %gather3A_1260 = tpu.vector_load_idx %arg7[%sub3A_1252] masked %and3A_1259 : memref<25000xf32, #tpu.memory_space<vmem>>[vector<16xi32>], vector<16xf32>, vector<16xi1>
      %add3A_1261 = arith.addf %get3A_1250, %gather3A_1260 : vector<16xf32>
      tpu.vector_store_idx %arg7[%sub3A_1252], %add3A_1261 masked %and3A_1259 : memref<25000xf32, #tpu.memory_space<vmem>>[vector<16xi32>], vector<16xf32>, vector<16xi1>
      %get3A_1262 = arith.constant 1136 : index
      %get3A_1263 = tpu.vector_load %arg8[%get3A_1262] {strides = array<i32>} : memref<2064xi32, #tpu.memory_space<vmem>>, vector<16xi32>,
      %get3A_1264 = arith.constant 1137 : index
      %get3A_1265 = tpu.vector_load %arg8[%get3A_1264] {strides = array<i32>} : memref<2064xi32, #tpu.memory_space<vmem>>, vector<16xi32>,
      %get3A_1266 = arith.constant 1136 : index
      %get3A_1267 = tpu.vector_load %arg9[%get3A_1266] {strides = array<i32>} : memref<2048xf32, #tpu.memory_space<vmem>>, vector<16xf32>,
      %sub3A_1268 = vector.broadcast %multiple_of3A : i32 to vector<16xi32>
      %sub3A_1269 = arith.subi %get3A_1263, %sub3A_1268 : vector<16xi32>
      %ge3A_1270 = vector.broadcast %multiple_of3A : i32 to vector<16xi32>
      %ge3A_1271 = arith.cmpi sge, %get3A_1263, %ge3A_1270 : vector<16xi32>
      %lt3A_1272 = vector.broadcast %add3A_4 : i32 to vector<16xi32>
      %lt3A_1273 = arith.cmpi slt, %get3A_1263, %lt3A_1272 : vector<16xi32>
      %and3A_1274 = arith.andi %ge3A_1271, %lt3A_1273 : vector<16xi1>
      %ne3A_1275 = arith.cmpi ne, %get3A_1263, %get3A_1265 : vector<16xi32>
      %and3A_1276 = arith.andi %and3A_1274, %ne3A_1275 : vector<16xi1>
      %gather3A_1277 = tpu.vector_load_idx %arg7[%sub3A_1269] masked %and3A_1276 : memref<25000xf32, #tpu.memory_space<vmem>>[vector<16xi32>], vector<16xf32>, vector<16xi1>
      %add3A_1278 = arith.addf %get3A_1267, %gather3A_1277 : vector<16xf32>
      tpu.vector_store_idx %arg7[%sub3A_1269], %add3A_1278 masked %and3A_1276 : memref<25000xf32, #tpu.memory_space<vmem>>[vector<16xi32>], vector<16xf32>, vector<16xi1>
      %get3A_1279 = arith.constant 1152 : index
      %get3A_1280 = tpu.vector_load %arg8[%get3A_1279] {strides = array<i32>} : memref<2064xi32, #tpu.memory_space<vmem>>, vector<16xi32>,
      %get3A_1281 = arith.constant 1153 : index
      %get3A_1282 = tpu.vector_load %arg8[%get3A_1281] {strides = array<i32>} : memref<2064xi32, #tpu.memory_space<vmem>>, vector<16xi32>,
      %get3A_1283 = arith.constant 1152 : index
      %get3A_1284 = tpu.vector_load %arg9[%get3A_1283] {strides = array<i32>} : memref<2048xf32, #tpu.memory_space<vmem>>, vector<16xf32>,
      %sub3A_1285 = vector.broadcast %multiple_of3A : i32 to vector<16xi32>
      %sub3A_1286 = arith.subi %get3A_1280, %sub3A_1285 : vector<16xi32>
      %ge3A_1287 = vector.broadcast %multiple_of3A : i32 to vector<16xi32>
      %ge3A_1288 = arith.cmpi sge, %get3A_1280, %ge3A_1287 : vector<16xi32>
      %lt3A_1289 = vector.broadcast %add3A_4 : i32 to vector<16xi32>
      %lt3A_1290 = arith.cmpi slt, %get3A_1280, %lt3A_1289 : vector<16xi32>
      %and3A_1291 = arith.andi %ge3A_1288, %lt3A_1290 : vector<16xi1>
      %ne3A_1292 = arith.cmpi ne, %get3A_1280, %get3A_1282 : vector<16xi32>
      %and3A_1293 = arith.andi %and3A_1291, %ne3A_1292 : vector<16xi1>
      %gather3A_1294 = tpu.vector_load_idx %arg7[%sub3A_1286] masked %and3A_1293 : memref<25000xf32, #tpu.memory_space<vmem>>[vector<16xi32>], vector<16xf32>, vector<16xi1>
      %add3A_1295 = arith.addf %get3A_1284, %gather3A_1294 : vector<16xf32>
      tpu.vector_store_idx %arg7[%sub3A_1286], %add3A_1295 masked %and3A_1293 : memref<25000xf32, #tpu.memory_space<vmem>>[vector<16xi32>], vector<16xf32>, vector<16xi1>
      %get3A_1296 = arith.constant 1168 : index
      %get3A_1297 = tpu.vector_load %arg8[%get3A_1296] {strides = array<i32>} : memref<2064xi32, #tpu.memory_space<vmem>>, vector<16xi32>,
      %get3A_1298 = arith.constant 1169 : index
      %get3A_1299 = tpu.vector_load %arg8[%get3A_1298] {strides = array<i32>} : memref<2064xi32, #tpu.memory_space<vmem>>, vector<16xi32>,
      %get3A_1300 = arith.constant 1168 : index
      %get3A_1301 = tpu.vector_load %arg9[%get3A_1300] {strides = array<i32>} : memref<2048xf32, #tpu.memory_space<vmem>>, vector<16xf32>,
      %sub3A_1302 = vector.broadcast %multiple_of3A : i32 to vector<16xi32>
      %sub3A_1303 = arith.subi %get3A_1297, %sub3A_1302 : vector<16xi32>
      %ge3A_1304 = vector.broadcast %multiple_of3A : i32 to vector<16xi32>
      %ge3A_1305 = arith.cmpi sge, %get3A_1297, %ge3A_1304 : vector<16xi32>
      %lt3A_1306 = vector.broadcast %add3A_4 : i32 to vector<16xi32>
      %lt3A_1307 = arith.cmpi slt, %get3A_1297, %lt3A_1306 : vector<16xi32>
      %and3A_1308 = arith.andi %ge3A_1305, %lt3A_1307 : vector<16xi1>
      %ne3A_1309 = arith.cmpi ne, %get3A_1297, %get3A_1299 : vector<16xi32>
      %and3A_1310 = arith.andi %and3A_1308, %ne3A_1309 : vector<16xi1>
      %gather3A_1311 = tpu.vector_load_idx %arg7[%sub3A_1303] masked %and3A_1310 : memref<25000xf32, #tpu.memory_space<vmem>>[vector<16xi32>], vector<16xf32>, vector<16xi1>
      %add3A_1312 = arith.addf %get3A_1301, %gather3A_1311 : vector<16xf32>
      tpu.vector_store_idx %arg7[%sub3A_1303], %add3A_1312 masked %and3A_1310 : memref<25000xf32, #tpu.memory_space<vmem>>[vector<16xi32>], vector<16xf32>, vector<16xi1>
      %get3A_1313 = arith.constant 1184 : index
      %get3A_1314 = tpu.vector_load %arg8[%get3A_1313] {strides = array<i32>} : memref<2064xi32, #tpu.memory_space<vmem>>, vector<16xi32>,
      %get3A_1315 = arith.constant 1185 : index
      %get3A_1316 = tpu.vector_load %arg8[%get3A_1315] {strides = array<i32>} : memref<2064xi32, #tpu.memory_space<vmem>>, vector<16xi32>,
      %get3A_1317 = arith.constant 1184 : index
      %get3A_1318 = tpu.vector_load %arg9[%get3A_1317] {strides = array<i32>} : memref<2048xf32, #tpu.memory_space<vmem>>, vector<16xf32>,
      %sub3A_1319 = vector.broadcast %multiple_of3A : i32 to vector<16xi32>
      %sub3A_1320 = arith.subi %get3A_1314, %sub3A_1319 : vector<16xi32>
      %ge3A_1321 = vector.broadcast %multiple_of3A : i32 to vector<16xi32>
      %ge3A_1322 = arith.cmpi sge, %get3A_1314, %ge3A_1321 : vector<16xi32>
      %lt3A_1323 = vector.broadcast %add3A_4 : i32 to vector<16xi32>
      %lt3A_1324 = arith.cmpi slt, %get3A_1314, %lt3A_1323 : vector<16xi32>
      %and3A_1325 = arith.andi %ge3A_1322, %lt3A_1324 : vector<16xi1>
      %ne3A_1326 = arith.cmpi ne, %get3A_1314, %get3A_1316 : vector<16xi32>
      %and3A_1327 = arith.andi %and3A_1325, %ne3A_1326 : vector<16xi1>
      %gather3A_1328 = tpu.vector_load_idx %arg7[%sub3A_1320] masked %and3A_1327 : memref<25000xf32, #tpu.memory_space<vmem>>[vector<16xi32>], vector<16xf32>, vector<16xi1>
      %add3A_1329 = arith.addf %get3A_1318, %gather3A_1328 : vector<16xf32>
      tpu.vector_store_idx %arg7[%sub3A_1320], %add3A_1329 masked %and3A_1327 : memref<25000xf32, #tpu.memory_space<vmem>>[vector<16xi32>], vector<16xf32>, vector<16xi1>
      %get3A_1330 = arith.constant 1200 : index
      %get3A_1331 = tpu.vector_load %arg8[%get3A_1330] {strides = array<i32>} : memref<2064xi32, #tpu.memory_space<vmem>>, vector<16xi32>,
      %get3A_1332 = arith.constant 1201 : index
      %get3A_1333 = tpu.vector_load %arg8[%get3A_1332] {strides = array<i32>} : memref<2064xi32, #tpu.memory_space<vmem>>, vector<16xi32>,
      %get3A_1334 = arith.constant 1200 : index
      %get3A_1335 = tpu.vector_load %arg9[%get3A_1334] {strides = array<i32>} : memref<2048xf32, #tpu.memory_space<vmem>>, vector<16xf32>,
      %sub3A_1336 = vector.broadcast %multiple_of3A : i32 to vector<16xi32>
      %sub3A_1337 = arith.subi %get3A_1331, %sub3A_1336 : vector<16xi32>
      %ge3A_1338 = vector.broadcast %multiple_of3A : i32 to vector<16xi32>
      %ge3A_1339 = arith.cmpi sge, %get3A_1331, %ge3A_1338 : vector<16xi32>
      %lt3A_1340 = vector.broadcast %add3A_4 : i32 to vector<16xi32>
      %lt3A_1341 = arith.cmpi slt, %get3A_1331, %lt3A_1340 : vector<16xi32>
      %and3A_1342 = arith.andi %ge3A_1339, %lt3A_1341 : vector<16xi1>
      %ne3A_1343 = arith.cmpi ne, %get3A_1331, %get3A_1333 : vector<16xi32>
      %and3A_1344 = arith.andi %and3A_1342, %ne3A_1343 : vector<16xi1>
      %gather3A_1345 = tpu.vector_load_idx %arg7[%sub3A_1337] masked %and3A_1344 : memref<25000xf32, #tpu.memory_space<vmem>>[vector<16xi32>], vector<16xf32>, vector<16xi1>
      %add3A_1346 = arith.addf %get3A_1335, %gather3A_1345 : vector<16xf32>
      tpu.vector_store_idx %arg7[%sub3A_1337], %add3A_1346 masked %and3A_1344 : memref<25000xf32, #tpu.memory_space<vmem>>[vector<16xi32>], vector<16xf32>, vector<16xi1>
      %get3A_1347 = arith.constant 1216 : index
      %get3A_1348 = tpu.vector_load %arg8[%get3A_1347] {strides = array<i32>} : memref<2064xi32, #tpu.memory_space<vmem>>, vector<16xi32>,
      %get3A_1349 = arith.constant 1217 : index
      %get3A_1350 = tpu.vector_load %arg8[%get3A_1349] {strides = array<i32>} : memref<2064xi32, #tpu.memory_space<vmem>>, vector<16xi32>,
      %get3A_1351 = arith.constant 1216 : index
      %get3A_1352 = tpu.vector_load %arg9[%get3A_1351] {strides = array<i32>} : memref<2048xf32, #tpu.memory_space<vmem>>, vector<16xf32>,
      %sub3A_1353 = vector.broadcast %multiple_of3A : i32 to vector<16xi32>
      %sub3A_1354 = arith.subi %get3A_1348, %sub3A_1353 : vector<16xi32>
      %ge3A_1355 = vector.broadcast %multiple_of3A : i32 to vector<16xi32>
      %ge3A_1356 = arith.cmpi sge, %get3A_1348, %ge3A_1355 : vector<16xi32>
      %lt3A_1357 = vector.broadcast %add3A_4 : i32 to vector<16xi32>
      %lt3A_1358 = arith.cmpi slt, %get3A_1348, %lt3A_1357 : vector<16xi32>
      %and3A_1359 = arith.andi %ge3A_1356, %lt3A_1358 : vector<16xi1>
      %ne3A_1360 = arith.cmpi ne, %get3A_1348, %get3A_1350 : vector<16xi32>
      %and3A_1361 = arith.andi %and3A_1359, %ne3A_1360 : vector<16xi1>
      %gather3A_1362 = tpu.vector_load_idx %arg7[%sub3A_1354] masked %and3A_1361 : memref<25000xf32, #tpu.memory_space<vmem>>[vector<16xi32>], vector<16xf32>, vector<16xi1>
      %add3A_1363 = arith.addf %get3A_1352, %gather3A_1362 : vector<16xf32>
      tpu.vector_store_idx %arg7[%sub3A_1354], %add3A_1363 masked %and3A_1361 : memref<25000xf32, #tpu.memory_space<vmem>>[vector<16xi32>], vector<16xf32>, vector<16xi1>
      %get3A_1364 = arith.constant 1232 : index
      %get3A_1365 = tpu.vector_load %arg8[%get3A_1364] {strides = array<i32>} : memref<2064xi32, #tpu.memory_space<vmem>>, vector<16xi32>,
      %get3A_1366 = arith.constant 1233 : index
      %get3A_1367 = tpu.vector_load %arg8[%get3A_1366] {strides = array<i32>} : memref<2064xi32, #tpu.memory_space<vmem>>, vector<16xi32>,
      %get3A_1368 = arith.constant 1232 : index
      %get3A_1369 = tpu.vector_load %arg9[%get3A_1368] {strides = array<i32>} : memref<2048xf32, #tpu.memory_space<vmem>>, vector<16xf32>,
      %sub3A_1370 = vector.broadcast %multiple_of3A : i32 to vector<16xi32>
      %sub3A_1371 = arith.subi %get3A_1365, %sub3A_1370 : vector<16xi32>
      %ge3A_1372 = vector.broadcast %multiple_of3A : i32 to vector<16xi32>
      %ge3A_1373 = arith.cmpi sge, %get3A_1365, %ge3A_1372 : vector<16xi32>
      %lt3A_1374 = vector.broadcast %add3A_4 : i32 to vector<16xi32>
      %lt3A_1375 = arith.cmpi slt, %get3A_1365, %lt3A_1374 : vector<16xi32>
      %and3A_1376 = arith.andi %ge3A_1373, %lt3A_1375 : vector<16xi1>
      %ne3A_1377 = arith.cmpi ne, %get3A_1365, %get3A_1367 : vector<16xi32>
      %and3A_1378 = arith.andi %and3A_1376, %ne3A_1377 : vector<16xi1>
      %gather3A_1379 = tpu.vector_load_idx %arg7[%sub3A_1371] masked %and3A_1378 : memref<25000xf32, #tpu.memory_space<vmem>>[vector<16xi32>], vector<16xf32>, vector<16xi1>
      %add3A_1380 = arith.addf %get3A_1369, %gather3A_1379 : vector<16xf32>
      tpu.vector_store_idx %arg7[%sub3A_1371], %add3A_1380 masked %and3A_1378 : memref<25000xf32, #tpu.memory_space<vmem>>[vector<16xi32>], vector<16xf32>, vector<16xi1>
      %get3A_1381 = arith.constant 1248 : index
      %get3A_1382 = tpu.vector_load %arg8[%get3A_1381] {strides = array<i32>} : memref<2064xi32, #tpu.memory_space<vmem>>, vector<16xi32>,
      %get3A_1383 = arith.constant 1249 : index
      %get3A_1384 = tpu.vector_load %arg8[%get3A_1383] {strides = array<i32>} : memref<2064xi32, #tpu.memory_space<vmem>>, vector<16xi32>,
      %get3A_1385 = arith.constant 1248 : index
      %get3A_1386 = tpu.vector_load %arg9[%get3A_1385] {strides = array<i32>} : memref<2048xf32, #tpu.memory_space<vmem>>, vector<16xf32>,
      %sub3A_1387 = vector.broadcast %multiple_of3A : i32 to vector<16xi32>
      %sub3A_1388 = arith.subi %get3A_1382, %sub3A_1387 : vector<16xi32>
      %ge3A_1389 = vector.broadcast %multiple_of3A : i32 to vector<16xi32>
      %ge3A_1390 = arith.cmpi sge, %get3A_1382, %ge3A_1389 : vector<16xi32>
      %lt3A_1391 = vector.broadcast %add3A_4 : i32 to vector<16xi32>
      %lt3A_1392 = arith.cmpi slt, %get3A_1382, %lt3A_1391 : vector<16xi32>
      %and3A_1393 = arith.andi %ge3A_1390, %lt3A_1392 : vector<16xi1>
      %ne3A_1394 = arith.cmpi ne, %get3A_1382, %get3A_1384 : vector<16xi32>
      %and3A_1395 = arith.andi %and3A_1393, %ne3A_1394 : vector<16xi1>
      %gather3A_1396 = tpu.vector_load_idx %arg7[%sub3A_1388] masked %and3A_1395 : memref<25000xf32, #tpu.memory_space<vmem>>[vector<16xi32>], vector<16xf32>, vector<16xi1>
      %add3A_1397 = arith.addf %get3A_1386, %gather3A_1396 : vector<16xf32>
      tpu.vector_store_idx %arg7[%sub3A_1388], %add3A_1397 masked %and3A_1395 : memref<25000xf32, #tpu.memory_space<vmem>>[vector<16xi32>], vector<16xf32>, vector<16xi1>
      %get3A_1398 = arith.constant 1264 : index
      %get3A_1399 = tpu.vector_load %arg8[%get3A_1398] {strides = array<i32>} : memref<2064xi32, #tpu.memory_space<vmem>>, vector<16xi32>,
      %get3A_1400 = arith.constant 1265 : index
      %get3A_1401 = tpu.vector_load %arg8[%get3A_1400] {strides = array<i32>} : memref<2064xi32, #tpu.memory_space<vmem>>, vector<16xi32>,
      %get3A_1402 = arith.constant 1264 : index
      %get3A_1403 = tpu.vector_load %arg9[%get3A_1402] {strides = array<i32>} : memref<2048xf32, #tpu.memory_space<vmem>>, vector<16xf32>,
      %sub3A_1404 = vector.broadcast %multiple_of3A : i32 to vector<16xi32>
      %sub3A_1405 = arith.subi %get3A_1399, %sub3A_1404 : vector<16xi32>
      %ge3A_1406 = vector.broadcast %multiple_of3A : i32 to vector<16xi32>
      %ge3A_1407 = arith.cmpi sge, %get3A_1399, %ge3A_1406 : vector<16xi32>
      %lt3A_1408 = vector.broadcast %add3A_4 : i32 to vector<16xi32>
      %lt3A_1409 = arith.cmpi slt, %get3A_1399, %lt3A_1408 : vector<16xi32>
      %and3A_1410 = arith.andi %ge3A_1407, %lt3A_1409 : vector<16xi1>
      %ne3A_1411 = arith.cmpi ne, %get3A_1399, %get3A_1401 : vector<16xi32>
      %and3A_1412 = arith.andi %and3A_1410, %ne3A_1411 : vector<16xi1>
      %gather3A_1413 = tpu.vector_load_idx %arg7[%sub3A_1405] masked %and3A_1412 : memref<25000xf32, #tpu.memory_space<vmem>>[vector<16xi32>], vector<16xf32>, vector<16xi1>
      %add3A_1414 = arith.addf %get3A_1403, %gather3A_1413 : vector<16xf32>
      tpu.vector_store_idx %arg7[%sub3A_1405], %add3A_1414 masked %and3A_1412 : memref<25000xf32, #tpu.memory_space<vmem>>[vector<16xi32>], vector<16xf32>, vector<16xi1>
      %get3A_1415 = arith.constant 1280 : index
      %get3A_1416 = tpu.vector_load %arg8[%get3A_1415] {strides = array<i32>} : memref<2064xi32, #tpu.memory_space<vmem>>, vector<16xi32>,
      %get3A_1417 = arith.constant 1281 : index
      %get3A_1418 = tpu.vector_load %arg8[%get3A_1417] {strides = array<i32>} : memref<2064xi32, #tpu.memory_space<vmem>>, vector<16xi32>,
      %get3A_1419 = arith.constant 1280 : index
      %get3A_1420 = tpu.vector_load %arg9[%get3A_1419] {strides = array<i32>} : memref<2048xf32, #tpu.memory_space<vmem>>, vector<16xf32>,
      %sub3A_1421 = vector.broadcast %multiple_of3A : i32 to vector<16xi32>
      %sub3A_1422 = arith.subi %get3A_1416, %sub3A_1421 : vector<16xi32>
      %ge3A_1423 = vector.broadcast %multiple_of3A : i32 to vector<16xi32>
      %ge3A_1424 = arith.cmpi sge, %get3A_1416, %ge3A_1423 : vector<16xi32>
      %lt3A_1425 = vector.broadcast %add3A_4 : i32 to vector<16xi32>
      %lt3A_1426 = arith.cmpi slt, %get3A_1416, %lt3A_1425 : vector<16xi32>
      %and3A_1427 = arith.andi %ge3A_1424, %lt3A_1426 : vector<16xi1>
      %ne3A_1428 = arith.cmpi ne, %get3A_1416, %get3A_1418 : vector<16xi32>
      %and3A_1429 = arith.andi %and3A_1427, %ne3A_1428 : vector<16xi1>
      %gather3A_1430 = tpu.vector_load_idx %arg7[%sub3A_1422] masked %and3A_1429 : memref<25000xf32, #tpu.memory_space<vmem>>[vector<16xi32>], vector<16xf32>, vector<16xi1>
      %add3A_1431 = arith.addf %get3A_1420, %gather3A_1430 : vector<16xf32>
      tpu.vector_store_idx %arg7[%sub3A_1422], %add3A_1431 masked %and3A_1429 : memref<25000xf32, #tpu.memory_space<vmem>>[vector<16xi32>], vector<16xf32>, vector<16xi1>
      %get3A_1432 = arith.constant 1296 : index
      %get3A_1433 = tpu.vector_load %arg8[%get3A_1432] {strides = array<i32>} : memref<2064xi32, #tpu.memory_space<vmem>>, vector<16xi32>,
      %get3A_1434 = arith.constant 1297 : index
      %get3A_1435 = tpu.vector_load %arg8[%get3A_1434] {strides = array<i32>} : memref<2064xi32, #tpu.memory_space<vmem>>, vector<16xi32>,
      %get3A_1436 = arith.constant 1296 : index
      %get3A_1437 = tpu.vector_load %arg9[%get3A_1436] {strides = array<i32>} : memref<2048xf32, #tpu.memory_space<vmem>>, vector<16xf32>,
      %sub3A_1438 = vector.broadcast %multiple_of3A : i32 to vector<16xi32>
      %sub3A_1439 = arith.subi %get3A_1433, %sub3A_1438 : vector<16xi32>
      %ge3A_1440 = vector.broadcast %multiple_of3A : i32 to vector<16xi32>
      %ge3A_1441 = arith.cmpi sge, %get3A_1433, %ge3A_1440 : vector<16xi32>
      %lt3A_1442 = vector.broadcast %add3A_4 : i32 to vector<16xi32>
      %lt3A_1443 = arith.cmpi slt, %get3A_1433, %lt3A_1442 : vector<16xi32>
      %and3A_1444 = arith.andi %ge3A_1441, %lt3A_1443 : vector<16xi1>
      %ne3A_1445 = arith.cmpi ne, %get3A_1433, %get3A_1435 : vector<16xi32>
      %and3A_1446 = arith.andi %and3A_1444, %ne3A_1445 : vector<16xi1>
      %gather3A_1447 = tpu.vector_load_idx %arg7[%sub3A_1439] masked %and3A_1446 : memref<25000xf32, #tpu.memory_space<vmem>>[vector<16xi32>], vector<16xf32>, vector<16xi1>
      %add3A_1448 = arith.addf %get3A_1437, %gather3A_1447 : vector<16xf32>
      tpu.vector_store_idx %arg7[%sub3A_1439], %add3A_1448 masked %and3A_1446 : memref<25000xf32, #tpu.memory_space<vmem>>[vector<16xi32>], vector<16xf32>, vector<16xi1>
      %get3A_1449 = arith.constant 1312 : index
      %get3A_1450 = tpu.vector_load %arg8[%get3A_1449] {strides = array<i32>} : memref<2064xi32, #tpu.memory_space<vmem>>, vector<16xi32>,
      %get3A_1451 = arith.constant 1313 : index
      %get3A_1452 = tpu.vector_load %arg8[%get3A_1451] {strides = array<i32>} : memref<2064xi32, #tpu.memory_space<vmem>>, vector<16xi32>,
      %get3A_1453 = arith.constant 1312 : index
      %get3A_1454 = tpu.vector_load %arg9[%get3A_1453] {strides = array<i32>} : memref<2048xf32, #tpu.memory_space<vmem>>, vector<16xf32>,
      %sub3A_1455 = vector.broadcast %multiple_of3A : i32 to vector<16xi32>
      %sub3A_1456 = arith.subi %get3A_1450, %sub3A_1455 : vector<16xi32>
      %ge3A_1457 = vector.broadcast %multiple_of3A : i32 to vector<16xi32>
      %ge3A_1458 = arith.cmpi sge, %get3A_1450, %ge3A_1457 : vector<16xi32>
      %lt3A_1459 = vector.broadcast %add3A_4 : i32 to vector<16xi32>
      %lt3A_1460 = arith.cmpi slt, %get3A_1450, %lt3A_1459 : vector<16xi32>
      %and3A_1461 = arith.andi %ge3A_1458, %lt3A_1460 : vector<16xi1>
      %ne3A_1462 = arith.cmpi ne, %get3A_1450, %get3A_1452 : vector<16xi32>
      %and3A_1463 = arith.andi %and3A_1461, %ne3A_1462 : vector<16xi1>
      %gather3A_1464 = tpu.vector_load_idx %arg7[%sub3A_1456] masked %and3A_1463 : memref<25000xf32, #tpu.memory_space<vmem>>[vector<16xi32>], vector<16xf32>, vector<16xi1>
      %add3A_1465 = arith.addf %get3A_1454, %gather3A_1464 : vector<16xf32>
      tpu.vector_store_idx %arg7[%sub3A_1456], %add3A_1465 masked %and3A_1463 : memref<25000xf32, #tpu.memory_space<vmem>>[vector<16xi32>], vector<16xf32>, vector<16xi1>
      %get3A_1466 = arith.constant 1328 : index
      %get3A_1467 = tpu.vector_load %arg8[%get3A_1466] {strides = array<i32>} : memref<2064xi32, #tpu.memory_space<vmem>>, vector<16xi32>,
      %get3A_1468 = arith.constant 1329 : index
      %get3A_1469 = tpu.vector_load %arg8[%get3A_1468] {strides = array<i32>} : memref<2064xi32, #tpu.memory_space<vmem>>, vector<16xi32>,
      %get3A_1470 = arith.constant 1328 : index
      %get3A_1471 = tpu.vector_load %arg9[%get3A_1470] {strides = array<i32>} : memref<2048xf32, #tpu.memory_space<vmem>>, vector<16xf32>,
      %sub3A_1472 = vector.broadcast %multiple_of3A : i32 to vector<16xi32>
      %sub3A_1473 = arith.subi %get3A_1467, %sub3A_1472 : vector<16xi32>
      %ge3A_1474 = vector.broadcast %multiple_of3A : i32 to vector<16xi32>
      %ge3A_1475 = arith.cmpi sge, %get3A_1467, %ge3A_1474 : vector<16xi32>
      %lt3A_1476 = vector.broadcast %add3A_4 : i32 to vector<16xi32>
      %lt3A_1477 = arith.cmpi slt, %get3A_1467, %lt3A_1476 : vector<16xi32>
      %and3A_1478 = arith.andi %ge3A_1475, %lt3A_1477 : vector<16xi1>
      %ne3A_1479 = arith.cmpi ne, %get3A_1467, %get3A_1469 : vector<16xi32>
      %and3A_1480 = arith.andi %and3A_1478, %ne3A_1479 : vector<16xi1>
      %gather3A_1481 = tpu.vector_load_idx %arg7[%sub3A_1473] masked %and3A_1480 : memref<25000xf32, #tpu.memory_space<vmem>>[vector<16xi32>], vector<16xf32>, vector<16xi1>
      %add3A_1482 = arith.addf %get3A_1471, %gather3A_1481 : vector<16xf32>
      tpu.vector_store_idx %arg7[%sub3A_1473], %add3A_1482 masked %and3A_1480 : memref<25000xf32, #tpu.memory_space<vmem>>[vector<16xi32>], vector<16xf32>, vector<16xi1>
      %get3A_1483 = arith.constant 1344 : index
      %get3A_1484 = tpu.vector_load %arg8[%get3A_1483] {strides = array<i32>} : memref<2064xi32, #tpu.memory_space<vmem>>, vector<16xi32>,
      %get3A_1485 = arith.constant 1345 : index
      %get3A_1486 = tpu.vector_load %arg8[%get3A_1485] {strides = array<i32>} : memref<2064xi32, #tpu.memory_space<vmem>>, vector<16xi32>,
      %get3A_1487 = arith.constant 1344 : index
      %get3A_1488 = tpu.vector_load %arg9[%get3A_1487] {strides = array<i32>} : memref<2048xf32, #tpu.memory_space<vmem>>, vector<16xf32>,
      %sub3A_1489 = vector.broadcast %multiple_of3A : i32 to vector<16xi32>
      %sub3A_1490 = arith.subi %get3A_1484, %sub3A_1489 : vector<16xi32>
      %ge3A_1491 = vector.broadcast %multiple_of3A : i32 to vector<16xi32>
      %ge3A_1492 = arith.cmpi sge, %get3A_1484, %ge3A_1491 : vector<16xi32>
      %lt3A_1493 = vector.broadcast %add3A_4 : i32 to vector<16xi32>
      %lt3A_1494 = arith.cmpi slt, %get3A_1484, %lt3A_1493 : vector<16xi32>
      %and3A_1495 = arith.andi %ge3A_1492, %lt3A_1494 : vector<16xi1>
      %ne3A_1496 = arith.cmpi ne, %get3A_1484, %get3A_1486 : vector<16xi32>
      %and3A_1497 = arith.andi %and3A_1495, %ne3A_1496 : vector<16xi1>
      %gather3A_1498 = tpu.vector_load_idx %arg7[%sub3A_1490] masked %and3A_1497 : memref<25000xf32, #tpu.memory_space<vmem>>[vector<16xi32>], vector<16xf32>, vector<16xi1>
      %add3A_1499 = arith.addf %get3A_1488, %gather3A_1498 : vector<16xf32>
      tpu.vector_store_idx %arg7[%sub3A_1490], %add3A_1499 masked %and3A_1497 : memref<25000xf32, #tpu.memory_space<vmem>>[vector<16xi32>], vector<16xf32>, vector<16xi1>
      %get3A_1500 = arith.constant 1360 : index
      %get3A_1501 = tpu.vector_load %arg8[%get3A_1500] {strides = array<i32>} : memref<2064xi32, #tpu.memory_space<vmem>>, vector<16xi32>,
      %get3A_1502 = arith.constant 1361 : index
      %get3A_1503 = tpu.vector_load %arg8[%get3A_1502] {strides = array<i32>} : memref<2064xi32, #tpu.memory_space<vmem>>, vector<16xi32>,
      %get3A_1504 = arith.constant 1360 : index
      %get3A_1505 = tpu.vector_load %arg9[%get3A_1504] {strides = array<i32>} : memref<2048xf32, #tpu.memory_space<vmem>>, vector<16xf32>,
      %sub3A_1506 = vector.broadcast %multiple_of3A : i32 to vector<16xi32>
      %sub3A_1507 = arith.subi %get3A_1501, %sub3A_1506 : vector<16xi32>
      %ge3A_1508 = vector.broadcast %multiple_of3A : i32 to vector<16xi32>
      %ge3A_1509 = arith.cmpi sge, %get3A_1501, %ge3A_1508 : vector<16xi32>
      %lt3A_1510 = vector.broadcast %add3A_4 : i32 to vector<16xi32>
      %lt3A_1511 = arith.cmpi slt, %get3A_1501, %lt3A_1510 : vector<16xi32>
      %and3A_1512 = arith.andi %ge3A_1509, %lt3A_1511 : vector<16xi1>
      %ne3A_1513 = arith.cmpi ne, %get3A_1501, %get3A_1503 : vector<16xi32>
      %and3A_1514 = arith.andi %and3A_1512, %ne3A_1513 : vector<16xi1>
      %gather3A_1515 = tpu.vector_load_idx %arg7[%sub3A_1507] masked %and3A_1514 : memref<25000xf32, #tpu.memory_space<vmem>>[vector<16xi32>], vector<16xf32>, vector<16xi1>
      %add3A_1516 = arith.addf %get3A_1505, %gather3A_1515 : vector<16xf32>
      tpu.vector_store_idx %arg7[%sub3A_1507], %add3A_1516 masked %and3A_1514 : memref<25000xf32, #tpu.memory_space<vmem>>[vector<16xi32>], vector<16xf32>, vector<16xi1>
      %get3A_1517 = arith.constant 1376 : index
      %get3A_1518 = tpu.vector_load %arg8[%get3A_1517] {strides = array<i32>} : memref<2064xi32, #tpu.memory_space<vmem>>, vector<16xi32>,
      %get3A_1519 = arith.constant 1377 : index
      %get3A_1520 = tpu.vector_load %arg8[%get3A_1519] {strides = array<i32>} : memref<2064xi32, #tpu.memory_space<vmem>>, vector<16xi32>,
      %get3A_1521 = arith.constant 1376 : index
      %get3A_1522 = tpu.vector_load %arg9[%get3A_1521] {strides = array<i32>} : memref<2048xf32, #tpu.memory_space<vmem>>, vector<16xf32>,
      %sub3A_1523 = vector.broadcast %multiple_of3A : i32 to vector<16xi32>
      %sub3A_1524 = arith.subi %get3A_1518, %sub3A_1523 : vector<16xi32>
      %ge3A_1525 = vector.broadcast %multiple_of3A : i32 to vector<16xi32>
      %ge3A_1526 = arith.cmpi sge, %get3A_1518, %ge3A_1525 : vector<16xi32>
      %lt3A_1527 = vector.broadcast %add3A_4 : i32 to vector<16xi32>
      %lt3A_1528 = arith.cmpi slt, %get3A_1518, %lt3A_1527 : vector<16xi32>
      %and3A_1529 = arith.andi %ge3A_1526, %lt3A_1528 : vector<16xi1>
      %ne3A_1530 = arith.cmpi ne, %get3A_1518, %get3A_1520 : vector<16xi32>
      %and3A_1531 = arith.andi %and3A_1529, %ne3A_1530 : vector<16xi1>
      %gather3A_1532 = tpu.vector_load_idx %arg7[%sub3A_1524] masked %and3A_1531 : memref<25000xf32, #tpu.memory_space<vmem>>[vector<16xi32>], vector<16xf32>, vector<16xi1>
      %add3A_1533 = arith.addf %get3A_1522, %gather3A_1532 : vector<16xf32>
      tpu.vector_store_idx %arg7[%sub3A_1524], %add3A_1533 masked %and3A_1531 : memref<25000xf32, #tpu.memory_space<vmem>>[vector<16xi32>], vector<16xf32>, vector<16xi1>
      %get3A_1534 = arith.constant 1392 : index
      %get3A_1535 = tpu.vector_load %arg8[%get3A_1534] {strides = array<i32>} : memref<2064xi32, #tpu.memory_space<vmem>>, vector<16xi32>,
      %get3A_1536 = arith.constant 1393 : index
      %get3A_1537 = tpu.vector_load %arg8[%get3A_1536] {strides = array<i32>} : memref<2064xi32, #tpu.memory_space<vmem>>, vector<16xi32>,
      %get3A_1538 = arith.constant 1392 : index
      %get3A_1539 = tpu.vector_load %arg9[%get3A_1538] {strides = array<i32>} : memref<2048xf32, #tpu.memory_space<vmem>>, vector<16xf32>,
      %sub3A_1540 = vector.broadcast %multiple_of3A : i32 to vector<16xi32>
      %sub3A_1541 = arith.subi %get3A_1535, %sub3A_1540 : vector<16xi32>
      %ge3A_1542 = vector.broadcast %multiple_of3A : i32 to vector<16xi32>
      %ge3A_1543 = arith.cmpi sge, %get3A_1535, %ge3A_1542 : vector<16xi32>
      %lt3A_1544 = vector.broadcast %add3A_4 : i32 to vector<16xi32>
      %lt3A_1545 = arith.cmpi slt, %get3A_1535, %lt3A_1544 : vector<16xi32>
      %and3A_1546 = arith.andi %ge3A_1543, %lt3A_1545 : vector<16xi1>
      %ne3A_1547 = arith.cmpi ne, %get3A_1535, %get3A_1537 : vector<16xi32>
      %and3A_1548 = arith.andi %and3A_1546, %ne3A_1547 : vector<16xi1>
      %gather3A_1549 = tpu.vector_load_idx %arg7[%sub3A_1541] masked %and3A_1548 : memref<25000xf32, #tpu.memory_space<vmem>>[vector<16xi32>], vector<16xf32>, vector<16xi1>
      %add3A_1550 = arith.addf %get3A_1539, %gather3A_1549 : vector<16xf32>
      tpu.vector_store_idx %arg7[%sub3A_1541], %add3A_1550 masked %and3A_1548 : memref<25000xf32, #tpu.memory_space<vmem>>[vector<16xi32>], vector<16xf32>, vector<16xi1>
      %get3A_1551 = arith.constant 1408 : index
      %get3A_1552 = tpu.vector_load %arg8[%get3A_1551] {strides = array<i32>} : memref<2064xi32, #tpu.memory_space<vmem>>, vector<16xi32>,
      %get3A_1553 = arith.constant 1409 : index
      %get3A_1554 = tpu.vector_load %arg8[%get3A_1553] {strides = array<i32>} : memref<2064xi32, #tpu.memory_space<vmem>>, vector<16xi32>,
      %get3A_1555 = arith.constant 1408 : index
      %get3A_1556 = tpu.vector_load %arg9[%get3A_1555] {strides = array<i32>} : memref<2048xf32, #tpu.memory_space<vmem>>, vector<16xf32>,
      %sub3A_1557 = vector.broadcast %multiple_of3A : i32 to vector<16xi32>
      %sub3A_1558 = arith.subi %get3A_1552, %sub3A_1557 : vector<16xi32>
      %ge3A_1559 = vector.broadcast %multiple_of3A : i32 to vector<16xi32>
      %ge3A_1560 = arith.cmpi sge, %get3A_1552, %ge3A_1559 : vector<16xi32>
      %lt3A_1561 = vector.broadcast %add3A_4 : i32 to vector<16xi32>
      %lt3A_1562 = arith.cmpi slt, %get3A_1552, %lt3A_1561 : vector<16xi32>
      %and3A_1563 = arith.andi %ge3A_1560, %lt3A_1562 : vector<16xi1>
      %ne3A_1564 = arith.cmpi ne, %get3A_1552, %get3A_1554 : vector<16xi32>
      %and3A_1565 = arith.andi %and3A_1563, %ne3A_1564 : vector<16xi1>
      %gather3A_1566 = tpu.vector_load_idx %arg7[%sub3A_1558] masked %and3A_1565 : memref<25000xf32, #tpu.memory_space<vmem>>[vector<16xi32>], vector<16xf32>, vector<16xi1>
      %add3A_1567 = arith.addf %get3A_1556, %gather3A_1566 : vector<16xf32>
      tpu.vector_store_idx %arg7[%sub3A_1558], %add3A_1567 masked %and3A_1565 : memref<25000xf32, #tpu.memory_space<vmem>>[vector<16xi32>], vector<16xf32>, vector<16xi1>
      %get3A_1568 = arith.constant 1424 : index
      %get3A_1569 = tpu.vector_load %arg8[%get3A_1568] {strides = array<i32>} : memref<2064xi32, #tpu.memory_space<vmem>>, vector<16xi32>,
      %get3A_1570 = arith.constant 1425 : index
      %get3A_1571 = tpu.vector_load %arg8[%get3A_1570] {strides = array<i32>} : memref<2064xi32, #tpu.memory_space<vmem>>, vector<16xi32>,
      %get3A_1572 = arith.constant 1424 : index
      %get3A_1573 = tpu.vector_load %arg9[%get3A_1572] {strides = array<i32>} : memref<2048xf32, #tpu.memory_space<vmem>>, vector<16xf32>,
      %sub3A_1574 = vector.broadcast %multiple_of3A : i32 to vector<16xi32>
      %sub3A_1575 = arith.subi %get3A_1569, %sub3A_1574 : vector<16xi32>
      %ge3A_1576 = vector.broadcast %multiple_of3A : i32 to vector<16xi32>
      %ge3A_1577 = arith.cmpi sge, %get3A_1569, %ge3A_1576 : vector<16xi32>
      %lt3A_1578 = vector.broadcast %add3A_4 : i32 to vector<16xi32>
      %lt3A_1579 = arith.cmpi slt, %get3A_1569, %lt3A_1578 : vector<16xi32>
      %and3A_1580 = arith.andi %ge3A_1577, %lt3A_1579 : vector<16xi1>
      %ne3A_1581 = arith.cmpi ne, %get3A_1569, %get3A_1571 : vector<16xi32>
      %and3A_1582 = arith.andi %and3A_1580, %ne3A_1581 : vector<16xi1>
      %gather3A_1583 = tpu.vector_load_idx %arg7[%sub3A_1575] masked %and3A_1582 : memref<25000xf32, #tpu.memory_space<vmem>>[vector<16xi32>], vector<16xf32>, vector<16xi1>
      %add3A_1584 = arith.addf %get3A_1573, %gather3A_1583 : vector<16xf32>
      tpu.vector_store_idx %arg7[%sub3A_1575], %add3A_1584 masked %and3A_1582 : memref<25000xf32, #tpu.memory_space<vmem>>[vector<16xi32>], vector<16xf32>, vector<16xi1>
      %get3A_1585 = arith.constant 1440 : index
      %get3A_1586 = tpu.vector_load %arg8[%get3A_1585] {strides = array<i32>} : memref<2064xi32, #tpu.memory_space<vmem>>, vector<16xi32>,
      %get3A_1587 = arith.constant 1441 : index
      %get3A_1588 = tpu.vector_load %arg8[%get3A_1587] {strides = array<i32>} : memref<2064xi32, #tpu.memory_space<vmem>>, vector<16xi32>,
      %get3A_1589 = arith.constant 1440 : index
      %get3A_1590 = tpu.vector_load %arg9[%get3A_1589] {strides = array<i32>} : memref<2048xf32, #tpu.memory_space<vmem>>, vector<16xf32>,
      %sub3A_1591 = vector.broadcast %multiple_of3A : i32 to vector<16xi32>
      %sub3A_1592 = arith.subi %get3A_1586, %sub3A_1591 : vector<16xi32>
      %ge3A_1593 = vector.broadcast %multiple_of3A : i32 to vector<16xi32>
      %ge3A_1594 = arith.cmpi sge, %get3A_1586, %ge3A_1593 : vector<16xi32>
      %lt3A_1595 = vector.broadcast %add3A_4 : i32 to vector<16xi32>
      %lt3A_1596 = arith.cmpi slt, %get3A_1586, %lt3A_1595 : vector<16xi32>
      %and3A_1597 = arith.andi %ge3A_1594, %lt3A_1596 : vector<16xi1>
      %ne3A_1598 = arith.cmpi ne, %get3A_1586, %get3A_1588 : vector<16xi32>
      %and3A_1599 = arith.andi %and3A_1597, %ne3A_1598 : vector<16xi1>
      %gather3A_1600 = tpu.vector_load_idx %arg7[%sub3A_1592] masked %and3A_1599 : memref<25000xf32, #tpu.memory_space<vmem>>[vector<16xi32>], vector<16xf32>, vector<16xi1>
      %add3A_1601 = arith.addf %get3A_1590, %gather3A_1600 : vector<16xf32>
      tpu.vector_store_idx %arg7[%sub3A_1592], %add3A_1601 masked %and3A_1599 : memref<25000xf32, #tpu.memory_space<vmem>>[vector<16xi32>], vector<16xf32>, vector<16xi1>
      %get3A_1602 = arith.constant 1456 : index
      %get3A_1603 = tpu.vector_load %arg8[%get3A_1602] {strides = array<i32>} : memref<2064xi32, #tpu.memory_space<vmem>>, vector<16xi32>,
      %get3A_1604 = arith.constant 1457 : index
      %get3A_1605 = tpu.vector_load %arg8[%get3A_1604] {strides = array<i32>} : memref<2064xi32, #tpu.memory_space<vmem>>, vector<16xi32>,
      %get3A_1606 = arith.constant 1456 : index
      %get3A_1607 = tpu.vector_load %arg9[%get3A_1606] {strides = array<i32>} : memref<2048xf32, #tpu.memory_space<vmem>>, vector<16xf32>,
      %sub3A_1608 = vector.broadcast %multiple_of3A : i32 to vector<16xi32>
      %sub3A_1609 = arith.subi %get3A_1603, %sub3A_1608 : vector<16xi32>
      %ge3A_1610 = vector.broadcast %multiple_of3A : i32 to vector<16xi32>
      %ge3A_1611 = arith.cmpi sge, %get3A_1603, %ge3A_1610 : vector<16xi32>
      %lt3A_1612 = vector.broadcast %add3A_4 : i32 to vector<16xi32>
      %lt3A_1613 = arith.cmpi slt, %get3A_1603, %lt3A_1612 : vector<16xi32>
      %and3A_1614 = arith.andi %ge3A_1611, %lt3A_1613 : vector<16xi1>
      %ne3A_1615 = arith.cmpi ne, %get3A_1603, %get3A_1605 : vector<16xi32>
      %and3A_1616 = arith.andi %and3A_1614, %ne3A_1615 : vector<16xi1>
      %gather3A_1617 = tpu.vector_load_idx %arg7[%sub3A_1609] masked %and3A_1616 : memref<25000xf32, #tpu.memory_space<vmem>>[vector<16xi32>], vector<16xf32>, vector<16xi1>
      %add3A_1618 = arith.addf %get3A_1607, %gather3A_1617 : vector<16xf32>
      tpu.vector_store_idx %arg7[%sub3A_1609], %add3A_1618 masked %and3A_1616 : memref<25000xf32, #tpu.memory_space<vmem>>[vector<16xi32>], vector<16xf32>, vector<16xi1>
      %get3A_1619 = arith.constant 1472 : index
      %get3A_1620 = tpu.vector_load %arg8[%get3A_1619] {strides = array<i32>} : memref<2064xi32, #tpu.memory_space<vmem>>, vector<16xi32>,
      %get3A_1621 = arith.constant 1473 : index
      %get3A_1622 = tpu.vector_load %arg8[%get3A_1621] {strides = array<i32>} : memref<2064xi32, #tpu.memory_space<vmem>>, vector<16xi32>,
      %get3A_1623 = arith.constant 1472 : index
      %get3A_1624 = tpu.vector_load %arg9[%get3A_1623] {strides = array<i32>} : memref<2048xf32, #tpu.memory_space<vmem>>, vector<16xf32>,
      %sub3A_1625 = vector.broadcast %multiple_of3A : i32 to vector<16xi32>
      %sub3A_1626 = arith.subi %get3A_1620, %sub3A_1625 : vector<16xi32>
      %ge3A_1627 = vector.broadcast %multiple_of3A : i32 to vector<16xi32>
      %ge3A_1628 = arith.cmpi sge, %get3A_1620, %ge3A_1627 : vector<16xi32>
      %lt3A_1629 = vector.broadcast %add3A_4 : i32 to vector<16xi32>
      %lt3A_1630 = arith.cmpi slt, %get3A_1620, %lt3A_1629 : vector<16xi32>
      %and3A_1631 = arith.andi %ge3A_1628, %lt3A_1630 : vector<16xi1>
      %ne3A_1632 = arith.cmpi ne, %get3A_1620, %get3A_1622 : vector<16xi32>
      %and3A_1633 = arith.andi %and3A_1631, %ne3A_1632 : vector<16xi1>
      %gather3A_1634 = tpu.vector_load_idx %arg7[%sub3A_1626] masked %and3A_1633 : memref<25000xf32, #tpu.memory_space<vmem>>[vector<16xi32>], vector<16xf32>, vector<16xi1>
      %add3A_1635 = arith.addf %get3A_1624, %gather3A_1634 : vector<16xf32>
      tpu.vector_store_idx %arg7[%sub3A_1626], %add3A_1635 masked %and3A_1633 : memref<25000xf32, #tpu.memory_space<vmem>>[vector<16xi32>], vector<16xf32>, vector<16xi1>
      %get3A_1636 = arith.constant 1488 : index
      %get3A_1637 = tpu.vector_load %arg8[%get3A_1636] {strides = array<i32>} : memref<2064xi32, #tpu.memory_space<vmem>>, vector<16xi32>,
      %get3A_1638 = arith.constant 1489 : index
      %get3A_1639 = tpu.vector_load %arg8[%get3A_1638] {strides = array<i32>} : memref<2064xi32, #tpu.memory_space<vmem>>, vector<16xi32>,
      %get3A_1640 = arith.constant 1488 : index
      %get3A_1641 = tpu.vector_load %arg9[%get3A_1640] {strides = array<i32>} : memref<2048xf32, #tpu.memory_space<vmem>>, vector<16xf32>,
      %sub3A_1642 = vector.broadcast %multiple_of3A : i32 to vector<16xi32>
      %sub3A_1643 = arith.subi %get3A_1637, %sub3A_1642 : vector<16xi32>
      %ge3A_1644 = vector.broadcast %multiple_of3A : i32 to vector<16xi32>
      %ge3A_1645 = arith.cmpi sge, %get3A_1637, %ge3A_1644 : vector<16xi32>
      %lt3A_1646 = vector.broadcast %add3A_4 : i32 to vector<16xi32>
      %lt3A_1647 = arith.cmpi slt, %get3A_1637, %lt3A_1646 : vector<16xi32>
      %and3A_1648 = arith.andi %ge3A_1645, %lt3A_1647 : vector<16xi1>
      %ne3A_1649 = arith.cmpi ne, %get3A_1637, %get3A_1639 : vector<16xi32>
      %and3A_1650 = arith.andi %and3A_1648, %ne3A_1649 : vector<16xi1>
      %gather3A_1651 = tpu.vector_load_idx %arg7[%sub3A_1643] masked %and3A_1650 : memref<25000xf32, #tpu.memory_space<vmem>>[vector<16xi32>], vector<16xf32>, vector<16xi1>
      %add3A_1652 = arith.addf %get3A_1641, %gather3A_1651 : vector<16xf32>
      tpu.vector_store_idx %arg7[%sub3A_1643], %add3A_1652 masked %and3A_1650 : memref<25000xf32, #tpu.memory_space<vmem>>[vector<16xi32>], vector<16xf32>, vector<16xi1>
      %get3A_1653 = arith.constant 1504 : index
      %get3A_1654 = tpu.vector_load %arg8[%get3A_1653] {strides = array<i32>} : memref<2064xi32, #tpu.memory_space<vmem>>, vector<16xi32>,
      %get3A_1655 = arith.constant 1505 : index
      %get3A_1656 = tpu.vector_load %arg8[%get3A_1655] {strides = array<i32>} : memref<2064xi32, #tpu.memory_space<vmem>>, vector<16xi32>,
      %get3A_1657 = arith.constant 1504 : index
      %get3A_1658 = tpu.vector_load %arg9[%get3A_1657] {strides = array<i32>} : memref<2048xf32, #tpu.memory_space<vmem>>, vector<16xf32>,
      %sub3A_1659 = vector.broadcast %multiple_of3A : i32 to vector<16xi32>
      %sub3A_1660 = arith.subi %get3A_1654, %sub3A_1659 : vector<16xi32>
      %ge3A_1661 = vector.broadcast %multiple_of3A : i32 to vector<16xi32>
      %ge3A_1662 = arith.cmpi sge, %get3A_1654, %ge3A_1661 : vector<16xi32>
      %lt3A_1663 = vector.broadcast %add3A_4 : i32 to vector<16xi32>
      %lt3A_1664 = arith.cmpi slt, %get3A_1654, %lt3A_1663 : vector<16xi32>
      %and3A_1665 = arith.andi %ge3A_1662, %lt3A_1664 : vector<16xi1>
      %ne3A_1666 = arith.cmpi ne, %get3A_1654, %get3A_1656 : vector<16xi32>
      %and3A_1667 = arith.andi %and3A_1665, %ne3A_1666 : vector<16xi1>
      %gather3A_1668 = tpu.vector_load_idx %arg7[%sub3A_1660] masked %and3A_1667 : memref<25000xf32, #tpu.memory_space<vmem>>[vector<16xi32>], vector<16xf32>, vector<16xi1>
      %add3A_1669 = arith.addf %get3A_1658, %gather3A_1668 : vector<16xf32>
      tpu.vector_store_idx %arg7[%sub3A_1660], %add3A_1669 masked %and3A_1667 : memref<25000xf32, #tpu.memory_space<vmem>>[vector<16xi32>], vector<16xf32>, vector<16xi1>
      %get3A_1670 = arith.constant 1520 : index
      %get3A_1671 = tpu.vector_load %arg8[%get3A_1670] {strides = array<i32>} : memref<2064xi32, #tpu.memory_space<vmem>>, vector<16xi32>,
      %get3A_1672 = arith.constant 1521 : index
      %get3A_1673 = tpu.vector_load %arg8[%get3A_1672] {strides = array<i32>} : memref<2064xi32, #tpu.memory_space<vmem>>, vector<16xi32>,
      %get3A_1674 = arith.constant 1520 : index
      %get3A_1675 = tpu.vector_load %arg9[%get3A_1674] {strides = array<i32>} : memref<2048xf32, #tpu.memory_space<vmem>>, vector<16xf32>,
      %sub3A_1676 = vector.broadcast %multiple_of3A : i32 to vector<16xi32>
      %sub3A_1677 = arith.subi %get3A_1671, %sub3A_1676 : vector<16xi32>
      %ge3A_1678 = vector.broadcast %multiple_of3A : i32 to vector<16xi32>
      %ge3A_1679 = arith.cmpi sge, %get3A_1671, %ge3A_1678 : vector<16xi32>
      %lt3A_1680 = vector.broadcast %add3A_4 : i32 to vector<16xi32>
      %lt3A_1681 = arith.cmpi slt, %get3A_1671, %lt3A_1680 : vector<16xi32>
      %and3A_1682 = arith.andi %ge3A_1679, %lt3A_1681 : vector<16xi1>
      %ne3A_1683 = arith.cmpi ne, %get3A_1671, %get3A_1673 : vector<16xi32>
      %and3A_1684 = arith.andi %and3A_1682, %ne3A_1683 : vector<16xi1>
      %gather3A_1685 = tpu.vector_load_idx %arg7[%sub3A_1677] masked %and3A_1684 : memref<25000xf32, #tpu.memory_space<vmem>>[vector<16xi32>], vector<16xf32>, vector<16xi1>
      %add3A_1686 = arith.addf %get3A_1675, %gather3A_1685 : vector<16xf32>
      tpu.vector_store_idx %arg7[%sub3A_1677], %add3A_1686 masked %and3A_1684 : memref<25000xf32, #tpu.memory_space<vmem>>[vector<16xi32>], vector<16xf32>, vector<16xi1>
      %get3A_1687 = arith.constant 1536 : index
      %get3A_1688 = tpu.vector_load %arg8[%get3A_1687] {strides = array<i32>} : memref<2064xi32, #tpu.memory_space<vmem>>, vector<16xi32>,
      %get3A_1689 = arith.constant 1537 : index
      %get3A_1690 = tpu.vector_load %arg8[%get3A_1689] {strides = array<i32>} : memref<2064xi32, #tpu.memory_space<vmem>>, vector<16xi32>,
      %get3A_1691 = arith.constant 1536 : index
      %get3A_1692 = tpu.vector_load %arg9[%get3A_1691] {strides = array<i32>} : memref<2048xf32, #tpu.memory_space<vmem>>, vector<16xf32>,
      %sub3A_1693 = vector.broadcast %multiple_of3A : i32 to vector<16xi32>
      %sub3A_1694 = arith.subi %get3A_1688, %sub3A_1693 : vector<16xi32>
      %ge3A_1695 = vector.broadcast %multiple_of3A : i32 to vector<16xi32>
      %ge3A_1696 = arith.cmpi sge, %get3A_1688, %ge3A_1695 : vector<16xi32>
      %lt3A_1697 = vector.broadcast %add3A_4 : i32 to vector<16xi32>
      %lt3A_1698 = arith.cmpi slt, %get3A_1688, %lt3A_1697 : vector<16xi32>
      %and3A_1699 = arith.andi %ge3A_1696, %lt3A_1698 : vector<16xi1>
      %ne3A_1700 = arith.cmpi ne, %get3A_1688, %get3A_1690 : vector<16xi32>
      %and3A_1701 = arith.andi %and3A_1699, %ne3A_1700 : vector<16xi1>
      %gather3A_1702 = tpu.vector_load_idx %arg7[%sub3A_1694] masked %and3A_1701 : memref<25000xf32, #tpu.memory_space<vmem>>[vector<16xi32>], vector<16xf32>, vector<16xi1>
      %add3A_1703 = arith.addf %get3A_1692, %gather3A_1702 : vector<16xf32>
      tpu.vector_store_idx %arg7[%sub3A_1694], %add3A_1703 masked %and3A_1701 : memref<25000xf32, #tpu.memory_space<vmem>>[vector<16xi32>], vector<16xf32>, vector<16xi1>
      %get3A_1704 = arith.constant 1552 : index
      %get3A_1705 = tpu.vector_load %arg8[%get3A_1704] {strides = array<i32>} : memref<2064xi32, #tpu.memory_space<vmem>>, vector<16xi32>,
      %get3A_1706 = arith.constant 1553 : index
      %get3A_1707 = tpu.vector_load %arg8[%get3A_1706] {strides = array<i32>} : memref<2064xi32, #tpu.memory_space<vmem>>, vector<16xi32>,
      %get3A_1708 = arith.constant 1552 : index
      %get3A_1709 = tpu.vector_load %arg9[%get3A_1708] {strides = array<i32>} : memref<2048xf32, #tpu.memory_space<vmem>>, vector<16xf32>,
      %sub3A_1710 = vector.broadcast %multiple_of3A : i32 to vector<16xi32>
      %sub3A_1711 = arith.subi %get3A_1705, %sub3A_1710 : vector<16xi32>
      %ge3A_1712 = vector.broadcast %multiple_of3A : i32 to vector<16xi32>
      %ge3A_1713 = arith.cmpi sge, %get3A_1705, %ge3A_1712 : vector<16xi32>
      %lt3A_1714 = vector.broadcast %add3A_4 : i32 to vector<16xi32>
      %lt3A_1715 = arith.cmpi slt, %get3A_1705, %lt3A_1714 : vector<16xi32>
      %and3A_1716 = arith.andi %ge3A_1713, %lt3A_1715 : vector<16xi1>
      %ne3A_1717 = arith.cmpi ne, %get3A_1705, %get3A_1707 : vector<16xi32>
      %and3A_1718 = arith.andi %and3A_1716, %ne3A_1717 : vector<16xi1>
      %gather3A_1719 = tpu.vector_load_idx %arg7[%sub3A_1711] masked %and3A_1718 : memref<25000xf32, #tpu.memory_space<vmem>>[vector<16xi32>], vector<16xf32>, vector<16xi1>
      %add3A_1720 = arith.addf %get3A_1709, %gather3A_1719 : vector<16xf32>
      tpu.vector_store_idx %arg7[%sub3A_1711], %add3A_1720 masked %and3A_1718 : memref<25000xf32, #tpu.memory_space<vmem>>[vector<16xi32>], vector<16xf32>, vector<16xi1>
      %get3A_1721 = arith.constant 1568 : index
      %get3A_1722 = tpu.vector_load %arg8[%get3A_1721] {strides = array<i32>} : memref<2064xi32, #tpu.memory_space<vmem>>, vector<16xi32>,
      %get3A_1723 = arith.constant 1569 : index
      %get3A_1724 = tpu.vector_load %arg8[%get3A_1723] {strides = array<i32>} : memref<2064xi32, #tpu.memory_space<vmem>>, vector<16xi32>,
      %get3A_1725 = arith.constant 1568 : index
      %get3A_1726 = tpu.vector_load %arg9[%get3A_1725] {strides = array<i32>} : memref<2048xf32, #tpu.memory_space<vmem>>, vector<16xf32>,
      %sub3A_1727 = vector.broadcast %multiple_of3A : i32 to vector<16xi32>
      %sub3A_1728 = arith.subi %get3A_1722, %sub3A_1727 : vector<16xi32>
      %ge3A_1729 = vector.broadcast %multiple_of3A : i32 to vector<16xi32>
      %ge3A_1730 = arith.cmpi sge, %get3A_1722, %ge3A_1729 : vector<16xi32>
      %lt3A_1731 = vector.broadcast %add3A_4 : i32 to vector<16xi32>
      %lt3A_1732 = arith.cmpi slt, %get3A_1722, %lt3A_1731 : vector<16xi32>
      %and3A_1733 = arith.andi %ge3A_1730, %lt3A_1732 : vector<16xi1>
      %ne3A_1734 = arith.cmpi ne, %get3A_1722, %get3A_1724 : vector<16xi32>
      %and3A_1735 = arith.andi %and3A_1733, %ne3A_1734 : vector<16xi1>
      %gather3A_1736 = tpu.vector_load_idx %arg7[%sub3A_1728] masked %and3A_1735 : memref<25000xf32, #tpu.memory_space<vmem>>[vector<16xi32>], vector<16xf32>, vector<16xi1>
      %add3A_1737 = arith.addf %get3A_1726, %gather3A_1736 : vector<16xf32>
      tpu.vector_store_idx %arg7[%sub3A_1728], %add3A_1737 masked %and3A_1735 : memref<25000xf32, #tpu.memory_space<vmem>>[vector<16xi32>], vector<16xf32>, vector<16xi1>
      %get3A_1738 = arith.constant 1584 : index
      %get3A_1739 = tpu.vector_load %arg8[%get3A_1738] {strides = array<i32>} : memref<2064xi32, #tpu.memory_space<vmem>>, vector<16xi32>,
      %get3A_1740 = arith.constant 1585 : index
      %get3A_1741 = tpu.vector_load %arg8[%get3A_1740] {strides = array<i32>} : memref<2064xi32, #tpu.memory_space<vmem>>, vector<16xi32>,
      %get3A_1742 = arith.constant 1584 : index
      %get3A_1743 = tpu.vector_load %arg9[%get3A_1742] {strides = array<i32>} : memref<2048xf32, #tpu.memory_space<vmem>>, vector<16xf32>,
      %sub3A_1744 = vector.broadcast %multiple_of3A : i32 to vector<16xi32>
      %sub3A_1745 = arith.subi %get3A_1739, %sub3A_1744 : vector<16xi32>
      %ge3A_1746 = vector.broadcast %multiple_of3A : i32 to vector<16xi32>
      %ge3A_1747 = arith.cmpi sge, %get3A_1739, %ge3A_1746 : vector<16xi32>
      %lt3A_1748 = vector.broadcast %add3A_4 : i32 to vector<16xi32>
      %lt3A_1749 = arith.cmpi slt, %get3A_1739, %lt3A_1748 : vector<16xi32>
      %and3A_1750 = arith.andi %ge3A_1747, %lt3A_1749 : vector<16xi1>
      %ne3A_1751 = arith.cmpi ne, %get3A_1739, %get3A_1741 : vector<16xi32>
      %and3A_1752 = arith.andi %and3A_1750, %ne3A_1751 : vector<16xi1>
      %gather3A_1753 = tpu.vector_load_idx %arg7[%sub3A_1745] masked %and3A_1752 : memref<25000xf32, #tpu.memory_space<vmem>>[vector<16xi32>], vector<16xf32>, vector<16xi1>
      %add3A_1754 = arith.addf %get3A_1743, %gather3A_1753 : vector<16xf32>
      tpu.vector_store_idx %arg7[%sub3A_1745], %add3A_1754 masked %and3A_1752 : memref<25000xf32, #tpu.memory_space<vmem>>[vector<16xi32>], vector<16xf32>, vector<16xi1>
      %get3A_1755 = arith.constant 1600 : index
      %get3A_1756 = tpu.vector_load %arg8[%get3A_1755] {strides = array<i32>} : memref<2064xi32, #tpu.memory_space<vmem>>, vector<16xi32>,
      %get3A_1757 = arith.constant 1601 : index
      %get3A_1758 = tpu.vector_load %arg8[%get3A_1757] {strides = array<i32>} : memref<2064xi32, #tpu.memory_space<vmem>>, vector<16xi32>,
      %get3A_1759 = arith.constant 1600 : index
      %get3A_1760 = tpu.vector_load %arg9[%get3A_1759] {strides = array<i32>} : memref<2048xf32, #tpu.memory_space<vmem>>, vector<16xf32>,
      %sub3A_1761 = vector.broadcast %multiple_of3A : i32 to vector<16xi32>
      %sub3A_1762 = arith.subi %get3A_1756, %sub3A_1761 : vector<16xi32>
      %ge3A_1763 = vector.broadcast %multiple_of3A : i32 to vector<16xi32>
      %ge3A_1764 = arith.cmpi sge, %get3A_1756, %ge3A_1763 : vector<16xi32>
      %lt3A_1765 = vector.broadcast %add3A_4 : i32 to vector<16xi32>
      %lt3A_1766 = arith.cmpi slt, %get3A_1756, %lt3A_1765 : vector<16xi32>
      %and3A_1767 = arith.andi %ge3A_1764, %lt3A_1766 : vector<16xi1>
      %ne3A_1768 = arith.cmpi ne, %get3A_1756, %get3A_1758 : vector<16xi32>
      %and3A_1769 = arith.andi %and3A_1767, %ne3A_1768 : vector<16xi1>
      %gather3A_1770 = tpu.vector_load_idx %arg7[%sub3A_1762] masked %and3A_1769 : memref<25000xf32, #tpu.memory_space<vmem>>[vector<16xi32>], vector<16xf32>, vector<16xi1>
      %add3A_1771 = arith.addf %get3A_1760, %gather3A_1770 : vector<16xf32>
      tpu.vector_store_idx %arg7[%sub3A_1762], %add3A_1771 masked %and3A_1769 : memref<25000xf32, #tpu.memory_space<vmem>>[vector<16xi32>], vector<16xf32>, vector<16xi1>
      %get3A_1772 = arith.constant 1616 : index
      %get3A_1773 = tpu.vector_load %arg8[%get3A_1772] {strides = array<i32>} : memref<2064xi32, #tpu.memory_space<vmem>>, vector<16xi32>,
      %get3A_1774 = arith.constant 1617 : index
      %get3A_1775 = tpu.vector_load %arg8[%get3A_1774] {strides = array<i32>} : memref<2064xi32, #tpu.memory_space<vmem>>, vector<16xi32>,
      %get3A_1776 = arith.constant 1616 : index
      %get3A_1777 = tpu.vector_load %arg9[%get3A_1776] {strides = array<i32>} : memref<2048xf32, #tpu.memory_space<vmem>>, vector<16xf32>,
      %sub3A_1778 = vector.broadcast %multiple_of3A : i32 to vector<16xi32>
      %sub3A_1779 = arith.subi %get3A_1773, %sub3A_1778 : vector<16xi32>
      %ge3A_1780 = vector.broadcast %multiple_of3A : i32 to vector<16xi32>
      %ge3A_1781 = arith.cmpi sge, %get3A_1773, %ge3A_1780 : vector<16xi32>
      %lt3A_1782 = vector.broadcast %add3A_4 : i32 to vector<16xi32>
      %lt3A_1783 = arith.cmpi slt, %get3A_1773, %lt3A_1782 : vector<16xi32>
      %and3A_1784 = arith.andi %ge3A_1781, %lt3A_1783 : vector<16xi1>
      %ne3A_1785 = arith.cmpi ne, %get3A_1773, %get3A_1775 : vector<16xi32>
      %and3A_1786 = arith.andi %and3A_1784, %ne3A_1785 : vector<16xi1>
      %gather3A_1787 = tpu.vector_load_idx %arg7[%sub3A_1779] masked %and3A_1786 : memref<25000xf32, #tpu.memory_space<vmem>>[vector<16xi32>], vector<16xf32>, vector<16xi1>
      %add3A_1788 = arith.addf %get3A_1777, %gather3A_1787 : vector<16xf32>
      tpu.vector_store_idx %arg7[%sub3A_1779], %add3A_1788 masked %and3A_1786 : memref<25000xf32, #tpu.memory_space<vmem>>[vector<16xi32>], vector<16xf32>, vector<16xi1>
      %get3A_1789 = arith.constant 1632 : index
      %get3A_1790 = tpu.vector_load %arg8[%get3A_1789] {strides = array<i32>} : memref<2064xi32, #tpu.memory_space<vmem>>, vector<16xi32>,
      %get3A_1791 = arith.constant 1633 : index
      %get3A_1792 = tpu.vector_load %arg8[%get3A_1791] {strides = array<i32>} : memref<2064xi32, #tpu.memory_space<vmem>>, vector<16xi32>,
      %get3A_1793 = arith.constant 1632 : index
      %get3A_1794 = tpu.vector_load %arg9[%get3A_1793] {strides = array<i32>} : memref<2048xf32, #tpu.memory_space<vmem>>, vector<16xf32>,
      %sub3A_1795 = vector.broadcast %multiple_of3A : i32 to vector<16xi32>
      %sub3A_1796 = arith.subi %get3A_1790, %sub3A_1795 : vector<16xi32>
      %ge3A_1797 = vector.broadcast %multiple_of3A : i32 to vector<16xi32>
      %ge3A_1798 = arith.cmpi sge, %get3A_1790, %ge3A_1797 : vector<16xi32>
      %lt3A_1799 = vector.broadcast %add3A_4 : i32 to vector<16xi32>
      %lt3A_1800 = arith.cmpi slt, %get3A_1790, %lt3A_1799 : vector<16xi32>
      %and3A_1801 = arith.andi %ge3A_1798, %lt3A_1800 : vector<16xi1>
      %ne3A_1802 = arith.cmpi ne, %get3A_1790, %get3A_1792 : vector<16xi32>
      %and3A_1803 = arith.andi %and3A_1801, %ne3A_1802 : vector<16xi1>
      %gather3A_1804 = tpu.vector_load_idx %arg7[%sub3A_1796] masked %and3A_1803 : memref<25000xf32, #tpu.memory_space<vmem>>[vector<16xi32>], vector<16xf32>, vector<16xi1>
      %add3A_1805 = arith.addf %get3A_1794, %gather3A_1804 : vector<16xf32>
      tpu.vector_store_idx %arg7[%sub3A_1796], %add3A_1805 masked %and3A_1803 : memref<25000xf32, #tpu.memory_space<vmem>>[vector<16xi32>], vector<16xf32>, vector<16xi1>
      %get3A_1806 = arith.constant 1648 : index
      %get3A_1807 = tpu.vector_load %arg8[%get3A_1806] {strides = array<i32>} : memref<2064xi32, #tpu.memory_space<vmem>>, vector<16xi32>,
      %get3A_1808 = arith.constant 1649 : index
      %get3A_1809 = tpu.vector_load %arg8[%get3A_1808] {strides = array<i32>} : memref<2064xi32, #tpu.memory_space<vmem>>, vector<16xi32>,
      %get3A_1810 = arith.constant 1648 : index
      %get3A_1811 = tpu.vector_load %arg9[%get3A_1810] {strides = array<i32>} : memref<2048xf32, #tpu.memory_space<vmem>>, vector<16xf32>,
      %sub3A_1812 = vector.broadcast %multiple_of3A : i32 to vector<16xi32>
      %sub3A_1813 = arith.subi %get3A_1807, %sub3A_1812 : vector<16xi32>
      %ge3A_1814 = vector.broadcast %multiple_of3A : i32 to vector<16xi32>
      %ge3A_1815 = arith.cmpi sge, %get3A_1807, %ge3A_1814 : vector<16xi32>
      %lt3A_1816 = vector.broadcast %add3A_4 : i32 to vector<16xi32>
      %lt3A_1817 = arith.cmpi slt, %get3A_1807, %lt3A_1816 : vector<16xi32>
      %and3A_1818 = arith.andi %ge3A_1815, %lt3A_1817 : vector<16xi1>
      %ne3A_1819 = arith.cmpi ne, %get3A_1807, %get3A_1809 : vector<16xi32>
      %and3A_1820 = arith.andi %and3A_1818, %ne3A_1819 : vector<16xi1>
      %gather3A_1821 = tpu.vector_load_idx %arg7[%sub3A_1813] masked %and3A_1820 : memref<25000xf32, #tpu.memory_space<vmem>>[vector<16xi32>], vector<16xf32>, vector<16xi1>
      %add3A_1822 = arith.addf %get3A_1811, %gather3A_1821 : vector<16xf32>
      tpu.vector_store_idx %arg7[%sub3A_1813], %add3A_1822 masked %and3A_1820 : memref<25000xf32, #tpu.memory_space<vmem>>[vector<16xi32>], vector<16xf32>, vector<16xi1>
      %get3A_1823 = arith.constant 1664 : index
      %get3A_1824 = tpu.vector_load %arg8[%get3A_1823] {strides = array<i32>} : memref<2064xi32, #tpu.memory_space<vmem>>, vector<16xi32>,
      %get3A_1825 = arith.constant 1665 : index
      %get3A_1826 = tpu.vector_load %arg8[%get3A_1825] {strides = array<i32>} : memref<2064xi32, #tpu.memory_space<vmem>>, vector<16xi32>,
      %get3A_1827 = arith.constant 1664 : index
      %get3A_1828 = tpu.vector_load %arg9[%get3A_1827] {strides = array<i32>} : memref<2048xf32, #tpu.memory_space<vmem>>, vector<16xf32>,
      %sub3A_1829 = vector.broadcast %multiple_of3A : i32 to vector<16xi32>
      %sub3A_1830 = arith.subi %get3A_1824, %sub3A_1829 : vector<16xi32>
      %ge3A_1831 = vector.broadcast %multiple_of3A : i32 to vector<16xi32>
      %ge3A_1832 = arith.cmpi sge, %get3A_1824, %ge3A_1831 : vector<16xi32>
      %lt3A_1833 = vector.broadcast %add3A_4 : i32 to vector<16xi32>
      %lt3A_1834 = arith.cmpi slt, %get3A_1824, %lt3A_1833 : vector<16xi32>
      %and3A_1835 = arith.andi %ge3A_1832, %lt3A_1834 : vector<16xi1>
      %ne3A_1836 = arith.cmpi ne, %get3A_1824, %get3A_1826 : vector<16xi32>
      %and3A_1837 = arith.andi %and3A_1835, %ne3A_1836 : vector<16xi1>
      %gather3A_1838 = tpu.vector_load_idx %arg7[%sub3A_1830] masked %and3A_1837 : memref<25000xf32, #tpu.memory_space<vmem>>[vector<16xi32>], vector<16xf32>, vector<16xi1>
      %add3A_1839 = arith.addf %get3A_1828, %gather3A_1838 : vector<16xf32>
      tpu.vector_store_idx %arg7[%sub3A_1830], %add3A_1839 masked %and3A_1837 : memref<25000xf32, #tpu.memory_space<vmem>>[vector<16xi32>], vector<16xf32>, vector<16xi1>
      %get3A_1840 = arith.constant 1680 : index
      %get3A_1841 = tpu.vector_load %arg8[%get3A_1840] {strides = array<i32>} : memref<2064xi32, #tpu.memory_space<vmem>>, vector<16xi32>,
      %get3A_1842 = arith.constant 1681 : index
      %get3A_1843 = tpu.vector_load %arg8[%get3A_1842] {strides = array<i32>} : memref<2064xi32, #tpu.memory_space<vmem>>, vector<16xi32>,
      %get3A_1844 = arith.constant 1680 : index
      %get3A_1845 = tpu.vector_load %arg9[%get3A_1844] {strides = array<i32>} : memref<2048xf32, #tpu.memory_space<vmem>>, vector<16xf32>,
      %sub3A_1846 = vector.broadcast %multiple_of3A : i32 to vector<16xi32>
      %sub3A_1847 = arith.subi %get3A_1841, %sub3A_1846 : vector<16xi32>
      %ge3A_1848 = vector.broadcast %multiple_of3A : i32 to vector<16xi32>
      %ge3A_1849 = arith.cmpi sge, %get3A_1841, %ge3A_1848 : vector<16xi32>
      %lt3A_1850 = vector.broadcast %add3A_4 : i32 to vector<16xi32>
      %lt3A_1851 = arith.cmpi slt, %get3A_1841, %lt3A_1850 : vector<16xi32>
      %and3A_1852 = arith.andi %ge3A_1849, %lt3A_1851 : vector<16xi1>
      %ne3A_1853 = arith.cmpi ne, %get3A_1841, %get3A_1843 : vector<16xi32>
      %and3A_1854 = arith.andi %and3A_1852, %ne3A_1853 : vector<16xi1>
      %gather3A_1855 = tpu.vector_load_idx %arg7[%sub3A_1847] masked %and3A_1854 : memref<25000xf32, #tpu.memory_space<vmem>>[vector<16xi32>], vector<16xf32>, vector<16xi1>
      %add3A_1856 = arith.addf %get3A_1845, %gather3A_1855 : vector<16xf32>
      tpu.vector_store_idx %arg7[%sub3A_1847], %add3A_1856 masked %and3A_1854 : memref<25000xf32, #tpu.memory_space<vmem>>[vector<16xi32>], vector<16xf32>, vector<16xi1>
      %get3A_1857 = arith.constant 1696 : index
      %get3A_1858 = tpu.vector_load %arg8[%get3A_1857] {strides = array<i32>} : memref<2064xi32, #tpu.memory_space<vmem>>, vector<16xi32>,
      %get3A_1859 = arith.constant 1697 : index
      %get3A_1860 = tpu.vector_load %arg8[%get3A_1859] {strides = array<i32>} : memref<2064xi32, #tpu.memory_space<vmem>>, vector<16xi32>,
      %get3A_1861 = arith.constant 1696 : index
      %get3A_1862 = tpu.vector_load %arg9[%get3A_1861] {strides = array<i32>} : memref<2048xf32, #tpu.memory_space<vmem>>, vector<16xf32>,
      %sub3A_1863 = vector.broadcast %multiple_of3A : i32 to vector<16xi32>
      %sub3A_1864 = arith.subi %get3A_1858, %sub3A_1863 : vector<16xi32>
      %ge3A_1865 = vector.broadcast %multiple_of3A : i32 to vector<16xi32>
      %ge3A_1866 = arith.cmpi sge, %get3A_1858, %ge3A_1865 : vector<16xi32>
      %lt3A_1867 = vector.broadcast %add3A_4 : i32 to vector<16xi32>
      %lt3A_1868 = arith.cmpi slt, %get3A_1858, %lt3A_1867 : vector<16xi32>
      %and3A_1869 = arith.andi %ge3A_1866, %lt3A_1868 : vector<16xi1>
      %ne3A_1870 = arith.cmpi ne, %get3A_1858, %get3A_1860 : vector<16xi32>
      %and3A_1871 = arith.andi %and3A_1869, %ne3A_1870 : vector<16xi1>
      %gather3A_1872 = tpu.vector_load_idx %arg7[%sub3A_1864] masked %and3A_1871 : memref<25000xf32, #tpu.memory_space<vmem>>[vector<16xi32>], vector<16xf32>, vector<16xi1>
      %add3A_1873 = arith.addf %get3A_1862, %gather3A_1872 : vector<16xf32>
      tpu.vector_store_idx %arg7[%sub3A_1864], %add3A_1873 masked %and3A_1871 : memref<25000xf32, #tpu.memory_space<vmem>>[vector<16xi32>], vector<16xf32>, vector<16xi1>
      %get3A_1874 = arith.constant 1712 : index
      %get3A_1875 = tpu.vector_load %arg8[%get3A_1874] {strides = array<i32>} : memref<2064xi32, #tpu.memory_space<vmem>>, vector<16xi32>,
      %get3A_1876 = arith.constant 1713 : index
      %get3A_1877 = tpu.vector_load %arg8[%get3A_1876] {strides = array<i32>} : memref<2064xi32, #tpu.memory_space<vmem>>, vector<16xi32>,
      %get3A_1878 = arith.constant 1712 : index
      %get3A_1879 = tpu.vector_load %arg9[%get3A_1878] {strides = array<i32>} : memref<2048xf32, #tpu.memory_space<vmem>>, vector<16xf32>,
      %sub3A_1880 = vector.broadcast %multiple_of3A : i32 to vector<16xi32>
      %sub3A_1881 = arith.subi %get3A_1875, %sub3A_1880 : vector<16xi32>
      %ge3A_1882 = vector.broadcast %multiple_of3A : i32 to vector<16xi32>
      %ge3A_1883 = arith.cmpi sge, %get3A_1875, %ge3A_1882 : vector<16xi32>
      %lt3A_1884 = vector.broadcast %add3A_4 : i32 to vector<16xi32>
      %lt3A_1885 = arith.cmpi slt, %get3A_1875, %lt3A_1884 : vector<16xi32>
      %and3A_1886 = arith.andi %ge3A_1883, %lt3A_1885 : vector<16xi1>
      %ne3A_1887 = arith.cmpi ne, %get3A_1875, %get3A_1877 : vector<16xi32>
      %and3A_1888 = arith.andi %and3A_1886, %ne3A_1887 : vector<16xi1>
      %gather3A_1889 = tpu.vector_load_idx %arg7[%sub3A_1881] masked %and3A_1888 : memref<25000xf32, #tpu.memory_space<vmem>>[vector<16xi32>], vector<16xf32>, vector<16xi1>
      %add3A_1890 = arith.addf %get3A_1879, %gather3A_1889 : vector<16xf32>
      tpu.vector_store_idx %arg7[%sub3A_1881], %add3A_1890 masked %and3A_1888 : memref<25000xf32, #tpu.memory_space<vmem>>[vector<16xi32>], vector<16xf32>, vector<16xi1>
      %get3A_1891 = arith.constant 1728 : index
      %get3A_1892 = tpu.vector_load %arg8[%get3A_1891] {strides = array<i32>} : memref<2064xi32, #tpu.memory_space<vmem>>, vector<16xi32>,
      %get3A_1893 = arith.constant 1729 : index
      %get3A_1894 = tpu.vector_load %arg8[%get3A_1893] {strides = array<i32>} : memref<2064xi32, #tpu.memory_space<vmem>>, vector<16xi32>,
      %get3A_1895 = arith.constant 1728 : index
      %get3A_1896 = tpu.vector_load %arg9[%get3A_1895] {strides = array<i32>} : memref<2048xf32, #tpu.memory_space<vmem>>, vector<16xf32>,
      %sub3A_1897 = vector.broadcast %multiple_of3A : i32 to vector<16xi32>
      %sub3A_1898 = arith.subi %get3A_1892, %sub3A_1897 : vector<16xi32>
      %ge3A_1899 = vector.broadcast %multiple_of3A : i32 to vector<16xi32>
      %ge3A_1900 = arith.cmpi sge, %get3A_1892, %ge3A_1899 : vector<16xi32>
      %lt3A_1901 = vector.broadcast %add3A_4 : i32 to vector<16xi32>
      %lt3A_1902 = arith.cmpi slt, %get3A_1892, %lt3A_1901 : vector<16xi32>
      %and3A_1903 = arith.andi %ge3A_1900, %lt3A_1902 : vector<16xi1>
      %ne3A_1904 = arith.cmpi ne, %get3A_1892, %get3A_1894 : vector<16xi32>
      %and3A_1905 = arith.andi %and3A_1903, %ne3A_1904 : vector<16xi1>
      %gather3A_1906 = tpu.vector_load_idx %arg7[%sub3A_1898] masked %and3A_1905 : memref<25000xf32, #tpu.memory_space<vmem>>[vector<16xi32>], vector<16xf32>, vector<16xi1>
      %add3A_1907 = arith.addf %get3A_1896, %gather3A_1906 : vector<16xf32>
      tpu.vector_store_idx %arg7[%sub3A_1898], %add3A_1907 masked %and3A_1905 : memref<25000xf32, #tpu.memory_space<vmem>>[vector<16xi32>], vector<16xf32>, vector<16xi1>
      %get3A_1908 = arith.constant 1744 : index
      %get3A_1909 = tpu.vector_load %arg8[%get3A_1908] {strides = array<i32>} : memref<2064xi32, #tpu.memory_space<vmem>>, vector<16xi32>,
      %get3A_1910 = arith.constant 1745 : index
      %get3A_1911 = tpu.vector_load %arg8[%get3A_1910] {strides = array<i32>} : memref<2064xi32, #tpu.memory_space<vmem>>, vector<16xi32>,
      %get3A_1912 = arith.constant 1744 : index
      %get3A_1913 = tpu.vector_load %arg9[%get3A_1912] {strides = array<i32>} : memref<2048xf32, #tpu.memory_space<vmem>>, vector<16xf32>,
      %sub3A_1914 = vector.broadcast %multiple_of3A : i32 to vector<16xi32>
      %sub3A_1915 = arith.subi %get3A_1909, %sub3A_1914 : vector<16xi32>
      %ge3A_1916 = vector.broadcast %multiple_of3A : i32 to vector<16xi32>
      %ge3A_1917 = arith.cmpi sge, %get3A_1909, %ge3A_1916 : vector<16xi32>
      %lt3A_1918 = vector.broadcast %add3A_4 : i32 to vector<16xi32>
      %lt3A_1919 = arith.cmpi slt, %get3A_1909, %lt3A_1918 : vector<16xi32>
      %and3A_1920 = arith.andi %ge3A_1917, %lt3A_1919 : vector<16xi1>
      %ne3A_1921 = arith.cmpi ne, %get3A_1909, %get3A_1911 : vector<16xi32>
      %and3A_1922 = arith.andi %and3A_1920, %ne3A_1921 : vector<16xi1>
      %gather3A_1923 = tpu.vector_load_idx %arg7[%sub3A_1915] masked %and3A_1922 : memref<25000xf32, #tpu.memory_space<vmem>>[vector<16xi32>], vector<16xf32>, vector<16xi1>
      %add3A_1924 = arith.addf %get3A_1913, %gather3A_1923 : vector<16xf32>
      tpu.vector_store_idx %arg7[%sub3A_1915], %add3A_1924 masked %and3A_1922 : memref<25000xf32, #tpu.memory_space<vmem>>[vector<16xi32>], vector<16xf32>, vector<16xi1>
      %get3A_1925 = arith.constant 1760 : index
      %get3A_1926 = tpu.vector_load %arg8[%get3A_1925] {strides = array<i32>} : memref<2064xi32, #tpu.memory_space<vmem>>, vector<16xi32>,
      %get3A_1927 = arith.constant 1761 : index
      %get3A_1928 = tpu.vector_load %arg8[%get3A_1927] {strides = array<i32>} : memref<2064xi32, #tpu.memory_space<vmem>>, vector<16xi32>,
      %get3A_1929 = arith.constant 1760 : index
      %get3A_1930 = tpu.vector_load %arg9[%get3A_1929] {strides = array<i32>} : memref<2048xf32, #tpu.memory_space<vmem>>, vector<16xf32>,
      %sub3A_1931 = vector.broadcast %multiple_of3A : i32 to vector<16xi32>
      %sub3A_1932 = arith.subi %get3A_1926, %sub3A_1931 : vector<16xi32>
      %ge3A_1933 = vector.broadcast %multiple_of3A : i32 to vector<16xi32>
      %ge3A_1934 = arith.cmpi sge, %get3A_1926, %ge3A_1933 : vector<16xi32>
      %lt3A_1935 = vector.broadcast %add3A_4 : i32 to vector<16xi32>
      %lt3A_1936 = arith.cmpi slt, %get3A_1926, %lt3A_1935 : vector<16xi32>
      %and3A_1937 = arith.andi %ge3A_1934, %lt3A_1936 : vector<16xi1>
      %ne3A_1938 = arith.cmpi ne, %get3A_1926, %get3A_1928 : vector<16xi32>
      %and3A_1939 = arith.andi %and3A_1937, %ne3A_1938 : vector<16xi1>
      %gather3A_1940 = tpu.vector_load_idx %arg7[%sub3A_1932] masked %and3A_1939 : memref<25000xf32, #tpu.memory_space<vmem>>[vector<16xi32>], vector<16xf32>, vector<16xi1>
      %add3A_1941 = arith.addf %get3A_1930, %gather3A_1940 : vector<16xf32>
      tpu.vector_store_idx %arg7[%sub3A_1932], %add3A_1941 masked %and3A_1939 : memref<25000xf32, #tpu.memory_space<vmem>>[vector<16xi32>], vector<16xf32>, vector<16xi1>
      %get3A_1942 = arith.constant 1776 : index
      %get3A_1943 = tpu.vector_load %arg8[%get3A_1942] {strides = array<i32>} : memref<2064xi32, #tpu.memory_space<vmem>>, vector<16xi32>,
      %get3A_1944 = arith.constant 1777 : index
      %get3A_1945 = tpu.vector_load %arg8[%get3A_1944] {strides = array<i32>} : memref<2064xi32, #tpu.memory_space<vmem>>, vector<16xi32>,
      %get3A_1946 = arith.constant 1776 : index
      %get3A_1947 = tpu.vector_load %arg9[%get3A_1946] {strides = array<i32>} : memref<2048xf32, #tpu.memory_space<vmem>>, vector<16xf32>,
      %sub3A_1948 = vector.broadcast %multiple_of3A : i32 to vector<16xi32>
      %sub3A_1949 = arith.subi %get3A_1943, %sub3A_1948 : vector<16xi32>
      %ge3A_1950 = vector.broadcast %multiple_of3A : i32 to vector<16xi32>
      %ge3A_1951 = arith.cmpi sge, %get3A_1943, %ge3A_1950 : vector<16xi32>
      %lt3A_1952 = vector.broadcast %add3A_4 : i32 to vector<16xi32>
      %lt3A_1953 = arith.cmpi slt, %get3A_1943, %lt3A_1952 : vector<16xi32>
      %and3A_1954 = arith.andi %ge3A_1951, %lt3A_1953 : vector<16xi1>
      %ne3A_1955 = arith.cmpi ne, %get3A_1943, %get3A_1945 : vector<16xi32>
      %and3A_1956 = arith.andi %and3A_1954, %ne3A_1955 : vector<16xi1>
      %gather3A_1957 = tpu.vector_load_idx %arg7[%sub3A_1949] masked %and3A_1956 : memref<25000xf32, #tpu.memory_space<vmem>>[vector<16xi32>], vector<16xf32>, vector<16xi1>
      %add3A_1958 = arith.addf %get3A_1947, %gather3A_1957 : vector<16xf32>
      tpu.vector_store_idx %arg7[%sub3A_1949], %add3A_1958 masked %and3A_1956 : memref<25000xf32, #tpu.memory_space<vmem>>[vector<16xi32>], vector<16xf32>, vector<16xi1>
      %get3A_1959 = arith.constant 1792 : index
      %get3A_1960 = tpu.vector_load %arg8[%get3A_1959] {strides = array<i32>} : memref<2064xi32, #tpu.memory_space<vmem>>, vector<16xi32>,
      %get3A_1961 = arith.constant 1793 : index
      %get3A_1962 = tpu.vector_load %arg8[%get3A_1961] {strides = array<i32>} : memref<2064xi32, #tpu.memory_space<vmem>>, vector<16xi32>,
      %get3A_1963 = arith.constant 1792 : index
      %get3A_1964 = tpu.vector_load %arg9[%get3A_1963] {strides = array<i32>} : memref<2048xf32, #tpu.memory_space<vmem>>, vector<16xf32>,
      %sub3A_1965 = vector.broadcast %multiple_of3A : i32 to vector<16xi32>
      %sub3A_1966 = arith.subi %get3A_1960, %sub3A_1965 : vector<16xi32>
      %ge3A_1967 = vector.broadcast %multiple_of3A : i32 to vector<16xi32>
      %ge3A_1968 = arith.cmpi sge, %get3A_1960, %ge3A_1967 : vector<16xi32>
      %lt3A_1969 = vector.broadcast %add3A_4 : i32 to vector<16xi32>
      %lt3A_1970 = arith.cmpi slt, %get3A_1960, %lt3A_1969 : vector<16xi32>
      %and3A_1971 = arith.andi %ge3A_1968, %lt3A_1970 : vector<16xi1>
      %ne3A_1972 = arith.cmpi ne, %get3A_1960, %get3A_1962 : vector<16xi32>
      %and3A_1973 = arith.andi %and3A_1971, %ne3A_1972 : vector<16xi1>
      %gather3A_1974 = tpu.vector_load_idx %arg7[%sub3A_1966] masked %and3A_1973 : memref<25000xf32, #tpu.memory_space<vmem>>[vector<16xi32>], vector<16xf32>, vector<16xi1>
      %add3A_1975 = arith.addf %get3A_1964, %gather3A_1974 : vector<16xf32>
      tpu.vector_store_idx %arg7[%sub3A_1966], %add3A_1975 masked %and3A_1973 : memref<25000xf32, #tpu.memory_space<vmem>>[vector<16xi32>], vector<16xf32>, vector<16xi1>
      %get3A_1976 = arith.constant 1808 : index
      %get3A_1977 = tpu.vector_load %arg8[%get3A_1976] {strides = array<i32>} : memref<2064xi32, #tpu.memory_space<vmem>>, vector<16xi32>,
      %get3A_1978 = arith.constant 1809 : index
      %get3A_1979 = tpu.vector_load %arg8[%get3A_1978] {strides = array<i32>} : memref<2064xi32, #tpu.memory_space<vmem>>, vector<16xi32>,
      %get3A_1980 = arith.constant 1808 : index
      %get3A_1981 = tpu.vector_load %arg9[%get3A_1980] {strides = array<i32>} : memref<2048xf32, #tpu.memory_space<vmem>>, vector<16xf32>,
      %sub3A_1982 = vector.broadcast %multiple_of3A : i32 to vector<16xi32>
      %sub3A_1983 = arith.subi %get3A_1977, %sub3A_1982 : vector<16xi32>
      %ge3A_1984 = vector.broadcast %multiple_of3A : i32 to vector<16xi32>
      %ge3A_1985 = arith.cmpi sge, %get3A_1977, %ge3A_1984 : vector<16xi32>
      %lt3A_1986 = vector.broadcast %add3A_4 : i32 to vector<16xi32>
      %lt3A_1987 = arith.cmpi slt, %get3A_1977, %lt3A_1986 : vector<16xi32>
      %and3A_1988 = arith.andi %ge3A_1985, %lt3A_1987 : vector<16xi1>
      %ne3A_1989 = arith.cmpi ne, %get3A_1977, %get3A_1979 : vector<16xi32>
      %and3A_1990 = arith.andi %and3A_1988, %ne3A_1989 : vector<16xi1>
      %gather3A_1991 = tpu.vector_load_idx %arg7[%sub3A_1983] masked %and3A_1990 : memref<25000xf32, #tpu.memory_space<vmem>>[vector<16xi32>], vector<16xf32>, vector<16xi1>
      %add3A_1992 = arith.addf %get3A_1981, %gather3A_1991 : vector<16xf32>
      tpu.vector_store_idx %arg7[%sub3A_1983], %add3A_1992 masked %and3A_1990 : memref<25000xf32, #tpu.memory_space<vmem>>[vector<16xi32>], vector<16xf32>, vector<16xi1>
      %get3A_1993 = arith.constant 1824 : index
      %get3A_1994 = tpu.vector_load %arg8[%get3A_1993] {strides = array<i32>} : memref<2064xi32, #tpu.memory_space<vmem>>, vector<16xi32>,
      %get3A_1995 = arith.constant 1825 : index
      %get3A_1996 = tpu.vector_load %arg8[%get3A_1995] {strides = array<i32>} : memref<2064xi32, #tpu.memory_space<vmem>>, vector<16xi32>,
      %get3A_1997 = arith.constant 1824 : index
      %get3A_1998 = tpu.vector_load %arg9[%get3A_1997] {strides = array<i32>} : memref<2048xf32, #tpu.memory_space<vmem>>, vector<16xf32>,
      %sub3A_1999 = vector.broadcast %multiple_of3A : i32 to vector<16xi32>
      %sub3A_2000 = arith.subi %get3A_1994, %sub3A_1999 : vector<16xi32>
      %ge3A_2001 = vector.broadcast %multiple_of3A : i32 to vector<16xi32>
      %ge3A_2002 = arith.cmpi sge, %get3A_1994, %ge3A_2001 : vector<16xi32>
      %lt3A_2003 = vector.broadcast %add3A_4 : i32 to vector<16xi32>
      %lt3A_2004 = arith.cmpi slt, %get3A_1994, %lt3A_2003 : vector<16xi32>
      %and3A_2005 = arith.andi %ge3A_2002, %lt3A_2004 : vector<16xi1>
      %ne3A_2006 = arith.cmpi ne, %get3A_1994, %get3A_1996 : vector<16xi32>
      %and3A_2007 = arith.andi %and3A_2005, %ne3A_2006 : vector<16xi1>
      %gather3A_2008 = tpu.vector_load_idx %arg7[%sub3A_2000] masked %and3A_2007 : memref<25000xf32, #tpu.memory_space<vmem>>[vector<16xi32>], vector<16xf32>, vector<16xi1>
      %add3A_2009 = arith.addf %get3A_1998, %gather3A_2008 : vector<16xf32>
      tpu.vector_store_idx %arg7[%sub3A_2000], %add3A_2009 masked %and3A_2007 : memref<25000xf32, #tpu.memory_space<vmem>>[vector<16xi32>], vector<16xf32>, vector<16xi1>
      %get3A_2010 = arith.constant 1840 : index
      %get3A_2011 = tpu.vector_load %arg8[%get3A_2010] {strides = array<i32>} : memref<2064xi32, #tpu.memory_space<vmem>>, vector<16xi32>,
      %get3A_2012 = arith.constant 1841 : index
      %get3A_2013 = tpu.vector_load %arg8[%get3A_2012] {strides = array<i32>} : memref<2064xi32, #tpu.memory_space<vmem>>, vector<16xi32>,
      %get3A_2014 = arith.constant 1840 : index
      %get3A_2015 = tpu.vector_load %arg9[%get3A_2014] {strides = array<i32>} : memref<2048xf32, #tpu.memory_space<vmem>>, vector<16xf32>,
      %sub3A_2016 = vector.broadcast %multiple_of3A : i32 to vector<16xi32>
      %sub3A_2017 = arith.subi %get3A_2011, %sub3A_2016 : vector<16xi32>
      %ge3A_2018 = vector.broadcast %multiple_of3A : i32 to vector<16xi32>
      %ge3A_2019 = arith.cmpi sge, %get3A_2011, %ge3A_2018 : vector<16xi32>
      %lt3A_2020 = vector.broadcast %add3A_4 : i32 to vector<16xi32>
      %lt3A_2021 = arith.cmpi slt, %get3A_2011, %lt3A_2020 : vector<16xi32>
      %and3A_2022 = arith.andi %ge3A_2019, %lt3A_2021 : vector<16xi1>
      %ne3A_2023 = arith.cmpi ne, %get3A_2011, %get3A_2013 : vector<16xi32>
      %and3A_2024 = arith.andi %and3A_2022, %ne3A_2023 : vector<16xi1>
      %gather3A_2025 = tpu.vector_load_idx %arg7[%sub3A_2017] masked %and3A_2024 : memref<25000xf32, #tpu.memory_space<vmem>>[vector<16xi32>], vector<16xf32>, vector<16xi1>
      %add3A_2026 = arith.addf %get3A_2015, %gather3A_2025 : vector<16xf32>
      tpu.vector_store_idx %arg7[%sub3A_2017], %add3A_2026 masked %and3A_2024 : memref<25000xf32, #tpu.memory_space<vmem>>[vector<16xi32>], vector<16xf32>, vector<16xi1>
      %get3A_2027 = arith.constant 1856 : index
      %get3A_2028 = tpu.vector_load %arg8[%get3A_2027] {strides = array<i32>} : memref<2064xi32, #tpu.memory_space<vmem>>, vector<16xi32>,
      %get3A_2029 = arith.constant 1857 : index
      %get3A_2030 = tpu.vector_load %arg8[%get3A_2029] {strides = array<i32>} : memref<2064xi32, #tpu.memory_space<vmem>>, vector<16xi32>,
      %get3A_2031 = arith.constant 1856 : index
      %get3A_2032 = tpu.vector_load %arg9[%get3A_2031] {strides = array<i32>} : memref<2048xf32, #tpu.memory_space<vmem>>, vector<16xf32>,
      %sub3A_2033 = vector.broadcast %multiple_of3A : i32 to vector<16xi32>
      %sub3A_2034 = arith.subi %get3A_2028, %sub3A_2033 : vector<16xi32>
      %ge3A_2035 = vector.broadcast %multiple_of3A : i32 to vector<16xi32>
      %ge3A_2036 = arith.cmpi sge, %get3A_2028, %ge3A_2035 : vector<16xi32>
      %lt3A_2037 = vector.broadcast %add3A_4 : i32 to vector<16xi32>
      %lt3A_2038 = arith.cmpi slt, %get3A_2028, %lt3A_2037 : vector<16xi32>
      %and3A_2039 = arith.andi %ge3A_2036, %lt3A_2038 : vector<16xi1>
      %ne3A_2040 = arith.cmpi ne, %get3A_2028, %get3A_2030 : vector<16xi32>
      %and3A_2041 = arith.andi %and3A_2039, %ne3A_2040 : vector<16xi1>
      %gather3A_2042 = tpu.vector_load_idx %arg7[%sub3A_2034] masked %and3A_2041 : memref<25000xf32, #tpu.memory_space<vmem>>[vector<16xi32>], vector<16xf32>, vector<16xi1>
      %add3A_2043 = arith.addf %get3A_2032, %gather3A_2042 : vector<16xf32>
      tpu.vector_store_idx %arg7[%sub3A_2034], %add3A_2043 masked %and3A_2041 : memref<25000xf32, #tpu.memory_space<vmem>>[vector<16xi32>], vector<16xf32>, vector<16xi1>
      %get3A_2044 = arith.constant 1872 : index
      %get3A_2045 = tpu.vector_load %arg8[%get3A_2044] {strides = array<i32>} : memref<2064xi32, #tpu.memory_space<vmem>>, vector<16xi32>,
      %get3A_2046 = arith.constant 1873 : index
      %get3A_2047 = tpu.vector_load %arg8[%get3A_2046] {strides = array<i32>} : memref<2064xi32, #tpu.memory_space<vmem>>, vector<16xi32>,
      %get3A_2048 = arith.constant 1872 : index
      %get3A_2049 = tpu.vector_load %arg9[%get3A_2048] {strides = array<i32>} : memref<2048xf32, #tpu.memory_space<vmem>>, vector<16xf32>,
      %sub3A_2050 = vector.broadcast %multiple_of3A : i32 to vector<16xi32>
      %sub3A_2051 = arith.subi %get3A_2045, %sub3A_2050 : vector<16xi32>
      %ge3A_2052 = vector.broadcast %multiple_of3A : i32 to vector<16xi32>
      %ge3A_2053 = arith.cmpi sge, %get3A_2045, %ge3A_2052 : vector<16xi32>
      %lt3A_2054 = vector.broadcast %add3A_4 : i32 to vector<16xi32>
      %lt3A_2055 = arith.cmpi slt, %get3A_2045, %lt3A_2054 : vector<16xi32>
      %and3A_2056 = arith.andi %ge3A_2053, %lt3A_2055 : vector<16xi1>
      %ne3A_2057 = arith.cmpi ne, %get3A_2045, %get3A_2047 : vector<16xi32>
      %and3A_2058 = arith.andi %and3A_2056, %ne3A_2057 : vector<16xi1>
      %gather3A_2059 = tpu.vector_load_idx %arg7[%sub3A_2051] masked %and3A_2058 : memref<25000xf32, #tpu.memory_space<vmem>>[vector<16xi32>], vector<16xf32>, vector<16xi1>
      %add3A_2060 = arith.addf %get3A_2049, %gather3A_2059 : vector<16xf32>
      tpu.vector_store_idx %arg7[%sub3A_2051], %add3A_2060 masked %and3A_2058 : memref<25000xf32, #tpu.memory_space<vmem>>[vector<16xi32>], vector<16xf32>, vector<16xi1>
      %get3A_2061 = arith.constant 1888 : index
      %get3A_2062 = tpu.vector_load %arg8[%get3A_2061] {strides = array<i32>} : memref<2064xi32, #tpu.memory_space<vmem>>, vector<16xi32>,
      %get3A_2063 = arith.constant 1889 : index
      %get3A_2064 = tpu.vector_load %arg8[%get3A_2063] {strides = array<i32>} : memref<2064xi32, #tpu.memory_space<vmem>>, vector<16xi32>,
      %get3A_2065 = arith.constant 1888 : index
      %get3A_2066 = tpu.vector_load %arg9[%get3A_2065] {strides = array<i32>} : memref<2048xf32, #tpu.memory_space<vmem>>, vector<16xf32>,
      %sub3A_2067 = vector.broadcast %multiple_of3A : i32 to vector<16xi32>
      %sub3A_2068 = arith.subi %get3A_2062, %sub3A_2067 : vector<16xi32>
      %ge3A_2069 = vector.broadcast %multiple_of3A : i32 to vector<16xi32>
      %ge3A_2070 = arith.cmpi sge, %get3A_2062, %ge3A_2069 : vector<16xi32>
      %lt3A_2071 = vector.broadcast %add3A_4 : i32 to vector<16xi32>
      %lt3A_2072 = arith.cmpi slt, %get3A_2062, %lt3A_2071 : vector<16xi32>
      %and3A_2073 = arith.andi %ge3A_2070, %lt3A_2072 : vector<16xi1>
      %ne3A_2074 = arith.cmpi ne, %get3A_2062, %get3A_2064 : vector<16xi32>
      %and3A_2075 = arith.andi %and3A_2073, %ne3A_2074 : vector<16xi1>
      %gather3A_2076 = tpu.vector_load_idx %arg7[%sub3A_2068] masked %and3A_2075 : memref<25000xf32, #tpu.memory_space<vmem>>[vector<16xi32>], vector<16xf32>, vector<16xi1>
      %add3A_2077 = arith.addf %get3A_2066, %gather3A_2076 : vector<16xf32>
      tpu.vector_store_idx %arg7[%sub3A_2068], %add3A_2077 masked %and3A_2075 : memref<25000xf32, #tpu.memory_space<vmem>>[vector<16xi32>], vector<16xf32>, vector<16xi1>
      %get3A_2078 = arith.constant 1904 : index
      %get3A_2079 = tpu.vector_load %arg8[%get3A_2078] {strides = array<i32>} : memref<2064xi32, #tpu.memory_space<vmem>>, vector<16xi32>,
      %get3A_2080 = arith.constant 1905 : index
      %get3A_2081 = tpu.vector_load %arg8[%get3A_2080] {strides = array<i32>} : memref<2064xi32, #tpu.memory_space<vmem>>, vector<16xi32>,
      %get3A_2082 = arith.constant 1904 : index
      %get3A_2083 = tpu.vector_load %arg9[%get3A_2082] {strides = array<i32>} : memref<2048xf32, #tpu.memory_space<vmem>>, vector<16xf32>,
      %sub3A_2084 = vector.broadcast %multiple_of3A : i32 to vector<16xi32>
      %sub3A_2085 = arith.subi %get3A_2079, %sub3A_2084 : vector<16xi32>
      %ge3A_2086 = vector.broadcast %multiple_of3A : i32 to vector<16xi32>
      %ge3A_2087 = arith.cmpi sge, %get3A_2079, %ge3A_2086 : vector<16xi32>
      %lt3A_2088 = vector.broadcast %add3A_4 : i32 to vector<16xi32>
      %lt3A_2089 = arith.cmpi slt, %get3A_2079, %lt3A_2088 : vector<16xi32>
      %and3A_2090 = arith.andi %ge3A_2087, %lt3A_2089 : vector<16xi1>
      %ne3A_2091 = arith.cmpi ne, %get3A_2079, %get3A_2081 : vector<16xi32>
      %and3A_2092 = arith.andi %and3A_2090, %ne3A_2091 : vector<16xi1>
      %gather3A_2093 = tpu.vector_load_idx %arg7[%sub3A_2085] masked %and3A_2092 : memref<25000xf32, #tpu.memory_space<vmem>>[vector<16xi32>], vector<16xf32>, vector<16xi1>
      %add3A_2094 = arith.addf %get3A_2083, %gather3A_2093 : vector<16xf32>
      tpu.vector_store_idx %arg7[%sub3A_2085], %add3A_2094 masked %and3A_2092 : memref<25000xf32, #tpu.memory_space<vmem>>[vector<16xi32>], vector<16xf32>, vector<16xi1>
      %get3A_2095 = arith.constant 1920 : index
      %get3A_2096 = tpu.vector_load %arg8[%get3A_2095] {strides = array<i32>} : memref<2064xi32, #tpu.memory_space<vmem>>, vector<16xi32>,
      %get3A_2097 = arith.constant 1921 : index
      %get3A_2098 = tpu.vector_load %arg8[%get3A_2097] {strides = array<i32>} : memref<2064xi32, #tpu.memory_space<vmem>>, vector<16xi32>,
      %get3A_2099 = arith.constant 1920 : index
      %get3A_2100 = tpu.vector_load %arg9[%get3A_2099] {strides = array<i32>} : memref<2048xf32, #tpu.memory_space<vmem>>, vector<16xf32>,
      %sub3A_2101 = vector.broadcast %multiple_of3A : i32 to vector<16xi32>
      %sub3A_2102 = arith.subi %get3A_2096, %sub3A_2101 : vector<16xi32>
      %ge3A_2103 = vector.broadcast %multiple_of3A : i32 to vector<16xi32>
      %ge3A_2104 = arith.cmpi sge, %get3A_2096, %ge3A_2103 : vector<16xi32>
      %lt3A_2105 = vector.broadcast %add3A_4 : i32 to vector<16xi32>
      %lt3A_2106 = arith.cmpi slt, %get3A_2096, %lt3A_2105 : vector<16xi32>
      %and3A_2107 = arith.andi %ge3A_2104, %lt3A_2106 : vector<16xi1>
      %ne3A_2108 = arith.cmpi ne, %get3A_2096, %get3A_2098 : vector<16xi32>
      %and3A_2109 = arith.andi %and3A_2107, %ne3A_2108 : vector<16xi1>
      %gather3A_2110 = tpu.vector_load_idx %arg7[%sub3A_2102] masked %and3A_2109 : memref<25000xf32, #tpu.memory_space<vmem>>[vector<16xi32>], vector<16xf32>, vector<16xi1>
      %add3A_2111 = arith.addf %get3A_2100, %gather3A_2110 : vector<16xf32>
      tpu.vector_store_idx %arg7[%sub3A_2102], %add3A_2111 masked %and3A_2109 : memref<25000xf32, #tpu.memory_space<vmem>>[vector<16xi32>], vector<16xf32>, vector<16xi1>
      %get3A_2112 = arith.constant 1936 : index
      %get3A_2113 = tpu.vector_load %arg8[%get3A_2112] {strides = array<i32>} : memref<2064xi32, #tpu.memory_space<vmem>>, vector<16xi32>,
      %get3A_2114 = arith.constant 1937 : index
      %get3A_2115 = tpu.vector_load %arg8[%get3A_2114] {strides = array<i32>} : memref<2064xi32, #tpu.memory_space<vmem>>, vector<16xi32>,
      %get3A_2116 = arith.constant 1936 : index
      %get3A_2117 = tpu.vector_load %arg9[%get3A_2116] {strides = array<i32>} : memref<2048xf32, #tpu.memory_space<vmem>>, vector<16xf32>,
      %sub3A_2118 = vector.broadcast %multiple_of3A : i32 to vector<16xi32>
      %sub3A_2119 = arith.subi %get3A_2113, %sub3A_2118 : vector<16xi32>
      %ge3A_2120 = vector.broadcast %multiple_of3A : i32 to vector<16xi32>
      %ge3A_2121 = arith.cmpi sge, %get3A_2113, %ge3A_2120 : vector<16xi32>
      %lt3A_2122 = vector.broadcast %add3A_4 : i32 to vector<16xi32>
      %lt3A_2123 = arith.cmpi slt, %get3A_2113, %lt3A_2122 : vector<16xi32>
      %and3A_2124 = arith.andi %ge3A_2121, %lt3A_2123 : vector<16xi1>
      %ne3A_2125 = arith.cmpi ne, %get3A_2113, %get3A_2115 : vector<16xi32>
      %and3A_2126 = arith.andi %and3A_2124, %ne3A_2125 : vector<16xi1>
      %gather3A_2127 = tpu.vector_load_idx %arg7[%sub3A_2119] masked %and3A_2126 : memref<25000xf32, #tpu.memory_space<vmem>>[vector<16xi32>], vector<16xf32>, vector<16xi1>
      %add3A_2128 = arith.addf %get3A_2117, %gather3A_2127 : vector<16xf32>
      tpu.vector_store_idx %arg7[%sub3A_2119], %add3A_2128 masked %and3A_2126 : memref<25000xf32, #tpu.memory_space<vmem>>[vector<16xi32>], vector<16xf32>, vector<16xi1>
      %get3A_2129 = arith.constant 1952 : index
      %get3A_2130 = tpu.vector_load %arg8[%get3A_2129] {strides = array<i32>} : memref<2064xi32, #tpu.memory_space<vmem>>, vector<16xi32>,
      %get3A_2131 = arith.constant 1953 : index
      %get3A_2132 = tpu.vector_load %arg8[%get3A_2131] {strides = array<i32>} : memref<2064xi32, #tpu.memory_space<vmem>>, vector<16xi32>,
      %get3A_2133 = arith.constant 1952 : index
      %get3A_2134 = tpu.vector_load %arg9[%get3A_2133] {strides = array<i32>} : memref<2048xf32, #tpu.memory_space<vmem>>, vector<16xf32>,
      %sub3A_2135 = vector.broadcast %multiple_of3A : i32 to vector<16xi32>
      %sub3A_2136 = arith.subi %get3A_2130, %sub3A_2135 : vector<16xi32>
      %ge3A_2137 = vector.broadcast %multiple_of3A : i32 to vector<16xi32>
      %ge3A_2138 = arith.cmpi sge, %get3A_2130, %ge3A_2137 : vector<16xi32>
      %lt3A_2139 = vector.broadcast %add3A_4 : i32 to vector<16xi32>
      %lt3A_2140 = arith.cmpi slt, %get3A_2130, %lt3A_2139 : vector<16xi32>
      %and3A_2141 = arith.andi %ge3A_2138, %lt3A_2140 : vector<16xi1>
      %ne3A_2142 = arith.cmpi ne, %get3A_2130, %get3A_2132 : vector<16xi32>
      %and3A_2143 = arith.andi %and3A_2141, %ne3A_2142 : vector<16xi1>
      %gather3A_2144 = tpu.vector_load_idx %arg7[%sub3A_2136] masked %and3A_2143 : memref<25000xf32, #tpu.memory_space<vmem>>[vector<16xi32>], vector<16xf32>, vector<16xi1>
      %add3A_2145 = arith.addf %get3A_2134, %gather3A_2144 : vector<16xf32>
      tpu.vector_store_idx %arg7[%sub3A_2136], %add3A_2145 masked %and3A_2143 : memref<25000xf32, #tpu.memory_space<vmem>>[vector<16xi32>], vector<16xf32>, vector<16xi1>
      %get3A_2146 = arith.constant 1968 : index
      %get3A_2147 = tpu.vector_load %arg8[%get3A_2146] {strides = array<i32>} : memref<2064xi32, #tpu.memory_space<vmem>>, vector<16xi32>,
      %get3A_2148 = arith.constant 1969 : index
      %get3A_2149 = tpu.vector_load %arg8[%get3A_2148] {strides = array<i32>} : memref<2064xi32, #tpu.memory_space<vmem>>, vector<16xi32>,
      %get3A_2150 = arith.constant 1968 : index
      %get3A_2151 = tpu.vector_load %arg9[%get3A_2150] {strides = array<i32>} : memref<2048xf32, #tpu.memory_space<vmem>>, vector<16xf32>,
      %sub3A_2152 = vector.broadcast %multiple_of3A : i32 to vector<16xi32>
      %sub3A_2153 = arith.subi %get3A_2147, %sub3A_2152 : vector<16xi32>
      %ge3A_2154 = vector.broadcast %multiple_of3A : i32 to vector<16xi32>
      %ge3A_2155 = arith.cmpi sge, %get3A_2147, %ge3A_2154 : vector<16xi32>
      %lt3A_2156 = vector.broadcast %add3A_4 : i32 to vector<16xi32>
      %lt3A_2157 = arith.cmpi slt, %get3A_2147, %lt3A_2156 : vector<16xi32>
      %and3A_2158 = arith.andi %ge3A_2155, %lt3A_2157 : vector<16xi1>
      %ne3A_2159 = arith.cmpi ne, %get3A_2147, %get3A_2149 : vector<16xi32>
      %and3A_2160 = arith.andi %and3A_2158, %ne3A_2159 : vector<16xi1>
      %gather3A_2161 = tpu.vector_load_idx %arg7[%sub3A_2153] masked %and3A_2160 : memref<25000xf32, #tpu.memory_space<vmem>>[vector<16xi32>], vector<16xf32>, vector<16xi1>
      %add3A_2162 = arith.addf %get3A_2151, %gather3A_2161 : vector<16xf32>
      tpu.vector_store_idx %arg7[%sub3A_2153], %add3A_2162 masked %and3A_2160 : memref<25000xf32, #tpu.memory_space<vmem>>[vector<16xi32>], vector<16xf32>, vector<16xi1>
      %get3A_2163 = arith.constant 1984 : index
      %get3A_2164 = tpu.vector_load %arg8[%get3A_2163] {strides = array<i32>} : memref<2064xi32, #tpu.memory_space<vmem>>, vector<16xi32>,
      %get3A_2165 = arith.constant 1985 : index
      %get3A_2166 = tpu.vector_load %arg8[%get3A_2165] {strides = array<i32>} : memref<2064xi32, #tpu.memory_space<vmem>>, vector<16xi32>,
      %get3A_2167 = arith.constant 1984 : index
      %get3A_2168 = tpu.vector_load %arg9[%get3A_2167] {strides = array<i32>} : memref<2048xf32, #tpu.memory_space<vmem>>, vector<16xf32>,
      %sub3A_2169 = vector.broadcast %multiple_of3A : i32 to vector<16xi32>
      %sub3A_2170 = arith.subi %get3A_2164, %sub3A_2169 : vector<16xi32>
      %ge3A_2171 = vector.broadcast %multiple_of3A : i32 to vector<16xi32>
      %ge3A_2172 = arith.cmpi sge, %get3A_2164, %ge3A_2171 : vector<16xi32>
      %lt3A_2173 = vector.broadcast %add3A_4 : i32 to vector<16xi32>
      %lt3A_2174 = arith.cmpi slt, %get3A_2164, %lt3A_2173 : vector<16xi32>
      %and3A_2175 = arith.andi %ge3A_2172, %lt3A_2174 : vector<16xi1>
      %ne3A_2176 = arith.cmpi ne, %get3A_2164, %get3A_2166 : vector<16xi32>
      %and3A_2177 = arith.andi %and3A_2175, %ne3A_2176 : vector<16xi1>
      %gather3A_2178 = tpu.vector_load_idx %arg7[%sub3A_2170] masked %and3A_2177 : memref<25000xf32, #tpu.memory_space<vmem>>[vector<16xi32>], vector<16xf32>, vector<16xi1>
      %add3A_2179 = arith.addf %get3A_2168, %gather3A_2178 : vector<16xf32>
      tpu.vector_store_idx %arg7[%sub3A_2170], %add3A_2179 masked %and3A_2177 : memref<25000xf32, #tpu.memory_space<vmem>>[vector<16xi32>], vector<16xf32>, vector<16xi1>
      %get3A_2180 = arith.constant 2000 : index
      %get3A_2181 = tpu.vector_load %arg8[%get3A_2180] {strides = array<i32>} : memref<2064xi32, #tpu.memory_space<vmem>>, vector<16xi32>,
      %get3A_2182 = arith.constant 2001 : index
      %get3A_2183 = tpu.vector_load %arg8[%get3A_2182] {strides = array<i32>} : memref<2064xi32, #tpu.memory_space<vmem>>, vector<16xi32>,
      %get3A_2184 = arith.constant 2000 : index
      %get3A_2185 = tpu.vector_load %arg9[%get3A_2184] {strides = array<i32>} : memref<2048xf32, #tpu.memory_space<vmem>>, vector<16xf32>,
      %sub3A_2186 = vector.broadcast %multiple_of3A : i32 to vector<16xi32>
      %sub3A_2187 = arith.subi %get3A_2181, %sub3A_2186 : vector<16xi32>
      %ge3A_2188 = vector.broadcast %multiple_of3A : i32 to vector<16xi32>
      %ge3A_2189 = arith.cmpi sge, %get3A_2181, %ge3A_2188 : vector<16xi32>
      %lt3A_2190 = vector.broadcast %add3A_4 : i32 to vector<16xi32>
      %lt3A_2191 = arith.cmpi slt, %get3A_2181, %lt3A_2190 : vector<16xi32>
      %and3A_2192 = arith.andi %ge3A_2189, %lt3A_2191 : vector<16xi1>
      %ne3A_2193 = arith.cmpi ne, %get3A_2181, %get3A_2183 : vector<16xi32>
      %and3A_2194 = arith.andi %and3A_2192, %ne3A_2193 : vector<16xi1>
      %gather3A_2195 = tpu.vector_load_idx %arg7[%sub3A_2187] masked %and3A_2194 : memref<25000xf32, #tpu.memory_space<vmem>>[vector<16xi32>], vector<16xf32>, vector<16xi1>
      %add3A_2196 = arith.addf %get3A_2185, %gather3A_2195 : vector<16xf32>
      tpu.vector_store_idx %arg7[%sub3A_2187], %add3A_2196 masked %and3A_2194 : memref<25000xf32, #tpu.memory_space<vmem>>[vector<16xi32>], vector<16xf32>, vector<16xi1>
      %get3A_2197 = arith.constant 2016 : index
      %get3A_2198 = tpu.vector_load %arg8[%get3A_2197] {strides = array<i32>} : memref<2064xi32, #tpu.memory_space<vmem>>, vector<16xi32>,
      %get3A_2199 = arith.constant 2017 : index
      %get3A_2200 = tpu.vector_load %arg8[%get3A_2199] {strides = array<i32>} : memref<2064xi32, #tpu.memory_space<vmem>>, vector<16xi32>,
      %get3A_2201 = arith.constant 2016 : index
      %get3A_2202 = tpu.vector_load %arg9[%get3A_2201] {strides = array<i32>} : memref<2048xf32, #tpu.memory_space<vmem>>, vector<16xf32>,
      %sub3A_2203 = vector.broadcast %multiple_of3A : i32 to vector<16xi32>
      %sub3A_2204 = arith.subi %get3A_2198, %sub3A_2203 : vector<16xi32>
      %ge3A_2205 = vector.broadcast %multiple_of3A : i32 to vector<16xi32>
      %ge3A_2206 = arith.cmpi sge, %get3A_2198, %ge3A_2205 : vector<16xi32>
      %lt3A_2207 = vector.broadcast %add3A_4 : i32 to vector<16xi32>
      %lt3A_2208 = arith.cmpi slt, %get3A_2198, %lt3A_2207 : vector<16xi32>
      %and3A_2209 = arith.andi %ge3A_2206, %lt3A_2208 : vector<16xi1>
      %ne3A_2210 = arith.cmpi ne, %get3A_2198, %get3A_2200 : vector<16xi32>
      %and3A_2211 = arith.andi %and3A_2209, %ne3A_2210 : vector<16xi1>
      %gather3A_2212 = tpu.vector_load_idx %arg7[%sub3A_2204] masked %and3A_2211 : memref<25000xf32, #tpu.memory_space<vmem>>[vector<16xi32>], vector<16xf32>, vector<16xi1>
      %add3A_2213 = arith.addf %get3A_2202, %gather3A_2212 : vector<16xf32>
      tpu.vector_store_idx %arg7[%sub3A_2204], %add3A_2213 masked %and3A_2211 : memref<25000xf32, #tpu.memory_space<vmem>>[vector<16xi32>], vector<16xf32>, vector<16xi1>
      %get3A_2214 = arith.constant 2032 : index
      %get3A_2215 = tpu.vector_load %arg8[%get3A_2214] {strides = array<i32>} : memref<2064xi32, #tpu.memory_space<vmem>>, vector<16xi32>,
      %get3A_2216 = arith.constant 2033 : index
      %get3A_2217 = tpu.vector_load %arg8[%get3A_2216] {strides = array<i32>} : memref<2064xi32, #tpu.memory_space<vmem>>, vector<16xi32>,
      %get3A_2218 = arith.constant 2032 : index
      %get3A_2219 = tpu.vector_load %arg9[%get3A_2218] {strides = array<i32>} : memref<2048xf32, #tpu.memory_space<vmem>>, vector<16xf32>,
      %sub3A_2220 = vector.broadcast %multiple_of3A : i32 to vector<16xi32>
      %sub3A_2221 = arith.subi %get3A_2215, %sub3A_2220 : vector<16xi32>
      %ge3A_2222 = vector.broadcast %multiple_of3A : i32 to vector<16xi32>
      %ge3A_2223 = arith.cmpi sge, %get3A_2215, %ge3A_2222 : vector<16xi32>
      %lt3A_2224 = vector.broadcast %add3A_4 : i32 to vector<16xi32>
      %lt3A_2225 = arith.cmpi slt, %get3A_2215, %lt3A_2224 : vector<16xi32>
      %and3A_2226 = arith.andi %ge3A_2223, %lt3A_2225 : vector<16xi1>
      %ne3A_2227 = arith.cmpi ne, %get3A_2215, %get3A_2217 : vector<16xi32>
      %and3A_2228 = arith.andi %and3A_2226, %ne3A_2227 : vector<16xi1>
      %gather3A_2229 = tpu.vector_load_idx %arg7[%sub3A_2221] masked %and3A_2228 : memref<25000xf32, #tpu.memory_space<vmem>>[vector<16xi32>], vector<16xf32>, vector<16xi1>
      %add3A_2230 = arith.addf %get3A_2219, %gather3A_2229 : vector<16xf32>
      tpu.vector_store_idx %arg7[%sub3A_2221], %add3A_2230 masked %and3A_2228 : memref<25000xf32, #tpu.memory_space<vmem>>[vector<16xi32>], vector<16xf32>, vector<16xi1>
    }
    "tpu.region"() ({
      %run_scoped3A = tpu.sem_alloc : memref<!tpu.dma_semaphore, #tpu.memory_space<semaphore_mem>>
      %dma_start3A_45 = tpu.memref_slice %arg6[%multiple_of3A] : memref<800000xf32, #tpu.memory_space<hbm>> -> memref<25000xf32, #tpu.memory_space<hbm>>
      %dma_start3A_46 = tpu.memref_slice %arg6[%multiple_of3A] : memref<800000xf32, #tpu.memory_space<hbm>> -> memref<25000xf32, #tpu.memory_space<hbm>>
      tpu.enqueue_dma source(%arg7 : memref<25000xf32, #tpu.memory_space<vmem>>) target(%dma_start3A_46 : memref<25000xf32, #tpu.memory_space<hbm>>) target_semaphore(%run_scoped3A : memref<!tpu.dma_semaphore, #tpu.memory_space<semaphore_mem>>)
      %dma_wait3A_47 = tpu.memref_slice %arg6[%multiple_of3A] : memref<800000xf32, #tpu.memory_space<hbm>> -> memref<25000xf32, #tpu.memory_space<hbm>>
      %dma_wait3A_48 = tpu.memref_slice %arg6[%multiple_of3A] : memref<800000xf32, #tpu.memory_space<hbm>> -> memref<25000xf32, #tpu.memory_space<hbm>>
      tpu.wait_dma2 semaphore(%run_scoped3A : memref<!tpu.dma_semaphore, #tpu.memory_space<semaphore_mem>>) src(%arg7 : memref<25000xf32, #tpu.memory_space<vmem>>) dst(%dma_wait3A_48 : memref<25000xf32, #tpu.memory_space<hbm>>)
      tpu.yield
    }) : () -> ()
    return
  }
}

module attributes {stable_mosaic.version = 14 : i64} {
  func.func @_dense_body(%arg0: i32, %arg1: memref<64x16384xf32, #tpu.memory_space<vmem>>, %arg2: memref<64x17xf32, #tpu.memory_space<vmem>>, %arg3: memref<16x2xf32, #tpu.memory_space<vmem>>, %arg4: memref<16x128xf32, #tpu.memory_space<vmem>>, %arg5: memref<129x1xf32, #tpu.memory_space<vmem>>, %arg6: memref<128x1xf32, #tpu.memory_space<vmem>>, %arg7: memref<1x16384xf32, #tpu.memory_space<vmem>>) attributes {dimension_semantics = [#tpu.dimension_semantics<arbitrary>], iteration_bounds = array<i64: 13>, scalar_prefetch = 0 : i64, scratch_operands = 0 : i64, tpu.core_type = #tpu.core_type<tc>, window_params = [{transform_indices = @transform_0, window_bounds = array<i64: 64, 16384>}, {pipeline_mode = #tpu.pipeline_mode<synchronous>, transform_indices = @transform_1, window_bounds = array<i64: 64, 17>}, {pipeline_mode = #tpu.pipeline_mode<synchronous>, transform_indices = @transform_2, window_bounds = array<i64: 16, 2>}, {pipeline_mode = #tpu.pipeline_mode<synchronous>, transform_indices = @transform_3, window_bounds = array<i64: 16, 128>}, {pipeline_mode = #tpu.pipeline_mode<synchronous>, transform_indices = @transform_4, window_bounds = array<i64: 129, 1>}, {pipeline_mode = #tpu.pipeline_mode<synchronous>, transform_indices = @transform_5, window_bounds = array<i64: 128, 1>}, {transform_indices = @transform_6, window_bounds = array<i64: 1, 16384>}]} {
    %get3A = arith.constant 0 : index
    %get3A_0 = arith.constant 0 : index
    %get3A_1 = vector.load %arg1[%get3A, %get3A_0] : memref<64x16384xf32, #tpu.memory_space<vmem>>, vector<64x16384xf32>
    %get3A_2 = arith.constant 0 : index
    %get3A_3 = arith.constant 0 : index
    %get3A_4 = vector.load %arg2[%get3A_2, %get3A_3] : memref<64x17xf32, #tpu.memory_space<vmem>>, vector<64x17xf32>
    %dot_general3A = arith.constant dense<0.000000e+00> : vector<17x16384xf32>
    %dot_general3A_5 = tpu.matmul %get3A_4, %get3A_1, %dot_general3A {dimension_numbers = #tpu.dot_dimension_numbers<[0], [0], [1], [1], [0, 1, 1, 1], [], []>, transpose_lhs_hint = false} : vector<64x17xf32>, vector<64x16384xf32>, vector<17x16384xf32> -> vector<17x16384xf32>
    %slice3A = vector.extract_strided_slice %dot_general3A_5 {offsets = [0, 0], sizes = [16, 16384], strides = [1, 1]} : vector<17x16384xf32> to vector<16x16384xf32>
    %slice3A_6 = vector.extract_strided_slice %dot_general3A_5 {offsets = [16, 0], sizes = [1, 16384], strides = [1, 1]} : vector<17x16384xf32> to vector<1x16384xf32>
    %add3A = arith.constant 9.99999997E-7 : f32
    %add3A_7 = vector.broadcast %add3A : f32 to vector<1x16384xf32>
    %add3A_8 = arith.addf %slice3A_6, %add3A_7 : vector<1x16384xf32>
    %div3A = arith.constant 1.000000e+00 : f32
    %div3A_9 = vector.broadcast %div3A : f32 to vector<1x16384xf32>
    %div3A_10 = arith.divf %div3A_9, %add3A_8 : vector<1x16384xf32>
    %mul3A = vector.broadcast %div3A_10 : vector<1x16384xf32> to vector<16x16384xf32>
    %mul3A_11 = arith.mulf %slice3A, %mul3A : vector<16x16384xf32>
    %reduce_sum3A = arith.constant dense<0.000000e+00> : vector<16384xf32>
    %reduce_sum3A_12 = vector.multi_reduction <add>, %mul3A_11, %reduce_sum3A [0] : vector<16x16384xf32> to vector<16384xf32>
    %broadcast_in_dim3A = vector.shape_cast %reduce_sum3A_12 : vector<16384xf32> to vector<1x16384xf32>
    %div3A_13 = arith.constant 1.600000e+01 : f32
    %div3A_14 = vector.broadcast %div3A_13 : f32 to vector<1x16384xf32>
    %div3A_15 = arith.divf %broadcast_in_dim3A, %div3A_14 : vector<1x16384xf32>
    %sub3A = vector.broadcast %div3A_15 : vector<1x16384xf32> to vector<16x16384xf32>
    %sub3A_16 = arith.subf %mul3A_11, %sub3A : vector<16x16384xf32>
    %sub3A_17 = vector.broadcast %div3A_15 : vector<1x16384xf32> to vector<16x16384xf32>
    %sub3A_18 = arith.subf %mul3A_11, %sub3A_17 : vector<16x16384xf32>
    %mul3A_19 = arith.mulf %sub3A_16, %sub3A_18 : vector<16x16384xf32>
    %reduce_sum3A_20 = arith.constant dense<0.000000e+00> : vector<16384xf32>
    %reduce_sum3A_21 = vector.multi_reduction <add>, %mul3A_19, %reduce_sum3A_20 [0] : vector<16x16384xf32> to vector<16384xf32>
    %broadcast_in_dim3A_22 = vector.shape_cast %reduce_sum3A_21 : vector<16384xf32> to vector<1x16384xf32>
    %div3A_23 = arith.constant 1.600000e+01 : f32
    %div3A_24 = vector.broadcast %div3A_23 : f32 to vector<1x16384xf32>
    %div3A_25 = arith.divf %broadcast_in_dim3A_22, %div3A_24 : vector<1x16384xf32>
    %get3A_26 = arith.constant 0 : index
    %get3A_27 = arith.constant 0 : index
    %get3A_28 = vector.load %arg3[%get3A_26, %get3A_27] : memref<16x2xf32, #tpu.memory_space<vmem>>, vector<16x2xf32>
    %sub3A_29 = vector.broadcast %div3A_15 : vector<1x16384xf32> to vector<16x16384xf32>
    %sub3A_30 = arith.subf %mul3A_11, %sub3A_29 : vector<16x16384xf32>
    %add3A_31 = arith.constant 9.99999974E-6 : f32
    %add3A_32 = vector.broadcast %add3A_31 : f32 to vector<1x16384xf32>
    %add3A_33 = arith.addf %div3A_25, %add3A_32 : vector<1x16384xf32>
    %rsqrt3A = math.rsqrt %add3A_33 : vector<1x16384xf32>
    %mul3A_34 = vector.broadcast %rsqrt3A : vector<1x16384xf32> to vector<16x16384xf32>
    %mul3A_35 = arith.mulf %sub3A_30, %mul3A_34 : vector<16x16384xf32>
    %slice3A_36 = vector.extract_strided_slice %get3A_28 {offsets = [0, 0], sizes = [16, 1], strides = [1, 1]} : vector<16x2xf32> to vector<16x1xf32>
    %mul3A_37 = vector.broadcast %slice3A_36 : vector<16x1xf32> to vector<16x16384xf32>
    %mul3A_38 = arith.mulf %mul3A_35, %mul3A_37 : vector<16x16384xf32>
    %slice3A_39 = vector.extract_strided_slice %get3A_28 {offsets = [0, 1], sizes = [16, 1], strides = [1, 1]} : vector<16x2xf32> to vector<16x1xf32>
    %add3A_40 = vector.broadcast %slice3A_39 : vector<16x1xf32> to vector<16x16384xf32>
    %add3A_41 = arith.addf %mul3A_38, %add3A_40 : vector<16x16384xf32>
    %max3A = arith.constant 0.000000e+00 : f32
    %max3A_42 = vector.broadcast %max3A : f32 to vector<16x16384xf32>
    %max3A_43 = arith.maximumf %add3A_41, %max3A_42 : vector<16x16384xf32>
    %get3A_44 = arith.constant 0 : index
    %get3A_45 = arith.constant 0 : index
    %get3A_46 = vector.load %arg4[%get3A_44, %get3A_45] : memref<16x128xf32, #tpu.memory_space<vmem>>, vector<16x128xf32>
    %dot_general3A_47 = arith.constant dense<0.000000e+00> : vector<128x16384xf32>
    %dot_general3A_48 = tpu.matmul %get3A_46, %max3A_43, %dot_general3A_47 {dimension_numbers = #tpu.dot_dimension_numbers<[0], [0], [1], [1], [0, 1, 1, 1], [], []>, transpose_lhs_hint = false} : vector<16x128xf32>, vector<16x16384xf32>, vector<128x16384xf32> -> vector<128x16384xf32>
    %get3A_49 = arith.constant 0 : index
    %get3A_50 = arith.constant 0 : index
    %get3A_51 = vector.load %arg5[%get3A_49, %get3A_50] : memref<129x1xf32, #tpu.memory_space<vmem>>, vector<129x1xf32>
    %slice3A_52 = vector.extract_strided_slice %get3A_51 {offsets = [0, 0], sizes = [128, 1], strides = [1, 1]} : vector<129x1xf32> to vector<128x1xf32>
    %add3A_53 = vector.broadcast %slice3A_52 : vector<128x1xf32> to vector<128x16384xf32>
    %add3A_54 = arith.addf %dot_general3A_48, %add3A_53 : vector<128x16384xf32>
    %max3A_55 = arith.constant 0.000000e+00 : f32
    %max3A_56 = vector.broadcast %max3A_55 : f32 to vector<128x16384xf32>
    %max3A_57 = arith.maximumf %add3A_54, %max3A_56 : vector<128x16384xf32>
    %get3A_58 = arith.constant 0 : index
    %get3A_59 = arith.constant 0 : index
    %get3A_60 = vector.load %arg6[%get3A_58, %get3A_59] : memref<128x1xf32, #tpu.memory_space<vmem>>, vector<128x1xf32>
    %dot_general3A_61 = arith.constant dense<0.000000e+00> : vector<1x16384xf32>
    %dot_general3A_62 = tpu.matmul %get3A_60, %max3A_57, %dot_general3A_61 {dimension_numbers = #tpu.dot_dimension_numbers<[0], [0], [1], [1], [0, 1, 1, 1], [], []>, transpose_lhs_hint = false} : vector<128x1xf32>, vector<128x16384xf32>, vector<1x16384xf32> -> vector<1x16384xf32>
    %slice3A_63 = vector.extract_strided_slice %get3A_51 {offsets = [128, 0], sizes = [1, 1], strides = [1, 1]} : vector<129x1xf32> to vector<1x1xf32>
    %add3A_64 = vector.broadcast %slice3A_63 : vector<1x1xf32> to vector<1x16384xf32>
    %add3A_65 = arith.addf %dot_general3A_62, %add3A_64 : vector<1x16384xf32>
    %swap3A = arith.constant 0 : index
    %swap3A_66 = arith.constant 0 : index
    %swap3A_67 = vector.load %arg7[%swap3A, %swap3A_66] : memref<1x16384xf32, #tpu.memory_space<vmem>>, vector<1x16384xf32>
    tpu.vector_store %arg7[%swap3A, %swap3A_66], %add3A_65 {strides = array<i32>} : memref<1x16384xf32, #tpu.memory_space<vmem>>, vector<1x16384xf32>,
    return
  }
  func.func @transform_0(%arg0: i32) -> (i32, i32) {
    %c0_i32 = arith.constant 0 : i32
    %c0_i32_0 = arith.constant 0 : i32
    return %c0_i32, %arg0 : i32, i32
  }
  func.func @transform_1(%arg0: i32) -> (i32, i32) {
    %c0_i32 = arith.constant 0 : i32
    %c0_i32_0 = arith.constant 0 : i32
    %c0_i32_1 = arith.constant 0 : i32
    return %c0_i32, %c0_i32_0 : i32, i32
  }
  func.func @transform_2(%arg0: i32) -> (i32, i32) {
    %c0_i32 = arith.constant 0 : i32
    %c0_i32_0 = arith.constant 0 : i32
    %c0_i32_1 = arith.constant 0 : i32
    return %c0_i32, %c0_i32_0 : i32, i32
  }
  func.func @transform_3(%arg0: i32) -> (i32, i32) {
    %c0_i32 = arith.constant 0 : i32
    %c0_i32_0 = arith.constant 0 : i32
    %c0_i32_1 = arith.constant 0 : i32
    return %c0_i32, %c0_i32_0 : i32, i32
  }
  func.func @transform_4(%arg0: i32) -> (i32, i32) {
    %c0_i32 = arith.constant 0 : i32
    %c0_i32_0 = arith.constant 0 : i32
    %c0_i32_1 = arith.constant 0 : i32
    return %c0_i32, %c0_i32_0 : i32, i32
  }
  func.func @transform_5(%arg0: i32) -> (i32, i32) {
    %c0_i32 = arith.constant 0 : i32
    %c0_i32_0 = arith.constant 0 : i32
    %c0_i32_1 = arith.constant 0 : i32
    return %c0_i32, %c0_i32_0 : i32, i32
  }
  func.func @transform_6(%arg0: i32) -> (i32, i32) {
    %c0_i32 = arith.constant 0 : i32
    %c0_i32_0 = arith.constant 0 : i32
    return %c0_i32, %arg0 : i32, i32
  }
}

</mosaic_0001>

<sc_bundles>
// kernel: kernel.4.cloned.1.call-start
scs
__scs_entry_jumppad:
0x0: {  	(pc) =	sbr.rel $0x88, $3  }
0x1: {  	(tag) =	ssettag $0x0;
	lr =	simm.s32 $0x1  }
0x2: {  	[smem:$0x3F95] =	sst lr;
	_ =	strace $0xD0000000  }
0x3: {  	_ = 	snop  }
0x4: {  	_ = 	snop  }
0x5: {  	_ = 	snop  }
0x6: {  	_ = 	snop  }
0x7: {  	_ = 	snop  }
__scs_overlays_trampoline_lowered:
0x8: {  	[smem:$0x3FA4] =	sst s0  }
0x9: {  	[smem:$0x3FA5] =	sst s1  }
0xa: {  	[smem:$0x3FA6] =	sst s2  }
0xb: {  	[smem:$0x3FA7] =	sst s3  }
0xc: {  	[smem:$0x3FA8] =	sst s4  }
0xd: {  	[smem:$0x3FA9] =	sst s5  }
0xe: {  	[smem:$0x3FAA] =	sst s6  }
0xf: {  	[smem:$0x3FAB] =	sst s7  }
0x10: {  	[smem:$0x3FAC] =	sst s8  }
0x11: {  	[smem:$0x3FAD] =	sst s9;
	s0 =	simm.s32 @!p0 $0x0  }
0x12: {  	s1 =	sld [smem:$0x3F93];
	s0 =	simm.s32 @p0 $0x1  }
0x13: {  	[smem:$0x3FAE] =	sst s0;
	s0 =	simm.s32 @!p1 $0x0  }
0x14: {  	s2 =	sld [smem:$0x3F92];
	s0 =	simm.s32 @p1 $0x1  }
0x15: {  	[smem:$0x3FAF] =	sst s0;
	s0 =	simm.s32 @!p2 $0x0  }
0x16: {  	s3 =	sld [smem:$0x3FDB];
	s0 =	simm.s32 @p2 $0x1  }
0x17: {  	s4 =	simm.s32 $0x1BF5;
	[smem:$0x3FB1] =	sst s0  }
0x18: {  	s0 =	sld [smem:$0x3F94];
	_ =	swait.ge [sflag:s4], $0x0  }
0x19: {  	s7 =	sld [smem:$0x3F95]  }
0x1a: {  	s8 =	sadd.s32 $0xFFFFE003, lr  }
0x1b: {  	s9 =	sadd.s32 $0xFFFFFEF7, lr;
	s5 =	simm.s32 $0xFFFFFFFF;
	p2 =	slt.u32 s8, $0xFFFFF086  }
0x1c: {  	p1 =	slt.u32 s9, $0xF7A;
	s5 =	simm.s32 @!p2 $0x0  }
0x1d: {  	s5 =	simm.s32 @p1 $0x1;
	p0 =	seq.s32 s7, s2  }
0x1e: {  	s7 =	smul.u32 @!p0 $0xF7A, s2;
	p2 =	seq.s32 @!p0 s5, $0x0  }
0x1f: {  	s9 =	smul.u32 $0xF7A, s1;
	s8 =	simm.s32 @!p0 $0x1BF5;
	p2 =	por !p2, p0  }
0x20: {  	[sflag:s8] =	ssyncset.s32 @!p0 $0xFFFFF086;
	s6 =	sadd.s32 @!p0 s3, s7;
	s7 =	simm.s32 @!p0 $0x108  }
0x21: {  	s3 =	sadd.s32 s3, s9;
	s6 =	sadd.s32 @!p0 $0x88, s6;
	s7 =	simm.s32 @p2 $0x1082  }
0x22: {  	[simem:s7], [sflag:s8] =	dma.local @!p0 [hbm:s6], $0xF7A  }
0x23: {  	s9 =	sor.u32 $0xD0000000, s2;
	s6 =	simm.s32 $0x108;
	_ =	swait.ge @!p0 [sflag:s8], $0x0  }
0x24: {  	s3 =	sadd.s32 $0x88, s3;
	s6 =	simm.s32 @!p1 $0x1082;
	[sflag:s4] =	ssyncset.s32 $0xFFFFF086  }
0x25: {  	[simem:s6], [sflag:s4] =	dma.local [hbm:s3], $0xF7A  }
0x26: {  	[smem:$0x3F95] =	sst s1;
	(tag) =	ssettag s2;
	_ =	strace s9  }
0x27: {  	s1 =	sld [smem:$0x3FA5]  }
0x28: {  	s2 =	sld [smem:$0x3FA6]  }
0x29: {  	s4 =	sld [smem:$0x3FA8]  }
0x2a: {  	p0 =	seq.s32 s5, $0x0;
	s5 =	sld [smem:$0x3FA9]  }
0x2b: {  	s6 =	sld [smem:$0x3FAA]  }
0x2c: {  	s7 =	sld [smem:$0x3FAB]  }
0x2d: {  	s3 =	simm.s32 $0x108;
	s8 =	sld [smem:$0x3FAC]  }
0x2e: {  	s3 =	simm.s32 @!p0 $0x1082;
	s9 =	sld [smem:$0x3FAD]  }
0x2f: {  	lr =	sadd.s32 s0, s3;
	s0 =	sld [smem:$0x3FA4]  }
0x30: {  	s3 =	sld [smem:$0x3FA7]  }
0x31: {  	[smem:$0x3FB0] =	sst s10  }
0x32: {  	s10 =	sld [smem:$0x3FAE];
	_ =	sdelay $0x3  }
0x33: {  	p0 =	seq.s32 s10, $0x1;
	s10 =	sld [smem:$0x3FB0];
	_ =	sdelay $0x3  }
0x34: {  	[smem:$0x3FB0] =	sst s10  }
0x35: {  	s10 =	sld [smem:$0x3FAF];
	_ =	sdelay $0x3  }
0x36: {  	p1 =	seq.s32 s10, $0x1;
	s10 =	sld [smem:$0x3FB0];
	_ =	sdelay $0x3  }
0x37: {  	[smem:$0x3FB0] =	sst s10  }
0x38: {  	s10 =	sld [smem:$0x3FB1]  }
0x39: {  	_ = 	snop;
	(pc) =	sbr.ind lr, $3  }
0x3a: {  	_ = 	snop  }
0x3b: {  	_ = 	snop  }
0x3c: {  	p2 =	seq.s32 s10, $0x1;
	s10 =	sld [smem:$0x3FB0]  }
0x3d: {  	_ =	shalt  }
0x3e: {  	_ =	shalt  }
0x3f: {  	_ =	shalt  }
0x40: {  	_ =	shalt  }
0x41: {  	_ =	shalt  }
0x42: {  	_ =	shalt  }
0x43: {  	_ =	shalt  }
0x44: {  	_ =	shalt  }
0x45: {  	_ =	shalt  }
0x46: {  	_ =	shalt  }
0x47: {  	_ =	shalt  }
0x48: {  	_ =	shalt  }
0x49: {  	_ =	shalt  }
0x4a: {  	_ =	shalt  }
0x4b: {  	_ =	shalt  }
0x4c: {  	_ =	shalt  }
0x4d: {  	_ =	shalt  }
0x4e: {  	_ =	shalt  }
0x4f: {  	_ =	shalt  }
0x50: {  	_ =	shalt  }
0x51: {  	_ =	shalt  }
0x52: {  	_ =	shalt  }
0x53: {  	_ =	shalt  }
0x54: {  	_ =	shalt  }
0x55: {  	_ =	shalt  }
0x56: {  	_ =	shalt  }
0x57: {  	_ =	shalt  }
0x58: {  	_ =	shalt  }
0x59: {  	_ =	shalt  }
0x5a: {  	_ =	shalt  }
0x5b: {  	_ =	shalt  }
0x5c: {  	_ =	shalt  }
0x5d: {  	_ =	shalt  }
0x5e: {  	_ =	shalt  }
0x5f: {  	_ =	shalt  }
0x60: {  	_ =	shalt  }
0x61: {  	_ =	shalt  }
0x62: {  	_ =	shalt  }
0x63: {  	_ =	shalt  }
0x64: {  	_ =	shalt  }
0x65: {  	_ =	shalt  }
0x66: {  	_ =	shalt  }
0x67: {  	_ =	shalt  }
0x68: {  	_ =	shalt  }
0x69: {  	_ =	shalt  }
0x6a: {  	_ =	shalt  }
0x6b: {  	_ =	shalt  }
0x6c: {  	_ =	shalt  }
0x6d: {  	_ =	shalt  }
0x6e: {  	_ =	shalt  }
0x6f: {  	_ =	shalt  }
0x70: {  	_ =	shalt  }
0x71: {  	_ =	shalt  }
0x72: {  	_ =	shalt  }
0x73: {  	_ =	shalt  }
0x74: {  	_ =	shalt  }
0x75: {  	_ =	shalt  }
0x76: {  	_ =	shalt  }
0x77: {  	_ =	shalt  }
0x78: {  	_ =	shalt  }
0x79: {  	_ =	shalt  }
0x7a: {  	_ =	shalt  }
0x7b: {  	_ =	shalt  }
0x7c: {  	_ =	shalt  }
0x7d: {  	_ =	shalt  }
0x7e: {  	_ =	shalt  }
0x7f: {  	_ =	shalt  }
0x80: {  	_ =	shalt  }
0x81: {  	_ =	shalt  }
0x82: {  	_ =	shalt  }
0x83: {  	_ =	shalt  }
0x84: {  	_ =	shalt  }
0x85: {  	_ =	shalt  }
0x86: {  	_ =	shalt  }
0x87: {  	_ =	shalt  }
.Lfunc_end0:
.L_simem_size_0:
called_computation_lowered:
.L_overlay_start_0:
0x88: {  	s2 =	sld [smem:$0x3FD9]  }
0x89: {  	s3 =	sld [smem:$0x3FFE];
	_ =	sdelay $0x1  }
0x8a: {  	s1 =	srdreg.scid  }
0x8b: {  	s0 =	sand.u32 $0x1, s1  }
0x8c: {  	s17 =	sshll.u32 s0, $0xA;
	s2 =	sadd.s32 s3, s2  }
0x8d: {  	s2 =	sadd.s32 s2, s17  }
0x8e: {  	[smem:$0x3FBC] =	sst s2  }
0x8f: {  	_ = 	snop  }
0x90: {  	s2 =	sld [smem:$0x3FBE]  }
0x91: {  	s18 =	sld [smem:$0x3FD0];
	(tm) =	ssettm $0x1  }
0x92: {  	s4 =	sld [smem:$0x3FFB];
	_ =	sdelay $0x3  }
0x93: {  	_ =	strace s4  }
0x94: {  	s4 =	sld [smem:$0x3FFC];
	_ =	sdelay $0x3  }
0x95: {  	_ =	strace s4  }
0x96: {  	s4 =	sld [smem:$0x3FFD];
	_ =	sdelay $0x3  }
0x97: {  	_ =	strace s4  }
0x98: {  	_ =	strace $0x8FFFFFFF  }
0x99: {  	s19 =	sld [smem:$0x3FDB];
	_ =	sdelay $0x1  }
0x9a: {  	s5 =	simm.s32 $_scs_section_size  }
0x9b: {  	s6 =	simm.s32 $_size__tile_overlayer_lowered;
	s7 =	simm.s32 $_tile_overlayer_lowered  }
0x9c: {  	s22 =	simm.s32 $0x1BFF;
	s21 =	sshll.u32 s7, $0x1;
	s4 =	sadd.s32 s5, s19  }
0x9d: {  	s8 =	simm.s32 $0x0;
	s20 =	sshll.u32 s6, $0x1;
	s6 =	sadd.s32 s21, s4  }
0x9e: {  	[timem:s8], [sflag:s22] =	dma.local [hbm:s6], s20  }
0x9f: {  	_ =	swait.ge [sflag:s22], s20  }
0xa0: {  	s5 =	ssub.s32 $0x0, s20;
	[sflag:s22] =	ssyncset.done $0x0  }
0xa1: {  	[sflag:s22] =	ssyncadd.s32 s5;
	_ =	sdelay $0x1  }
0xa2: {  	s23 =	simm.s32 $0x1B8B  }
0xa3: {  	_ =	swait.ge [sflag:s23], $0x1  }
0xa4: {  	[sflag:s23] =	ssyncset.done $0x0  }
0xa5: {  	s25 =	simm.s32 $0x1B8E;
	s24 =	sld [smem:$0x3FFE];
	[sflag:s23] =	ssyncadd.s32 $0xFFFFFFFF  }
0xa6: {  	s26 =	simm.s32 $execute0_lowered;
	[smem:$0x3FD2] =	sst s25  }
0xa7: {  	s6 =	sshll.u32 s26, $0x1;
	_ =	strace $0x80000046;
	[dreg:$0x1] =	wrdreg $0xFFFFFFFF  }
0xa8: {  	s28 =	simm.s32 $_size_execute0_lowered;
	s4 =	sadd.s32 s4, s6;
	[dreg:$0x0] =	wrdreg $0x0  }
0xa9: {  	s6 =	sshll.u32 s28, $0x1;
	[dreg:$0x2] =	wrdreg s4  }
0xaa: {  	[dreg:$0x3] =	wrdreg s6  }
0xab: {  	[dreg:$0x4] =	wrdreg $0xC0  }
0xac: {  	_ =	task [dreg:s8], $0x5FFFF  }
0xad: {  	[dreg:$0x1] =	wrdreg $0xFFFFFFFF  }
0xae: {  	[dreg:$0x0] =	wrdreg $0x60  }
0xaf: {  	[dreg:$0x2] =	wrdreg s18  }
0xb0: {  	[dreg:$0x3] =	wrdreg s24  }
0xb1: {  	[dreg:$0x4] =	wrdreg s2  }
0xb2: {  	[dreg:$0x5] =	wrdreg $0x9  }
0xb3: {  	_ =	task.clear_ibuf [dreg:s8], $0x6FFFF;
	_ =	strace $0x90000046  }
0xb4: {  	s29 =	simm.s32 $0x9;
	_ =	strace $0x80000048  }
0xb5: {  	_ =	swait.ge [sflag:s29], $0x1  }
0xb6: {  	[sflag:s29] =	ssyncadd.s32 $0xFFFFFFFF  }
0xb7: {  	_ =	strace $0x90000048  }
0xb8: {  	_ =	sfence  }
0xb9: {  	s30 =	sld [smem:$0x0];
	_ =	sdelay $0x2  }
0xba: {  	s31 =	sshll.u32 s1, $0xD;
	s1 =	sshrl.u32 s1, $0x2  }
0xbb: {  	s3 =	sand.u32 $0x4000, s31;
	s1 =	sadd.s32 s1, s30  }
0xbc: {  	s0 =	sor.u32 s3, s0;
	s1 =	sshll.u32 s1, $0x11  }
0xbd: {  	s0 =	sor.u32 s1, s0  }
0xbe: {  	s0 =	sadd.s32 $0x8F2B, s0  }
0xbf: {  	[sflag:s0] =	ssyncadd.remote.s32 $0x1  }
0xc0: {  	_ =	sfence.sel $0xFFFF  }
0xc1: {  	[dreg:$0x0] =	wrdreg $0xFFFFFFFF;
	(pc) =	sbr.abs _section_cstart, $3  }
0xc2: {  	[dreg:$0x1] =	wrdreg $0xFFFFFFFF  }
0xc3: {  	_ =	task.clear_ibuf [dreg:s8], $0x2FFFF;
	_ =	strace $0x9FFFFFFF  }
0xc4: {  	(tm) =	ssettm $0x7FFFFFFF  }
0xc5: {  	_ =	shalt  }
tec
execute0_lowered:
.L_overlay_start_1:
0x0: {  	(tag) =	ssettag $0x1  }
0x1: {  	s0 =	srdreg.scid  }
0x2: {  	s7 =	sand.u32 $0x1, s0  }
0x3: {  	s0 =	stileid.u32;
	s1 =	sshll.u32 s7, $0x4  }
0x4: {  	s3 =	rddreg [dreg:$0x0];
	s2 =	sor.u32 s0, s1  }
0x5: {  	s4 =	rddreg [dreg:$0x1];
	s15 =	smul.u32 $0x61A8, s2  }
0x6: {  	s8 =	rddreg [dreg:$0x2];
	s5 =	simm.s32 $0x0  }
0x7: {  	s12 =	simm.s32 $0x1;
	s13 =	simm.s32 $0x3;
	s6 =	smulhi.u32 $0xA7C5B, s15  }
0x8: {  	s14 =	simm.s32 $0x6200;
	s17 =	simm.s32 $0x0;
	[smem:$0x7FF] =	sst s5  }
0x9: {  	s7 =	ssub.s32 $0x2, s7;
	s1 =	rddreg [dreg:$0x3];
	s6 =	sshrl.u32 s6, $0x3  }
0xa: {  	_ =	strace $0x80000047;
	s11 =	sshrl.u32 s7, $0x1;
	s9 =	smul.u32 $0xC350, s6  }
.Ltmp0:
0xb: {  	s10 =	sshrl.u32 s15, $0x3;
	s16 =	sadd.s32 $0x61A8, s15;
	(pc) =	sbr.rel .LBB2_1-.Ltmp0, $4  }
0xc: {  	s11 =	ssub.s32 s7, s11;
	s10 =	sadd.s32 s10, s4;
	v1 =	vmov s16;
	s16 =	simm.s32 $0x2  }
0xd: {  	v0 =	vmov s15;
	s6 =	sadd.s32 $0x200, s4;
	s9 =	ssub.s32 s15, s9;
	s15 =	simm.s32 $0x6A80  }
0xe: {  	s31 =	sshrl.u32 s9, $0x3;
	s9 =	smax.u32 s11, $0x1;
	s11 =	simm.s32 $0x4  }
0xf: {  	s7 =	sadd.s32 s8, s31;
	s8 =	sadd.s32 $0x6A00, s10;
	s10 =	simm.s32 $0x7280  }
.LBB2_3:
0x10: {  	s17 =	sadd.s32 $0x1, s17  }
0x11: {  	p0 =	sne.s32 s17, s9  }
.Ltmp1:
0x12: {  	_ = 	snop;
	(pc) =	sbr.rel @!p0 .LBB2_4-.Ltmp1, $4  }
0x13: {  	[hbm4b:s8+s5] =	stream.linear.scatter [tilespmem:s5], [sflag:$0x4], $0x61A8, $0x38;
	[tilespmem:$0x7300] =	vst v63  }
0x14: {  	_ =	swait.ge [sflag:s11], $0x61A8  }
0x15: {  	[sflag:s11] =	ssyncset.done $0x0  }
0x16: {  	[sflag:s11] =	ssyncadd.s32 $0xFFFF9E58  }
.LBB2_1:
0x17: {  	[tilespmem:s5], [sflag:$0x3] =	stream.linear.gather [hbm4b:s7+s5], $0x61A8, $0x38;
	[tilespmem:$0x7300] =	vst v63  }
0x18: {  	_ = 	snop  }
0x19: {  	[tilespmem:s10], [sflag:$0x4] =	stream.linear.gather [hbm4b:s4+s5], $0x80, $0x38;
	[tilespmem:$0x7300] =	vst v63  }
0x1a: {  	_ =	swait.ge [sflag:s11], $0x80  }
0x1b: {  	[sflag:s11] =	ssyncset.done $0x0  }
0x1c: {  	[sflag:s11] =	ssyncadd.s32 $0xFFFFFF80  }
0x1d: {  	v2 =	vld [tilespmem:s2+$0x7280];
	_ =	sdelay $0x4  }
0x1e: {  	(v2sf) =	vpush v2, $0x0;
	_ =	sdelay $0x3  }
0x1f: {  	(v2sf) =	vpush v2, $0x1;
	_ =	sdelay $0xa  }
0x20: {  	s18 =	spop (v2sf)  }
0x21: {  	s19 =	sshra.s32 s18, $0x1F  }
0x22: {  	s19 =	sshrl.u32 s19, $0x1D  }
0x23: {  	s18 =	sadd.s32 s19, s18  }
0x24: {  	s30 =	spop (v2sf);
	s18 =	sand.u32 $0xFFFFFFF8, s18  }
0x25: {  	s19 =	ssub.s32 s30, s18  }
0x26: {  	s19 =	sadd.s32 $0x7FF, s19  }
0x27: {  	s20 =	sand.u32 $0x7FF, s19  }
0x28: {  	s31 =	sshra.s32 s19, $0x1F;
	p1 =	slt.s32 s19, $0x1;
	p0 =	sne.s32 s20, $0x0  }
0x29: {  	s20 =	sshrl.u32 s31, $0x15;
	p0 =	por !p1, !p0  }
0x2a: {  	s19 =	sadd.s32 s20, s19;
	s20 =	simm.s32 $0x1;
	p0 =	por !p0, !p0  }
0x2b: {  	s19 =	sshra.s32 s19, $0xB;
	s20 =	simm.s32 @!p0 $0x0  }
0x2c: {  	s19 =	ssub.s32 s19, s20  }
0x2d: {  	p0 =	slt.s32 s19, $0x1  }
.Ltmp2:
0x2e: {  	_ = 	snop;
	(pc) =	sbr.rel @p0 .LBB2_3-.Ltmp2, $4  }
0x2f: {  	_ = 	snop  }
0x30: {  	_ =	swait.ge [sflag:s13], $0x61A8  }
0x31: {  	[sflag:s13] =	ssyncset.done $0x0  }
0x32: {  	[sflag:s13] =	ssyncadd.s32 $0xFFFF9E58  }
.LBB2_2:
0x33: {  	s20 =	sshrl.u32 s18, $0x3  }
0x34: {  	s21 =	sadd.s32 s3, s20  }
0x35: {  	[tilespmem:s14], [sflag:$0x1] =	stream.linear.gather [hbm4b:s21+s5], $0x810, $0x38;
	[tilespmem:$0x7300] =	vst v63  }
0x36: {  	s20 =	sadd.s32 s6, s20  }
0x37: {  	[tilespmem:s15], [sflag:$0x2] =	stream.linear.gather [hbm4b:s20+s5], $0x800, $0x38;
	[tilespmem:$0x7300] =	vst v63  }
0x38: {  	_ =	swait.ge [sflag:s12], $0x810  }
0x39: {  	[sflag:s12] =	ssyncset.done $0x0  }
0x3a: {  	[sflag:s12] =	ssyncadd.s32 $0xFFFFF7F0  }
0x3b: {  	_ =	swait.ge [sflag:s16], $0x800  }
0x3c: {  	[sflag:s16] =	ssyncset.done $0x0  }
0x3d: {  	[sflag:s16] =	ssyncadd.s32 $0xFFFFF800  }
0x3e: {  	v2 =	vld [tilespmem:$0x6200]  }
0x3f: {  	v3 =	vld [tilespmem:$0x6201];
	_ =	sdelay $0x3  }
0x40: {  	vm0 =	vge.s32 v2, v0;
	vm1 =	vlt.s32 v2, v1  }
0x41: {  	vm6 =	vne.s32 v2, v3;
	vm0 =	vmand vm0, vm1  }
0x42: {  	vm0 =	vmand vm0, vm6  }
0x43: {  	v2 =	vsub.s32 v2, v0;
	_ =	sdelay $0x3  }
0x44: {  	v3 =	vld [tilespmem:$0x6A80]  }
0x45: {  	v4 =	vld.idx.msk [tilespmem:v2+s5+$0x0], vm0;
	_ =	sdelay $0x4  }
0x46: {  	v3 =	vadd.f32 v4, v3;
	_ =	sdelay $0x1  }
0x47: {  	[tilespmem:v2+s5+$0x0] =	vst.idx.msk vm0, v3  }
0x48: {  	v2 =	vld [tilespmem:$0x6210]  }
0x49: {  	v3 =	vld [tilespmem:$0x6211];
	_ =	sdelay $0x3  }
0x4a: {  	vm7 =	vge.s32 v2, v0;
	vm8 =	vlt.s32 v2, v1  }
0x4b: {  	vm9 =	vne.s32 v2, v3;
	vm0 =	vmand vm7, vm8  }
0x4c: {  	vm0 =	vmand vm0, vm9  }
0x4d: {  	v2 =	vsub.s32 v2, v0;
	_ =	sdelay $0x3  }
0x4e: {  	v3 =	vld [tilespmem:$0x6A90]  }
0x4f: {  	v49 =	vld.idx.msk [tilespmem:v2+s5+$0x0], vm0;
	_ =	sdelay $0x4  }
0x50: {  	v3 =	vadd.f32 v49, v3;
	_ =	sdelay $0x1  }
0x51: {  	[tilespmem:v2+s5+$0x0] =	vst.idx.msk vm0, v3  }
0x52: {  	v2 =	vld [tilespmem:$0x6220]  }
0x53: {  	v3 =	vld [tilespmem:$0x6221];
	_ =	sdelay $0x3  }
0x54: {  	vm10 =	vge.s32 v2, v0;
	vm11 =	vlt.s32 v2, v1  }
0x55: {  	vm12 =	vne.s32 v2, v3;
	vm0 =	vmand vm10, vm11  }
0x56: {  	vm0 =	vmand vm0, vm12  }
0x57: {  	v2 =	vsub.s32 v2, v0;
	_ =	sdelay $0x3  }
0x58: {  	v3 =	vld [tilespmem:$0x6AA0]  }
0x59: {  	v50 =	vld.idx.msk [tilespmem:v2+s5+$0x0], vm0;
	_ =	sdelay $0x4  }
0x5a: {  	v3 =	vadd.f32 v50, v3;
	_ =	sdelay $0x1  }
0x5b: {  	[tilespmem:v2+s5+$0x0] =	vst.idx.msk vm0, v3  }
0x5c: {  	v2 =	vld [tilespmem:$0x6230]  }
0x5d: {  	v3 =	vld [tilespmem:$0x6231];
	_ =	sdelay $0x3  }
0x5e: {  	vm13 =	vge.s32 v2, v0;
	vm14 =	vlt.s32 v2, v1  }
0x5f: {  	vm15 =	vne.s32 v2, v3;
	vm0 =	vmand vm13, vm14  }
0x60: {  	vm0 =	vmand vm0, vm15  }
0x61: {  	v2 =	vsub.s32 v2, v0;
	_ =	sdelay $0x3  }
0x62: {  	v3 =	vld [tilespmem:$0x6AB0]  }
0x63: {  	v51 =	vld.idx.msk [tilespmem:v2+s5+$0x0], vm0;
	_ =	sdelay $0x4  }
0x64: {  	v3 =	vadd.f32 v51, v3;
	_ =	sdelay $0x1  }
0x65: {  	[tilespmem:v2+s5+$0x0] =	vst.idx.msk vm0, v3  }
0x66: {  	v2 =	vld [tilespmem:$0x6240]  }
0x67: {  	v3 =	vld [tilespmem:$0x6241];
	_ =	sdelay $0x3  }
0x68: {  	vm4 =	vge.s32 v2, v0;
	vm5 =	vlt.s32 v2, v1  }
0x69: {  	vm6 =	vne.s32 v2, v3;
	vm0 =	vmand vm4, vm5  }
0x6a: {  	vm0 =	vmand vm0, vm6  }
0x6b: {  	v2 =	vsub.s32 v2, v0;
	_ =	sdelay $0x3  }
0x6c: {  	v3 =	vld [tilespmem:$0x6AC0]  }
0x6d: {  	v52 =	vld.idx.msk [tilespmem:v2+s5+$0x0], vm0;
	_ =	sdelay $0x4  }
0x6e: {  	v3 =	vadd.f32 v52, v3;
	_ =	sdelay $0x1  }
0x6f: {  	[tilespmem:v2+s5+$0x0] =	vst.idx.msk vm0, v3  }
0x70: {  	v2 =	vld [tilespmem:$0x6250]  }
0x71: {  	v3 =	vld [tilespmem:$0x6251];
	_ =	sdelay $0x3  }
0x72: {  	vm7 =	vge.s32 v2, v0;
	vm8 =	vlt.s32 v2, v1  }
0x73: {  	vm9 =	vne.s32 v2, v3;
	vm0 =	vmand vm7, vm8  }
0x74: {  	vm0 =	vmand vm0, vm9  }
0x75: {  	v2 =	vsub.s32 v2, v0;
	_ =	sdelay $0x3  }
0x76: {  	v3 =	vld [tilespmem:$0x6AD0]  }
0x77: {  	v53 =	vld.idx.msk [tilespmem:v2+s5+$0x0], vm0;
	_ =	sdelay $0x4  }
0x78: {  	v3 =	vadd.f32 v53, v3;
	_ =	sdelay $0x1  }
0x79: {  	[tilespmem:v2+s5+$0x0] =	vst.idx.msk vm0, v3  }
0x7a: {  	v2 =	vld [tilespmem:$0x6260]  }
0x7b: {  	v3 =	vld [tilespmem:$0x6261];
	_ =	sdelay $0x3  }
0x7c: {  	vm10 =	vge.s32 v2, v0;
	vm11 =	vlt.s32 v2, v1  }
0x7d: {  	vm12 =	vne.s32 v2, v3;
	vm0 =	vmand vm10, vm11  }
0x7e: {  	vm0 =	vmand vm0, vm12  }
0x7f: {  	v2 =	vsub.s32 v2, v0;
	_ =	sdelay $0x3  }
0x80: {  	v3 =	vld [tilespmem:$0x6AE0]  }
0x81: {  	v54 =	vld.idx.msk [tilespmem:v2+s5+$0x0], vm0;
	_ =	sdelay $0x4  }
0x82: {  	v3 =	vadd.f32 v54, v3;
	_ =	sdelay $0x1  }
0x83: {  	[tilespmem:v2+s5+$0x0] =	vst.idx.msk vm0, v3  }
0x84: {  	v2 =	vld [tilespmem:$0x6270]  }
0x85: {  	v3 =	vld [tilespmem:$0x6271];
	_ =	sdelay $0x3  }
0x86: {  	vm13 =	vge.s32 v2, v0;
	vm14 =	vlt.s32 v2, v1  }
0x87: {  	vm15 =	vne.s32 v2, v3;
	vm0 =	vmand vm13, vm14  }
0x88: {  	vm0 =	vmand vm0, vm15  }
0x89: {  	v2 =	vsub.s32 v2, v0;
	_ =	sdelay $0x3  }
0x8a: {  	v3 =	vld [tilespmem:$0x6AF0]  }
0x8b: {  	v55 =	vld.idx.msk [tilespmem:v2+s5+$0x0], vm0;
	_ =	sdelay $0x4  }
0x8c: {  	v3 =	vadd.f32 v55, v3;
	_ =	sdelay $0x1  }
0x8d: {  	[tilespmem:v2+s5+$0x0] =	vst.idx.msk vm0, v3  }
0x8e: {  	v2 =	vld [tilespmem:$0x6280]  }
0x8f: {  	v3 =	vld [tilespmem:$0x6281];
	_ =	sdelay $0x3  }
0x90: {  	vm4 =	vge.s32 v2, v0;
	vm5 =	vlt.s32 v2, v1  }
0x91: {  	vm6 =	vne.s32 v2, v3;
	vm0 =	vmand vm4, vm5  }
0x92: {  	vm0 =	vmand vm0, vm6  }
0x93: {  	v2 =	vsub.s32 v2, v0;
	_ =	sdelay $0x3  }
0x94: {  	v3 =	vld [tilespmem:$0x6B00]  }
0x95: {  	v56 =	vld.idx.msk [tilespmem:v2+s5+$0x0], vm0;
	_ =	sdelay $0x4  }
0x96: {  	v3 =	vadd.f32 v56, v3;
	_ =	sdelay $0x1  }
0x97: {  	[tilespmem:v2+s5+$0x0] =	vst.idx.msk vm0, v3  }
0x98: {  	v2 =	vld [tilespmem:$0x6290]  }
0x99: {  	v3 =	vld [tilespmem:$0x6291];
	_ =	sdelay $0x3  }
0x9a: {  	vm7 =	vge.s32 v2, v0;
	vm8 =	vlt.s32 v2, v1  }
0x9b: {  	vm9 =	vne.s32 v2, v3;
	vm0 =	vmand vm7, vm8  }
0x9c: {  	vm0 =	vmand vm0, vm9  }
0x9d: {  	v2 =	vsub.s32 v2, v0;
	_ =	sdelay $0x3  }
0x9e: {  	v3 =	vld [tilespmem:$0x6B10]  }
0x9f: {  	v57 =	vld.idx.msk [tilespmem:v2+s5+$0x0], vm0;
	_ =	sdelay $0x4  }
0xa0: {  	v3 =	vadd.f32 v57, v3;
	_ =	sdelay $0x1  }
0xa1: {  	[tilespmem:v2+s5+$0x0] =	vst.idx.msk vm0, v3  }
0xa2: {  	v2 =	vld [tilespmem:$0x62A0]  }
0xa3: {  	v3 =	vld [tilespmem:$0x62A1];
	_ =	sdelay $0x3  }
0xa4: {  	vm10 =	vge.s32 v2, v0;
	vm11 =	vlt.s32 v2, v1  }
0xa5: {  	vm12 =	vne.s32 v2, v3;
	vm0 =	vmand vm10, vm11  }
0xa6: {  	vm0 =	vmand vm0, vm12  }
0xa7: {  	v2 =	vsub.s32 v2, v0;
	_ =	sdelay $0x3  }
0xa8: {  	v3 =	vld [tilespmem:$0x6B20]  }
0xa9: {  	v58 =	vld.idx.msk [tilespmem:v2+s5+$0x0], vm0;
	_ =	sdelay $0x4  }
0xaa: {  	v3 =	vadd.f32 v58, v3;
	_ =	sdelay $0x1  }
0xab: {  	[tilespmem:v2+s5+$0x0] =	vst.idx.msk vm0, v3  }
0xac: {  	v2 =	vld [tilespmem:$0x62B0]  }
0xad: {  	v3 =	vld [tilespmem:$0x62B1];
	_ =	sdelay $0x3  }
0xae: {  	vm13 =	vge.s32 v2, v0;
	vm14 =	vlt.s32 v2, v1  }
0xaf: {  	vm15 =	vne.s32 v2, v3;
	vm0 =	vmand vm13, vm14  }
0xb0: {  	vm0 =	vmand vm0, vm15  }
0xb1: {  	v2 =	vsub.s32 v2, v0;
	_ =	sdelay $0x3  }
0xb2: {  	v3 =	vld [tilespmem:$0x6B30]  }
0xb3: {  	v59 =	vld.idx.msk [tilespmem:v2+s5+$0x0], vm0;
	_ =	sdelay $0x4  }
0xb4: {  	v3 =	vadd.f32 v59, v3;
	_ =	sdelay $0x1  }
0xb5: {  	[tilespmem:v2+s5+$0x0] =	vst.idx.msk vm0, v3  }
0xb6: {  	v2 =	vld [tilespmem:$0x62C0]  }
0xb7: {  	v3 =	vld [tilespmem:$0x62C1];
	_ =	sdelay $0x3  }
0xb8: {  	vm4 =	vge.s32 v2, v0;
	vm5 =	vlt.s32 v2, v1  }
0xb9: {  	vm6 =	vne.s32 v2, v3;
	vm0 =	vmand vm4, vm5  }
0xba: {  	vm0 =	vmand vm0, vm6  }
0xbb: {  	v2 =	vsub.s32 v2, v0;
	_ =	sdelay $0x3  }
0xbc: {  	v3 =	vld [tilespmem:$0x6B40]  }
0xbd: {  	v60 =	vld.idx.msk [tilespmem:v2+s5+$0x0], vm0;
	_ =	sdelay $0x4  }
0xbe: {  	v3 =	vadd.f32 v60, v3;
	_ =	sdelay $0x1  }
0xbf: {  	[tilespmem:v2+s5+$0x0] =	vst.idx.msk vm0, v3  }
0xc0: {  	v2 =	vld [tilespmem:$0x62D0]  }
0xc1: {  	v3 =	vld [tilespmem:$0x62D1];
	_ =	sdelay $0x3  }
0xc2: {  	vm7 =	vge.s32 v2, v0;
	vm8 =	vlt.s32 v2, v1  }
0xc3: {  	vm9 =	vne.s32 v2, v3;
	vm0 =	vmand vm7, vm8  }
0xc4: {  	vm0 =	vmand vm0, vm9  }
0xc5: {  	v2 =	vsub.s32 v2, v0;
	_ =	sdelay $0x3  }
0xc6: {  	v3 =	vld [tilespmem:$0x6B50]  }
0xc7: {  	v61 =	vld.idx.msk [tilespmem:v2+s5+$0x0], vm0;
	_ =	sdelay $0x4  }
0xc8: {  	v3 =	vadd.f32 v61, v3;
	_ =	sdelay $0x1  }
0xc9: {  	[tilespmem:v2+s5+$0x0] =	vst.idx.msk vm0, v3  }
0xca: {  	v2 =	vld [tilespmem:$0x62E0]  }
0xcb: {  	v3 =	vld [tilespmem:$0x62E1];
	_ =	sdelay $0x3  }
0xcc: {  	vm10 =	vge.s32 v2, v0;
	vm11 =	vlt.s32 v2, v1  }
0xcd: {  	vm12 =	vne.s32 v2, v3;
	vm0 =	vmand vm10, vm11  }
0xce: {  	vm0 =	vmand vm0, vm12  }
0xcf: {  	v2 =	vsub.s32 v2, v0;
	_ =	sdelay $0x3  }
0xd0: {  	v3 =	vld [tilespmem:$0x6B60]  }
0xd1: {  	v62 =	vld.idx.msk [tilespmem:v2+s5+$0x0], vm0;
	_ =	sdelay $0x4  }
0xd2: {  	v3 =	vadd.f32 v62, v3;
	_ =	sdelay $0x1  }
0xd3: {  	[tilespmem:v2+s5+$0x0] =	vst.idx.msk vm0, v3  }
0xd4: {  	v2 =	vld [tilespmem:$0x62F0]  }
0xd5: {  	v3 =	vld [tilespmem:$0x62F1];
	_ =	sdelay $0x3  }
0xd6: {  	vm13 =	vge.s32 v2, v0;
	vm14 =	vlt.s32 v2, v1  }
0xd7: {  	vm15 =	vne.s32 v2, v3;
	vm0 =	vmand vm13, vm14  }
0xd8: {  	vm0 =	vmand vm0, vm15  }
0xd9: {  	v2 =	vsub.s32 v2, v0;
	_ =	sdelay $0x3  }
0xda: {  	v3 =	vld [tilespmem:$0x6B70]  }
0xdb: {  	v63 =	vld.idx.msk [tilespmem:v2+s5+$0x0], vm0;
	_ =	sdelay $0x4  }
0xdc: {  	v3 =	vadd.f32 v63, v3;
	_ =	sdelay $0x1  }
0xdd: {  	[tilespmem:v2+s5+$0x0] =	vst.idx.msk vm0, v3  }
0xde: {  	v2 =	vld [tilespmem:$0x6300]  }
0xdf: {  	v3 =	vld [tilespmem:$0x6301];
	_ =	sdelay $0x3  }
0xe0: {  	vm4 =	vge.s32 v2, v0;
	vm5 =	vlt.s32 v2, v1  }
0xe1: {  	vm6 =	vne.s32 v2, v3;
	vm0 =	vmand vm4, vm5  }
0xe2: {  	vm0 =	vmand vm0, vm6  }
0xe3: {  	v2 =	vsub.s32 v2, v0;
	_ =	sdelay $0x3  }
0xe4: {  	v3 =	vld [tilespmem:$0x6B80]  }
0xe5: {  	v8 =	vld.idx.msk [tilespmem:v2+s5+$0x0], vm0;
	_ =	sdelay $0x4  }
0xe6: {  	v3 =	vadd.f32 v8, v3;
	_ =	sdelay $0x1  }
0xe7: {  	[tilespmem:v2+s5+$0x0] =	vst.idx.msk vm0, v3  }
0xe8: {  	v2 =	vld [tilespmem:$0x6310]  }
0xe9: {  	v3 =	vld [tilespmem:$0x6311];
	_ =	sdelay $0x3  }
0xea: {  	vm7 =	vge.s32 v2, v0;
	vm8 =	vlt.s32 v2, v1  }
0xeb: {  	vm9 =	vne.s32 v2, v3;
	vm0 =	vmand vm7, vm8  }
0xec: {  	vm0 =	vmand vm0, vm9  }
0xed: {  	v2 =	vsub.s32 v2, v0;
	_ =	sdelay $0x3  }
0xee: {  	v3 =	vld [tilespmem:$0x6B90]  }
0xef: {  	v9 =	vld.idx.msk [tilespmem:v2+s5+$0x0], vm0;
	_ =	sdelay $0x4  }
0xf0: {  	v3 =	vadd.f32 v9, v3;
	_ =	sdelay $0x1  }
0xf1: {  	[tilespmem:v2+s5+$0x0] =	vst.idx.msk vm0, v3  }
0xf2: {  	v2 =	vld [tilespmem:$0x6320]  }
0xf3: {  	v3 =	vld [tilespmem:$0x6321];
	_ =	sdelay $0x3  }
0xf4: {  	vm10 =	vge.s32 v2, v0;
	vm11 =	vlt.s32 v2, v1  }
0xf5: {  	vm12 =	vne.s32 v2, v3;
	vm0 =	vmand vm10, vm11  }
0xf6: {  	vm0 =	vmand vm0, vm12  }
0xf7: {  	v2 =	vsub.s32 v2, v0;
	_ =	sdelay $0x3  }
0xf8: {  	v3 =	vld [tilespmem:$0x6BA0]  }
0xf9: {  	v10 =	vld.idx.msk [tilespmem:v2+s5+$0x0], vm0;
	_ =	sdelay $0x4  }
0xfa: {  	v3 =	vadd.f32 v10, v3;
	_ =	sdelay $0x1  }
0xfb: {  	[tilespmem:v2+s5+$0x0] =	vst.idx.msk vm0, v3  }
0xfc: {  	v2 =	vld [tilespmem:$0x6330]  }
0xfd: {  	v3 =	vld [tilespmem:$0x6331];
	_ =	sdelay $0x3  }
0xfe: {  	vm13 =	vge.s32 v2, v0;
	vm14 =	vlt.s32 v2, v1  }
0xff: {  	vm15 =	vne.s32 v2, v3;
	vm0 =	vmand vm13, vm14  }
0x100: {  	vm0 =	vmand vm0, vm15  }
0x101: {  	v2 =	vsub.s32 v2, v0;
	_ =	sdelay $0x3  }
0x102: {  	v3 =	vld [tilespmem:$0x6BB0]  }
0x103: {  	v11 =	vld.idx.msk [tilespmem:v2+s5+$0x0], vm0;
	_ =	sdelay $0x4  }
0x104: {  	v3 =	vadd.f32 v11, v3;
	_ =	sdelay $0x1  }
0x105: {  	[tilespmem:v2+s5+$0x0] =	vst.idx.msk vm0, v3  }
0x106: {  	v2 =	vld [tilespmem:$0x6340]  }
0x107: {  	v3 =	vld [tilespmem:$0x6341];
	_ =	sdelay $0x3  }
0x108: {  	vm4 =	vge.s32 v2, v0;
	vm5 =	vlt.s32 v2, v1  }
0x109: {  	vm6 =	vne.s32 v2, v3;
	vm0 =	vmand vm4, vm5  }
0x10a: {  	vm0 =	vmand vm0, vm6  }
0x10b: {  	v2 =	vsub.s32 v2, v0;
	_ =	sdelay $0x3  }
0x10c: {  	v3 =	vld [tilespmem:$0x6BC0]  }
0x10d: {  	v12 =	vld.idx.msk [tilespmem:v2+s5+$0x0], vm0;
	_ =	sdelay $0x4  }
0x10e: {  	v3 =	vadd.f32 v12, v3;
	_ =	sdelay $0x1  }
0x10f: {  	[tilespmem:v2+s5+$0x0] =	vst.idx.msk vm0, v3  }
0x110: {  	v2 =	vld [tilespmem:$0x6350]  }
0x111: {  	v3 =	vld [tilespmem:$0x6351];
	_ =	sdelay $0x3  }
0x112: {  	vm7 =	vge.s32 v2, v0;
	vm8 =	vlt.s32 v2, v1  }
0x113: {  	vm9 =	vne.s32 v2, v3;
	vm0 =	vmand vm7, vm8  }
0x114: {  	vm0 =	vmand vm0, vm9  }
0x115: {  	v2 =	vsub.s32 v2, v0;
	_ =	sdelay $0x3  }
0x116: {  	v3 =	vld [tilespmem:$0x6BD0]  }
0x117: {  	v13 =	vld.idx.msk [tilespmem:v2+s5+$0x0], vm0;
	_ =	sdelay $0x4  }
0x118: {  	v3 =	vadd.f32 v13, v3;
	_ =	sdelay $0x1  }
0x119: {  	[tilespmem:v2+s5+$0x0] =	vst.idx.msk vm0, v3  }
0x11a: {  	v2 =	vld [tilespmem:$0x6360]  }
0x11b: {  	v3 =	vld [tilespmem:$0x6361];
	_ =	sdelay $0x3  }
0x11c: {  	vm10 =	vge.s32 v2, v0;
	vm11 =	vlt.s32 v2, v1  }
0x11d: {  	vm12 =	vne.s32 v2, v3;
	vm0 =	vmand vm10, vm11  }
0x11e: {  	vm0 =	vmand vm0, vm12  }
0x11f: {  	v2 =	vsub.s32 v2, v0;
	_ =	sdelay $0x3  }
0x120: {  	v3 =	vld [tilespmem:$0x6BE0]  }
0x121: {  	v14 =	vld.idx.msk [tilespmem:v2+s5+$0x0], vm0;
	_ =	sdelay $0x4  }
0x122: {  	v3 =	vadd.f32 v14, v3;
	_ =	sdelay $0x1  }
0x123: {  	[tilespmem:v2+s5+$0x0] =	vst.idx.msk vm0, v3  }
0x124: {  	v2 =	vld [tilespmem:$0x6370]  }
0x125: {  	v3 =	vld [tilespmem:$0x6371];
	_ =	sdelay $0x3  }
0x126: {  	vm13 =	vge.s32 v2, v0;
	vm14 =	vlt.s32 v2, v1  }
0x127: {  	vm15 =	vne.s32 v2, v3;
	vm0 =	vmand vm13, vm14  }
0x128: {  	vm0 =	vmand vm0, vm15  }
0x129: {  	v2 =	vsub.s32 v2, v0;
	_ =	sdelay $0x3  }
0x12a: {  	v3 =	vld [tilespmem:$0x6BF0]  }
0x12b: {  	v15 =	vld.idx.msk [tilespmem:v2+s5+$0x0], vm0;
	_ =	sdelay $0x4  }
0x12c: {  	v3 =	vadd.f32 v15, v3;
	_ =	sdelay $0x1  }
0x12d: {  	[tilespmem:v2+s5+$0x0] =	vst.idx.msk vm0, v3  }
0x12e: {  	v2 =	vld [tilespmem:$0x6380]  }
0x12f: {  	v3 =	vld [tilespmem:$0x6381];
	_ =	sdelay $0x3  }
0x130: {  	vm4 =	vge.s32 v2, v0;
	vm5 =	vlt.s32 v2, v1  }
0x131: {  	vm6 =	vne.s32 v2, v3;
	vm0 =	vmand vm4, vm5  }
0x132: {  	vm0 =	vmand vm0, vm6  }
0x133: {  	v2 =	vsub.s32 v2, v0;
	_ =	sdelay $0x3  }
0x134: {  	v3 =	vld [tilespmem:$0x6C00]  }
0x135: {  	v16 =	vld.idx.msk [tilespmem:v2+s5+$0x0], vm0;
	_ =	sdelay $0x4  }
0x136: {  	v3 =	vadd.f32 v16, v3;
	_ =	sdelay $0x1  }
0x137: {  	[tilespmem:v2+s5+$0x0] =	vst.idx.msk vm0, v3  }
0x138: {  	v2 =	vld [tilespmem:$0x6390]  }
0x139: {  	v3 =	vld [tilespmem:$0x6391];
	_ =	sdelay $0x3  }
0x13a: {  	vm7 =	vge.s32 v2, v0;
	vm8 =	vlt.s32 v2, v1  }
0x13b: {  	vm9 =	vne.s32 v2, v3;
	vm0 =	vmand vm7, vm8  }
0x13c: {  	vm0 =	vmand vm0, vm9  }
0x13d: {  	v2 =	vsub.s32 v2, v0;
	_ =	sdelay $0x3  }
0x13e: {  	v3 =	vld [tilespmem:$0x6C10]  }
0x13f: {  	v17 =	vld.idx.msk [tilespmem:v2+s5+$0x0], vm0;
	_ =	sdelay $0x4  }
0x140: {  	v3 =	vadd.f32 v17, v3;
	_ =	sdelay $0x1  }
0x141: {  	[tilespmem:v2+s5+$0x0] =	vst.idx.msk vm0, v3  }
0x142: {  	v2 =	vld [tilespmem:$0x63A0]  }
0x143: {  	v3 =	vld [tilespmem:$0x63A1];
	_ =	sdelay $0x3  }
0x144: {  	vm10 =	vge.s32 v2, v0;
	vm11 =	vlt.s32 v2, v1  }
0x145: {  	vm12 =	vne.s32 v2, v3;
	vm0 =	vmand vm10, vm11  }
0x146: {  	vm0 =	vmand vm0, vm12  }
0x147: {  	v2 =	vsub.s32 v2, v0;
	_ =	sdelay $0x3  }
0x148: {  	v3 =	vld [tilespmem:$0x6C20]  }
0x149: {  	v18 =	vld.idx.msk [tilespmem:v2+s5+$0x0], vm0;
	_ =	sdelay $0x4  }
0x14a: {  	v3 =	vadd.f32 v18, v3;
	_ =	sdelay $0x1  }
0x14b: {  	[tilespmem:v2+s5+$0x0] =	vst.idx.msk vm0, v3  }
0x14c: {  	v2 =	vld [tilespmem:$0x63B0]  }
0x14d: {  	v3 =	vld [tilespmem:$0x63B1];
	_ =	sdelay $0x3  }
0x14e: {  	vm13 =	vge.s32 v2, v0;
	vm14 =	vlt.s32 v2, v1  }
0x14f: {  	vm15 =	vne.s32 v2, v3;
	vm0 =	vmand vm13, vm14  }
0x150: {  	vm0 =	vmand vm0, vm15  }
0x151: {  	v2 =	vsub.s32 v2, v0;
	_ =	sdelay $0x3  }
0x152: {  	v3 =	vld [tilespmem:$0x6C30]  }
0x153: {  	v19 =	vld.idx.msk [tilespmem:v2+s5+$0x0], vm0;
	_ =	sdelay $0x4  }
0x154: {  	v3 =	vadd.f32 v19, v3;
	_ =	sdelay $0x1  }
0x155: {  	[tilespmem:v2+s5+$0x0] =	vst.idx.msk vm0, v3  }
0x156: {  	v2 =	vld [tilespmem:$0x63C0]  }
0x157: {  	v3 =	vld [tilespmem:$0x63C1];
	_ =	sdelay $0x3  }
0x158: {  	vm4 =	vge.s32 v2, v0;
	vm5 =	vlt.s32 v2, v1  }
0x159: {  	vm6 =	vne.s32 v2, v3;
	vm0 =	vmand vm4, vm5  }
0x15a: {  	vm0 =	vmand vm0, vm6  }
0x15b: {  	v2 =	vsub.s32 v2, v0;
	_ =	sdelay $0x3  }
0x15c: {  	v3 =	vld [tilespmem:$0x6C40]  }
0x15d: {  	v20 =	vld.idx.msk [tilespmem:v2+s5+$0x0], vm0;
	_ =	sdelay $0x4  }
0x15e: {  	v3 =	vadd.f32 v20, v3;
	_ =	sdelay $0x1  }
0x15f: {  	[tilespmem:v2+s5+$0x0] =	vst.idx.msk vm0, v3  }
0x160: {  	v2 =	vld [tilespmem:$0x63D0]  }
0x161: {  	v3 =	vld [tilespmem:$0x63D1];
	_ =	sdelay $0x3  }
0x162: {  	vm7 =	vge.s32 v2, v0;
	vm8 =	vlt.s32 v2, v1  }
0x163: {  	vm9 =	vne.s32 v2, v3;
	vm0 =	vmand vm7, vm8  }
0x164: {  	vm0 =	vmand vm0, vm9  }
0x165: {  	v2 =	vsub.s32 v2, v0;
	_ =	sdelay $0x3  }
0x166: {  	v3 =	vld [tilespmem:$0x6C50]  }
0x167: {  	v21 =	vld.idx.msk [tilespmem:v2+s5+$0x0], vm0;
	_ =	sdelay $0x4  }
0x168: {  	v3 =	vadd.f32 v21, v3;
	_ =	sdelay $0x1  }
0x169: {  	[tilespmem:v2+s5+$0x0] =	vst.idx.msk vm0, v3  }
0x16a: {  	v2 =	vld [tilespmem:$0x63E0]  }
0x16b: {  	v3 =	vld [tilespmem:$0x63E1];
	_ =	sdelay $0x3  }
0x16c: {  	vm10 =	vge.s32 v2, v0;
	vm11 =	vlt.s32 v2, v1  }
0x16d: {  	vm12 =	vne.s32 v2, v3;
	vm0 =	vmand vm10, vm11  }
0x16e: {  	vm0 =	vmand vm0, vm12  }
0x16f: {  	v2 =	vsub.s32 v2, v0;
	_ =	sdelay $0x3  }
0x170: {  	v3 =	vld [tilespmem:$0x6C60]  }
0x171: {  	v22 =	vld.idx.msk [tilespmem:v2+s5+$0x0], vm0;
	_ =	sdelay $0x4  }
0x172: {  	v3 =	vadd.f32 v22, v3;
	_ =	sdelay $0x1  }
0x173: {  	[tilespmem:v2+s5+$0x0] =	vst.idx.msk vm0, v3  }
0x174: {  	v2 =	vld [tilespmem:$0x63F0]  }
0x175: {  	v3 =	vld [tilespmem:$0x63F1];
	_ =	sdelay $0x3  }
0x176: {  	vm13 =	vge.s32 v2, v0;
	vm14 =	vlt.s32 v2, v1  }
0x177: {  	vm15 =	vne.s32 v2, v3;
	vm0 =	vmand vm13, vm14  }
0x178: {  	vm0 =	vmand vm0, vm15  }
0x179: {  	v2 =	vsub.s32 v2, v0;
	_ =	sdelay $0x3  }
0x17a: {  	v3 =	vld [tilespmem:$0x6C70]  }
0x17b: {  	v23 =	vld.idx.msk [tilespmem:v2+s5+$0x0], vm0;
	_ =	sdelay $0x4  }
0x17c: {  	v3 =	vadd.f32 v23, v3;
	_ =	sdelay $0x1  }
0x17d: {  	[tilespmem:v2+s5+$0x0] =	vst.idx.msk vm0, v3  }
0x17e: {  	v2 =	vld [tilespmem:$0x6400]  }
0x17f: {  	v3 =	vld [tilespmem:$0x6401];
	_ =	sdelay $0x3  }
0x180: {  	vm4 =	vge.s32 v2, v0;
	vm5 =	vlt.s32 v2, v1  }
0x181: {  	vm6 =	vne.s32 v2, v3;
	vm0 =	vmand vm4, vm5  }
0x182: {  	vm0 =	vmand vm0, vm6  }
0x183: {  	v2 =	vsub.s32 v2, v0;
	_ =	sdelay $0x3  }
0x184: {  	v3 =	vld [tilespmem:$0x6C80]  }
0x185: {  	v24 =	vld.idx.msk [tilespmem:v2+s5+$0x0], vm0;
	_ =	sdelay $0x4  }
0x186: {  	v3 =	vadd.f32 v24, v3;
	_ =	sdelay $0x1  }
0x187: {  	[tilespmem:v2+s5+$0x0] =	vst.idx.msk vm0, v3  }
0x188: {  	v2 =	vld [tilespmem:$0x6410]  }
0x189: {  	v3 =	vld [tilespmem:$0x6411];
	_ =	sdelay $0x3  }
0x18a: {  	vm7 =	vge.s32 v2, v0;
	vm8 =	vlt.s32 v2, v1  }
0x18b: {  	vm9 =	vne.s32 v2, v3;
	vm0 =	vmand vm7, vm8  }
0x18c: {  	vm0 =	vmand vm0, vm9  }
0x18d: {  	v2 =	vsub.s32 v2, v0;
	_ =	sdelay $0x3  }
0x18e: {  	v3 =	vld [tilespmem:$0x6C90]  }
0x18f: {  	v25 =	vld.idx.msk [tilespmem:v2+s5+$0x0], vm0;
	_ =	sdelay $0x4  }
0x190: {  	v3 =	vadd.f32 v25, v3;
	_ =	sdelay $0x1  }
0x191: {  	[tilespmem:v2+s5+$0x0] =	vst.idx.msk vm0, v3  }
0x192: {  	v2 =	vld [tilespmem:$0x6420]  }
0x193: {  	v3 =	vld [tilespmem:$0x6421];
	_ =	sdelay $0x3  }
0x194: {  	vm10 =	vge.s32 v2, v0;
	vm11 =	vlt.s32 v2, v1  }
0x195: {  	vm12 =	vne.s32 v2, v3;
	vm0 =	vmand vm10, vm11  }
0x196: {  	vm0 =	vmand vm0, vm12  }
0x197: {  	v2 =	vsub.s32 v2, v0;
	_ =	sdelay $0x3  }
0x198: {  	v3 =	vld [tilespmem:$0x6CA0]  }
0x199: {  	v26 =	vld.idx.msk [tilespmem:v2+s5+$0x0], vm0;
	_ =	sdelay $0x4  }
0x19a: {  	v3 =	vadd.f32 v26, v3;
	_ =	sdelay $0x1  }
0x19b: {  	[tilespmem:v2+s5+$0x0] =	vst.idx.msk vm0, v3  }
0x19c: {  	v2 =	vld [tilespmem:$0x6430]  }
0x19d: {  	v3 =	vld [tilespmem:$0x6431];
	_ =	sdelay $0x3  }
0x19e: {  	vm13 =	vge.s32 v2, v0;
	vm14 =	vlt.s32 v2, v1  }
0x19f: {  	vm15 =	vne.s32 v2, v3;
	vm0 =	vmand vm13, vm14  }
0x1a0: {  	vm0 =	vmand vm0, vm15  }
0x1a1: {  	v2 =	vsub.s32 v2, v0;
	_ =	sdelay $0x3  }
0x1a2: {  	v3 =	vld [tilespmem:$0x6CB0]  }
0x1a3: {  	v27 =	vld.idx.msk [tilespmem:v2+s5+$0x0], vm0;
	_ =	sdelay $0x4  }
0x1a4: {  	v3 =	vadd.f32 v27, v3;
	_ =	sdelay $0x1  }
0x1a5: {  	[tilespmem:v2+s5+$0x0] =	vst.idx.msk vm0, v3  }
0x1a6: {  	v2 =	vld [tilespmem:$0x6440]  }
0x1a7: {  	v3 =	vld [tilespmem:$0x6441];
	_ =	sdelay $0x3  }
0x1a8: {  	vm4 =	vge.s32 v2, v0;
	vm5 =	vlt.s32 v2, v1  }
0x1a9: {  	vm6 =	vne.s32 v2, v3;
	vm0 =	vmand vm4, vm5  }
0x1aa: {  	vm0 =	vmand vm0, vm6  }
0x1ab: {  	v2 =	vsub.s32 v2, v0;
	_ =	sdelay $0x3  }
0x1ac: {  	v3 =	vld [tilespmem:$0x6CC0]  }
0x1ad: {  	v28 =	vld.idx.msk [tilespmem:v2+s5+$0x0], vm0;
	_ =	sdelay $0x4  }
0x1ae: {  	v3 =	vadd.f32 v28, v3;
	_ =	sdelay $0x1  }
0x1af: {  	[tilespmem:v2+s5+$0x0] =	vst.idx.msk vm0, v3  }
0x1b0: {  	v2 =	vld [tilespmem:$0x6450]  }
0x1b1: {  	v3 =	vld [tilespmem:$0x6451];
	_ =	sdelay $0x3  }
0x1b2: {  	vm7 =	vge.s32 v2, v0;
	vm8 =	vlt.s32 v2, v1  }
0x1b3: {  	vm9 =	vne.s32 v2, v3;
	vm0 =	vmand vm7, vm8  }
0x1b4: {  	vm0 =	vmand vm0, vm9  }
0x1b5: {  	v2 =	vsub.s32 v2, v0;
	_ =	sdelay $0x3  }
0x1b6: {  	v3 =	vld [tilespmem:$0x6CD0]  }
0x1b7: {  	v29 =	vld.idx.msk [tilespmem:v2+s5+$0x0], vm0;
	_ =	sdelay $0x4  }
0x1b8: {  	v3 =	vadd.f32 v29, v3;
	_ =	sdelay $0x1  }
0x1b9: {  	[tilespmem:v2+s5+$0x0] =	vst.idx.msk vm0, v3  }
0x1ba: {  	v2 =	vld [tilespmem:$0x6460]  }
0x1bb: {  	v3 =	vld [tilespmem:$0x6461];
	_ =	sdelay $0x3  }
0x1bc: {  	vm10 =	vge.s32 v2, v0;
	vm11 =	vlt.s32 v2, v1  }
0x1bd: {  	vm12 =	vne.s32 v2, v3;
	vm0 =	vmand vm10, vm11  }
0x1be: {  	vm0 =	vmand vm0, vm12  }
0x1bf: {  	v2 =	vsub.s32 v2, v0;
	_ =	sdelay $0x3  }
0x1c0: {  	v3 =	vld [tilespmem:$0x6CE0]  }
0x1c1: {  	v30 =	vld.idx.msk [tilespmem:v2+s5+$0x0], vm0;
	_ =	sdelay $0x4  }
0x1c2: {  	v3 =	vadd.f32 v30, v3;
	_ =	sdelay $0x1  }
0x1c3: {  	[tilespmem:v2+s5+$0x0] =	vst.idx.msk vm0, v3  }
0x1c4: {  	v2 =	vld [tilespmem:$0x6470]  }
0x1c5: {  	v3 =	vld [tilespmem:$0x6471];
	_ =	sdelay $0x3  }
0x1c6: {  	vm13 =	vge.s32 v2, v0;
	vm14 =	vlt.s32 v2, v1  }
0x1c7: {  	vm15 =	vne.s32 v2, v3;
	vm0 =	vmand vm13, vm14  }
0x1c8: {  	vm0 =	vmand vm0, vm15  }
0x1c9: {  	v2 =	vsub.s32 v2, v0;
	_ =	sdelay $0x3  }
0x1ca: {  	v3 =	vld [tilespmem:$0x6CF0]  }
0x1cb: {  	v31 =	vld.idx.msk [tilespmem:v2+s5+$0x0], vm0;
	_ =	sdelay $0x4  }
0x1cc: {  	v3 =	vadd.f32 v31, v3;
	_ =	sdelay $0x1  }
0x1cd: {  	[tilespmem:v2+s5+$0x0] =	vst.idx.msk vm0, v3  }
0x1ce: {  	v2 =	vld [tilespmem:$0x6480]  }
0x1cf: {  	v3 =	vld [tilespmem:$0x6481];
	_ =	sdelay $0x3  }
0x1d0: {  	vm4 =	vge.s32 v2, v0;
	vm5 =	vlt.s32 v2, v1  }
0x1d1: {  	vm6 =	vne.s32 v2, v3;
	vm0 =	vmand vm4, vm5  }
0x1d2: {  	vm0 =	vmand vm0, vm6  }
0x1d3: {  	v2 =	vsub.s32 v2, v0;
	_ =	sdelay $0x3  }
0x1d4: {  	v3 =	vld [tilespmem:$0x6D00]  }
0x1d5: {  	v32 =	vld.idx.msk [tilespmem:v2+s5+$0x0], vm0;
	_ =	sdelay $0x4  }
0x1d6: {  	v3 =	vadd.f32 v32, v3;
	_ =	sdelay $0x1  }
0x1d7: {  	[tilespmem:v2+s5+$0x0] =	vst.idx.msk vm0, v3  }
0x1d8: {  	v2 =	vld [tilespmem:$0x6490]  }
0x1d9: {  	v3 =	vld [tilespmem:$0x6491];
	_ =	sdelay $0x3  }
0x1da: {  	vm7 =	vge.s32 v2, v0;
	vm8 =	vlt.s32 v2, v1  }
0x1db: {  	vm9 =	vne.s32 v2, v3;
	vm0 =	vmand vm7, vm8  }
0x1dc: {  	vm0 =	vmand vm0, vm9  }
0x1dd: {  	v2 =	vsub.s32 v2, v0;
	_ =	sdelay $0x3  }
0x1de: {  	v3 =	vld [tilespmem:$0x6D10]  }
0x1df: {  	v33 =	vld.idx.msk [tilespmem:v2+s5+$0x0], vm0;
	_ =	sdelay $0x4  }
0x1e0: {  	v3 =	vadd.f32 v33, v3;
	_ =	sdelay $0x1  }
0x1e1: {  	[tilespmem:v2+s5+$0x0] =	vst.idx.msk vm0, v3  }
0x1e2: {  	v2 =	vld [tilespmem:$0x64A0]  }
0x1e3: {  	v3 =	vld [tilespmem:$0x64A1];
	_ =	sdelay $0x3  }
0x1e4: {  	vm10 =	vge.s32 v2, v0;
	vm11 =	vlt.s32 v2, v1  }
0x1e5: {  	vm12 =	vne.s32 v2, v3;
	vm0 =	vmand vm10, vm11  }
0x1e6: {  	vm0 =	vmand vm0, vm12  }
0x1e7: {  	v2 =	vsub.s32 v2, v0;
	_ =	sdelay $0x3  }
0x1e8: {  	v3 =	vld [tilespmem:$0x6D20]  }
0x1e9: {  	v34 =	vld.idx.msk [tilespmem:v2+s5+$0x0], vm0;
	_ =	sdelay $0x4  }
0x1ea: {  	v3 =	vadd.f32 v34, v3;
	_ =	sdelay $0x1  }
0x1eb: {  	[tilespmem:v2+s5+$0x0] =	vst.idx.msk vm0, v3  }
0x1ec: {  	v2 =	vld [tilespmem:$0x64B0]  }
0x1ed: {  	v3 =	vld [tilespmem:$0x64B1];
	_ =	sdelay $0x3  }
0x1ee: {  	vm13 =	vge.s32 v2, v0;
	vm14 =	vlt.s32 v2, v1  }
0x1ef: {  	vm15 =	vne.s32 v2, v3;
	vm0 =	vmand vm13, vm14  }
0x1f0: {  	vm0 =	vmand vm0, vm15  }
0x1f1: {  	v2 =	vsub.s32 v2, v0;
	_ =	sdelay $0x3  }
0x1f2: {  	v3 =	vld [tilespmem:$0x6D30]  }
0x1f3: {  	v35 =	vld.idx.msk [tilespmem:v2+s5+$0x0], vm0;
	_ =	sdelay $0x4  }
0x1f4: {  	v3 =	vadd.f32 v35, v3;
	_ =	sdelay $0x1  }
0x1f5: {  	[tilespmem:v2+s5+$0x0] =	vst.idx.msk vm0, v3  }
0x1f6: {  	v2 =	vld [tilespmem:$0x64C0]  }
0x1f7: {  	v3 =	vld [tilespmem:$0x64C1];
	_ =	sdelay $0x3  }
0x1f8: {  	vm4 =	vge.s32 v2, v0;
	vm5 =	vlt.s32 v2, v1  }
0x1f9: {  	vm6 =	vne.s32 v2, v3;
	vm0 =	vmand vm4, vm5  }
0x1fa: {  	vm0 =	vmand vm0, vm6  }
0x1fb: {  	v2 =	vsub.s32 v2, v0;
	_ =	sdelay $0x3  }
0x1fc: {  	v3 =	vld [tilespmem:$0x6D40]  }
0x1fd: {  	v36 =	vld.idx.msk [tilespmem:v2+s5+$0x0], vm0;
	_ =	sdelay $0x4  }
0x1fe: {  	v3 =	vadd.f32 v36, v3;
	_ =	sdelay $0x1  }
0x1ff: {  	[tilespmem:v2+s5+$0x0] =	vst.idx.msk vm0, v3  }
0x200: {  	v2 =	vld [tilespmem:$0x64D0]  }
0x201: {  	v3 =	vld [tilespmem:$0x64D1];
	_ =	sdelay $0x3  }
0x202: {  	vm7 =	vge.s32 v2, v0;
	vm8 =	vlt.s32 v2, v1  }
0x203: {  	vm9 =	vne.s32 v2, v3;
	vm0 =	vmand vm7, vm8  }
0x204: {  	vm0 =	vmand vm0, vm9  }
0x205: {  	v2 =	vsub.s32 v2, v0;
	_ =	sdelay $0x3  }
0x206: {  	v3 =	vld [tilespmem:$0x6D50]  }
0x207: {  	v37 =	vld.idx.msk [tilespmem:v2+s5+$0x0], vm0;
	_ =	sdelay $0x4  }
0x208: {  	v3 =	vadd.f32 v37, v3;
	_ =	sdelay $0x1  }
0x209: {  	[tilespmem:v2+s5+$0x0] =	vst.idx.msk vm0, v3  }
0x20a: {  	v2 =	vld [tilespmem:$0x64E0]  }
0x20b: {  	v3 =	vld [tilespmem:$0x64E1];
	_ =	sdelay $0x3  }
0x20c: {  	vm10 =	vge.s32 v2, v0;
	vm11 =	vlt.s32 v2, v1  }
0x20d: {  	vm12 =	vne.s32 v2, v3;
	vm0 =	vmand vm10, vm11  }
0x20e: {  	vm0 =	vmand vm0, vm12  }
0x20f: {  	v2 =	vsub.s32 v2, v0;
	_ =	sdelay $0x3  }
0x210: {  	v3 =	vld [tilespmem:$0x6D60]  }
0x211: {  	v38 =	vld.idx.msk [tilespmem:v2+s5+$0x0], vm0;
	_ =	sdelay $0x4  }
0x212: {  	v3 =	vadd.f32 v38, v3;
	_ =	sdelay $0x1  }
0x213: {  	[tilespmem:v2+s5+$0x0] =	vst.idx.msk vm0, v3  }
0x214: {  	v2 =	vld [tilespmem:$0x64F0]  }
0x215: {  	v3 =	vld [tilespmem:$0x64F1];
	_ =	sdelay $0x3  }
0x216: {  	vm13 =	vge.s32 v2, v0;
	vm14 =	vlt.s32 v2, v1  }
0x217: {  	vm15 =	vne.s32 v2, v3;
	vm0 =	vmand vm13, vm14  }
0x218: {  	vm0 =	vmand vm0, vm15  }
0x219: {  	v2 =	vsub.s32 v2, v0;
	_ =	sdelay $0x3  }
0x21a: {  	v3 =	vld [tilespmem:$0x6D70]  }
0x21b: {  	v39 =	vld.idx.msk [tilespmem:v2+s5+$0x0], vm0;
	_ =	sdelay $0x4  }
0x21c: {  	v3 =	vadd.f32 v39, v3;
	_ =	sdelay $0x1  }
0x21d: {  	[tilespmem:v2+s5+$0x0] =	vst.idx.msk vm0, v3  }
0x21e: {  	v2 =	vld [tilespmem:$0x6500]  }
0x21f: {  	v3 =	vld [tilespmem:$0x6501];
	_ =	sdelay $0x3  }
0x220: {  	vm4 =	vge.s32 v2, v0;
	vm5 =	vlt.s32 v2, v1  }
0x221: {  	vm6 =	vne.s32 v2, v3;
	vm0 =	vmand vm4, vm5  }
0x222: {  	vm0 =	vmand vm0, vm6  }
0x223: {  	v2 =	vsub.s32 v2, v0;
	_ =	sdelay $0x3  }
0x224: {  	v3 =	vld [tilespmem:$0x6D80]  }
0x225: {  	v40 =	vld.idx.msk [tilespmem:v2+s5+$0x0], vm0;
	_ =	sdelay $0x4  }
0x226: {  	v3 =	vadd.f32 v40, v3;
	_ =	sdelay $0x1  }
0x227: {  	[tilespmem:v2+s5+$0x0] =	vst.idx.msk vm0, v3  }
0x228: {  	v2 =	vld [tilespmem:$0x6510]  }
0x229: {  	v3 =	vld [tilespmem:$0x6511];
	_ =	sdelay $0x3  }
0x22a: {  	vm7 =	vge.s32 v2, v0;
	vm8 =	vlt.s32 v2, v1  }
0x22b: {  	vm9 =	vne.s32 v2, v3;
	vm0 =	vmand vm7, vm8  }
0x22c: {  	vm0 =	vmand vm0, vm9  }
0x22d: {  	v2 =	vsub.s32 v2, v0;
	_ =	sdelay $0x3  }
0x22e: {  	v3 =	vld [tilespmem:$0x6D90]  }
0x22f: {  	v41 =	vld.idx.msk [tilespmem:v2+s5+$0x0], vm0;
	_ =	sdelay $0x4  }
0x230: {  	v3 =	vadd.f32 v41, v3;
	_ =	sdelay $0x1  }
0x231: {  	[tilespmem:v2+s5+$0x0] =	vst.idx.msk vm0, v3  }
0x232: {  	v2 =	vld [tilespmem:$0x6520]  }
0x233: {  	v3 =	vld [tilespmem:$0x6521];
	_ =	sdelay $0x3  }
0x234: {  	vm10 =	vge.s32 v2, v0;
	vm11 =	vlt.s32 v2, v1  }
0x235: {  	vm12 =	vne.s32 v2, v3;
	vm0 =	vmand vm10, vm11  }
0x236: {  	vm0 =	vmand vm0, vm12  }
0x237: {  	v2 =	vsub.s32 v2, v0;
	_ =	sdelay $0x3  }
0x238: {  	v3 =	vld [tilespmem:$0x6DA0]  }
0x239: {  	v42 =	vld.idx.msk [tilespmem:v2+s5+$0x0], vm0;
	_ =	sdelay $0x4  }
0x23a: {  	v3 =	vadd.f32 v42, v3;
	_ =	sdelay $0x1  }
0x23b: {  	[tilespmem:v2+s5+$0x0] =	vst.idx.msk vm0, v3  }
0x23c: {  	v2 =	vld [tilespmem:$0x6530]  }
0x23d: {  	v3 =	vld [tilespmem:$0x6531];
	_ =	sdelay $0x3  }
0x23e: {  	vm13 =	vge.s32 v2, v0;
	vm14 =	vlt.s32 v2, v1  }
0x23f: {  	vm15 =	vne.s32 v2, v3;
	vm0 =	vmand vm13, vm14  }
0x240: {  	vm0 =	vmand vm0, vm15  }
0x241: {  	v2 =	vsub.s32 v2, v0;
	_ =	sdelay $0x3  }
0x242: {  	v3 =	vld [tilespmem:$0x6DB0]  }
0x243: {  	v43 =	vld.idx.msk [tilespmem:v2+s5+$0x0], vm0;
	_ =	sdelay $0x4  }
0x244: {  	v3 =	vadd.f32 v43, v3;
	_ =	sdelay $0x1  }
0x245: {  	[tilespmem:v2+s5+$0x0] =	vst.idx.msk vm0, v3  }
0x246: {  	v2 =	vld [tilespmem:$0x6540]  }
0x247: {  	v3 =	vld [tilespmem:$0x6541];
	_ =	sdelay $0x3  }
0x248: {  	vm4 =	vge.s32 v2, v0;
	vm5 =	vlt.s32 v2, v1  }
0x249: {  	vm6 =	vne.s32 v2, v3;
	vm0 =	vmand vm4, vm5  }
0x24a: {  	vm0 =	vmand vm0, vm6  }
0x24b: {  	v2 =	vsub.s32 v2, v0;
	_ =	sdelay $0x3  }
0x24c: {  	v3 =	vld [tilespmem:$0x6DC0]  }
0x24d: {  	v44 =	vld.idx.msk [tilespmem:v2+s5+$0x0], vm0;
	_ =	sdelay $0x4  }
0x24e: {  	v3 =	vadd.f32 v44, v3;
	_ =	sdelay $0x1  }
0x24f: {  	[tilespmem:v2+s5+$0x0] =	vst.idx.msk vm0, v3  }
0x250: {  	v2 =	vld [tilespmem:$0x6550]  }
0x251: {  	v3 =	vld [tilespmem:$0x6551];
	_ =	sdelay $0x3  }
0x252: {  	vm7 =	vge.s32 v2, v0;
	vm8 =	vlt.s32 v2, v1  }
0x253: {  	vm9 =	vne.s32 v2, v3;
	vm0 =	vmand vm7, vm8  }
0x254: {  	vm0 =	vmand vm0, vm9  }
0x255: {  	v2 =	vsub.s32 v2, v0;
	_ =	sdelay $0x3  }
0x256: {  	v3 =	vld [tilespmem:$0x6DD0]  }
0x257: {  	v45 =	vld.idx.msk [tilespmem:v2+s5+$0x0], vm0;
	_ =	sdelay $0x4  }
0x258: {  	v3 =	vadd.f32 v45, v3;
	_ =	sdelay $0x1  }
0x259: {  	[tilespmem:v2+s5+$0x0] =	vst.idx.msk vm0, v3  }
0x25a: {  	v2 =	vld [tilespmem:$0x6560]  }
0x25b: {  	v3 =	vld [tilespmem:$0x6561];
	_ =	sdelay $0x3  }
0x25c: {  	vm10 =	vge.s32 v2, v0;
	vm11 =	vlt.s32 v2, v1  }
0x25d: {  	vm12 =	vne.s32 v2, v3;
	vm0 =	vmand vm10, vm11  }
0x25e: {  	vm0 =	vmand vm0, vm12  }
0x25f: {  	v2 =	vsub.s32 v2, v0;
	_ =	sdelay $0x3  }
0x260: {  	v3 =	vld [tilespmem:$0x6DE0]  }
0x261: {  	v46 =	vld.idx.msk [tilespmem:v2+s5+$0x0], vm0;
	_ =	sdelay $0x4  }
0x262: {  	v3 =	vadd.f32 v46, v3;
	_ =	sdelay $0x1  }
0x263: {  	[tilespmem:v2+s5+$0x0] =	vst.idx.msk vm0, v3  }
0x264: {  	v2 =	vld [tilespmem:$0x6570]  }
0x265: {  	v3 =	vld [tilespmem:$0x6571];
	_ =	sdelay $0x3  }
0x266: {  	vm13 =	vge.s32 v2, v0;
	vm14 =	vlt.s32 v2, v1  }
0x267: {  	vm15 =	vne.s32 v2, v3;
	vm0 =	vmand vm13, vm14  }
0x268: {  	vm0 =	vmand vm0, vm15  }
0x269: {  	v2 =	vsub.s32 v2, v0;
	_ =	sdelay $0x3  }
0x26a: {  	v3 =	vld [tilespmem:$0x6DF0]  }
0x26b: {  	v47 =	vld.idx.msk [tilespmem:v2+s5+$0x0], vm0;
	_ =	sdelay $0x4  }
0x26c: {  	v3 =	vadd.f32 v47, v3;
	_ =	sdelay $0x1  }
0x26d: {  	[tilespmem:v2+s5+$0x0] =	vst.idx.msk vm0, v3  }
0x26e: {  	v2 =	vld [tilespmem:$0x6580]  }
0x26f: {  	v3 =	vld [tilespmem:$0x6581];
	_ =	sdelay $0x3  }
0x270: {  	vm4 =	vge.s32 v2, v0;
	vm5 =	vlt.s32 v2, v1  }
0x271: {  	vm6 =	vne.s32 v2, v3;
	vm0 =	vmand vm4, vm5  }
0x272: {  	vm0 =	vmand vm0, vm6  }
0x273: {  	v2 =	vsub.s32 v2, v0;
	_ =	sdelay $0x3  }
0x274: {  	v3 =	vld [tilespmem:$0x6E00]  }
0x275: {  	v48 =	vld.idx.msk [tilespmem:v2+s5+$0x0], vm0;
	_ =	sdelay $0x4  }
0x276: {  	v3 =	vadd.f32 v48, v3;
	_ =	sdelay $0x1  }
0x277: {  	[tilespmem:v2+s5+$0x0] =	vst.idx.msk vm0, v3  }
0x278: {  	v2 =	vld [tilespmem:$0x6590]  }
0x279: {  	v3 =	vld [tilespmem:$0x6591];
	_ =	sdelay $0x3  }
0x27a: {  	vm7 =	vge.s32 v2, v0;
	vm8 =	vlt.s32 v2, v1  }
0x27b: {  	vm9 =	vne.s32 v2, v3;
	vm0 =	vmand vm7, vm8  }
0x27c: {  	vm0 =	vmand vm0, vm9  }
0x27d: {  	v2 =	vsub.s32 v2, v0;
	_ =	sdelay $0x3  }
0x27e: {  	v3 =	vld [tilespmem:$0x6E10]  }
0x27f: {  	v49 =	vld.idx.msk [tilespmem:v2+s5+$0x0], vm0;
	_ =	sdelay $0x4  }
0x280: {  	v3 =	vadd.f32 v49, v3;
	_ =	sdelay $0x1  }
0x281: {  	[tilespmem:v2+s5+$0x0] =	vst.idx.msk vm0, v3  }
0x282: {  	v2 =	vld [tilespmem:$0x65A0]  }
0x283: {  	v3 =	vld [tilespmem:$0x65A1];
	_ =	sdelay $0x3  }
0x284: {  	vm10 =	vge.s32 v2, v0;
	vm11 =	vlt.s32 v2, v1  }
0x285: {  	vm12 =	vne.s32 v2, v3;
	vm0 =	vmand vm10, vm11  }
0x286: {  	vm0 =	vmand vm0, vm12  }
0x287: {  	v2 =	vsub.s32 v2, v0;
	_ =	sdelay $0x3  }
0x288: {  	v3 =	vld [tilespmem:$0x6E20]  }
0x289: {  	v50 =	vld.idx.msk [tilespmem:v2+s5+$0x0], vm0;
	_ =	sdelay $0x4  }
0x28a: {  	v3 =	vadd.f32 v50, v3;
	_ =	sdelay $0x1  }
0x28b: {  	[tilespmem:v2+s5+$0x0] =	vst.idx.msk vm0, v3  }
0x28c: {  	v2 =	vld [tilespmem:$0x65B0]  }
0x28d: {  	v3 =	vld [tilespmem:$0x65B1];
	_ =	sdelay $0x3  }
0x28e: {  	vm13 =	vge.s32 v2, v0;
	vm14 =	vlt.s32 v2, v1  }
0x28f: {  	vm15 =	vne.s32 v2, v3;
	vm0 =	vmand vm13, vm14  }
0x290: {  	vm0 =	vmand vm0, vm15  }
0x291: {  	v2 =	vsub.s32 v2, v0;
	_ =	sdelay $0x3  }
0x292: {  	v3 =	vld [tilespmem:$0x6E30]  }
0x293: {  	v51 =	vld.idx.msk [tilespmem:v2+s5+$0x0], vm0;
	_ =	sdelay $0x4  }
0x294: {  	v3 =	vadd.f32 v51, v3;
	_ =	sdelay $0x1  }
0x295: {  	[tilespmem:v2+s5+$0x0] =	vst.idx.msk vm0, v3  }
0x296: {  	v2 =	vld [tilespmem:$0x65C0]  }
0x297: {  	v3 =	vld [tilespmem:$0x65C1];
	_ =	sdelay $0x3  }
0x298: {  	vm4 =	vge.s32 v2, v0;
	vm5 =	vlt.s32 v2, v1  }
0x299: {  	vm6 =	vne.s32 v2, v3;
	vm0 =	vmand vm4, vm5  }
0x29a: {  	vm0 =	vmand vm0, vm6  }
0x29b: {  	v2 =	vsub.s32 v2, v0;
	_ =	sdelay $0x3  }
0x29c: {  	v3 =	vld [tilespmem:$0x6E40]  }
0x29d: {  	v52 =	vld.idx.msk [tilespmem:v2+s5+$0x0], vm0;
	_ =	sdelay $0x4  }
0x29e: {  	v3 =	vadd.f32 v52, v3;
	_ =	sdelay $0x1  }
0x29f: {  	[tilespmem:v2+s5+$0x0] =	vst.idx.msk vm0, v3  }
0x2a0: {  	v2 =	vld [tilespmem:$0x65D0]  }
0x2a1: {  	v3 =	vld [tilespmem:$0x65D1];
	_ =	sdelay $0x3  }
0x2a2: {  	vm7 =	vge.s32 v2, v0;
	vm8 =	vlt.s32 v2, v1  }
0x2a3: {  	vm9 =	vne.s32 v2, v3;
	vm0 =	vmand vm7, vm8  }
0x2a4: {  	vm0 =	vmand vm0, vm9  }
0x2a5: {  	v2 =	vsub.s32 v2, v0;
	_ =	sdelay $0x3  }
0x2a6: {  	v3 =	vld [tilespmem:$0x6E50]  }
0x2a7: {  	v53 =	vld.idx.msk [tilespmem:v2+s5+$0x0], vm0;
	_ =	sdelay $0x4  }
0x2a8: {  	v3 =	vadd.f32 v53, v3;
	_ =	sdelay $0x1  }
0x2a9: {  	[tilespmem:v2+s5+$0x0] =	vst.idx.msk vm0, v3  }
0x2aa: {  	v2 =	vld [tilespmem:$0x65E0]  }
0x2ab: {  	v3 =	vld [tilespmem:$0x65E1];
	_ =	sdelay $0x3  }
0x2ac: {  	vm10 =	vge.s32 v2, v0;
	vm11 =	vlt.s32 v2, v1  }
0x2ad: {  	vm12 =	vne.s32 v2, v3;
	vm0 =	vmand vm10, vm11  }
0x2ae: {  	vm0 =	vmand vm0, vm12  }
0x2af: {  	v2 =	vsub.s32 v2, v0;
	_ =	sdelay $0x3  }
0x2b0: {  	v3 =	vld [tilespmem:$0x6E60]  }
0x2b1: {  	v54 =	vld.idx.msk [tilespmem:v2+s5+$0x0], vm0;
	_ =	sdelay $0x4  }
0x2b2: {  	v3 =	vadd.f32 v54, v3;
	_ =	sdelay $0x1  }
0x2b3: {  	[tilespmem:v2+s5+$0x0] =	vst.idx.msk vm0, v3  }
0x2b4: {  	v2 =	vld [tilespmem:$0x65F0]  }
0x2b5: {  	v3 =	vld [tilespmem:$0x65F1];
	_ =	sdelay $0x3  }
0x2b6: {  	vm13 =	vge.s32 v2, v0;
	vm14 =	vlt.s32 v2, v1  }
0x2b7: {  	vm15 =	vne.s32 v2, v3;
	vm0 =	vmand vm13, vm14  }
0x2b8: {  	vm0 =	vmand vm0, vm15  }
0x2b9: {  	v2 =	vsub.s32 v2, v0;
	_ =	sdelay $0x3  }
0x2ba: {  	v3 =	vld [tilespmem:$0x6E70]  }
0x2bb: {  	v55 =	vld.idx.msk [tilespmem:v2+s5+$0x0], vm0;
	_ =	sdelay $0x4  }
0x2bc: {  	v3 =	vadd.f32 v55, v3;
	_ =	sdelay $0x1  }
0x2bd: {  	[tilespmem:v2+s5+$0x0] =	vst.idx.msk vm0, v3  }
0x2be: {  	v2 =	vld [tilespmem:$0x6600]  }
0x2bf: {  	v3 =	vld [tilespmem:$0x6601];
	_ =	sdelay $0x3  }
0x2c0: {  	vm4 =	vge.s32 v2, v0;
	vm5 =	vlt.s32 v2, v1  }
0x2c1: {  	vm6 =	vne.s32 v2, v3;
	vm0 =	vmand vm4, vm5  }
0x2c2: {  	vm0 =	vmand vm0, vm6  }
0x2c3: {  	v2 =	vsub.s32 v2, v0;
	_ =	sdelay $0x3  }
0x2c4: {  	v3 =	vld [tilespmem:$0x6E80]  }
0x2c5: {  	v56 =	vld.idx.msk [tilespmem:v2+s5+$0x0], vm0;
	_ =	sdelay $0x4  }
0x2c6: {  	v3 =	vadd.f32 v56, v3;
	_ =	sdelay $0x1  }
0x2c7: {  	[tilespmem:v2+s5+$0x0] =	vst.idx.msk vm0, v3  }
0x2c8: {  	v2 =	vld [tilespmem:$0x6610]  }
0x2c9: {  	v3 =	vld [tilespmem:$0x6611];
	_ =	sdelay $0x3  }
0x2ca: {  	vm7 =	vge.s32 v2, v0;
	vm8 =	vlt.s32 v2, v1  }
0x2cb: {  	vm9 =	vne.s32 v2, v3;
	vm0 =	vmand vm7, vm8  }
0x2cc: {  	vm0 =	vmand vm0, vm9  }
0x2cd: {  	v2 =	vsub.s32 v2, v0;
	_ =	sdelay $0x3  }
0x2ce: {  	v3 =	vld [tilespmem:$0x6E90]  }
0x2cf: {  	v57 =	vld.idx.msk [tilespmem:v2+s5+$0x0], vm0;
	_ =	sdelay $0x4  }
0x2d0: {  	v3 =	vadd.f32 v57, v3;
	_ =	sdelay $0x1  }
0x2d1: {  	[tilespmem:v2+s5+$0x0] =	vst.idx.msk vm0, v3  }
0x2d2: {  	v2 =	vld [tilespmem:$0x6620]  }
0x2d3: {  	v3 =	vld [tilespmem:$0x6621];
	_ =	sdelay $0x3  }
0x2d4: {  	vm10 =	vge.s32 v2, v0;
	vm11 =	vlt.s32 v2, v1  }
0x2d5: {  	vm12 =	vne.s32 v2, v3;
	vm0 =	vmand vm10, vm11  }
0x2d6: {  	vm0 =	vmand vm0, vm12  }
0x2d7: {  	v2 =	vsub.s32 v2, v0;
	_ =	sdelay $0x3  }
0x2d8: {  	v3 =	vld [tilespmem:$0x6EA0]  }
0x2d9: {  	v58 =	vld.idx.msk [tilespmem:v2+s5+$0x0], vm0;
	_ =	sdelay $0x4  }
0x2da: {  	v3 =	vadd.f32 v58, v3;
	_ =	sdelay $0x1  }
0x2db: {  	[tilespmem:v2+s5+$0x0] =	vst.idx.msk vm0, v3  }
0x2dc: {  	v2 =	vld [tilespmem:$0x6630]  }
0x2dd: {  	v3 =	vld [tilespmem:$0x6631];
	_ =	sdelay $0x3  }
0x2de: {  	vm13 =	vge.s32 v2, v0;
	vm14 =	vlt.s32 v2, v1  }
0x2df: {  	vm15 =	vne.s32 v2, v3;
	vm0 =	vmand vm13, vm14  }
0x2e0: {  	vm0 =	vmand vm0, vm15  }
0x2e1: {  	v2 =	vsub.s32 v2, v0;
	_ =	sdelay $0x3  }
0x2e2: {  	v3 =	vld [tilespmem:$0x6EB0]  }
0x2e3: {  	v59 =	vld.idx.msk [tilespmem:v2+s5+$0x0], vm0;
	_ =	sdelay $0x4  }
0x2e4: {  	v3 =	vadd.f32 v59, v3;
	_ =	sdelay $0x1  }
0x2e5: {  	[tilespmem:v2+s5+$0x0] =	vst.idx.msk vm0, v3  }
0x2e6: {  	v2 =	vld [tilespmem:$0x6640]  }
0x2e7: {  	v3 =	vld [tilespmem:$0x6641];
	_ =	sdelay $0x3  }
0x2e8: {  	vm4 =	vge.s32 v2, v0;
	vm5 =	vlt.s32 v2, v1  }
0x2e9: {  	vm6 =	vne.s32 v2, v3;
	vm0 =	vmand vm4, vm5  }
0x2ea: {  	vm0 =	vmand vm0, vm6  }
0x2eb: {  	v2 =	vsub.s32 v2, v0;
	_ =	sdelay $0x3  }
0x2ec: {  	v3 =	vld [tilespmem:$0x6EC0]  }
0x2ed: {  	v60 =	vld.idx.msk [tilespmem:v2+s5+$0x0], vm0;
	_ =	sdelay $0x4  }
0x2ee: {  	v3 =	vadd.f32 v60, v3;
	_ =	sdelay $0x1  }
0x2ef: {  	[tilespmem:v2+s5+$0x0] =	vst.idx.msk vm0, v3  }
0x2f0: {  	v2 =	vld [tilespmem:$0x6650]  }
0x2f1: {  	v3 =	vld [tilespmem:$0x6651];
	_ =	sdelay $0x3  }
0x2f2: {  	vm7 =	vge.s32 v2, v0;
	vm8 =	vlt.s32 v2, v1  }
0x2f3: {  	vm9 =	vne.s32 v2, v3;
	vm0 =	vmand vm7, vm8  }
0x2f4: {  	vm0 =	vmand vm0, vm9  }
0x2f5: {  	v2 =	vsub.s32 v2, v0;
	_ =	sdelay $0x3  }
0x2f6: {  	v3 =	vld [tilespmem:$0x6ED0]  }
0x2f7: {  	v61 =	vld.idx.msk [tilespmem:v2+s5+$0x0], vm0;
	_ =	sdelay $0x4  }
0x2f8: {  	v3 =	vadd.f32 v61, v3;
	_ =	sdelay $0x1  }
0x2f9: {  	[tilespmem:v2+s5+$0x0] =	vst.idx.msk vm0, v3  }
0x2fa: {  	v2 =	vld [tilespmem:$0x6660]  }
0x2fb: {  	v3 =	vld [tilespmem:$0x6661];
	_ =	sdelay $0x3  }
0x2fc: {  	vm10 =	vge.s32 v2, v0;
	vm11 =	vlt.s32 v2, v1  }
0x2fd: {  	vm12 =	vne.s32 v2, v3;
	vm0 =	vmand vm10, vm11  }
0x2fe: {  	vm0 =	vmand vm0, vm12  }
0x2ff: {  	v2 =	vsub.s32 v2, v0;
	_ =	sdelay $0x3  }
0x300: {  	v3 =	vld [tilespmem:$0x6EE0]  }
0x301: {  	v62 =	vld.idx.msk [tilespmem:v2+s5+$0x0], vm0;
	_ =	sdelay $0x4  }
0x302: {  	v3 =	vadd.f32 v62, v3;
	_ =	sdelay $0x1  }
0x303: {  	[tilespmem:v2+s5+$0x0] =	vst.idx.msk vm0, v3  }
0x304: {  	v2 =	vld [tilespmem:$0x6670]  }
0x305: {  	v3 =	vld [tilespmem:$0x6671];
	_ =	sdelay $0x3  }
0x306: {  	vm13 =	vge.s32 v2, v0;
	vm14 =	vlt.s32 v2, v1  }
0x307: {  	vm15 =	vne.s32 v2, v3;
	vm0 =	vmand vm13, vm14  }
0x308: {  	vm0 =	vmand vm0, vm15  }
0x309: {  	v2 =	vsub.s32 v2, v0;
	_ =	sdelay $0x3  }
0x30a: {  	v3 =	vld [tilespmem:$0x6EF0]  }
0x30b: {  	v63 =	vld.idx.msk [tilespmem:v2+s5+$0x0], vm0;
	_ =	sdelay $0x4  }
0x30c: {  	v3 =	vadd.f32 v63, v3;
	_ =	sdelay $0x1  }
0x30d: {  	[tilespmem:v2+s5+$0x0] =	vst.idx.msk vm0, v3  }
0x30e: {  	v2 =	vld [tilespmem:$0x6680]  }
0x30f: {  	v3 =	vld [tilespmem:$0x6681];
	_ =	sdelay $0x3  }
0x310: {  	vm4 =	vge.s32 v2, v0;
	vm5 =	vlt.s32 v2, v1  }
0x311: {  	vm6 =	vne.s32 v2, v3;
	vm0 =	vmand vm4, vm5  }
0x312: {  	vm0 =	vmand vm0, vm6  }
0x313: {  	v2 =	vsub.s32 v2, v0;
	_ =	sdelay $0x3  }
0x314: {  	v3 =	vld [tilespmem:$0x6F00]  }
0x315: {  	v8 =	vld.idx.msk [tilespmem:v2+s5+$0x0], vm0;
	_ =	sdelay $0x4  }
0x316: {  	v3 =	vadd.f32 v8, v3;
	_ =	sdelay $0x1  }
0x317: {  	[tilespmem:v2+s5+$0x0] =	vst.idx.msk vm0, v3  }
0x318: {  	v2 =	vld [tilespmem:$0x6690]  }
0x319: {  	v3 =	vld [tilespmem:$0x6691];
	_ =	sdelay $0x3  }
0x31a: {  	vm7 =	vge.s32 v2, v0;
	vm8 =	vlt.s32 v2, v1  }
0x31b: {  	vm9 =	vne.s32 v2, v3;
	vm0 =	vmand vm7, vm8  }
0x31c: {  	vm0 =	vmand vm0, vm9  }
0x31d: {  	v2 =	vsub.s32 v2, v0;
	_ =	sdelay $0x3  }
0x31e: {  	v3 =	vld [tilespmem:$0x6F10]  }
0x31f: {  	v9 =	vld.idx.msk [tilespmem:v2+s5+$0x0], vm0;
	_ =	sdelay $0x4  }
0x320: {  	v3 =	vadd.f32 v9, v3;
	_ =	sdelay $0x1  }
0x321: {  	[tilespmem:v2+s5+$0x0] =	vst.idx.msk vm0, v3  }
0x322: {  	v2 =	vld [tilespmem:$0x66A0]  }
0x323: {  	v3 =	vld [tilespmem:$0x66A1];
	_ =	sdelay $0x3  }
0x324: {  	vm10 =	vge.s32 v2, v0;
	vm11 =	vlt.s32 v2, v1  }
0x325: {  	vm12 =	vne.s32 v2, v3;
	vm0 =	vmand vm10, vm11  }
0x326: {  	vm0 =	vmand vm0, vm12  }
0x327: {  	v2 =	vsub.s32 v2, v0;
	_ =	sdelay $0x3  }
0x328: {  	v3 =	vld [tilespmem:$0x6F20]  }
0x329: {  	v10 =	vld.idx.msk [tilespmem:v2+s5+$0x0], vm0;
	_ =	sdelay $0x4  }
0x32a: {  	v3 =	vadd.f32 v10, v3;
	_ =	sdelay $0x1  }
0x32b: {  	[tilespmem:v2+s5+$0x0] =	vst.idx.msk vm0, v3  }
0x32c: {  	v2 =	vld [tilespmem:$0x66B0]  }
0x32d: {  	v3 =	vld [tilespmem:$0x66B1];
	_ =	sdelay $0x3  }
0x32e: {  	vm13 =	vge.s32 v2, v0;
	vm14 =	vlt.s32 v2, v1  }
0x32f: {  	vm15 =	vne.s32 v2, v3;
	vm0 =	vmand vm13, vm14  }
0x330: {  	vm0 =	vmand vm0, vm15  }
0x331: {  	v2 =	vsub.s32 v2, v0;
	_ =	sdelay $0x3  }
0x332: {  	v3 =	vld [tilespmem:$0x6F30]  }
0x333: {  	v11 =	vld.idx.msk [tilespmem:v2+s5+$0x0], vm0;
	_ =	sdelay $0x4  }
0x334: {  	v3 =	vadd.f32 v11, v3;
	_ =	sdelay $0x1  }
0x335: {  	[tilespmem:v2+s5+$0x0] =	vst.idx.msk vm0, v3  }
0x336: {  	v2 =	vld [tilespmem:$0x66C0]  }
0x337: {  	v3 =	vld [tilespmem:$0x66C1];
	_ =	sdelay $0x3  }
0x338: {  	vm4 =	vge.s32 v2, v0;
	vm5 =	vlt.s32 v2, v1  }
0x339: {  	vm6 =	vne.s32 v2, v3;
	vm0 =	vmand vm4, vm5  }
0x33a: {  	vm0 =	vmand vm0, vm6  }
0x33b: {  	v2 =	vsub.s32 v2, v0;
	_ =	sdelay $0x3  }
0x33c: {  	v3 =	vld [tilespmem:$0x6F40]  }
0x33d: {  	v12 =	vld.idx.msk [tilespmem:v2+s5+$0x0], vm0;
	_ =	sdelay $0x4  }
0x33e: {  	v3 =	vadd.f32 v12, v3;
	_ =	sdelay $0x1  }
0x33f: {  	[tilespmem:v2+s5+$0x0] =	vst.idx.msk vm0, v3  }
0x340: {  	v2 =	vld [tilespmem:$0x66D0]  }
0x341: {  	v3 =	vld [tilespmem:$0x66D1];
	_ =	sdelay $0x3  }
0x342: {  	vm7 =	vge.s32 v2, v0;
	vm8 =	vlt.s32 v2, v1  }
0x343: {  	vm9 =	vne.s32 v2, v3;
	vm0 =	vmand vm7, vm8  }
0x344: {  	vm0 =	vmand vm0, vm9  }
0x345: {  	v2 =	vsub.s32 v2, v0;
	_ =	sdelay $0x3  }
0x346: {  	v3 =	vld [tilespmem:$0x6F50]  }
0x347: {  	v13 =	vld.idx.msk [tilespmem:v2+s5+$0x0], vm0;
	_ =	sdelay $0x4  }
0x348: {  	v3 =	vadd.f32 v13, v3;
	_ =	sdelay $0x1  }
0x349: {  	[tilespmem:v2+s5+$0x0] =	vst.idx.msk vm0, v3  }
0x34a: {  	v2 =	vld [tilespmem:$0x66E0]  }
0x34b: {  	v3 =	vld [tilespmem:$0x66E1];
	_ =	sdelay $0x3  }
0x34c: {  	vm10 =	vge.s32 v2, v0;
	vm11 =	vlt.s32 v2, v1  }
0x34d: {  	vm12 =	vne.s32 v2, v3;
	vm0 =	vmand vm10, vm11  }
0x34e: {  	vm0 =	vmand vm0, vm12  }
0x34f: {  	v2 =	vsub.s32 v2, v0;
	_ =	sdelay $0x3  }
0x350: {  	v3 =	vld [tilespmem:$0x6F60]  }
0x351: {  	v14 =	vld.idx.msk [tilespmem:v2+s5+$0x0], vm0;
	_ =	sdelay $0x4  }
0x352: {  	v3 =	vadd.f32 v14, v3;
	_ =	sdelay $0x1  }
0x353: {  	[tilespmem:v2+s5+$0x0] =	vst.idx.msk vm0, v3  }
0x354: {  	v2 =	vld [tilespmem:$0x66F0]  }
0x355: {  	v3 =	vld [tilespmem:$0x66F1];
	_ =	sdelay $0x3  }
0x356: {  	vm13 =	vge.s32 v2, v0;
	vm14 =	vlt.s32 v2, v1  }
0x357: {  	vm15 =	vne.s32 v2, v3;
	vm0 =	vmand vm13, vm14  }
0x358: {  	vm0 =	vmand vm0, vm15  }
0x359: {  	v2 =	vsub.s32 v2, v0;
	_ =	sdelay $0x3  }
0x35a: {  	v3 =	vld [tilespmem:$0x6F70]  }
0x35b: {  	v15 =	vld.idx.msk [tilespmem:v2+s5+$0x0], vm0;
	_ =	sdelay $0x4  }
0x35c: {  	v3 =	vadd.f32 v15, v3;
	_ =	sdelay $0x1  }
0x35d: {  	[tilespmem:v2+s5+$0x0] =	vst.idx.msk vm0, v3  }
0x35e: {  	v2 =	vld [tilespmem:$0x6700]  }
0x35f: {  	v3 =	vld [tilespmem:$0x6701];
	_ =	sdelay $0x3  }
0x360: {  	vm4 =	vge.s32 v2, v0;
	vm5 =	vlt.s32 v2, v1  }
0x361: {  	vm6 =	vne.s32 v2, v3;
	vm0 =	vmand vm4, vm5  }
0x362: {  	vm0 =	vmand vm0, vm6  }
0x363: {  	v2 =	vsub.s32 v2, v0;
	_ =	sdelay $0x3  }
0x364: {  	v3 =	vld [tilespmem:$0x6F80]  }
0x365: {  	v16 =	vld.idx.msk [tilespmem:v2+s5+$0x0], vm0;
	_ =	sdelay $0x4  }
0x366: {  	v3 =	vadd.f32 v16, v3;
	_ =	sdelay $0x1  }
0x367: {  	[tilespmem:v2+s5+$0x0] =	vst.idx.msk vm0, v3  }
0x368: {  	v2 =	vld [tilespmem:$0x6710]  }
0x369: {  	v3 =	vld [tilespmem:$0x6711];
	_ =	sdelay $0x3  }
0x36a: {  	vm7 =	vge.s32 v2, v0;
	vm8 =	vlt.s32 v2, v1  }
0x36b: {  	vm9 =	vne.s32 v2, v3;
	vm0 =	vmand vm7, vm8  }
0x36c: {  	vm0 =	vmand vm0, vm9  }
0x36d: {  	v2 =	vsub.s32 v2, v0;
	_ =	sdelay $0x3  }
0x36e: {  	v3 =	vld [tilespmem:$0x6F90]  }
0x36f: {  	v17 =	vld.idx.msk [tilespmem:v2+s5+$0x0], vm0;
	_ =	sdelay $0x4  }
0x370: {  	v3 =	vadd.f32 v17, v3;
	_ =	sdelay $0x1  }
0x371: {  	[tilespmem:v2+s5+$0x0] =	vst.idx.msk vm0, v3  }
0x372: {  	v2 =	vld [tilespmem:$0x6720]  }
0x373: {  	v3 =	vld [tilespmem:$0x6721];
	_ =	sdelay $0x3  }
0x374: {  	vm10 =	vge.s32 v2, v0;
	vm11 =	vlt.s32 v2, v1  }
0x375: {  	vm12 =	vne.s32 v2, v3;
	vm0 =	vmand vm10, vm11  }
0x376: {  	vm0 =	vmand vm0, vm12  }
0x377: {  	v2 =	vsub.s32 v2, v0;
	_ =	sdelay $0x3  }
0x378: {  	v3 =	vld [tilespmem:$0x6FA0]  }
0x379: {  	v18 =	vld.idx.msk [tilespmem:v2+s5+$0x0], vm0;
	_ =	sdelay $0x4  }
0x37a: {  	v3 =	vadd.f32 v18, v3;
	_ =	sdelay $0x1  }
0x37b: {  	[tilespmem:v2+s5+$0x0] =	vst.idx.msk vm0, v3  }
0x37c: {  	v2 =	vld [tilespmem:$0x6730]  }
0x37d: {  	v3 =	vld [tilespmem:$0x6731];
	_ =	sdelay $0x3  }
0x37e: {  	vm13 =	vge.s32 v2, v0;
	vm14 =	vlt.s32 v2, v1  }
0x37f: {  	vm15 =	vne.s32 v2, v3;
	vm0 =	vmand vm13, vm14  }
0x380: {  	vm0 =	vmand vm0, vm15  }
0x381: {  	v2 =	vsub.s32 v2, v0;
	_ =	sdelay $0x3  }
0x382: {  	v3 =	vld [tilespmem:$0x6FB0]  }
0x383: {  	v19 =	vld.idx.msk [tilespmem:v2+s5+$0x0], vm0;
	_ =	sdelay $0x4  }
0x384: {  	v3 =	vadd.f32 v19, v3;
	_ =	sdelay $0x1  }
0x385: {  	[tilespmem:v2+s5+$0x0] =	vst.idx.msk vm0, v3  }
0x386: {  	v2 =	vld [tilespmem:$0x6740]  }
0x387: {  	v3 =	vld [tilespmem:$0x6741];
	_ =	sdelay $0x3  }
0x388: {  	vm4 =	vge.s32 v2, v0;
	vm5 =	vlt.s32 v2, v1  }
0x389: {  	vm6 =	vne.s32 v2, v3;
	vm0 =	vmand vm4, vm5  }
0x38a: {  	vm0 =	vmand vm0, vm6  }
0x38b: {  	v2 =	vsub.s32 v2, v0;
	_ =	sdelay $0x3  }
0x38c: {  	v3 =	vld [tilespmem:$0x6FC0]  }
0x38d: {  	v20 =	vld.idx.msk [tilespmem:v2+s5+$0x0], vm0;
	_ =	sdelay $0x4  }
0x38e: {  	v3 =	vadd.f32 v20, v3;
	_ =	sdelay $0x1  }
0x38f: {  	[tilespmem:v2+s5+$0x0] =	vst.idx.msk vm0, v3  }
0x390: {  	v2 =	vld [tilespmem:$0x6750]  }
0x391: {  	v3 =	vld [tilespmem:$0x6751];
	_ =	sdelay $0x3  }
0x392: {  	vm7 =	vge.s32 v2, v0;
	vm8 =	vlt.s32 v2, v1  }
0x393: {  	vm9 =	vne.s32 v2, v3;
	vm0 =	vmand vm7, vm8  }
0x394: {  	vm0 =	vmand vm0, vm9  }
0x395: {  	v2 =	vsub.s32 v2, v0;
	_ =	sdelay $0x3  }
0x396: {  	v3 =	vld [tilespmem:$0x6FD0]  }
0x397: {  	v21 =	vld.idx.msk [tilespmem:v2+s5+$0x0], vm0;
	_ =	sdelay $0x4  }
0x398: {  	v3 =	vadd.f32 v21, v3;
	_ =	sdelay $0x1  }
0x399: {  	[tilespmem:v2+s5+$0x0] =	vst.idx.msk vm0, v3  }
0x39a: {  	v2 =	vld [tilespmem:$0x6760]  }
0x39b: {  	v3 =	vld [tilespmem:$0x6761];
	_ =	sdelay $0x3  }
0x39c: {  	vm10 =	vge.s32 v2, v0;
	vm11 =	vlt.s32 v2, v1  }
0x39d: {  	vm12 =	vne.s32 v2, v3;
	vm0 =	vmand vm10, vm11  }
0x39e: {  	vm0 =	vmand vm0, vm12  }
0x39f: {  	v2 =	vsub.s32 v2, v0;
	_ =	sdelay $0x3  }
0x3a0: {  	v3 =	vld [tilespmem:$0x6FE0]  }
0x3a1: {  	v22 =	vld.idx.msk [tilespmem:v2+s5+$0x0], vm0;
	_ =	sdelay $0x4  }
0x3a2: {  	v3 =	vadd.f32 v22, v3;
	_ =	sdelay $0x1  }
0x3a3: {  	[tilespmem:v2+s5+$0x0] =	vst.idx.msk vm0, v3  }
0x3a4: {  	v2 =	vld [tilespmem:$0x6770]  }
0x3a5: {  	v3 =	vld [tilespmem:$0x6771];
	_ =	sdelay $0x3  }
0x3a6: {  	vm13 =	vge.s32 v2, v0;
	vm14 =	vlt.s32 v2, v1  }
0x3a7: {  	vm15 =	vne.s32 v2, v3;
	vm0 =	vmand vm13, vm14  }
0x3a8: {  	vm0 =	vmand vm0, vm15  }
0x3a9: {  	v2 =	vsub.s32 v2, v0;
	_ =	sdelay $0x3  }
0x3aa: {  	v3 =	vld [tilespmem:$0x6FF0]  }
0x3ab: {  	v23 =	vld.idx.msk [tilespmem:v2+s5+$0x0], vm0;
	_ =	sdelay $0x4  }
0x3ac: {  	v3 =	vadd.f32 v23, v3;
	_ =	sdelay $0x1  }
0x3ad: {  	[tilespmem:v2+s5+$0x0] =	vst.idx.msk vm0, v3  }
0x3ae: {  	v2 =	vld [tilespmem:$0x6780]  }
0x3af: {  	v3 =	vld [tilespmem:$0x6781];
	_ =	sdelay $0x3  }
0x3b0: {  	vm4 =	vge.s32 v2, v0;
	vm5 =	vlt.s32 v2, v1  }
0x3b1: {  	vm6 =	vne.s32 v2, v3;
	vm0 =	vmand vm4, vm5  }
0x3b2: {  	vm0 =	vmand vm0, vm6  }
0x3b3: {  	v2 =	vsub.s32 v2, v0;
	_ =	sdelay $0x3  }
0x3b4: {  	v3 =	vld [tilespmem:$0x7000]  }
0x3b5: {  	v24 =	vld.idx.msk [tilespmem:v2+s5+$0x0], vm0;
	_ =	sdelay $0x4  }
0x3b6: {  	v3 =	vadd.f32 v24, v3;
	_ =	sdelay $0x1  }
0x3b7: {  	[tilespmem:v2+s5+$0x0] =	vst.idx.msk vm0, v3  }
0x3b8: {  	v2 =	vld [tilespmem:$0x6790]  }
0x3b9: {  	v3 =	vld [tilespmem:$0x6791];
	_ =	sdelay $0x3  }
0x3ba: {  	vm7 =	vge.s32 v2, v0;
	vm8 =	vlt.s32 v2, v1  }
0x3bb: {  	vm9 =	vne.s32 v2, v3;
	vm0 =	vmand vm7, vm8  }
0x3bc: {  	vm0 =	vmand vm0, vm9  }
0x3bd: {  	v2 =	vsub.s32 v2, v0;
	_ =	sdelay $0x3  }
0x3be: {  	v3 =	vld [tilespmem:$0x7010]  }
0x3bf: {  	v25 =	vld.idx.msk [tilespmem:v2+s5+$0x0], vm0;
	_ =	sdelay $0x4  }
0x3c0: {  	v3 =	vadd.f32 v25, v3;
	_ =	sdelay $0x1  }
0x3c1: {  	[tilespmem:v2+s5+$0x0] =	vst.idx.msk vm0, v3  }
0x3c2: {  	v2 =	vld [tilespmem:$0x67A0]  }
0x3c3: {  	v3 =	vld [tilespmem:$0x67A1];
	_ =	sdelay $0x3  }
0x3c4: {  	vm10 =	vge.s32 v2, v0;
	vm11 =	vlt.s32 v2, v1  }
0x3c5: {  	vm12 =	vne.s32 v2, v3;
	vm0 =	vmand vm10, vm11  }
0x3c6: {  	vm0 =	vmand vm0, vm12  }
0x3c7: {  	v2 =	vsub.s32 v2, v0;
	_ =	sdelay $0x3  }
0x3c8: {  	v3 =	vld [tilespmem:$0x7020]  }
0x3c9: {  	v26 =	vld.idx.msk [tilespmem:v2+s5+$0x0], vm0;
	_ =	sdelay $0x4  }
0x3ca: {  	v3 =	vadd.f32 v26, v3;
	_ =	sdelay $0x1  }
0x3cb: {  	[tilespmem:v2+s5+$0x0] =	vst.idx.msk vm0, v3  }
0x3cc: {  	v2 =	vld [tilespmem:$0x67B0]  }
0x3cd: {  	v3 =	vld [tilespmem:$0x67B1];
	_ =	sdelay $0x3  }
0x3ce: {  	vm13 =	vge.s32 v2, v0;
	vm14 =	vlt.s32 v2, v1  }
0x3cf: {  	vm15 =	vne.s32 v2, v3;
	vm0 =	vmand vm13, vm14  }
0x3d0: {  	vm0 =	vmand vm0, vm15  }
0x3d1: {  	v2 =	vsub.s32 v2, v0;
	_ =	sdelay $0x3  }
0x3d2: {  	v3 =	vld [tilespmem:$0x7030]  }
0x3d3: {  	v27 =	vld.idx.msk [tilespmem:v2+s5+$0x0], vm0;
	_ =	sdelay $0x4  }
0x3d4: {  	v3 =	vadd.f32 v27, v3;
	_ =	sdelay $0x1  }
0x3d5: {  	[tilespmem:v2+s5+$0x0] =	vst.idx.msk vm0, v3  }
0x3d6: {  	v2 =	vld [tilespmem:$0x67C0]  }
0x3d7: {  	v3 =	vld [tilespmem:$0x67C1];
	_ =	sdelay $0x3  }
0x3d8: {  	vm4 =	vge.s32 v2, v0;
	vm5 =	vlt.s32 v2, v1  }
0x3d9: {  	vm6 =	vne.s32 v2, v3;
	vm0 =	vmand vm4, vm5  }
0x3da: {  	vm0 =	vmand vm0, vm6  }
0x3db: {  	v2 =	vsub.s32 v2, v0;
	_ =	sdelay $0x3  }
0x3dc: {  	v3 =	vld [tilespmem:$0x7040]  }
0x3dd: {  	v28 =	vld.idx.msk [tilespmem:v2+s5+$0x0], vm0;
	_ =	sdelay $0x4  }
0x3de: {  	v3 =	vadd.f32 v28, v3;
	_ =	sdelay $0x1  }
0x3df: {  	[tilespmem:v2+s5+$0x0] =	vst.idx.msk vm0, v3  }
0x3e0: {  	v2 =	vld [tilespmem:$0x67D0]  }
0x3e1: {  	v3 =	vld [tilespmem:$0x67D1];
	_ =	sdelay $0x3  }
0x3e2: {  	vm7 =	vge.s32 v2, v0;
	vm8 =	vlt.s32 v2, v1  }
0x3e3: {  	vm9 =	vne.s32 v2, v3;
	vm0 =	vmand vm7, vm8  }
0x3e4: {  	vm0 =	vmand vm0, vm9  }
0x3e5: {  	v2 =	vsub.s32 v2, v0;
	_ =	sdelay $0x3  }
0x3e6: {  	v3 =	vld [tilespmem:$0x7050]  }
0x3e7: {  	v29 =	vld.idx.msk [tilespmem:v2+s5+$0x0], vm0;
	_ =	sdelay $0x4  }
0x3e8: {  	v3 =	vadd.f32 v29, v3;
	_ =	sdelay $0x1  }
0x3e9: {  	[tilespmem:v2+s5+$0x0] =	vst.idx.msk vm0, v3  }
0x3ea: {  	v2 =	vld [tilespmem:$0x67E0]  }
0x3eb: {  	v3 =	vld [tilespmem:$0x67E1];
	_ =	sdelay $0x3  }
0x3ec: {  	vm10 =	vge.s32 v2, v0;
	vm11 =	vlt.s32 v2, v1  }
0x3ed: {  	vm12 =	vne.s32 v2, v3;
	vm0 =	vmand vm10, vm11  }
0x3ee: {  	vm0 =	vmand vm0, vm12  }
0x3ef: {  	v2 =	vsub.s32 v2, v0;
	_ =	sdelay $0x3  }
0x3f0: {  	v3 =	vld [tilespmem:$0x7060]  }
0x3f1: {  	v30 =	vld.idx.msk [tilespmem:v2+s5+$0x0], vm0;
	_ =	sdelay $0x4  }
0x3f2: {  	v3 =	vadd.f32 v30, v3;
	_ =	sdelay $0x1  }
0x3f3: {  	[tilespmem:v2+s5+$0x0] =	vst.idx.msk vm0, v3  }
0x3f4: {  	v2 =	vld [tilespmem:$0x67F0]  }
0x3f5: {  	v3 =	vld [tilespmem:$0x67F1];
	_ =	sdelay $0x3  }
0x3f6: {  	vm13 =	vge.s32 v2, v0;
	vm14 =	vlt.s32 v2, v1  }
0x3f7: {  	vm15 =	vne.s32 v2, v3;
	vm0 =	vmand vm13, vm14  }
0x3f8: {  	vm0 =	vmand vm0, vm15  }
0x3f9: {  	v2 =	vsub.s32 v2, v0;
	_ =	sdelay $0x3  }
0x3fa: {  	v3 =	vld [tilespmem:$0x7070]  }
0x3fb: {  	v31 =	vld.idx.msk [tilespmem:v2+s5+$0x0], vm0;
	_ =	sdelay $0x4  }
0x3fc: {  	v3 =	vadd.f32 v31, v3;
	_ =	sdelay $0x1  }
0x3fd: {  	[tilespmem:v2+s5+$0x0] =	vst.idx.msk vm0, v3  }
0x3fe: {  	v2 =	vld [tilespmem:$0x6800]  }
0x3ff: {  	v3 =	vld [tilespmem:$0x6801];
	_ =	sdelay $0x3  }
0x400: {  	vm4 =	vge.s32 v2, v0;
	vm5 =	vlt.s32 v2, v1  }
0x401: {  	vm6 =	vne.s32 v2, v3;
	vm0 =	vmand vm4, vm5  }
0x402: {  	vm0 =	vmand vm0, vm6  }
0x403: {  	v2 =	vsub.s32 v2, v0;
	_ =	sdelay $0x3  }
0x404: {  	v3 =	vld [tilespmem:$0x7080]  }
0x405: {  	v32 =	vld.idx.msk [tilespmem:v2+s5+$0x0], vm0;
	_ =	sdelay $0x4  }
0x406: {  	v3 =	vadd.f32 v32, v3;
	_ =	sdelay $0x1  }
0x407: {  	[tilespmem:v2+s5+$0x0] =	vst.idx.msk vm0, v3  }
0x408: {  	v2 =	vld [tilespmem:$0x6810]  }
0x409: {  	v3 =	vld [tilespmem:$0x6811];
	_ =	sdelay $0x3  }
0x40a: {  	vm7 =	vge.s32 v2, v0;
	vm8 =	vlt.s32 v2, v1  }
0x40b: {  	vm9 =	vne.s32 v2, v3;
	vm0 =	vmand vm7, vm8  }
0x40c: {  	vm0 =	vmand vm0, vm9  }
0x40d: {  	v2 =	vsub.s32 v2, v0;
	_ =	sdelay $0x3  }
0x40e: {  	v3 =	vld [tilespmem:$0x7090]  }
0x40f: {  	v33 =	vld.idx.msk [tilespmem:v2+s5+$0x0], vm0;
	_ =	sdelay $0x4  }
0x410: {  	v3 =	vadd.f32 v33, v3;
	_ =	sdelay $0x1  }
0x411: {  	[tilespmem:v2+s5+$0x0] =	vst.idx.msk vm0, v3  }
0x412: {  	v2 =	vld [tilespmem:$0x6820]  }
0x413: {  	v3 =	vld [tilespmem:$0x6821];
	_ =	sdelay $0x3  }
0x414: {  	vm10 =	vge.s32 v2, v0;
	vm11 =	vlt.s32 v2, v1  }
0x415: {  	vm12 =	vne.s32 v2, v3;
	vm0 =	vmand vm10, vm11  }
0x416: {  	vm0 =	vmand vm0, vm12  }
0x417: {  	v2 =	vsub.s32 v2, v0;
	_ =	sdelay $0x3  }
0x418: {  	v3 =	vld [tilespmem:$0x70A0]  }
0x419: {  	v34 =	vld.idx.msk [tilespmem:v2+s5+$0x0], vm0;
	_ =	sdelay $0x4  }
0x41a: {  	v3 =	vadd.f32 v34, v3;
	_ =	sdelay $0x1  }
0x41b: {  	[tilespmem:v2+s5+$0x0] =	vst.idx.msk vm0, v3  }
0x41c: {  	v2 =	vld [tilespmem:$0x6830]  }
0x41d: {  	v3 =	vld [tilespmem:$0x6831];
	_ =	sdelay $0x3  }
0x41e: {  	vm13 =	vge.s32 v2, v0;
	vm14 =	vlt.s32 v2, v1  }
0x41f: {  	vm15 =	vne.s32 v2, v3;
	vm0 =	vmand vm13, vm14  }
0x420: {  	vm0 =	vmand vm0, vm15  }
0x421: {  	v2 =	vsub.s32 v2, v0;
	_ =	sdelay $0x3  }
0x422: {  	v3 =	vld [tilespmem:$0x70B0]  }
0x423: {  	v35 =	vld.idx.msk [tilespmem:v2+s5+$0x0], vm0;
	_ =	sdelay $0x4  }
0x424: {  	v3 =	vadd.f32 v35, v3;
	_ =	sdelay $0x1  }
0x425: {  	[tilespmem:v2+s5+$0x0] =	vst.idx.msk vm0, v3  }
0x426: {  	v2 =	vld [tilespmem:$0x6840]  }
0x427: {  	v3 =	vld [tilespmem:$0x6841];
	_ =	sdelay $0x3  }
0x428: {  	vm4 =	vge.s32 v2, v0;
	vm5 =	vlt.s32 v2, v1  }
0x429: {  	vm6 =	vne.s32 v2, v3;
	vm0 =	vmand vm4, vm5  }
0x42a: {  	vm0 =	vmand vm0, vm6  }
0x42b: {  	v2 =	vsub.s32 v2, v0;
	_ =	sdelay $0x3  }
0x42c: {  	v3 =	vld [tilespmem:$0x70C0]  }
0x42d: {  	v36 =	vld.idx.msk [tilespmem:v2+s5+$0x0], vm0;
	_ =	sdelay $0x4  }
0x42e: {  	v3 =	vadd.f32 v36, v3;
	_ =	sdelay $0x1  }
0x42f: {  	[tilespmem:v2+s5+$0x0] =	vst.idx.msk vm0, v3  }
0x430: {  	v2 =	vld [tilespmem:$0x6850]  }
0x431: {  	v3 =	vld [tilespmem:$0x6851];
	_ =	sdelay $0x3  }
0x432: {  	vm7 =	vge.s32 v2, v0;
	vm8 =	vlt.s32 v2, v1  }
0x433: {  	vm9 =	vne.s32 v2, v3;
	vm0 =	vmand vm7, vm8  }
0x434: {  	vm0 =	vmand vm0, vm9  }
0x435: {  	v2 =	vsub.s32 v2, v0;
	_ =	sdelay $0x3  }
0x436: {  	v3 =	vld [tilespmem:$0x70D0]  }
0x437: {  	v37 =	vld.idx.msk [tilespmem:v2+s5+$0x0], vm0;
	_ =	sdelay $0x4  }
0x438: {  	v3 =	vadd.f32 v37, v3;
	_ =	sdelay $0x1  }
0x439: {  	[tilespmem:v2+s5+$0x0] =	vst.idx.msk vm0, v3  }
0x43a: {  	v2 =	vld [tilespmem:$0x6860]  }
0x43b: {  	v3 =	vld [tilespmem:$0x6861];
	_ =	sdelay $0x3  }
0x43c: {  	vm10 =	vge.s32 v2, v0;
	vm11 =	vlt.s32 v2, v1  }
0x43d: {  	vm12 =	vne.s32 v2, v3;
	vm0 =	vmand vm10, vm11  }
0x43e: {  	vm0 =	vmand vm0, vm12  }
0x43f: {  	v2 =	vsub.s32 v2, v0;
	_ =	sdelay $0x3  }
0x440: {  	v3 =	vld [tilespmem:$0x70E0]  }
0x441: {  	v38 =	vld.idx.msk [tilespmem:v2+s5+$0x0], vm0;
	_ =	sdelay $0x4  }
0x442: {  	v3 =	vadd.f32 v38, v3;
	_ =	sdelay $0x1  }
0x443: {  	[tilespmem:v2+s5+$0x0] =	vst.idx.msk vm0, v3  }
0x444: {  	v2 =	vld [tilespmem:$0x6870]  }
0x445: {  	v3 =	vld [tilespmem:$0x6871];
	_ =	sdelay $0x3  }
0x446: {  	vm13 =	vge.s32 v2, v0;
	vm14 =	vlt.s32 v2, v1  }
0x447: {  	vm15 =	vne.s32 v2, v3;
	vm0 =	vmand vm13, vm14  }
0x448: {  	vm0 =	vmand vm0, vm15  }
0x449: {  	v2 =	vsub.s32 v2, v0;
	_ =	sdelay $0x3  }
0x44a: {  	v3 =	vld [tilespmem:$0x70F0]  }
0x44b: {  	v39 =	vld.idx.msk [tilespmem:v2+s5+$0x0], vm0;
	_ =	sdelay $0x4  }
0x44c: {  	v3 =	vadd.f32 v39, v3;
	_ =	sdelay $0x1  }
0x44d: {  	[tilespmem:v2+s5+$0x0] =	vst.idx.msk vm0, v3  }
0x44e: {  	v2 =	vld [tilespmem:$0x6880]  }
0x44f: {  	v3 =	vld [tilespmem:$0x6881];
	_ =	sdelay $0x3  }
0x450: {  	vm4 =	vge.s32 v2, v0;
	vm5 =	vlt.s32 v2, v1  }
0x451: {  	vm6 =	vne.s32 v2, v3;
	vm0 =	vmand vm4, vm5  }
0x452: {  	vm0 =	vmand vm0, vm6  }
0x453: {  	v2 =	vsub.s32 v2, v0;
	_ =	sdelay $0x3  }
0x454: {  	v3 =	vld [tilespmem:$0x7100]  }
0x455: {  	v40 =	vld.idx.msk [tilespmem:v2+s5+$0x0], vm0;
	_ =	sdelay $0x4  }
0x456: {  	v3 =	vadd.f32 v40, v3;
	_ =	sdelay $0x1  }
0x457: {  	[tilespmem:v2+s5+$0x0] =	vst.idx.msk vm0, v3  }
0x458: {  	v2 =	vld [tilespmem:$0x6890]  }
0x459: {  	v3 =	vld [tilespmem:$0x6891];
	_ =	sdelay $0x3  }
0x45a: {  	vm7 =	vge.s32 v2, v0;
	vm8 =	vlt.s32 v2, v1  }
0x45b: {  	vm9 =	vne.s32 v2, v3;
	vm0 =	vmand vm7, vm8  }
0x45c: {  	vm0 =	vmand vm0, vm9  }
0x45d: {  	v2 =	vsub.s32 v2, v0;
	_ =	sdelay $0x3  }
0x45e: {  	v3 =	vld [tilespmem:$0x7110]  }
0x45f: {  	v41 =	vld.idx.msk [tilespmem:v2+s5+$0x0], vm0;
	_ =	sdelay $0x4  }
0x460: {  	v3 =	vadd.f32 v41, v3;
	_ =	sdelay $0x1  }
0x461: {  	[tilespmem:v2+s5+$0x0] =	vst.idx.msk vm0, v3  }
0x462: {  	v2 =	vld [tilespmem:$0x68A0]  }
0x463: {  	v3 =	vld [tilespmem:$0x68A1];
	_ =	sdelay $0x3  }
0x464: {  	vm10 =	vge.s32 v2, v0;
	vm11 =	vlt.s32 v2, v1  }
0x465: {  	vm12 =	vne.s32 v2, v3;
	vm0 =	vmand vm10, vm11  }
0x466: {  	vm0 =	vmand vm0, vm12  }
0x467: {  	v2 =	vsub.s32 v2, v0;
	_ =	sdelay $0x3  }
0x468: {  	v3 =	vld [tilespmem:$0x7120]  }
0x469: {  	v42 =	vld.idx.msk [tilespmem:v2+s5+$0x0], vm0;
	_ =	sdelay $0x4  }
0x46a: {  	v3 =	vadd.f32 v42, v3;
	_ =	sdelay $0x1  }
0x46b: {  	[tilespmem:v2+s5+$0x0] =	vst.idx.msk vm0, v3  }
0x46c: {  	v2 =	vld [tilespmem:$0x68B0]  }
0x46d: {  	v3 =	vld [tilespmem:$0x68B1];
	_ =	sdelay $0x3  }
0x46e: {  	vm13 =	vge.s32 v2, v0;
	vm14 =	vlt.s32 v2, v1  }
0x46f: {  	vm15 =	vne.s32 v2, v3;
	vm0 =	vmand vm13, vm14  }
0x470: {  	vm0 =	vmand vm0, vm15  }
0x471: {  	v2 =	vsub.s32 v2, v0;
	_ =	sdelay $0x3  }
0x472: {  	v3 =	vld [tilespmem:$0x7130]  }
0x473: {  	v43 =	vld.idx.msk [tilespmem:v2+s5+$0x0], vm0;
	_ =	sdelay $0x4  }
0x474: {  	v3 =	vadd.f32 v43, v3;
	_ =	sdelay $0x1  }
0x475: {  	[tilespmem:v2+s5+$0x0] =	vst.idx.msk vm0, v3  }
0x476: {  	v2 =	vld [tilespmem:$0x68C0]  }
0x477: {  	v3 =	vld [tilespmem:$0x68C1];
	_ =	sdelay $0x3  }
0x478: {  	vm4 =	vge.s32 v2, v0;
	vm5 =	vlt.s32 v2, v1  }
0x479: {  	vm6 =	vne.s32 v2, v3;
	vm0 =	vmand vm4, vm5  }
0x47a: {  	vm0 =	vmand vm0, vm6  }
0x47b: {  	v2 =	vsub.s32 v2, v0;
	_ =	sdelay $0x3  }
0x47c: {  	v3 =	vld [tilespmem:$0x7140]  }
0x47d: {  	v44 =	vld.idx.msk [tilespmem:v2+s5+$0x0], vm0;
	_ =	sdelay $0x4  }
0x47e: {  	v3 =	vadd.f32 v44, v3;
	_ =	sdelay $0x1  }
0x47f: {  	[tilespmem:v2+s5+$0x0] =	vst.idx.msk vm0, v3  }
0x480: {  	v2 =	vld [tilespmem:$0x68D0]  }
0x481: {  	v3 =	vld [tilespmem:$0x68D1];
	_ =	sdelay $0x3  }
0x482: {  	vm7 =	vge.s32 v2, v0;
	vm8 =	vlt.s32 v2, v1  }
0x483: {  	vm9 =	vne.s32 v2, v3;
	vm0 =	vmand vm7, vm8  }
0x484: {  	vm0 =	vmand vm0, vm9  }
0x485: {  	v2 =	vsub.s32 v2, v0;
	_ =	sdelay $0x3  }
0x486: {  	v3 =	vld [tilespmem:$0x7150]  }
0x487: {  	v45 =	vld.idx.msk [tilespmem:v2+s5+$0x0], vm0;
	_ =	sdelay $0x4  }
0x488: {  	v3 =	vadd.f32 v45, v3;
	_ =	sdelay $0x1  }
0x489: {  	[tilespmem:v2+s5+$0x0] =	vst.idx.msk vm0, v3  }
0x48a: {  	v2 =	vld [tilespmem:$0x68E0]  }
0x48b: {  	v3 =	vld [tilespmem:$0x68E1];
	_ =	sdelay $0x3  }
0x48c: {  	vm10 =	vge.s32 v2, v0;
	vm11 =	vlt.s32 v2, v1  }
0x48d: {  	vm12 =	vne.s32 v2, v3;
	vm0 =	vmand vm10, vm11  }
0x48e: {  	vm0 =	vmand vm0, vm12  }
0x48f: {  	v2 =	vsub.s32 v2, v0;
	_ =	sdelay $0x3  }
0x490: {  	v3 =	vld [tilespmem:$0x7160]  }
0x491: {  	v46 =	vld.idx.msk [tilespmem:v2+s5+$0x0], vm0;
	_ =	sdelay $0x4  }
0x492: {  	v3 =	vadd.f32 v46, v3;
	_ =	sdelay $0x1  }
0x493: {  	[tilespmem:v2+s5+$0x0] =	vst.idx.msk vm0, v3  }
0x494: {  	v2 =	vld [tilespmem:$0x68F0]  }
0x495: {  	v3 =	vld [tilespmem:$0x68F1];
	_ =	sdelay $0x3  }
0x496: {  	vm13 =	vge.s32 v2, v0;
	vm14 =	vlt.s32 v2, v1  }
0x497: {  	vm15 =	vne.s32 v2, v3;
	vm0 =	vmand vm13, vm14  }
0x498: {  	vm0 =	vmand vm0, vm15  }
0x499: {  	v2 =	vsub.s32 v2, v0;
	_ =	sdelay $0x3  }
0x49a: {  	v3 =	vld [tilespmem:$0x7170]  }
0x49b: {  	v47 =	vld.idx.msk [tilespmem:v2+s5+$0x0], vm0;
	_ =	sdelay $0x4  }
0x49c: {  	v3 =	vadd.f32 v47, v3;
	_ =	sdelay $0x1  }
0x49d: {  	[tilespmem:v2+s5+$0x0] =	vst.idx.msk vm0, v3  }
0x49e: {  	v2 =	vld [tilespmem:$0x6900]  }
0x49f: {  	v3 =	vld [tilespmem:$0x6901];
	_ =	sdelay $0x3  }
0x4a0: {  	vm4 =	vge.s32 v2, v0;
	vm5 =	vlt.s32 v2, v1  }
0x4a1: {  	vm6 =	vne.s32 v2, v3;
	vm0 =	vmand vm4, vm5  }
0x4a2: {  	vm0 =	vmand vm0, vm6  }
0x4a3: {  	v2 =	vsub.s32 v2, v0;
	_ =	sdelay $0x3  }
0x4a4: {  	v3 =	vld [tilespmem:$0x7180]  }
0x4a5: {  	v48 =	vld.idx.msk [tilespmem:v2+s5+$0x0], vm0;
	_ =	sdelay $0x4  }
0x4a6: {  	v3 =	vadd.f32 v48, v3;
	_ =	sdelay $0x1  }
0x4a7: {  	[tilespmem:v2+s5+$0x0] =	vst.idx.msk vm0, v3  }
0x4a8: {  	v2 =	vld [tilespmem:$0x6910]  }
0x4a9: {  	v3 =	vld [tilespmem:$0x6911];
	_ =	sdelay $0x3  }
0x4aa: {  	vm7 =	vge.s32 v2, v0;
	vm8 =	vlt.s32 v2, v1  }
0x4ab: {  	vm9 =	vne.s32 v2, v3;
	vm0 =	vmand vm7, vm8  }
0x4ac: {  	vm0 =	vmand vm0, vm9  }
0x4ad: {  	v2 =	vsub.s32 v2, v0;
	_ =	sdelay $0x3  }
0x4ae: {  	v3 =	vld [tilespmem:$0x7190]  }
0x4af: {  	v49 =	vld.idx.msk [tilespmem:v2+s5+$0x0], vm0;
	_ =	sdelay $0x4  }
0x4b0: {  	v3 =	vadd.f32 v49, v3;
	_ =	sdelay $0x1  }
0x4b1: {  	[tilespmem:v2+s5+$0x0] =	vst.idx.msk vm0, v3  }
0x4b2: {  	v2 =	vld [tilespmem:$0x6920]  }
0x4b3: {  	v3 =	vld [tilespmem:$0x6921];
	_ =	sdelay $0x3  }
0x4b4: {  	vm10 =	vge.s32 v2, v0;
	vm11 =	vlt.s32 v2, v1  }
0x4b5: {  	vm12 =	vne.s32 v2, v3;
	vm0 =	vmand vm10, vm11  }
0x4b6: {  	vm0 =	vmand vm0, vm12  }
0x4b7: {  	v2 =	vsub.s32 v2, v0;
	_ =	sdelay $0x3  }
0x4b8: {  	v3 =	vld [tilespmem:$0x71A0]  }
0x4b9: {  	v50 =	vld.idx.msk [tilespmem:v2+s5+$0x0], vm0;
	_ =	sdelay $0x4  }
0x4ba: {  	v3 =	vadd.f32 v50, v3;
	_ =	sdelay $0x1  }
0x4bb: {  	[tilespmem:v2+s5+$0x0] =	vst.idx.msk vm0, v3  }
0x4bc: {  	v2 =	vld [tilespmem:$0x6930]  }
0x4bd: {  	v3 =	vld [tilespmem:$0x6931];
	_ =	sdelay $0x3  }
0x4be: {  	vm13 =	vge.s32 v2, v0;
	vm14 =	vlt.s32 v2, v1  }
0x4bf: {  	vm15 =	vne.s32 v2, v3;
	vm0 =	vmand vm13, vm14  }
0x4c0: {  	vm0 =	vmand vm0, vm15  }
0x4c1: {  	v2 =	vsub.s32 v2, v0;
	_ =	sdelay $0x3  }
0x4c2: {  	v3 =	vld [tilespmem:$0x71B0]  }
0x4c3: {  	v51 =	vld.idx.msk [tilespmem:v2+s5+$0x0], vm0;
	_ =	sdelay $0x4  }
0x4c4: {  	v3 =	vadd.f32 v51, v3;
	_ =	sdelay $0x1  }
0x4c5: {  	[tilespmem:v2+s5+$0x0] =	vst.idx.msk vm0, v3  }
0x4c6: {  	v2 =	vld [tilespmem:$0x6940]  }
0x4c7: {  	v3 =	vld [tilespmem:$0x6941];
	_ =	sdelay $0x3  }
0x4c8: {  	vm4 =	vge.s32 v2, v0;
	vm5 =	vlt.s32 v2, v1  }
0x4c9: {  	vm6 =	vne.s32 v2, v3;
	vm0 =	vmand vm4, vm5  }
0x4ca: {  	vm0 =	vmand vm0, vm6  }
0x4cb: {  	v2 =	vsub.s32 v2, v0;
	_ =	sdelay $0x3  }
0x4cc: {  	v3 =	vld [tilespmem:$0x71C0]  }
0x4cd: {  	v52 =	vld.idx.msk [tilespmem:v2+s5+$0x0], vm0;
	_ =	sdelay $0x4  }
0x4ce: {  	v3 =	vadd.f32 v52, v3;
	_ =	sdelay $0x1  }
0x4cf: {  	[tilespmem:v2+s5+$0x0] =	vst.idx.msk vm0, v3  }
0x4d0: {  	v2 =	vld [tilespmem:$0x6950]  }
0x4d1: {  	v3 =	vld [tilespmem:$0x6951];
	_ =	sdelay $0x3  }
0x4d2: {  	vm7 =	vge.s32 v2, v0;
	vm8 =	vlt.s32 v2, v1  }
0x4d3: {  	vm9 =	vne.s32 v2, v3;
	vm0 =	vmand vm7, vm8  }
0x4d4: {  	vm0 =	vmand vm0, vm9  }
0x4d5: {  	v2 =	vsub.s32 v2, v0;
	_ =	sdelay $0x3  }
0x4d6: {  	v3 =	vld [tilespmem:$0x71D0]  }
0x4d7: {  	v53 =	vld.idx.msk [tilespmem:v2+s5+$0x0], vm0;
	_ =	sdelay $0x4  }
0x4d8: {  	v3 =	vadd.f32 v53, v3;
	_ =	sdelay $0x1  }
0x4d9: {  	[tilespmem:v2+s5+$0x0] =	vst.idx.msk vm0, v3  }
0x4da: {  	v2 =	vld [tilespmem:$0x6960]  }
0x4db: {  	v3 =	vld [tilespmem:$0x6961];
	_ =	sdelay $0x3  }
0x4dc: {  	vm10 =	vge.s32 v2, v0;
	vm11 =	vlt.s32 v2, v1  }
0x4dd: {  	vm12 =	vne.s32 v2, v3;
	vm0 =	vmand vm10, vm11  }
0x4de: {  	vm0 =	vmand vm0, vm12  }
0x4df: {  	v2 =	vsub.s32 v2, v0;
	_ =	sdelay $0x3  }
0x4e0: {  	v3 =	vld [tilespmem:$0x71E0]  }
0x4e1: {  	v54 =	vld.idx.msk [tilespmem:v2+s5+$0x0], vm0;
	_ =	sdelay $0x4  }
0x4e2: {  	v3 =	vadd.f32 v54, v3;
	_ =	sdelay $0x1  }
0x4e3: {  	[tilespmem:v2+s5+$0x0] =	vst.idx.msk vm0, v3  }
0x4e4: {  	v2 =	vld [tilespmem:$0x6970]  }
0x4e5: {  	v3 =	vld [tilespmem:$0x6971];
	_ =	sdelay $0x3  }
0x4e6: {  	vm13 =	vge.s32 v2, v0;
	vm14 =	vlt.s32 v2, v1  }
0x4e7: {  	vm15 =	vne.s32 v2, v3;
	vm0 =	vmand vm13, vm14  }
0x4e8: {  	vm0 =	vmand vm0, vm15  }
0x4e9: {  	v2 =	vsub.s32 v2, v0;
	_ =	sdelay $0x3  }
0x4ea: {  	v3 =	vld [tilespmem:$0x71F0]  }
0x4eb: {  	v55 =	vld.idx.msk [tilespmem:v2+s5+$0x0], vm0;
	_ =	sdelay $0x4  }
0x4ec: {  	v3 =	vadd.f32 v55, v3;
	_ =	sdelay $0x1  }
0x4ed: {  	[tilespmem:v2+s5+$0x0] =	vst.idx.msk vm0, v3  }
0x4ee: {  	v2 =	vld [tilespmem:$0x6980]  }
0x4ef: {  	v3 =	vld [tilespmem:$0x6981];
	_ =	sdelay $0x3  }
0x4f0: {  	vm4 =	vge.s32 v2, v0;
	vm5 =	vlt.s32 v2, v1  }
0x4f1: {  	vm6 =	vne.s32 v2, v3;
	vm0 =	vmand vm4, vm5  }
0x4f2: {  	vm0 =	vmand vm0, vm6  }
0x4f3: {  	v2 =	vsub.s32 v2, v0;
	_ =	sdelay $0x3  }
0x4f4: {  	v3 =	vld [tilespmem:$0x7200]  }
0x4f5: {  	v56 =	vld.idx.msk [tilespmem:v2+s5+$0x0], vm0;
	_ =	sdelay $0x4  }
0x4f6: {  	v3 =	vadd.f32 v56, v3;
	_ =	sdelay $0x1  }
0x4f7: {  	[tilespmem:v2+s5+$0x0] =	vst.idx.msk vm0, v3  }
0x4f8: {  	v2 =	vld [tilespmem:$0x6990]  }
0x4f9: {  	v3 =	vld [tilespmem:$0x6991];
	_ =	sdelay $0x3  }
0x4fa: {  	vm7 =	vge.s32 v2, v0;
	vm8 =	vlt.s32 v2, v1  }
0x4fb: {  	vm9 =	vne.s32 v2, v3;
	vm0 =	vmand vm7, vm8  }
0x4fc: {  	vm0 =	vmand vm0, vm9  }
0x4fd: {  	v2 =	vsub.s32 v2, v0;
	_ =	sdelay $0x3  }
0x4fe: {  	v3 =	vld [tilespmem:$0x7210]  }
0x4ff: {  	v57 =	vld.idx.msk [tilespmem:v2+s5+$0x0], vm0;
	_ =	sdelay $0x4  }
0x500: {  	v3 =	vadd.f32 v57, v3;
	_ =	sdelay $0x1  }
0x501: {  	[tilespmem:v2+s5+$0x0] =	vst.idx.msk vm0, v3  }
0x502: {  	v2 =	vld [tilespmem:$0x69A0]  }
0x503: {  	v3 =	vld [tilespmem:$0x69A1];
	_ =	sdelay $0x3  }
0x504: {  	vm10 =	vge.s32 v2, v0;
	vm11 =	vlt.s32 v2, v1  }
0x505: {  	vm12 =	vne.s32 v2, v3;
	vm0 =	vmand vm10, vm11  }
0x506: {  	vm0 =	vmand vm0, vm12  }
0x507: {  	v2 =	vsub.s32 v2, v0;
	_ =	sdelay $0x3  }
0x508: {  	v3 =	vld [tilespmem:$0x7220]  }
0x509: {  	v58 =	vld.idx.msk [tilespmem:v2+s5+$0x0], vm0;
	_ =	sdelay $0x4  }
0x50a: {  	v3 =	vadd.f32 v58, v3;
	_ =	sdelay $0x1  }
0x50b: {  	[tilespmem:v2+s5+$0x0] =	vst.idx.msk vm0, v3  }
0x50c: {  	v2 =	vld [tilespmem:$0x69B0]  }
0x50d: {  	v3 =	vld [tilespmem:$0x69B1];
	_ =	sdelay $0x3  }
0x50e: {  	vm13 =	vge.s32 v2, v0;
	vm14 =	vlt.s32 v2, v1  }
0x50f: {  	vm15 =	vne.s32 v2, v3;
	vm0 =	vmand vm13, vm14  }
0x510: {  	vm0 =	vmand vm0, vm15  }
0x511: {  	v2 =	vsub.s32 v2, v0;
	_ =	sdelay $0x3  }
0x512: {  	v3 =	vld [tilespmem:$0x7230]  }
0x513: {  	v59 =	vld.idx.msk [tilespmem:v2+s5+$0x0], vm0;
	_ =	sdelay $0x4  }
0x514: {  	v3 =	vadd.f32 v59, v3;
	_ =	sdelay $0x1  }
0x515: {  	[tilespmem:v2+s5+$0x0] =	vst.idx.msk vm0, v3  }
0x516: {  	v2 =	vld [tilespmem:$0x69C0]  }
0x517: {  	v3 =	vld [tilespmem:$0x69C1];
	_ =	sdelay $0x3  }
0x518: {  	vm4 =	vge.s32 v2, v0;
	vm5 =	vlt.s32 v2, v1  }
0x519: {  	vm6 =	vne.s32 v2, v3;
	vm0 =	vmand vm4, vm5  }
0x51a: {  	vm0 =	vmand vm0, vm6  }
0x51b: {  	v2 =	vsub.s32 v2, v0;
	_ =	sdelay $0x3  }
0x51c: {  	v3 =	vld [tilespmem:$0x7240]  }
0x51d: {  	v60 =	vld.idx.msk [tilespmem:v2+s5+$0x0], vm0;
	_ =	sdelay $0x4  }
0x51e: {  	v3 =	vadd.f32 v60, v3;
	_ =	sdelay $0x1  }
0x51f: {  	[tilespmem:v2+s5+$0x0] =	vst.idx.msk vm0, v3  }
0x520: {  	v2 =	vld [tilespmem:$0x69D0]  }
0x521: {  	v3 =	vld [tilespmem:$0x69D1];
	_ =	sdelay $0x3  }
0x522: {  	vm7 =	vge.s32 v2, v0;
	vm8 =	vlt.s32 v2, v1  }
0x523: {  	vm9 =	vne.s32 v2, v3;
	vm0 =	vmand vm7, vm8  }
0x524: {  	vm0 =	vmand vm0, vm9  }
0x525: {  	v2 =	vsub.s32 v2, v0;
	_ =	sdelay $0x3  }
0x526: {  	v3 =	vld [tilespmem:$0x7250]  }
0x527: {  	v61 =	vld.idx.msk [tilespmem:v2+s5+$0x0], vm0;
	_ =	sdelay $0x4  }
0x528: {  	v3 =	vadd.f32 v61, v3;
	_ =	sdelay $0x1  }
0x529: {  	[tilespmem:v2+s5+$0x0] =	vst.idx.msk vm0, v3  }
0x52a: {  	v2 =	vld [tilespmem:$0x69E0]  }
0x52b: {  	v3 =	vld [tilespmem:$0x69E1];
	_ =	sdelay $0x3  }
0x52c: {  	vm10 =	vge.s32 v2, v0;
	vm11 =	vlt.s32 v2, v1  }
0x52d: {  	vm12 =	vne.s32 v2, v3;
	vm0 =	vmand vm10, vm11  }
0x52e: {  	vm0 =	vmand vm0, vm12  }
0x52f: {  	v2 =	vsub.s32 v2, v0;
	_ =	sdelay $0x3  }
0x530: {  	v3 =	vld [tilespmem:$0x7260]  }
0x531: {  	v62 =	vld.idx.msk [tilespmem:v2+s5+$0x0], vm0;
	_ =	sdelay $0x4  }
0x532: {  	v3 =	vadd.f32 v62, v3;
	_ =	sdelay $0x1  }
0x533: {  	[tilespmem:v2+s5+$0x0] =	vst.idx.msk vm0, v3  }
0x534: {  	v2 =	vld [tilespmem:$0x69F0]  }
0x535: {  	v3 =	vld [tilespmem:$0x69F1];
	_ =	sdelay $0x3  }
0x536: {  	vm13 =	vge.s32 v2, v0;
	vm14 =	vlt.s32 v2, v1  }
0x537: {  	vm15 =	vne.s32 v2, v3;
	vm0 =	vmand vm13, vm14  }
0x538: {  	vm0 =	vmand vm0, vm15  }
0x539: {  	v2 =	vsub.s32 v2, v0;
	_ =	sdelay $0x3  }
0x53a: {  	v3 =	vld [tilespmem:$0x7270]  }
0x53b: {  	v63 =	vld.idx.msk [tilespmem:v2+s5+$0x0], vm0;
	_ =	sdelay $0x1  }
0x53c: {  	p0 =	sne.s32 s19, $0x1  }
.Ltmp3:
0x53d: {  	_ = 	snop;
	(pc) =	sbr.rel @p0 .LBB2_2-.Ltmp3, $3  }
0x53e: {  	_ = 	snop  }
0x53f: {  	v3 =	vadd.f32 v63, v3;
	_ =	sdelay $0x1  }
0x540: {  	s18 =	sadd.s32 $0x800, s18;
	s19 =	sadd.s32 $0xFFFFFFFF, s19;
	[tilespmem:v2+s5+$0x0] =	vst.idx.msk vm0, v3  }
.Ltmp4:
0x541: {  	_ = 	snop;
	(pc) =	sbr.rel .LBB2_3-.Ltmp4, $1  }
0x542: {  	_ =	sdelay $0x3  }
.LBB2_4:
0x543: {  	_ =	sfence.sel $0x180000  }
0x544: {  	[bflag:$0x0] =	sbarrier.arrive $0xFFFF  }
0x545: {  	p0 =	sne.s32 s0, $0x0;
	_ =	strace $0x90000047  }
0x546: {  	s0 =	sadd.s32 @!p0 $0x100000, s1;
	[bflag:$0x2] =	sbarrier.arrive $0xFFFF  }
0x547: {  	[sflag:s0] =	ssyncadd.tile.s32 @!p0 $0x1;
	_ =	shalt  }
.Lfunc_end2:
_tile_overlayer_lowered:
.L_overlay_start_2:
0x548: {  	(tag) =	ssettag $0x2  }
0x549: {  	s0 =	rddreg [dreg:$0x0];
	s2 =	stileid.u32  }
0x54a: {  	s1 =	rddreg [dreg:$0x1];
	p0 =	sne.s32 s2, $0x0  }
0x54b: {  	s3 =	rddreg [dreg:$0x2];
	[bflag:$0x3] =	sbarrier.arrive $0xFFFF;
	s2 =	simm.s32 @!p0 $0x1C04  }
0x54c: {  	[timem:s3], [sflag:s2] =	dma.local @!p0 [hbm:s0], s1  }
0x54d: {  	s0 =	simm.s32 @!p0 $0x4  }
0x54e: {  	_ =	swait.ge @!p0 [sflag:s0], s1  }
0x54f: {  	s1 =	ssub.s32 @!p0 $0x0, s1;
	[sflag:s0] =	ssyncset.done @!p0 $0x0  }
0x550: {  	[sflag:s0] =	ssyncadd.s32 @!p0 s1  }
0x551: {  	[bflag:$0x3] =	sbarrier.arrive $0xFFFF  }
0x552: {  	_ =	shalt  }

</sc_bundles>
